<compile_context>
chip_gen: v7x
topology: tpu7x:2x2x1
jax: 0.10.2.dev20260603
libtpu: 0.0.44.dev20260713+nightly
codegen_flags: <defaults>
</compile_context>

<pallas_src>
import functools

import jax
import jax.numpy as jnp
from jax import lax
from jax.experimental import pallas as pl
from jax.experimental.pallas import tpu as pltpu
from jax.experimental.pallas import tpu_sc as plsc

N = 10000
DIN = 128
C = 128
TILES = 32
RPS = 640
NP = RPS * 16
DEGW = 8
R = 2000
GRID = N // R

_mesh = plsc.VectorSubcoreMesh(core_axis_name="c", subcore_axis_name="s")



def _hist_body(eidx3, zfeat, out, didx, hist2, outrows, idv, shdeg, sem):
    full = eidx3.shape[1]
    cpt = -(-full // TILES)
    cpt = (cpt + 7) // 8 * 8
    tail = full - (TILES - 1) * cpt
    nfr = NP // 128
    cid = lax.axis_index("c")
    sid = lax.axis_index("s")
    wid = cid * 16 + sid
    pltpu.sync_copy(zfeat.at[pl.ds(0, nfr)], hist2)

    @pl.when(sid == 0)
    def _zero_shared():
        pltpu.sync_copy(zfeat.at[pl.ds(0, nfr)], shdeg)

    @pl.when(wid < TILES - 1)
    def _load_full():
        pltpu.sync_copy(eidx3.at[1, pl.ds(wid * cpt, cpt)], didx)

    @pl.when(wid == TILES - 1)
    def _load_tail():
        pltpu.sync_copy(eidx3.at[1, pl.ds((TILES - 1) * cpt, tail)],
                        didx.at[pl.ds(0, tail)])

    cnt = jnp.where(wid < TILES - 1, cpt, tail)
    iota = lax.iota(jnp.int32, 16)
    for m in range(nfr // 16):
        idv[pl.ds(m * 16, 16)] = iota + m * 16
    ones = jnp.ones((16,), jnp.float32)

    def body(j, carry):
        for k in range(8):
            v = didx[j, pl.ds(k * 16, 16)]
            plsc.addupdate_scatter(hist2, [v >> 7, v & 127], ones)
        return carry

    lax.fori_loop(0, cnt, body, 0)
    plsc.subcore_barrier()
    pltpu.sync_copy(hist2, shdeg.at[idv], add=True)
    plsc.subcore_barrier()

    @pl.when(sid < 10)
    def _expand():
        pltpu.sync_copy(shdeg.at[pl.ds(sid * 8, 8)], hist2.at[pl.ds(0, 8)])
        zero = jnp.zeros((16,), jnp.int32)
        for r in range(8):
            for m in range(8):
                val = hist2[r, pl.ds(m * 16, 16)]
                plsc.store_scatter(outrows, [iota + m * 16, zero], val)
            pltpu.sync_copy(
                outrows, out.at[cid, pl.ds(sid * 1024 + r * 128, 128)])


def _prop_body(xs, eidx3, zfeat, out, sidx, didx,
               rows0, rows1, shacc, sg0, sg1, ss0, ss1):
    full = eidx3.shape[1]
    cpt = -(-full // TILES)
    cpt = (cpt + 7) // 8 * 8
    tail = full - (TILES - 1) * cpt
    half = cpt // 2
    cid = lax.axis_index("c")
    sid = lax.axis_index("s")
    wid = cid * 16 + sid
    rbase = sid * RPS
    pltpu.sync_copy(zfeat.at[pl.ds(rbase, RPS)], shacc.at[pl.ds(rbase, RPS)])
    plsc.subcore_barrier()

    for h in range(2):
        @pl.when(wid < TILES - 1)
        def _load_full():
            base = (wid * 2 + h) * half
            pltpu.sync_copy(eidx3.at[0, pl.ds(base, half)], sidx)
            pltpu.sync_copy(eidx3.at[1, pl.ds(base, half)], didx)

        if h == 0:
            @pl.when(wid == TILES - 1)
            def _load_tail():
                base = (TILES - 1) * cpt
                pltpu.sync_copy(eidx3.at[0, pl.ds(base, tail)],
                                sidx.at[pl.ds(0, tail)])
                pltpu.sync_copy(eidx3.at[1, pl.ds(base, tail)],
                                didx.at[pl.ds(0, tail)])

        hcnt = jnp.where(wid < TILES - 1, half, tail if h == 0 else 0)
        npair = hcnt // 2

        @pl.when(npair > 0)
        def _prologue():
            pltpu.async_copy(xs.at[sidx.at[0]], rows0, sg0)

        def pair(k, carry):
            j0 = k * 2
            j1 = j0 + 1

            @pl.when(k > 0)
            def _():
                pltpu.make_async_copy(
                    rows1, shacc.at[didx.at[j0 - 1]], ss1).wait()

            pltpu.async_copy(xs.at[sidx.at[j1]], rows1, sg1)
            pltpu.make_async_copy(xs.at[sidx.at[j0]], rows0, sg0).wait()
            pltpu.async_copy(rows0, shacc.at[didx.at[j0]], ss0, add=True)

            pltpu.make_async_copy(rows0, shacc.at[didx.at[j0]], ss0).wait()

            @pl.when(k < npair - 1)
            def _():
                pltpu.async_copy(xs.at[sidx.at[j0 + 2]], rows0, sg0)

            pltpu.make_async_copy(xs.at[sidx.at[j1]], rows1, sg1).wait()
            pltpu.async_copy(rows1, shacc.at[didx.at[j1]], ss1, add=True)
            return carry

        lax.fori_loop(0, npair, pair, 0)

        @pl.when(npair > 0)
        def _epilogue():
            pltpu.make_async_copy(
                rows1, shacc.at[didx.at[npair * 2 - 1]], ss1).wait()

    plsc.subcore_barrier()
    pltpu.sync_copy(shacc.at[pl.ds(rbase, RPS)], out.at[cid, pl.ds(rbase, RPS)])


def _sc_hist(eidx3, zfeat):
    full = eidx3.shape[1]
    cpt = (-(-full // TILES) + 7) // 8 * 8
    fn = functools.partial(
        pl.kernel,
        mesh=_mesh,
        out_type=jax.ShapeDtypeStruct((2, NP, 8), jnp.float32),
        scratch_types=[
            pltpu.VMEM((cpt, C), jnp.int32),
            pltpu.VMEM((NP // 128, 128), jnp.float32),
            pltpu.VMEM((128, 8), jnp.float32),
            pltpu.VMEM((NP // 128,), jnp.int32),
            pltpu.VMEM_SHARED((NP // 128, 128), jnp.float32),
            pltpu.SemaphoreType.DMA,
        ],
        compiler_params=pltpu.CompilerParams(needs_layout_passes=False),
    )(_hist_body)
    return fn(eidx3, zfeat)


def _sc_prop(xs, eidx3, zfeat):
    full = eidx3.shape[1]
    cpt = (-(-full // TILES) + 7) // 8 * 8
    fn = functools.partial(
        pl.kernel,
        mesh=_mesh,
        out_type=jax.ShapeDtypeStruct((2, NP, DIN), jnp.float32),
        scratch_types=[
            pltpu.VMEM((cpt // 2, C), jnp.int32),
            pltpu.VMEM((cpt // 2, C), jnp.int32),
            pltpu.VMEM((C, DIN), jnp.float32),
            pltpu.VMEM((C, DIN), jnp.float32),
            pltpu.VMEM_SHARED((NP, DIN), jnp.float32),
            pltpu.SemaphoreType.DMA,
            pltpu.SemaphoreType.DMA,
            pltpu.SemaphoreType.DMA,
            pltpu.SemaphoreType.DMA,
        ],
    )(_prop_body)
    return fn(xs, eidx3, zfeat)



def _prep_body(deg_ref, x_ref, xs_ref, dinv_ref):
    deg = deg_ref[0, :, 0:1] + deg_ref[1, :, 0:1] + 1.0
    dinv = lax.rsqrt(deg)
    dinv_ref[...] = jnp.broadcast_to(dinv, dinv_ref.shape)
    xs_ref[...] = x_ref[...] * dinv


def _tc_prep(deg, x):
    return pl.pallas_call(
        _prep_body,
        grid=(GRID,),
        in_specs=[
            pl.BlockSpec((2, R, 8), lambda r: (0, r, 0)),
            pl.BlockSpec((R, DIN), lambda r: (r, 0)),
        ],
        out_specs=[
            pl.BlockSpec((R, DIN), lambda r: (r, 0)),
            pl.BlockSpec((R, DEGW), lambda r: (r, 0)),
        ],
        out_shape=[
            jax.ShapeDtypeStruct((NP, DIN), jnp.float32),
            jax.ShapeDtypeStruct((N, DEGW), jnp.float32),
        ],
    )(deg, x)


def _mid_body(acc_ref, xs1_ref, dinv_ref, w1_ref, b1_ref, w2_ref, xs2_ref):
    dinv = dinv_ref[:, 0:1]
    s1 = (acc_ref[0] + acc_ref[1] + xs1_ref[...]) * dinv
    f = jnp.maximum(
        jnp.dot(s1, w1_ref[...], preferred_element_type=jnp.float32) + b1_ref[...],
        0.0)
    xw2 = jnp.dot(f, w2_ref[...], preferred_element_type=jnp.float32)
    xs2_ref[...] = xw2 * dinv


def _tc_mid(acc, xs1, dinv, W1, b1, W2):
    return pl.pallas_call(
        _mid_body,
        grid=(GRID,),
        in_specs=[
            pl.BlockSpec((2, R, DIN), lambda r: (0, r, 0)),
            pl.BlockSpec((R, DIN), lambda r: (r, 0)),
            pl.BlockSpec((R, DEGW), lambda r: (r, 0)),
            pl.BlockSpec(W1.shape, lambda r: (0, 0)),
            pl.BlockSpec((1, 256), lambda r: (0, 0)),
            pl.BlockSpec(W2.shape, lambda r: (0, 0)),
        ],
        out_specs=pl.BlockSpec((R, DIN), lambda r: (r, 0)),
        out_shape=jax.ShapeDtypeStruct((NP, DIN), jnp.float32),
    )(acc, xs1, dinv, W1, b1, W2)


def _fin_body(acc_ref, xs2_ref, dinv_ref, x_ref, b2_ref,
              wgz_ref, wgx_ref, bg_ref, wo_ref, bo_ref,
              h_ref, out_ref, zsum_ref):
    r = pl.program_id(0)
    dinv = dinv_ref[:, 0:1]
    z = jnp.maximum(
        (acc_ref[0] + acc_ref[1] + xs2_ref[...]) * dinv + b2_ref[...], 0.0)
    go = (jnp.dot(z, wgz_ref[...], preferred_element_type=jnp.float32)
          + jnp.dot(x_ref[...], wgx_ref[...], preferred_element_type=jnp.float32)
          + bg_ref[...])
    g = jax.nn.sigmoid(go[:, :256])
    ht = jnp.tanh(go[:, 256:])
    h_ref[...] = (1.0 - g) * ht

    @pl.when(r == 0)
    def _init():
        zsum_ref[...] = jnp.zeros_like(zsum_ref)

    zsum_ref[...] += jnp.sum(z, axis=0, keepdims=True)

    @pl.when(r == GRID - 1)
    def _head():
        out_ref[...] = (
            jnp.dot(zsum_ref[...] * (1.0 / N), wo_ref[...],
                    preferred_element_type=jnp.float32) + bo_ref[...])


def _tc_fin(acc, xs2, dinv, x, b2, Wgz, Wgx, bg, Wo, bo):
    return pl.pallas_call(
        _fin_body,
        grid=(GRID,),
        in_specs=[
            pl.BlockSpec((2, R, DIN), lambda r: (0, r, 0)),
            pl.BlockSpec((R, DIN), lambda r: (r, 0)),
            pl.BlockSpec((R, DEGW), lambda r: (r, 0)),
            pl.BlockSpec((R, DIN), lambda r: (r, 0)),
            pl.BlockSpec((1, DIN), lambda r: (0, 0)),
            pl.BlockSpec(Wgz.shape, lambda r: (0, 0)),
            pl.BlockSpec(Wgx.shape, lambda r: (0, 0)),
            pl.BlockSpec((1, 512), lambda r: (0, 0)),
            pl.BlockSpec(Wo.shape, lambda r: (0, 0)),
            pl.BlockSpec((1, 1), lambda r: (0, 0)),
        ],
        out_specs=[
            pl.BlockSpec((R, 256), lambda r: (r, 0)),
            pl.BlockSpec((1, 1), lambda r: (0, 0)),
            pl.BlockSpec((1, DIN), lambda r: (0, 0)),
        ],
        out_shape=[
            jax.ShapeDtypeStruct((N, 256), jnp.float32),
            jax.ShapeDtypeStruct((1, 1), jnp.float32),
            jax.ShapeDtypeStruct((1, DIN), jnp.float32),
        ],
    )(acc, xs2, dinv, x, b2, Wgz, Wgx, bg, Wo, bo)



def kernel(x, edge_index, W1, b1, W2, b2, Wxz, bxz, Whz, bhz, Wxr, bxr,
           Whr, bhr, Wxh, bxh, Whh, bhh, Wo, bo):
    e = edge_index.shape[1]
    eidx3 = edge_index.astype(jnp.int32).reshape(2, e // C, C)
    zfeat = jnp.zeros((NP, DIN), jnp.float32)

    deg = _sc_hist(eidx3, zfeat)
    xs1, dinv = _tc_prep(deg, x)
    acc1 = _sc_prop(xs1, eidx3, zfeat)
    xs2 = _tc_mid(acc1, xs1, dinv, W1, b1.reshape(1, 256), W2)
    acc2 = _sc_prop(xs2, eidx3, zfeat)
    Wgz = jnp.concatenate([Wxz[:DIN], Wxh[:DIN]], axis=1)
    Wgx = jnp.concatenate([Wxz[DIN:], Wxh[DIN:]], axis=1)
    bg = jnp.concatenate([bxz + bhz, bxh + bhh]).reshape(1, 512)
    H, out, _ = _tc_fin(
        acc2, xs2, dinv, x, b2.reshape(1, DIN), Wgz, Wgx, bg,
        Wo, bo.reshape(1, 1))
    return (out.reshape(1), H)

# --- scband reference (transcript-rebuilt; emitter-appended) ---
"""Pipeline reference for scband-gcrnn-19499151524295 (READ-ONLY COPY).

The authoritative reference and input builder live on the scoring server;
editing this copy changes nothing except your own understanding.
"""

import jax, jax.numpy as jnp
import numpy as np

N = 10000
E = 320000
DIN = 128
DOUT = 1

def _glorot(k, shape):
    lim = (6.0 / (shape[0] + shape[1])) ** 0.5
    return jax.random.uniform(k, shape, jnp.float32, -lim, lim)

def setup_inputs(seed: int = 0):
    key = jax.random.key(seed)
    ks = jax.random.split(key, 16)
    inp = {}
    inp["x"] = jax.random.normal(ks[0], (N, DIN), dtype=jnp.float32)
    inp["edge_index"] = jax.random.randint(ks[1], (2, E), 0, N)
    inp["W1"] = _glorot(ks[2], (DIN, 256)); inp["b1"] = jnp.zeros((256,), jnp.float32)
    inp["W2"] = _glorot(ks[3], (256, 128)); inp["b2"] = jnp.zeros((128,), jnp.float32)
    gin = 128 + DIN
    for i, nm in enumerate(["z", "r", "h"]):
        inp["Wx" + nm] = _glorot(ks[4 + 2 * i], (gin, 256)); inp["bx" + nm] = jnp.zeros((256,), jnp.float32)
        inp["Wh" + nm] = _glorot(ks[5 + 2 * i], (256, 256)); inp["bh" + nm] = jnp.zeros((256,), jnp.float32)
    inp["Wo"] = _glorot(ks[10], (128, DOUT)); inp["bo"] = jnp.zeros((DOUT,), jnp.float32)
    return inp

def _gcn_conv(x, src, dst, W, b, n):
    # PyG GCNConv: add self-loops, symmetric normalization D^-1/2 (A+I) D^-1/2, then X W + b
    loops = jnp.arange(n, dtype=src.dtype)
    s = jnp.concatenate([src, loops])
    d = jnp.concatenate([dst, loops])
    w = jnp.ones(s.shape[0], jnp.float32)
    deg = jnp.zeros((n,), jnp.float32).at[d].add(w)
    dinv = jnp.where(deg > 0, jax.lax.rsqrt(jnp.maximum(deg, 1e-12)), 0.0)
    norm = dinv[s] * w * dinv[d]
    xw = x @ W
    out = jnp.zeros((n, W.shape[1]), jnp.float32).at[d].add(xw[s] * norm[:, None])
    return out + b

def reference(x, edge_index, W1, b1, W2, b2, Wxz, bxz, Whz, bhz, Wxr, bxr, Whr, bhr, Wxh, bxh, Whh, bhh, Wo, bo):
    n = x.shape[0]
    src = edge_index[0]
    dst = edge_index[1]
    f = jax.nn.relu(_gcn_conv(x, src, dst, W1, b1, n))
    prev_h = jnp.zeros_like(f)  # prev_h is None in forward -> zeros_like(f), shape [N, 256]
    z = jax.nn.relu(_gcn_conv(f + prev_h, src, dst, W2, b2, n))
    # GConvGRU with K=1: ChebConv order-1 reduces to per-node linear transforms
    xi = jnp.concatenate([z, x], axis=-1)
    Z = jax.nn.sigmoid(xi @ Wxz + bxz + prev_h @ Whz + bhz)
    R = jax.nn.sigmoid(xi @ Wxr + bxr + prev_h @ Whr + bhr)
    Ht = jnp.tanh(xi @ Wxh + bxh + (R * prev_h) @ Whh + bhh)
    H = Z * prev_h + (1.0 - Z) * Ht
    # GraphClassificationHead: global mean pool over nodes + linear(128 -> dout)
    out = jnp.mean(z, axis=0) @ Wo + bo
    return (out, H)

if __name__ == "__main__":
    import jax
    _d = setup_inputs()
    print(jax.jit(kernel)(*tuple(_d.values())))

</pallas_src>

<mosaic_0001>
#map = affine_map<(d0, d1) -> (0, 0)>
#map1 = affine_map<(d0, d1) -> (0, 0, 0)>
module attributes {stable_mosaic.version = 14 : i64} {
  func.func @_prop_body(%arg0: i32, %arg1: i32, %arg2: memref<10240x128xf32, #tpu.memory_space<hbm>>, %arg3: memref<2x2500x128xi32, #tpu.memory_space<hbm>>, %arg4: memref<10240x128xf32, #tpu.memory_space<hbm>>, %arg5: memref<2x10240x128xf32, #tpu.memory_space<hbm>>, %arg6: memref<40x128xi32, #tpu.memory_space<vmem>>, %arg7: memref<40x128xi32, #tpu.memory_space<vmem>>, %arg8: memref<128x128xf32, #tpu.memory_space<vmem>>, %arg9: memref<128x128xf32, #tpu.memory_space<vmem>>, %arg10: memref<10240x128xf32, #tpu.memory_space<vmem_shared>>, %arg11: memref<!tpu.dma_semaphore, #tpu.memory_space<semaphore_mem>>, %arg12: memref<!tpu.dma_semaphore, #tpu.memory_space<semaphore_mem>>, %arg13: memref<!tpu.dma_semaphore, #tpu.memory_space<semaphore_mem>>, %arg14: memref<!tpu.dma_semaphore, #tpu.memory_space<semaphore_mem>>) attributes {dimension_semantics = [#tpu.dimension_semantics<core_parallel>, #tpu.dimension_semantics<subcore_parallel>], iteration_bounds = array<i64: 2, 16>, scalar_prefetch = 0 : i64, scratch_operands = 9 : i64, tpu.core_type = #tpu.core_type<sc_vector_subcore>, window_params = [{transform_indices = #map}, {transform_indices = #map1}, {transform_indices = #map}, {transform_indices = #map1}]} {
    %mul3A = arith.constant 16 : i32
    %mul3A_0 = arith.muli %arg0, %mul3A : i32
    %add3A = arith.addi %mul3A_0, %arg1 : i32
    %mul3A_1 = arith.constant 640 : i32
    %mul3A_2 = arith.muli %arg1, %mul3A_1 : i32
    "tpu.region"() ({
      %run_scoped3A = tpu.sem_alloc : memref<!tpu.dma_semaphore, #tpu.memory_space<semaphore_mem>>
      %dma_start3A = arith.constant 0 : i32
      %dma_start3A_103 = tpu.memref_slice %arg10[%mul3A_2, %dma_start3A] : memref<10240x128xf32, #tpu.memory_space<vmem_shared>> -> memref<640x128xf32, #tpu.memory_space<vmem_shared>>
      %dma_start3A_104 = arith.constant 0 : i32
      %dma_start3A_105 = tpu.memref_slice %arg4[%mul3A_2, %dma_start3A_104] : memref<10240x128xf32, #tpu.memory_space<hbm>> -> memref<640x128xf32, #tpu.memory_space<hbm>>
      tpu.enqueue_dma source(%dma_start3A_105 : memref<640x128xf32, #tpu.memory_space<hbm>>) target(%dma_start3A_103 : memref<640x128xf32, #tpu.memory_space<vmem_shared>>) target_semaphore(%run_scoped3A : memref<!tpu.dma_semaphore, #tpu.memory_space<semaphore_mem>>)
      %dma_wait3A = arith.constant 0 : i32
      %dma_wait3A_106 = tpu.memref_slice %arg10[%mul3A_2, %dma_wait3A] : memref<10240x128xf32, #tpu.memory_space<vmem_shared>> -> memref<640x128xf32, #tpu.memory_space<vmem_shared>>
      %dma_wait3A_107 = arith.constant 0 : i32
      %dma_wait3A_108 = tpu.memref_slice %arg4[%mul3A_2, %dma_wait3A_107] : memref<10240x128xf32, #tpu.memory_space<hbm>> -> memref<640x128xf32, #tpu.memory_space<hbm>>
      tpu.wait_dma2 semaphore(%run_scoped3A : memref<!tpu.dma_semaphore, #tpu.memory_space<semaphore_mem>>) src(%dma_wait3A_108 : memref<640x128xf32, #tpu.memory_space<hbm>>) dst(%dma_wait3A_106 : memref<640x128xf32, #tpu.memory_space<vmem_shared>>)
      tpu.yield
    }) : () -> ()
    %barrier3A = arith.constant 0 : index
    tpu.barrier barrier_id(%barrier3A)
    %lt3A = arith.constant 31 : i32
    %lt3A_3 = arith.cmpi slt, %add3A, %lt3A : i32
    %convert_element_type3A = arith.extui %lt3A_3 : i1 to i32
    %cond3A = arith.constant 0 : i32
    %cond3A_4 = arith.cmpi ne, %convert_element_type3A, %cond3A : i32
    scf.if %cond3A_4 {
      %mul3A_103 = arith.constant 2 : i32
      %mul3A_104 = arith.muli %add3A, %mul3A_103 : i32
      %add3A_105 = arith.constant 0 : i32
      %add3A_106 = arith.addi %mul3A_104, %add3A_105 : i32
      %mul3A_107 = arith.constant 40 : i32
      %mul3A_108 = arith.muli %add3A_106, %mul3A_107 : i32
      %run_scoped3A = arith.constant 0 : i32
      "tpu.region"() ({
        %run_scoped3A_110 = tpu.sem_alloc : memref<!tpu.dma_semaphore, #tpu.memory_space<semaphore_mem>>
        %dma_start3A = arith.constant 0 : i32
        %dma_start3A_111 = tpu.memref_slice %arg3[%run_scoped3A, %mul3A_108, %dma_start3A] : memref<2x2500x128xi32, #tpu.memory_space<hbm>> -> memref<1x40x128xi32, #tpu.memory_space<hbm>>
        %dma_start3A_112 = tpu.memref_squeeze %dma_start3A_111 : memref<1x40x128xi32, #tpu.memory_space<hbm>> -> memref<40x128xi32, #tpu.memory_space<hbm>>
        %dma_start3A_113 = arith.constant 0 : i32
        %dma_start3A_114 = tpu.memref_slice %arg3[%run_scoped3A, %mul3A_108, %dma_start3A_113] : memref<2x2500x128xi32, #tpu.memory_space<hbm>> -> memref<1x40x128xi32, #tpu.memory_space<hbm>>
        %dma_start3A_115 = tpu.memref_squeeze %dma_start3A_114 : memref<1x40x128xi32, #tpu.memory_space<hbm>> -> memref<40x128xi32, #tpu.memory_space<hbm>>
        tpu.enqueue_dma source(%dma_start3A_115 : memref<40x128xi32, #tpu.memory_space<hbm>>) target(%arg6 : memref<40x128xi32, #tpu.memory_space<vmem>>) target_semaphore(%run_scoped3A_110 : memref<!tpu.dma_semaphore, #tpu.memory_space<semaphore_mem>>)
        %dma_wait3A = arith.constant 0 : i32
        %dma_wait3A_116 = tpu.memref_slice %arg3[%run_scoped3A, %mul3A_108, %dma_wait3A] : memref<2x2500x128xi32, #tpu.memory_space<hbm>> -> memref<1x40x128xi32, #tpu.memory_space<hbm>>
        %dma_wait3A_117 = tpu.memref_squeeze %dma_wait3A_116 : memref<1x40x128xi32, #tpu.memory_space<hbm>> -> memref<40x128xi32, #tpu.memory_space<hbm>>
        %dma_wait3A_118 = arith.constant 0 : i32
        %dma_wait3A_119 = tpu.memref_slice %arg3[%run_scoped3A, %mul3A_108, %dma_wait3A_118] : memref<2x2500x128xi32, #tpu.memory_space<hbm>> -> memref<1x40x128xi32, #tpu.memory_space<hbm>>
        %dma_wait3A_120 = tpu.memref_squeeze %dma_wait3A_119 : memref<1x40x128xi32, #tpu.memory_space<hbm>> -> memref<40x128xi32, #tpu.memory_space<hbm>>
        tpu.wait_dma2 semaphore(%run_scoped3A_110 : memref<!tpu.dma_semaphore, #tpu.memory_space<semaphore_mem>>) src(%dma_wait3A_120 : memref<40x128xi32, #tpu.memory_space<hbm>>) dst(%arg6 : memref<40x128xi32, #tpu.memory_space<vmem>>)
        tpu.yield
      }) : () -> ()
      %run_scoped3A_109 = arith.constant 1 : i32
      "tpu.region"() ({
        %run_scoped3A_110 = tpu.sem_alloc : memref<!tpu.dma_semaphore, #tpu.memory_space<semaphore_mem>>
        %dma_start3A = arith.constant 0 : i32
        %dma_start3A_111 = tpu.memref_slice %arg3[%run_scoped3A_109, %mul3A_108, %dma_start3A] : memref<2x2500x128xi32, #tpu.memory_space<hbm>> -> memref<1x40x128xi32, #tpu.memory_space<hbm>>
        %dma_start3A_112 = tpu.memref_squeeze %dma_start3A_111 : memref<1x40x128xi32, #tpu.memory_space<hbm>> -> memref<40x128xi32, #tpu.memory_space<hbm>>
        %dma_start3A_113 = arith.constant 0 : i32
        %dma_start3A_114 = tpu.memref_slice %arg3[%run_scoped3A_109, %mul3A_108, %dma_start3A_113] : memref<2x2500x128xi32, #tpu.memory_space<hbm>> -> memref<1x40x128xi32, #tpu.memory_space<hbm>>
        %dma_start3A_115 = tpu.memref_squeeze %dma_start3A_114 : memref<1x40x128xi32, #tpu.memory_space<hbm>> -> memref<40x128xi32, #tpu.memory_space<hbm>>
        tpu.enqueue_dma source(%dma_start3A_115 : memref<40x128xi32, #tpu.memory_space<hbm>>) target(%arg7 : memref<40x128xi32, #tpu.memory_space<vmem>>) target_semaphore(%run_scoped3A_110 : memref<!tpu.dma_semaphore, #tpu.memory_space<semaphore_mem>>)
        %dma_wait3A = arith.constant 0 : i32
        %dma_wait3A_116 = tpu.memref_slice %arg3[%run_scoped3A_109, %mul3A_108, %dma_wait3A] : memref<2x2500x128xi32, #tpu.memory_space<hbm>> -> memref<1x40x128xi32, #tpu.memory_space<hbm>>
        %dma_wait3A_117 = tpu.memref_squeeze %dma_wait3A_116 : memref<1x40x128xi32, #tpu.memory_space<hbm>> -> memref<40x128xi32, #tpu.memory_space<hbm>>
        %dma_wait3A_118 = arith.constant 0 : i32
        %dma_wait3A_119 = tpu.memref_slice %arg3[%run_scoped3A_109, %mul3A_108, %dma_wait3A_118] : memref<2x2500x128xi32, #tpu.memory_space<hbm>> -> memref<1x40x128xi32, #tpu.memory_space<hbm>>
        %dma_wait3A_120 = tpu.memref_squeeze %dma_wait3A_119 : memref<1x40x128xi32, #tpu.memory_space<hbm>> -> memref<40x128xi32, #tpu.memory_space<hbm>>
        tpu.wait_dma2 semaphore(%run_scoped3A_110 : memref<!tpu.dma_semaphore, #tpu.memory_space<semaphore_mem>>) src(%dma_wait3A_120 : memref<40x128xi32, #tpu.memory_space<hbm>>) dst(%arg7 : memref<40x128xi32, #tpu.memory_space<vmem>>)
        tpu.yield
      }) : () -> ()
    } else {
    }
    %eq3A = arith.constant 31 : i32
    %eq3A_5 = arith.cmpi eq, %add3A, %eq3A : i32
    %convert_element_type3A_6 = arith.extui %eq3A_5 : i1 to i32
    %cond3A_7 = arith.constant 0 : i32
    %cond3A_8 = arith.cmpi ne, %convert_element_type3A_6, %cond3A_7 : i32
    scf.if %cond3A_8 {
      %run_scoped3A = arith.constant 0 : i32
      "tpu.region"() ({
        %run_scoped3A_104 = tpu.sem_alloc : memref<!tpu.dma_semaphore, #tpu.memory_space<semaphore_mem>>
        %dma_start3A = arith.constant 0 : i32
        %dma_start3A_105 = arith.constant 0 : i32
        %dma_start3A_106 = tpu.memref_slice %arg6[%dma_start3A, %dma_start3A_105] : memref<40x128xi32, #tpu.memory_space<vmem>> -> memref<20x128xi32, #tpu.memory_space<vmem>>
        %dma_start3A_107 = arith.constant 2480 : i32
        %dma_start3A_108 = arith.constant 0 : i32
        %dma_start3A_109 = tpu.memref_slice %arg3[%run_scoped3A, %dma_start3A_107, %dma_start3A_108] : memref<2x2500x128xi32, #tpu.memory_space<hbm>> -> memref<1x20x128xi32, #tpu.memory_space<hbm>>
        %dma_start3A_110 = tpu.memref_squeeze %dma_start3A_109 : memref<1x20x128xi32, #tpu.memory_space<hbm>> -> memref<20x128xi32, #tpu.memory_space<hbm>>
        %dma_start3A_111 = arith.constant 0 : i32
        %dma_start3A_112 = arith.constant 0 : i32
        %dma_start3A_113 = tpu.memref_slice %arg6[%dma_start3A_111, %dma_start3A_112] : memref<40x128xi32, #tpu.memory_space<vmem>> -> memref<20x128xi32, #tpu.memory_space<vmem>>
        %dma_start3A_114 = arith.constant 2480 : i32
        %dma_start3A_115 = arith.constant 0 : i32
        %dma_start3A_116 = tpu.memref_slice %arg3[%run_scoped3A, %dma_start3A_114, %dma_start3A_115] : memref<2x2500x128xi32, #tpu.memory_space<hbm>> -> memref<1x20x128xi32, #tpu.memory_space<hbm>>
        %dma_start3A_117 = tpu.memref_squeeze %dma_start3A_116 : memref<1x20x128xi32, #tpu.memory_space<hbm>> -> memref<20x128xi32, #tpu.memory_space<hbm>>
        tpu.enqueue_dma source(%dma_start3A_117 : memref<20x128xi32, #tpu.memory_space<hbm>>) target(%dma_start3A_113 : memref<20x128xi32, #tpu.memory_space<vmem>>) target_semaphore(%run_scoped3A_104 : memref<!tpu.dma_semaphore, #tpu.memory_space<semaphore_mem>>)
        %dma_wait3A = arith.constant 0 : i32
        %dma_wait3A_118 = arith.constant 0 : i32
        %dma_wait3A_119 = tpu.memref_slice %arg6[%dma_wait3A, %dma_wait3A_118] : memref<40x128xi32, #tpu.memory_space<vmem>> -> memref<20x128xi32, #tpu.memory_space<vmem>>
        %dma_wait3A_120 = arith.constant 2480 : i32
        %dma_wait3A_121 = arith.constant 0 : i32
        %dma_wait3A_122 = tpu.memref_slice %arg3[%run_scoped3A, %dma_wait3A_120, %dma_wait3A_121] : memref<2x2500x128xi32, #tpu.memory_space<hbm>> -> memref<1x20x128xi32, #tpu.memory_space<hbm>>
        %dma_wait3A_123 = tpu.memref_squeeze %dma_wait3A_122 : memref<1x20x128xi32, #tpu.memory_space<hbm>> -> memref<20x128xi32, #tpu.memory_space<hbm>>
        %dma_wait3A_124 = arith.constant 0 : i32
        %dma_wait3A_125 = arith.constant 0 : i32
        %dma_wait3A_126 = tpu.memref_slice %arg6[%dma_wait3A_124, %dma_wait3A_125] : memref<40x128xi32, #tpu.memory_space<vmem>> -> memref<20x128xi32, #tpu.memory_space<vmem>>
        %dma_wait3A_127 = arith.constant 2480 : i32
        %dma_wait3A_128 = arith.constant 0 : i32
        %dma_wait3A_129 = tpu.memref_slice %arg3[%run_scoped3A, %dma_wait3A_127, %dma_wait3A_128] : memref<2x2500x128xi32, #tpu.memory_space<hbm>> -> memref<1x20x128xi32, #tpu.memory_space<hbm>>
        %dma_wait3A_130 = tpu.memref_squeeze %dma_wait3A_129 : memref<1x20x128xi32, #tpu.memory_space<hbm>> -> memref<20x128xi32, #tpu.memory_space<hbm>>
        tpu.wait_dma2 semaphore(%run_scoped3A_104 : memref<!tpu.dma_semaphore, #tpu.memory_space<semaphore_mem>>) src(%dma_wait3A_130 : memref<20x128xi32, #tpu.memory_space<hbm>>) dst(%dma_wait3A_126 : memref<20x128xi32, #tpu.memory_space<vmem>>)
        tpu.yield
      }) : () -> ()
      %run_scoped3A_103 = arith.constant 1 : i32
      "tpu.region"() ({
        %run_scoped3A_104 = tpu.sem_alloc : memref<!tpu.dma_semaphore, #tpu.memory_space<semaphore_mem>>
        %dma_start3A = arith.constant 0 : i32
        %dma_start3A_105 = arith.constant 0 : i32
        %dma_start3A_106 = tpu.memref_slice %arg7[%dma_start3A, %dma_start3A_105] : memref<40x128xi32, #tpu.memory_space<vmem>> -> memref<20x128xi32, #tpu.memory_space<vmem>>
        %dma_start3A_107 = arith.constant 2480 : i32
        %dma_start3A_108 = arith.constant 0 : i32
        %dma_start3A_109 = tpu.memref_slice %arg3[%run_scoped3A_103, %dma_start3A_107, %dma_start3A_108] : memref<2x2500x128xi32, #tpu.memory_space<hbm>> -> memref<1x20x128xi32, #tpu.memory_space<hbm>>
        %dma_start3A_110 = tpu.memref_squeeze %dma_start3A_109 : memref<1x20x128xi32, #tpu.memory_space<hbm>> -> memref<20x128xi32, #tpu.memory_space<hbm>>
        %dma_start3A_111 = arith.constant 0 : i32
        %dma_start3A_112 = arith.constant 0 : i32
        %dma_start3A_113 = tpu.memref_slice %arg7[%dma_start3A_111, %dma_start3A_112] : memref<40x128xi32, #tpu.memory_space<vmem>> -> memref<20x128xi32, #tpu.memory_space<vmem>>
        %dma_start3A_114 = arith.constant 2480 : i32
        %dma_start3A_115 = arith.constant 0 : i32
        %dma_start3A_116 = tpu.memref_slice %arg3[%run_scoped3A_103, %dma_start3A_114, %dma_start3A_115] : memref<2x2500x128xi32, #tpu.memory_space<hbm>> -> memref<1x20x128xi32, #tpu.memory_space<hbm>>
        %dma_start3A_117 = tpu.memref_squeeze %dma_start3A_116 : memref<1x20x128xi32, #tpu.memory_space<hbm>> -> memref<20x128xi32, #tpu.memory_space<hbm>>
        tpu.enqueue_dma source(%dma_start3A_117 : memref<20x128xi32, #tpu.memory_space<hbm>>) target(%dma_start3A_113 : memref<20x128xi32, #tpu.memory_space<vmem>>) target_semaphore(%run_scoped3A_104 : memref<!tpu.dma_semaphore, #tpu.memory_space<semaphore_mem>>)
        %dma_wait3A = arith.constant 0 : i32
        %dma_wait3A_118 = arith.constant 0 : i32
        %dma_wait3A_119 = tpu.memref_slice %arg7[%dma_wait3A, %dma_wait3A_118] : memref<40x128xi32, #tpu.memory_space<vmem>> -> memref<20x128xi32, #tpu.memory_space<vmem>>
        %dma_wait3A_120 = arith.constant 2480 : i32
        %dma_wait3A_121 = arith.constant 0 : i32
        %dma_wait3A_122 = tpu.memref_slice %arg3[%run_scoped3A_103, %dma_wait3A_120, %dma_wait3A_121] : memref<2x2500x128xi32, #tpu.memory_space<hbm>> -> memref<1x20x128xi32, #tpu.memory_space<hbm>>
        %dma_wait3A_123 = tpu.memref_squeeze %dma_wait3A_122 : memref<1x20x128xi32, #tpu.memory_space<hbm>> -> memref<20x128xi32, #tpu.memory_space<hbm>>
        %dma_wait3A_124 = arith.constant 0 : i32
        %dma_wait3A_125 = arith.constant 0 : i32
        %dma_wait3A_126 = tpu.memref_slice %arg7[%dma_wait3A_124, %dma_wait3A_125] : memref<40x128xi32, #tpu.memory_space<vmem>> -> memref<20x128xi32, #tpu.memory_space<vmem>>
        %dma_wait3A_127 = arith.constant 2480 : i32
        %dma_wait3A_128 = arith.constant 0 : i32
        %dma_wait3A_129 = tpu.memref_slice %arg3[%run_scoped3A_103, %dma_wait3A_127, %dma_wait3A_128] : memref<2x2500x128xi32, #tpu.memory_space<hbm>> -> memref<1x20x128xi32, #tpu.memory_space<hbm>>
        %dma_wait3A_130 = tpu.memref_squeeze %dma_wait3A_129 : memref<1x20x128xi32, #tpu.memory_space<hbm>> -> memref<20x128xi32, #tpu.memory_space<hbm>>
        tpu.wait_dma2 semaphore(%run_scoped3A_104 : memref<!tpu.dma_semaphore, #tpu.memory_space<semaphore_mem>>) src(%dma_wait3A_130 : memref<20x128xi32, #tpu.memory_space<hbm>>) dst(%dma_wait3A_126 : memref<20x128xi32, #tpu.memory_space<vmem>>)
        tpu.yield
      }) : () -> ()
    } else {
    }
    %lt3A_9 = arith.constant 31 : i32
    %lt3A_10 = arith.cmpi slt, %add3A, %lt3A_9 : i32
    %jit3A = arith.constant 40 : i32
    %jit3A_11 = arith.constant 20 : i32
    %select_n3A = arith.select %lt3A_10, %jit3A, %jit3A_11 : i32
    %jit3A_12 = arith.constant 2 : i32
    %div3A = arith.divsi %select_n3A, %jit3A_12 : i32
    %sign3A = arith.constant 0 : i32
    %sign3A_13 = arith.cmpi sgt, %select_n3A, %sign3A : i32
    %sign3A_14 = arith.extui %sign3A_13 : i1 to i32
    %sign3A_15 = arith.constant 0 : i32
    %sign3A_16 = arith.cmpi slt, %select_n3A, %sign3A_15 : i32
    %sign3A_17 = arith.extui %sign3A_16 : i1 to i32
    %sign3A_18 = arith.subi %sign3A_14, %sign3A_17 : i32
    %sign3A_19 = arith.constant 0 : i32
    %sign3A_20 = arith.cmpi sgt, %jit3A_12, %sign3A_19 : i32
    %sign3A_21 = arith.extui %sign3A_20 : i1 to i32
    %sign3A_22 = arith.constant 0 : i32
    %sign3A_23 = arith.cmpi slt, %jit3A_12, %sign3A_22 : i32
    %sign3A_24 = arith.extui %sign3A_23 : i1 to i32
    %sign3A_25 = arith.subi %sign3A_21, %sign3A_24 : i32
    %ne3A = arith.cmpi ne, %sign3A_18, %sign3A_25 : i32
    %rem3A = arith.remsi %select_n3A, %jit3A_12 : i32
    %ne3A_26 = arith.constant 0 : i32
    %ne3A_27 = arith.cmpi ne, %rem3A, %ne3A_26 : i32
    %and3A = arith.andi %ne3A, %ne3A_27 : i1
    %sub3A = arith.constant 1 : i32
    %sub3A_28 = arith.subi %div3A, %sub3A : i32
    %select_n3A_29 = arith.select %and3A, %sub3A_28, %div3A : i32
    %gt3A = arith.constant 0 : i32
    %gt3A_30 = arith.cmpi sgt, %select_n3A_29, %gt3A : i32
    %convert_element_type3A_31 = arith.extui %gt3A_30 : i1 to i32
    %cond3A_32 = arith.constant 0 : i32
    %cond3A_33 = arith.cmpi ne, %convert_element_type3A_31, %cond3A_32 : i32
    scf.if %cond3A_33 {
      %dma_start3A = arith.constant 0 : i32
      %dma_start3A_103 = arith.constant 0 : i32
      %dma_start3A_104 = tpu.memref_slice %arg6[%dma_start3A, %dma_start3A_103] : memref<40x128xi32, #tpu.memory_space<vmem>> -> memref<1x128xi32, #tpu.memory_space<vmem>>
      %dma_start3A_105 = tpu.memref_squeeze %dma_start3A_104 : memref<1x128xi32, #tpu.memory_space<vmem>> -> memref<128xi32, #tpu.memory_space<vmem>>
      %dma_start3A_106 = arith.constant 0 : i32
      %dma_start3A_107 = arith.constant 0 : i32
      %dma_start3A_108 = tpu.memref_slice %arg2[%dma_start3A_106, %dma_start3A_107] : memref<10240x128xf32, #tpu.memory_space<hbm>> -> memref<10240x128xf32, #tpu.memory_space<hbm>>
      tpu.enqueue_indirect_dma source(%dma_start3A_108 : memref<10240x128xf32, #tpu.memory_space<hbm>>) target(%arg8 : memref<128x128xf32, #tpu.memory_space<vmem>>) offsets(%dma_start3A_105 : memref<128xi32, #tpu.memory_space<vmem>>) semaphore(%arg11 : memref<!tpu.dma_semaphore, #tpu.memory_space<semaphore_mem>>)
    } else {
    }
    %while3A = arith.constant 0 : i32
    %while3A_34 = arith.constant 0 : i32
    %while3A_35 = arith.subi %select_n3A_29, %while3A_34 : i32
    %while3A_36 = arith.addi %while3A_34, %while3A_35 : i32
    %while3A_37 = arith.constant 1 : i32
    %while3A_38 = arith.divsi %while3A_35, %while3A_37 : i32
    %while3A_39 = arith.muli %while3A_38, %while3A_37 : i32
    %while3A_40 = arith.addi %while3A_34, %while3A_39 : i32
    %while3A_41 = arith.constant 1 : i32
    scf.for %while3A_103 = %while3A_34 to %while3A_40 step %while3A_41  : i32 {
      %mul3A_104 = arith.constant 2 : i32
      %mul3A_105 = arith.muli %while3A_103, %mul3A_104 : i32
      %add3A_106 = arith.constant 1 : i32
      %add3A_107 = arith.addi %mul3A_105, %add3A_106 : i32
      %gt3A_108 = arith.constant 0 : i32
      %gt3A_109 = arith.cmpi sgt, %while3A_103, %gt3A_108 : i32
      %convert_element_type3A_110 = arith.extui %gt3A_109 : i1 to i32
      %cond3A_111 = arith.constant 0 : i32
      %cond3A_112 = arith.cmpi ne, %convert_element_type3A_110, %cond3A_111 : i32
      scf.if %cond3A_112 {
        %sub3A_153 = arith.constant 1 : i32
        %sub3A_154 = arith.subi %mul3A_105, %sub3A_153 : i32
        %dma_wait3A_155 = arith.constant 0 : i32
        %dma_wait3A_156 = tpu.memref_slice %arg7[%sub3A_154, %dma_wait3A_155] : memref<40x128xi32, #tpu.memory_space<vmem>> -> memref<1x128xi32, #tpu.memory_space<vmem>>
        %dma_wait3A_157 = tpu.memref_squeeze %dma_wait3A_156 : memref<1x128xi32, #tpu.memory_space<vmem>> -> memref<128xi32, #tpu.memory_space<vmem>>
        %dma_wait3A_158 = arith.constant 0 : i32
        %dma_wait3A_159 = arith.constant 0 : i32
        %dma_wait3A_160 = tpu.memref_slice %arg10[%dma_wait3A_158, %dma_wait3A_159] : memref<10240x128xf32, #tpu.memory_space<vmem_shared>> -> memref<10240x128xf32, #tpu.memory_space<vmem_shared>>
        tpu.wait_indirect_dma semaphore(%arg14 : memref<!tpu.dma_semaphore, #tpu.memory_space<semaphore_mem>>) src(%arg9 : memref<128x128xf32, #tpu.memory_space<vmem>>) dst(%dma_wait3A_160 : memref<10240x128xf32, #tpu.memory_space<vmem_shared>>)
      } else {
      }
      %dma_start3A = arith.constant 0 : i32
      %dma_start3A_113 = tpu.memref_slice %arg6[%add3A_107, %dma_start3A] : memref<40x128xi32, #tpu.memory_space<vmem>> -> memref<1x128xi32, #tpu.memory_space<vmem>>
      %dma_start3A_114 = tpu.memref_squeeze %dma_start3A_113 : memref<1x128xi32, #tpu.memory_space<vmem>> -> memref<128xi32, #tpu.memory_space<vmem>>
      %dma_start3A_115 = arith.constant 0 : i32
      %dma_start3A_116 = arith.constant 0 : i32
      %dma_start3A_117 = tpu.memref_slice %arg2[%dma_start3A_115, %dma_start3A_116] : memref<10240x128xf32, #tpu.memory_space<hbm>> -> memref<10240x128xf32, #tpu.memory_space<hbm>>
      tpu.enqueue_indirect_dma source(%dma_start3A_117 : memref<10240x128xf32, #tpu.memory_space<hbm>>) target(%arg9 : memref<128x128xf32, #tpu.memory_space<vmem>>) offsets(%dma_start3A_114 : memref<128xi32, #tpu.memory_space<vmem>>) semaphore(%arg12 : memref<!tpu.dma_semaphore, #tpu.memory_space<semaphore_mem>>)
      %dma_wait3A = arith.constant 0 : i32
      %dma_wait3A_118 = tpu.memref_slice %arg6[%mul3A_105, %dma_wait3A] : memref<40x128xi32, #tpu.memory_space<vmem>> -> memref<1x128xi32, #tpu.memory_space<vmem>>
      %dma_wait3A_119 = tpu.memref_squeeze %dma_wait3A_118 : memref<1x128xi32, #tpu.memory_space<vmem>> -> memref<128xi32, #tpu.memory_space<vmem>>
      %dma_wait3A_120 = arith.constant 0 : i32
      %dma_wait3A_121 = arith.constant 0 : i32
      %dma_wait3A_122 = tpu.memref_slice %arg2[%dma_wait3A_120, %dma_wait3A_121] : memref<10240x128xf32, #tpu.memory_space<hbm>> -> memref<10240x128xf32, #tpu.memory_space<hbm>>
      tpu.wait_indirect_dma semaphore(%arg11 : memref<!tpu.dma_semaphore, #tpu.memory_space<semaphore_mem>>) src(%dma_wait3A_122 : memref<10240x128xf32, #tpu.memory_space<hbm>>) dst(%arg8 : memref<128x128xf32, #tpu.memory_space<vmem>>)
      %dma_start3A_123 = arith.constant 0 : i32
      %dma_start3A_124 = tpu.memref_slice %arg7[%mul3A_105, %dma_start3A_123] : memref<40x128xi32, #tpu.memory_space<vmem>> -> memref<1x128xi32, #tpu.memory_space<vmem>>
      %dma_start3A_125 = tpu.memref_squeeze %dma_start3A_124 : memref<1x128xi32, #tpu.memory_space<vmem>> -> memref<128xi32, #tpu.memory_space<vmem>>
      %dma_start3A_126 = arith.constant 0 : i32
      %dma_start3A_127 = arith.constant 0 : i32
      %dma_start3A_128 = tpu.memref_slice %arg10[%dma_start3A_126, %dma_start3A_127] : memref<10240x128xf32, #tpu.memory_space<vmem_shared>> -> memref<10240x128xf32, #tpu.memory_space<vmem_shared>>
      tpu.enqueue_indirect_dma source(%arg8 : memref<128x128xf32, #tpu.memory_space<vmem>>) target(%dma_start3A_128 : memref<10240x128xf32, #tpu.memory_space<vmem_shared>>) offsets(%dma_start3A_125 : memref<128xi32, #tpu.memory_space<vmem>>) semaphore(%arg13 : memref<!tpu.dma_semaphore, #tpu.memory_space<semaphore_mem>>) {add = true}
      %dma_wait3A_129 = arith.constant 0 : i32
      %dma_wait3A_130 = tpu.memref_slice %arg7[%mul3A_105, %dma_wait3A_129] : memref<40x128xi32, #tpu.memory_space<vmem>> -> memref<1x128xi32, #tpu.memory_space<vmem>>
      %dma_wait3A_131 = tpu.memref_squeeze %dma_wait3A_130 : memref<1x128xi32, #tpu.memory_space<vmem>> -> memref<128xi32, #tpu.memory_space<vmem>>
      %dma_wait3A_132 = arith.constant 0 : i32
      %dma_wait3A_133 = arith.constant 0 : i32
      %dma_wait3A_134 = tpu.memref_slice %arg10[%dma_wait3A_132, %dma_wait3A_133] : memref<10240x128xf32, #tpu.memory_space<vmem_shared>> -> memref<10240x128xf32, #tpu.memory_space<vmem_shared>>
      tpu.wait_indirect_dma semaphore(%arg13 : memref<!tpu.dma_semaphore, #tpu.memory_space<semaphore_mem>>) src(%arg8 : memref<128x128xf32, #tpu.memory_space<vmem>>) dst(%dma_wait3A_134 : memref<10240x128xf32, #tpu.memory_space<vmem_shared>>)
      %sub3A_135 = arith.constant 1 : i32
      %sub3A_136 = arith.subi %select_n3A_29, %sub3A_135 : i32
      %lt3A_137 = arith.cmpi slt, %while3A_103, %sub3A_136 : i32
      %convert_element_type3A_138 = arith.extui %lt3A_137 : i1 to i32
      %cond3A_139 = arith.constant 0 : i32
      %cond3A_140 = arith.cmpi ne, %convert_element_type3A_138, %cond3A_139 : i32
      scf.if %cond3A_140 {
        %add3A_153 = arith.constant 2 : i32
        %add3A_154 = arith.addi %mul3A_105, %add3A_153 : i32
        %dma_start3A_155 = arith.constant 0 : i32
        %dma_start3A_156 = tpu.memref_slice %arg6[%add3A_154, %dma_start3A_155] : memref<40x128xi32, #tpu.memory_space<vmem>> -> memref<1x128xi32, #tpu.memory_space<vmem>>
        %dma_start3A_157 = tpu.memref_squeeze %dma_start3A_156 : memref<1x128xi32, #tpu.memory_space<vmem>> -> memref<128xi32, #tpu.memory_space<vmem>>
        %dma_start3A_158 = arith.constant 0 : i32
        %dma_start3A_159 = arith.constant 0 : i32
        %dma_start3A_160 = tpu.memref_slice %arg2[%dma_start3A_158, %dma_start3A_159] : memref<10240x128xf32, #tpu.memory_space<hbm>> -> memref<10240x128xf32, #tpu.memory_space<hbm>>
        tpu.enqueue_indirect_dma source(%dma_start3A_160 : memref<10240x128xf32, #tpu.memory_space<hbm>>) target(%arg8 : memref<128x128xf32, #tpu.memory_space<vmem>>) offsets(%dma_start3A_157 : memref<128xi32, #tpu.memory_space<vmem>>) semaphore(%arg11 : memref<!tpu.dma_semaphore, #tpu.memory_space<semaphore_mem>>)
      } else {
      }
      %dma_wait3A_141 = arith.constant 0 : i32
      %dma_wait3A_142 = tpu.memref_slice %arg6[%add3A_107, %dma_wait3A_141] : memref<40x128xi32, #tpu.memory_space<vmem>> -> memref<1x128xi32, #tpu.memory_space<vmem>>
      %dma_wait3A_143 = tpu.memref_squeeze %dma_wait3A_142 : memref<1x128xi32, #tpu.memory_space<vmem>> -> memref<128xi32, #tpu.memory_space<vmem>>
      %dma_wait3A_144 = arith.constant 0 : i32
      %dma_wait3A_145 = arith.constant 0 : i32
      %dma_wait3A_146 = tpu.memref_slice %arg2[%dma_wait3A_144, %dma_wait3A_145] : memref<10240x128xf32, #tpu.memory_space<hbm>> -> memref<10240x128xf32, #tpu.memory_space<hbm>>
      tpu.wait_indirect_dma semaphore(%arg12 : memref<!tpu.dma_semaphore, #tpu.memory_space<semaphore_mem>>) src(%dma_wait3A_146 : memref<10240x128xf32, #tpu.memory_space<hbm>>) dst(%arg9 : memref<128x128xf32, #tpu.memory_space<vmem>>)
      %dma_start3A_147 = arith.constant 0 : i32
      %dma_start3A_148 = tpu.memref_slice %arg7[%add3A_107, %dma_start3A_147] : memref<40x128xi32, #tpu.memory_space<vmem>> -> memref<1x128xi32, #tpu.memory_space<vmem>>
      %dma_start3A_149 = tpu.memref_squeeze %dma_start3A_148 : memref<1x128xi32, #tpu.memory_space<vmem>> -> memref<128xi32, #tpu.memory_space<vmem>>
      %dma_start3A_150 = arith.constant 0 : i32
      %dma_start3A_151 = arith.constant 0 : i32
      %dma_start3A_152 = tpu.memref_slice %arg10[%dma_start3A_150, %dma_start3A_151] : memref<10240x128xf32, #tpu.memory_space<vmem_shared>> -> memref<10240x128xf32, #tpu.memory_space<vmem_shared>>
      tpu.enqueue_indirect_dma source(%arg9 : memref<128x128xf32, #tpu.memory_space<vmem>>) target(%dma_start3A_152 : memref<10240x128xf32, #tpu.memory_space<vmem_shared>>) offsets(%dma_start3A_149 : memref<128xi32, #tpu.memory_space<vmem>>) semaphore(%arg14 : memref<!tpu.dma_semaphore, #tpu.memory_space<semaphore_mem>>) {add = true}
    }
    %while3A_42 = arith.constant 1 : i32
    scf.for %while3A_103 = %while3A_40 to %while3A_36 step %while3A_42  : i32 {
      %mul3A_104 = arith.constant 2 : i32
      %mul3A_105 = arith.muli %while3A_103, %mul3A_104 : i32
      %add3A_106 = arith.constant 1 : i32
      %add3A_107 = arith.addi %mul3A_105, %add3A_106 : i32
      %gt3A_108 = arith.constant 0 : i32
      %gt3A_109 = arith.cmpi sgt, %while3A_103, %gt3A_108 : i32
      %convert_element_type3A_110 = arith.extui %gt3A_109 : i1 to i32
      %cond3A_111 = arith.constant 0 : i32
      %cond3A_112 = arith.cmpi ne, %convert_element_type3A_110, %cond3A_111 : i32
      scf.if %cond3A_112 {
        %sub3A_153 = arith.constant 1 : i32
        %sub3A_154 = arith.subi %mul3A_105, %sub3A_153 : i32
        %dma_wait3A_155 = arith.constant 0 : i32
        %dma_wait3A_156 = tpu.memref_slice %arg7[%sub3A_154, %dma_wait3A_155] : memref<40x128xi32, #tpu.memory_space<vmem>> -> memref<1x128xi32, #tpu.memory_space<vmem>>
        %dma_wait3A_157 = tpu.memref_squeeze %dma_wait3A_156 : memref<1x128xi32, #tpu.memory_space<vmem>> -> memref<128xi32, #tpu.memory_space<vmem>>
        %dma_wait3A_158 = arith.constant 0 : i32
        %dma_wait3A_159 = arith.constant 0 : i32
        %dma_wait3A_160 = tpu.memref_slice %arg10[%dma_wait3A_158, %dma_wait3A_159] : memref<10240x128xf32, #tpu.memory_space<vmem_shared>> -> memref<10240x128xf32, #tpu.memory_space<vmem_shared>>
        tpu.wait_indirect_dma semaphore(%arg14 : memref<!tpu.dma_semaphore, #tpu.memory_space<semaphore_mem>>) src(%arg9 : memref<128x128xf32, #tpu.memory_space<vmem>>) dst(%dma_wait3A_160 : memref<10240x128xf32, #tpu.memory_space<vmem_shared>>)
      } else {
      }
      %dma_start3A = arith.constant 0 : i32
      %dma_start3A_113 = tpu.memref_slice %arg6[%add3A_107, %dma_start3A] : memref<40x128xi32, #tpu.memory_space<vmem>> -> memref<1x128xi32, #tpu.memory_space<vmem>>
      %dma_start3A_114 = tpu.memref_squeeze %dma_start3A_113 : memref<1x128xi32, #tpu.memory_space<vmem>> -> memref<128xi32, #tpu.memory_space<vmem>>
      %dma_start3A_115 = arith.constant 0 : i32
      %dma_start3A_116 = arith.constant 0 : i32
      %dma_start3A_117 = tpu.memref_slice %arg2[%dma_start3A_115, %dma_start3A_116] : memref<10240x128xf32, #tpu.memory_space<hbm>> -> memref<10240x128xf32, #tpu.memory_space<hbm>>
      tpu.enqueue_indirect_dma source(%dma_start3A_117 : memref<10240x128xf32, #tpu.memory_space<hbm>>) target(%arg9 : memref<128x128xf32, #tpu.memory_space<vmem>>) offsets(%dma_start3A_114 : memref<128xi32, #tpu.memory_space<vmem>>) semaphore(%arg12 : memref<!tpu.dma_semaphore, #tpu.memory_space<semaphore_mem>>)
      %dma_wait3A = arith.constant 0 : i32
      %dma_wait3A_118 = tpu.memref_slice %arg6[%mul3A_105, %dma_wait3A] : memref<40x128xi32, #tpu.memory_space<vmem>> -> memref<1x128xi32, #tpu.memory_space<vmem>>
      %dma_wait3A_119 = tpu.memref_squeeze %dma_wait3A_118 : memref<1x128xi32, #tpu.memory_space<vmem>> -> memref<128xi32, #tpu.memory_space<vmem>>
      %dma_wait3A_120 = arith.constant 0 : i32
      %dma_wait3A_121 = arith.constant 0 : i32
      %dma_wait3A_122 = tpu.memref_slice %arg2[%dma_wait3A_120, %dma_wait3A_121] : memref<10240x128xf32, #tpu.memory_space<hbm>> -> memref<10240x128xf32, #tpu.memory_space<hbm>>
      tpu.wait_indirect_dma semaphore(%arg11 : memref<!tpu.dma_semaphore, #tpu.memory_space<semaphore_mem>>) src(%dma_wait3A_122 : memref<10240x128xf32, #tpu.memory_space<hbm>>) dst(%arg8 : memref<128x128xf32, #tpu.memory_space<vmem>>)
      %dma_start3A_123 = arith.constant 0 : i32
      %dma_start3A_124 = tpu.memref_slice %arg7[%mul3A_105, %dma_start3A_123] : memref<40x128xi32, #tpu.memory_space<vmem>> -> memref<1x128xi32, #tpu.memory_space<vmem>>
      %dma_start3A_125 = tpu.memref_squeeze %dma_start3A_124 : memref<1x128xi32, #tpu.memory_space<vmem>> -> memref<128xi32, #tpu.memory_space<vmem>>
      %dma_start3A_126 = arith.constant 0 : i32
      %dma_start3A_127 = arith.constant 0 : i32
      %dma_start3A_128 = tpu.memref_slice %arg10[%dma_start3A_126, %dma_start3A_127] : memref<10240x128xf32, #tpu.memory_space<vmem_shared>> -> memref<10240x128xf32, #tpu.memory_space<vmem_shared>>
      tpu.enqueue_indirect_dma source(%arg8 : memref<128x128xf32, #tpu.memory_space<vmem>>) target(%dma_start3A_128 : memref<10240x128xf32, #tpu.memory_space<vmem_shared>>) offsets(%dma_start3A_125 : memref<128xi32, #tpu.memory_space<vmem>>) semaphore(%arg13 : memref<!tpu.dma_semaphore, #tpu.memory_space<semaphore_mem>>) {add = true}
      %dma_wait3A_129 = arith.constant 0 : i32
      %dma_wait3A_130 = tpu.memref_slice %arg7[%mul3A_105, %dma_wait3A_129] : memref<40x128xi32, #tpu.memory_space<vmem>> -> memref<1x128xi32, #tpu.memory_space<vmem>>
      %dma_wait3A_131 = tpu.memref_squeeze %dma_wait3A_130 : memref<1x128xi32, #tpu.memory_space<vmem>> -> memref<128xi32, #tpu.memory_space<vmem>>
      %dma_wait3A_132 = arith.constant 0 : i32
      %dma_wait3A_133 = arith.constant 0 : i32
      %dma_wait3A_134 = tpu.memref_slice %arg10[%dma_wait3A_132, %dma_wait3A_133] : memref<10240x128xf32, #tpu.memory_space<vmem_shared>> -> memref<10240x128xf32, #tpu.memory_space<vmem_shared>>
      tpu.wait_indirect_dma semaphore(%arg13 : memref<!tpu.dma_semaphore, #tpu.memory_space<semaphore_mem>>) src(%arg8 : memref<128x128xf32, #tpu.memory_space<vmem>>) dst(%dma_wait3A_134 : memref<10240x128xf32, #tpu.memory_space<vmem_shared>>)
      %sub3A_135 = arith.constant 1 : i32
      %sub3A_136 = arith.subi %select_n3A_29, %sub3A_135 : i32
      %lt3A_137 = arith.cmpi slt, %while3A_103, %sub3A_136 : i32
      %convert_element_type3A_138 = arith.extui %lt3A_137 : i1 to i32
      %cond3A_139 = arith.constant 0 : i32
      %cond3A_140 = arith.cmpi ne, %convert_element_type3A_138, %cond3A_139 : i32
      scf.if %cond3A_140 {
        %add3A_153 = arith.constant 2 : i32
        %add3A_154 = arith.addi %mul3A_105, %add3A_153 : i32
        %dma_start3A_155 = arith.constant 0 : i32
        %dma_start3A_156 = tpu.memref_slice %arg6[%add3A_154, %dma_start3A_155] : memref<40x128xi32, #tpu.memory_space<vmem>> -> memref<1x128xi32, #tpu.memory_space<vmem>>
        %dma_start3A_157 = tpu.memref_squeeze %dma_start3A_156 : memref<1x128xi32, #tpu.memory_space<vmem>> -> memref<128xi32, #tpu.memory_space<vmem>>
        %dma_start3A_158 = arith.constant 0 : i32
        %dma_start3A_159 = arith.constant 0 : i32
        %dma_start3A_160 = tpu.memref_slice %arg2[%dma_start3A_158, %dma_start3A_159] : memref<10240x128xf32, #tpu.memory_space<hbm>> -> memref<10240x128xf32, #tpu.memory_space<hbm>>
        tpu.enqueue_indirect_dma source(%dma_start3A_160 : memref<10240x128xf32, #tpu.memory_space<hbm>>) target(%arg8 : memref<128x128xf32, #tpu.memory_space<vmem>>) offsets(%dma_start3A_157 : memref<128xi32, #tpu.memory_space<vmem>>) semaphore(%arg11 : memref<!tpu.dma_semaphore, #tpu.memory_space<semaphore_mem>>)
      } else {
      }
      %dma_wait3A_141 = arith.constant 0 : i32
      %dma_wait3A_142 = tpu.memref_slice %arg6[%add3A_107, %dma_wait3A_141] : memref<40x128xi32, #tpu.memory_space<vmem>> -> memref<1x128xi32, #tpu.memory_space<vmem>>
      %dma_wait3A_143 = tpu.memref_squeeze %dma_wait3A_142 : memref<1x128xi32, #tpu.memory_space<vmem>> -> memref<128xi32, #tpu.memory_space<vmem>>
      %dma_wait3A_144 = arith.constant 0 : i32
      %dma_wait3A_145 = arith.constant 0 : i32
      %dma_wait3A_146 = tpu.memref_slice %arg2[%dma_wait3A_144, %dma_wait3A_145] : memref<10240x128xf32, #tpu.memory_space<hbm>> -> memref<10240x128xf32, #tpu.memory_space<hbm>>
      tpu.wait_indirect_dma semaphore(%arg12 : memref<!tpu.dma_semaphore, #tpu.memory_space<semaphore_mem>>) src(%dma_wait3A_146 : memref<10240x128xf32, #tpu.memory_space<hbm>>) dst(%arg9 : memref<128x128xf32, #tpu.memory_space<vmem>>)
      %dma_start3A_147 = arith.constant 0 : i32
      %dma_start3A_148 = tpu.memref_slice %arg7[%add3A_107, %dma_start3A_147] : memref<40x128xi32, #tpu.memory_space<vmem>> -> memref<1x128xi32, #tpu.memory_space<vmem>>
      %dma_start3A_149 = tpu.memref_squeeze %dma_start3A_148 : memref<1x128xi32, #tpu.memory_space<vmem>> -> memref<128xi32, #tpu.memory_space<vmem>>
      %dma_start3A_150 = arith.constant 0 : i32
      %dma_start3A_151 = arith.constant 0 : i32
      %dma_start3A_152 = tpu.memref_slice %arg10[%dma_start3A_150, %dma_start3A_151] : memref<10240x128xf32, #tpu.memory_space<vmem_shared>> -> memref<10240x128xf32, #tpu.memory_space<vmem_shared>>
      tpu.enqueue_indirect_dma source(%arg9 : memref<128x128xf32, #tpu.memory_space<vmem>>) target(%dma_start3A_152 : memref<10240x128xf32, #tpu.memory_space<vmem_shared>>) offsets(%dma_start3A_149 : memref<128xi32, #tpu.memory_space<vmem>>) semaphore(%arg14 : memref<!tpu.dma_semaphore, #tpu.memory_space<semaphore_mem>>) {add = true}
    }
    %gt3A_43 = arith.constant 0 : i32
    %gt3A_44 = arith.cmpi sgt, %select_n3A_29, %gt3A_43 : i32
    %convert_element_type3A_45 = arith.extui %gt3A_44 : i1 to i32
    %cond3A_46 = arith.constant 0 : i32
    %cond3A_47 = arith.cmpi ne, %convert_element_type3A_45, %cond3A_46 : i32
    scf.if %cond3A_47 {
      %mul3A_103 = arith.constant 2 : i32
      %mul3A_104 = arith.muli %select_n3A_29, %mul3A_103 : i32
      %sub3A_105 = arith.constant 1 : i32
      %sub3A_106 = arith.subi %mul3A_104, %sub3A_105 : i32
      %dma_wait3A = arith.constant 0 : i32
      %dma_wait3A_107 = tpu.memref_slice %arg7[%sub3A_106, %dma_wait3A] : memref<40x128xi32, #tpu.memory_space<vmem>> -> memref<1x128xi32, #tpu.memory_space<vmem>>
      %dma_wait3A_108 = tpu.memref_squeeze %dma_wait3A_107 : memref<1x128xi32, #tpu.memory_space<vmem>> -> memref<128xi32, #tpu.memory_space<vmem>>
      %dma_wait3A_109 = arith.constant 0 : i32
      %dma_wait3A_110 = arith.constant 0 : i32
      %dma_wait3A_111 = tpu.memref_slice %arg10[%dma_wait3A_109, %dma_wait3A_110] : memref<10240x128xf32, #tpu.memory_space<vmem_shared>> -> memref<10240x128xf32, #tpu.memory_space<vmem_shared>>
      tpu.wait_indirect_dma semaphore(%arg14 : memref<!tpu.dma_semaphore, #tpu.memory_space<semaphore_mem>>) src(%arg9 : memref<128x128xf32, #tpu.memory_space<vmem>>) dst(%dma_wait3A_111 : memref<10240x128xf32, #tpu.memory_space<vmem_shared>>)
    } else {
    }
    %lt3A_48 = arith.constant 31 : i32
    %lt3A_49 = arith.cmpi slt, %add3A, %lt3A_48 : i32
    %convert_element_type3A_50 = arith.extui %lt3A_49 : i1 to i32
    %cond3A_51 = arith.constant 0 : i32
    %cond3A_52 = arith.cmpi ne, %convert_element_type3A_50, %cond3A_51 : i32
    scf.if %cond3A_52 {
      %mul3A_103 = arith.constant 2 : i32
      %mul3A_104 = arith.muli %add3A, %mul3A_103 : i32
      %add3A_105 = arith.constant 1 : i32
      %add3A_106 = arith.addi %mul3A_104, %add3A_105 : i32
      %mul3A_107 = arith.constant 40 : i32
      %mul3A_108 = arith.muli %add3A_106, %mul3A_107 : i32
      %run_scoped3A = arith.constant 0 : i32
      "tpu.region"() ({
        %run_scoped3A_110 = tpu.sem_alloc : memref<!tpu.dma_semaphore, #tpu.memory_space<semaphore_mem>>
        %dma_start3A = arith.constant 0 : i32
        %dma_start3A_111 = tpu.memref_slice %arg3[%run_scoped3A, %mul3A_108, %dma_start3A] : memref<2x2500x128xi32, #tpu.memory_space<hbm>> -> memref<1x40x128xi32, #tpu.memory_space<hbm>>
        %dma_start3A_112 = tpu.memref_squeeze %dma_start3A_111 : memref<1x40x128xi32, #tpu.memory_space<hbm>> -> memref<40x128xi32, #tpu.memory_space<hbm>>
        %dma_start3A_113 = arith.constant 0 : i32
        %dma_start3A_114 = tpu.memref_slice %arg3[%run_scoped3A, %mul3A_108, %dma_start3A_113] : memref<2x2500x128xi32, #tpu.memory_space<hbm>> -> memref<1x40x128xi32, #tpu.memory_space<hbm>>
        %dma_start3A_115 = tpu.memref_squeeze %dma_start3A_114 : memref<1x40x128xi32, #tpu.memory_space<hbm>> -> memref<40x128xi32, #tpu.memory_space<hbm>>
        tpu.enqueue_dma source(%dma_start3A_115 : memref<40x128xi32, #tpu.memory_space<hbm>>) target(%arg6 : memref<40x128xi32, #tpu.memory_space<vmem>>) target_semaphore(%run_scoped3A_110 : memref<!tpu.dma_semaphore, #tpu.memory_space<semaphore_mem>>)
        %dma_wait3A = arith.constant 0 : i32
        %dma_wait3A_116 = tpu.memref_slice %arg3[%run_scoped3A, %mul3A_108, %dma_wait3A] : memref<2x2500x128xi32, #tpu.memory_space<hbm>> -> memref<1x40x128xi32, #tpu.memory_space<hbm>>
        %dma_wait3A_117 = tpu.memref_squeeze %dma_wait3A_116 : memref<1x40x128xi32, #tpu.memory_space<hbm>> -> memref<40x128xi32, #tpu.memory_space<hbm>>
        %dma_wait3A_118 = arith.constant 0 : i32
        %dma_wait3A_119 = tpu.memref_slice %arg3[%run_scoped3A, %mul3A_108, %dma_wait3A_118] : memref<2x2500x128xi32, #tpu.memory_space<hbm>> -> memref<1x40x128xi32, #tpu.memory_space<hbm>>
        %dma_wait3A_120 = tpu.memref_squeeze %dma_wait3A_119 : memref<1x40x128xi32, #tpu.memory_space<hbm>> -> memref<40x128xi32, #tpu.memory_space<hbm>>
        tpu.wait_dma2 semaphore(%run_scoped3A_110 : memref<!tpu.dma_semaphore, #tpu.memory_space<semaphore_mem>>) src(%dma_wait3A_120 : memref<40x128xi32, #tpu.memory_space<hbm>>) dst(%arg6 : memref<40x128xi32, #tpu.memory_space<vmem>>)
        tpu.yield
      }) : () -> ()
      %run_scoped3A_109 = arith.constant 1 : i32
      "tpu.region"() ({
        %run_scoped3A_110 = tpu.sem_alloc : memref<!tpu.dma_semaphore, #tpu.memory_space<semaphore_mem>>
        %dma_start3A = arith.constant 0 : i32
        %dma_start3A_111 = tpu.memref_slice %arg3[%run_scoped3A_109, %mul3A_108, %dma_start3A] : memref<2x2500x128xi32, #tpu.memory_space<hbm>> -> memref<1x40x128xi32, #tpu.memory_space<hbm>>
        %dma_start3A_112 = tpu.memref_squeeze %dma_start3A_111 : memref<1x40x128xi32, #tpu.memory_space<hbm>> -> memref<40x128xi32, #tpu.memory_space<hbm>>
        %dma_start3A_113 = arith.constant 0 : i32
        %dma_start3A_114 = tpu.memref_slice %arg3[%run_scoped3A_109, %mul3A_108, %dma_start3A_113] : memref<2x2500x128xi32, #tpu.memory_space<hbm>> -> memref<1x40x128xi32, #tpu.memory_space<hbm>>
        %dma_start3A_115 = tpu.memref_squeeze %dma_start3A_114 : memref<1x40x128xi32, #tpu.memory_space<hbm>> -> memref<40x128xi32, #tpu.memory_space<hbm>>
        tpu.enqueue_dma source(%dma_start3A_115 : memref<40x128xi32, #tpu.memory_space<hbm>>) target(%arg7 : memref<40x128xi32, #tpu.memory_space<vmem>>) target_semaphore(%run_scoped3A_110 : memref<!tpu.dma_semaphore, #tpu.memory_space<semaphore_mem>>)
        %dma_wait3A = arith.constant 0 : i32
        %dma_wait3A_116 = tpu.memref_slice %arg3[%run_scoped3A_109, %mul3A_108, %dma_wait3A] : memref<2x2500x128xi32, #tpu.memory_space<hbm>> -> memref<1x40x128xi32, #tpu.memory_space<hbm>>
        %dma_wait3A_117 = tpu.memref_squeeze %dma_wait3A_116 : memref<1x40x128xi32, #tpu.memory_space<hbm>> -> memref<40x128xi32, #tpu.memory_space<hbm>>
        %dma_wait3A_118 = arith.constant 0 : i32
        %dma_wait3A_119 = tpu.memref_slice %arg3[%run_scoped3A_109, %mul3A_108, %dma_wait3A_118] : memref<2x2500x128xi32, #tpu.memory_space<hbm>> -> memref<1x40x128xi32, #tpu.memory_space<hbm>>
        %dma_wait3A_120 = tpu.memref_squeeze %dma_wait3A_119 : memref<1x40x128xi32, #tpu.memory_space<hbm>> -> memref<40x128xi32, #tpu.memory_space<hbm>>
        tpu.wait_dma2 semaphore(%run_scoped3A_110 : memref<!tpu.dma_semaphore, #tpu.memory_space<semaphore_mem>>) src(%dma_wait3A_120 : memref<40x128xi32, #tpu.memory_space<hbm>>) dst(%arg7 : memref<40x128xi32, #tpu.memory_space<vmem>>)
        tpu.yield
      }) : () -> ()
    } else {
    }
    %lt3A_53 = arith.constant 31 : i32
    %lt3A_54 = arith.cmpi slt, %add3A, %lt3A_53 : i32
    %jit3A_55 = arith.constant 40 : i32
    %jit3A_56 = arith.constant 0 : i32
    %select_n3A_57 = arith.select %lt3A_54, %jit3A_55, %jit3A_56 : i32
    %jit3A_58 = arith.constant 2 : i32
    %div3A_59 = arith.divsi %select_n3A_57, %jit3A_58 : i32
    %sign3A_60 = arith.constant 0 : i32
    %sign3A_61 = arith.cmpi sgt, %select_n3A_57, %sign3A_60 : i32
    %sign3A_62 = arith.extui %sign3A_61 : i1 to i32
    %sign3A_63 = arith.constant 0 : i32
    %sign3A_64 = arith.cmpi slt, %select_n3A_57, %sign3A_63 : i32
    %sign3A_65 = arith.extui %sign3A_64 : i1 to i32
    %sign3A_66 = arith.subi %sign3A_62, %sign3A_65 : i32
    %sign3A_67 = arith.constant 0 : i32
    %sign3A_68 = arith.cmpi sgt, %jit3A_58, %sign3A_67 : i32
    %sign3A_69 = arith.extui %sign3A_68 : i1 to i32
    %sign3A_70 = arith.constant 0 : i32
    %sign3A_71 = arith.cmpi slt, %jit3A_58, %sign3A_70 : i32
    %sign3A_72 = arith.extui %sign3A_71 : i1 to i32
    %sign3A_73 = arith.subi %sign3A_69, %sign3A_72 : i32
    %ne3A_74 = arith.cmpi ne, %sign3A_66, %sign3A_73 : i32
    %rem3A_75 = arith.remsi %select_n3A_57, %jit3A_58 : i32
    %ne3A_76 = arith.constant 0 : i32
    %ne3A_77 = arith.cmpi ne, %rem3A_75, %ne3A_76 : i32
    %and3A_78 = arith.andi %ne3A_74, %ne3A_77 : i1
    %sub3A_79 = arith.constant 1 : i32
    %sub3A_80 = arith.subi %div3A_59, %sub3A_79 : i32
    %select_n3A_81 = arith.select %and3A_78, %sub3A_80, %div3A_59 : i32
    %gt3A_82 = arith.constant 0 : i32
    %gt3A_83 = arith.cmpi sgt, %select_n3A_81, %gt3A_82 : i32
    %convert_element_type3A_84 = arith.extui %gt3A_83 : i1 to i32
    %cond3A_85 = arith.constant 0 : i32
    %cond3A_86 = arith.cmpi ne, %convert_element_type3A_84, %cond3A_85 : i32
    scf.if %cond3A_86 {
      %dma_start3A = arith.constant 0 : i32
      %dma_start3A_103 = arith.constant 0 : i32
      %dma_start3A_104 = tpu.memref_slice %arg6[%dma_start3A, %dma_start3A_103] : memref<40x128xi32, #tpu.memory_space<vmem>> -> memref<1x128xi32, #tpu.memory_space<vmem>>
      %dma_start3A_105 = tpu.memref_squeeze %dma_start3A_104 : memref<1x128xi32, #tpu.memory_space<vmem>> -> memref<128xi32, #tpu.memory_space<vmem>>
      %dma_start3A_106 = arith.constant 0 : i32
      %dma_start3A_107 = arith.constant 0 : i32
      %dma_start3A_108 = tpu.memref_slice %arg2[%dma_start3A_106, %dma_start3A_107] : memref<10240x128xf32, #tpu.memory_space<hbm>> -> memref<10240x128xf32, #tpu.memory_space<hbm>>
      tpu.enqueue_indirect_dma source(%dma_start3A_108 : memref<10240x128xf32, #tpu.memory_space<hbm>>) target(%arg8 : memref<128x128xf32, #tpu.memory_space<vmem>>) offsets(%dma_start3A_105 : memref<128xi32, #tpu.memory_space<vmem>>) semaphore(%arg11 : memref<!tpu.dma_semaphore, #tpu.memory_space<semaphore_mem>>)
    } else {
    }
    %while3A_87 = arith.constant 0 : i32
    %while3A_88 = arith.constant 0 : i32
    %while3A_89 = arith.subi %select_n3A_81, %while3A_88 : i32
    %while3A_90 = arith.addi %while3A_88, %while3A_89 : i32
    %while3A_91 = arith.constant 1 : i32
    %while3A_92 = arith.divsi %while3A_89, %while3A_91 : i32
    %while3A_93 = arith.muli %while3A_92, %while3A_91 : i32
    %while3A_94 = arith.addi %while3A_88, %while3A_93 : i32
    %while3A_95 = arith.constant 1 : i32
    scf.for %while3A_103 = %while3A_88 to %while3A_94 step %while3A_95  : i32 {
      %mul3A_104 = arith.constant 2 : i32
      %mul3A_105 = arith.muli %while3A_103, %mul3A_104 : i32
      %add3A_106 = arith.constant 1 : i32
      %add3A_107 = arith.addi %mul3A_105, %add3A_106 : i32
      %gt3A_108 = arith.constant 0 : i32
      %gt3A_109 = arith.cmpi sgt, %while3A_103, %gt3A_108 : i32
      %convert_element_type3A_110 = arith.extui %gt3A_109 : i1 to i32
      %cond3A_111 = arith.constant 0 : i32
      %cond3A_112 = arith.cmpi ne, %convert_element_type3A_110, %cond3A_111 : i32
      scf.if %cond3A_112 {
        %sub3A_153 = arith.constant 1 : i32
        %sub3A_154 = arith.subi %mul3A_105, %sub3A_153 : i32
        %dma_wait3A_155 = arith.constant 0 : i32
        %dma_wait3A_156 = tpu.memref_slice %arg7[%sub3A_154, %dma_wait3A_155] : memref<40x128xi32, #tpu.memory_space<vmem>> -> memref<1x128xi32, #tpu.memory_space<vmem>>
        %dma_wait3A_157 = tpu.memref_squeeze %dma_wait3A_156 : memref<1x128xi32, #tpu.memory_space<vmem>> -> memref<128xi32, #tpu.memory_space<vmem>>
        %dma_wait3A_158 = arith.constant 0 : i32
        %dma_wait3A_159 = arith.constant 0 : i32
        %dma_wait3A_160 = tpu.memref_slice %arg10[%dma_wait3A_158, %dma_wait3A_159] : memref<10240x128xf32, #tpu.memory_space<vmem_shared>> -> memref<10240x128xf32, #tpu.memory_space<vmem_shared>>
        tpu.wait_indirect_dma semaphore(%arg14 : memref<!tpu.dma_semaphore, #tpu.memory_space<semaphore_mem>>) src(%arg9 : memref<128x128xf32, #tpu.memory_space<vmem>>) dst(%dma_wait3A_160 : memref<10240x128xf32, #tpu.memory_space<vmem_shared>>)
      } else {
      }
      %dma_start3A = arith.constant 0 : i32
      %dma_start3A_113 = tpu.memref_slice %arg6[%add3A_107, %dma_start3A] : memref<40x128xi32, #tpu.memory_space<vmem>> -> memref<1x128xi32, #tpu.memory_space<vmem>>
      %dma_start3A_114 = tpu.memref_squeeze %dma_start3A_113 : memref<1x128xi32, #tpu.memory_space<vmem>> -> memref<128xi32, #tpu.memory_space<vmem>>
      %dma_start3A_115 = arith.constant 0 : i32
      %dma_start3A_116 = arith.constant 0 : i32
      %dma_start3A_117 = tpu.memref_slice %arg2[%dma_start3A_115, %dma_start3A_116] : memref<10240x128xf32, #tpu.memory_space<hbm>> -> memref<10240x128xf32, #tpu.memory_space<hbm>>
      tpu.enqueue_indirect_dma source(%dma_start3A_117 : memref<10240x128xf32, #tpu.memory_space<hbm>>) target(%arg9 : memref<128x128xf32, #tpu.memory_space<vmem>>) offsets(%dma_start3A_114 : memref<128xi32, #tpu.memory_space<vmem>>) semaphore(%arg12 : memref<!tpu.dma_semaphore, #tpu.memory_space<semaphore_mem>>)
      %dma_wait3A = arith.constant 0 : i32
      %dma_wait3A_118 = tpu.memref_slice %arg6[%mul3A_105, %dma_wait3A] : memref<40x128xi32, #tpu.memory_space<vmem>> -> memref<1x128xi32, #tpu.memory_space<vmem>>
      %dma_wait3A_119 = tpu.memref_squeeze %dma_wait3A_118 : memref<1x128xi32, #tpu.memory_space<vmem>> -> memref<128xi32, #tpu.memory_space<vmem>>
      %dma_wait3A_120 = arith.constant 0 : i32
      %dma_wait3A_121 = arith.constant 0 : i32
      %dma_wait3A_122 = tpu.memref_slice %arg2[%dma_wait3A_120, %dma_wait3A_121] : memref<10240x128xf32, #tpu.memory_space<hbm>> -> memref<10240x128xf32, #tpu.memory_space<hbm>>
      tpu.wait_indirect_dma semaphore(%arg11 : memref<!tpu.dma_semaphore, #tpu.memory_space<semaphore_mem>>) src(%dma_wait3A_122 : memref<10240x128xf32, #tpu.memory_space<hbm>>) dst(%arg8 : memref<128x128xf32, #tpu.memory_space<vmem>>)
      %dma_start3A_123 = arith.constant 0 : i32
      %dma_start3A_124 = tpu.memref_slice %arg7[%mul3A_105, %dma_start3A_123] : memref<40x128xi32, #tpu.memory_space<vmem>> -> memref<1x128xi32, #tpu.memory_space<vmem>>
      %dma_start3A_125 = tpu.memref_squeeze %dma_start3A_124 : memref<1x128xi32, #tpu.memory_space<vmem>> -> memref<128xi32, #tpu.memory_space<vmem>>
      %dma_start3A_126 = arith.constant 0 : i32
      %dma_start3A_127 = arith.constant 0 : i32
      %dma_start3A_128 = tpu.memref_slice %arg10[%dma_start3A_126, %dma_start3A_127] : memref<10240x128xf32, #tpu.memory_space<vmem_shared>> -> memref<10240x128xf32, #tpu.memory_space<vmem_shared>>
      tpu.enqueue_indirect_dma source(%arg8 : memref<128x128xf32, #tpu.memory_space<vmem>>) target(%dma_start3A_128 : memref<10240x128xf32, #tpu.memory_space<vmem_shared>>) offsets(%dma_start3A_125 : memref<128xi32, #tpu.memory_space<vmem>>) semaphore(%arg13 : memref<!tpu.dma_semaphore, #tpu.memory_space<semaphore_mem>>) {add = true}
      %dma_wait3A_129 = arith.constant 0 : i32
      %dma_wait3A_130 = tpu.memref_slice %arg7[%mul3A_105, %dma_wait3A_129] : memref<40x128xi32, #tpu.memory_space<vmem>> -> memref<1x128xi32, #tpu.memory_space<vmem>>
      %dma_wait3A_131 = tpu.memref_squeeze %dma_wait3A_130 : memref<1x128xi32, #tpu.memory_space<vmem>> -> memref<128xi32, #tpu.memory_space<vmem>>
      %dma_wait3A_132 = arith.constant 0 : i32
      %dma_wait3A_133 = arith.constant 0 : i32
      %dma_wait3A_134 = tpu.memref_slice %arg10[%dma_wait3A_132, %dma_wait3A_133] : memref<10240x128xf32, #tpu.memory_space<vmem_shared>> -> memref<10240x128xf32, #tpu.memory_space<vmem_shared>>
      tpu.wait_indirect_dma semaphore(%arg13 : memref<!tpu.dma_semaphore, #tpu.memory_space<semaphore_mem>>) src(%arg8 : memref<128x128xf32, #tpu.memory_space<vmem>>) dst(%dma_wait3A_134 : memref<10240x128xf32, #tpu.memory_space<vmem_shared>>)
      %sub3A_135 = arith.constant 1 : i32
      %sub3A_136 = arith.subi %select_n3A_81, %sub3A_135 : i32
      %lt3A_137 = arith.cmpi slt, %while3A_103, %sub3A_136 : i32
      %convert_element_type3A_138 = arith.extui %lt3A_137 : i1 to i32
      %cond3A_139 = arith.constant 0 : i32
      %cond3A_140 = arith.cmpi ne, %convert_element_type3A_138, %cond3A_139 : i32
      scf.if %cond3A_140 {
        %add3A_153 = arith.constant 2 : i32
        %add3A_154 = arith.addi %mul3A_105, %add3A_153 : i32
        %dma_start3A_155 = arith.constant 0 : i32
        %dma_start3A_156 = tpu.memref_slice %arg6[%add3A_154, %dma_start3A_155] : memref<40x128xi32, #tpu.memory_space<vmem>> -> memref<1x128xi32, #tpu.memory_space<vmem>>
        %dma_start3A_157 = tpu.memref_squeeze %dma_start3A_156 : memref<1x128xi32, #tpu.memory_space<vmem>> -> memref<128xi32, #tpu.memory_space<vmem>>
        %dma_start3A_158 = arith.constant 0 : i32
        %dma_start3A_159 = arith.constant 0 : i32
        %dma_start3A_160 = tpu.memref_slice %arg2[%dma_start3A_158, %dma_start3A_159] : memref<10240x128xf32, #tpu.memory_space<hbm>> -> memref<10240x128xf32, #tpu.memory_space<hbm>>
        tpu.enqueue_indirect_dma source(%dma_start3A_160 : memref<10240x128xf32, #tpu.memory_space<hbm>>) target(%arg8 : memref<128x128xf32, #tpu.memory_space<vmem>>) offsets(%dma_start3A_157 : memref<128xi32, #tpu.memory_space<vmem>>) semaphore(%arg11 : memref<!tpu.dma_semaphore, #tpu.memory_space<semaphore_mem>>)
      } else {
      }
      %dma_wait3A_141 = arith.constant 0 : i32
      %dma_wait3A_142 = tpu.memref_slice %arg6[%add3A_107, %dma_wait3A_141] : memref<40x128xi32, #tpu.memory_space<vmem>> -> memref<1x128xi32, #tpu.memory_space<vmem>>
      %dma_wait3A_143 = tpu.memref_squeeze %dma_wait3A_142 : memref<1x128xi32, #tpu.memory_space<vmem>> -> memref<128xi32, #tpu.memory_space<vmem>>
      %dma_wait3A_144 = arith.constant 0 : i32
      %dma_wait3A_145 = arith.constant 0 : i32
      %dma_wait3A_146 = tpu.memref_slice %arg2[%dma_wait3A_144, %dma_wait3A_145] : memref<10240x128xf32, #tpu.memory_space<hbm>> -> memref<10240x128xf32, #tpu.memory_space<hbm>>
      tpu.wait_indirect_dma semaphore(%arg12 : memref<!tpu.dma_semaphore, #tpu.memory_space<semaphore_mem>>) src(%dma_wait3A_146 : memref<10240x128xf32, #tpu.memory_space<hbm>>) dst(%arg9 : memref<128x128xf32, #tpu.memory_space<vmem>>)
      %dma_start3A_147 = arith.constant 0 : i32
      %dma_start3A_148 = tpu.memref_slice %arg7[%add3A_107, %dma_start3A_147] : memref<40x128xi32, #tpu.memory_space<vmem>> -> memref<1x128xi32, #tpu.memory_space<vmem>>
      %dma_start3A_149 = tpu.memref_squeeze %dma_start3A_148 : memref<1x128xi32, #tpu.memory_space<vmem>> -> memref<128xi32, #tpu.memory_space<vmem>>
      %dma_start3A_150 = arith.constant 0 : i32
      %dma_start3A_151 = arith.constant 0 : i32
      %dma_start3A_152 = tpu.memref_slice %arg10[%dma_start3A_150, %dma_start3A_151] : memref<10240x128xf32, #tpu.memory_space<vmem_shared>> -> memref<10240x128xf32, #tpu.memory_space<vmem_shared>>
      tpu.enqueue_indirect_dma source(%arg9 : memref<128x128xf32, #tpu.memory_space<vmem>>) target(%dma_start3A_152 : memref<10240x128xf32, #tpu.memory_space<vmem_shared>>) offsets(%dma_start3A_149 : memref<128xi32, #tpu.memory_space<vmem>>) semaphore(%arg14 : memref<!tpu.dma_semaphore, #tpu.memory_space<semaphore_mem>>) {add = true}
    }
    %while3A_96 = arith.constant 1 : i32
    scf.for %while3A_103 = %while3A_94 to %while3A_90 step %while3A_96  : i32 {
      %mul3A_104 = arith.constant 2 : i32
      %mul3A_105 = arith.muli %while3A_103, %mul3A_104 : i32
      %add3A_106 = arith.constant 1 : i32
      %add3A_107 = arith.addi %mul3A_105, %add3A_106 : i32
      %gt3A_108 = arith.constant 0 : i32
      %gt3A_109 = arith.cmpi sgt, %while3A_103, %gt3A_108 : i32
      %convert_element_type3A_110 = arith.extui %gt3A_109 : i1 to i32
      %cond3A_111 = arith.constant 0 : i32
      %cond3A_112 = arith.cmpi ne, %convert_element_type3A_110, %cond3A_111 : i32
      scf.if %cond3A_112 {
        %sub3A_153 = arith.constant 1 : i32
        %sub3A_154 = arith.subi %mul3A_105, %sub3A_153 : i32
        %dma_wait3A_155 = arith.constant 0 : i32
        %dma_wait3A_156 = tpu.memref_slice %arg7[%sub3A_154, %dma_wait3A_155] : memref<40x128xi32, #tpu.memory_space<vmem>> -> memref<1x128xi32, #tpu.memory_space<vmem>>
        %dma_wait3A_157 = tpu.memref_squeeze %dma_wait3A_156 : memref<1x128xi32, #tpu.memory_space<vmem>> -> memref<128xi32, #tpu.memory_space<vmem>>
        %dma_wait3A_158 = arith.constant 0 : i32
        %dma_wait3A_159 = arith.constant 0 : i32
        %dma_wait3A_160 = tpu.memref_slice %arg10[%dma_wait3A_158, %dma_wait3A_159] : memref<10240x128xf32, #tpu.memory_space<vmem_shared>> -> memref<10240x128xf32, #tpu.memory_space<vmem_shared>>
        tpu.wait_indirect_dma semaphore(%arg14 : memref<!tpu.dma_semaphore, #tpu.memory_space<semaphore_mem>>) src(%arg9 : memref<128x128xf32, #tpu.memory_space<vmem>>) dst(%dma_wait3A_160 : memref<10240x128xf32, #tpu.memory_space<vmem_shared>>)
      } else {
      }
      %dma_start3A = arith.constant 0 : i32
      %dma_start3A_113 = tpu.memref_slice %arg6[%add3A_107, %dma_start3A] : memref<40x128xi32, #tpu.memory_space<vmem>> -> memref<1x128xi32, #tpu.memory_space<vmem>>
      %dma_start3A_114 = tpu.memref_squeeze %dma_start3A_113 : memref<1x128xi32, #tpu.memory_space<vmem>> -> memref<128xi32, #tpu.memory_space<vmem>>
      %dma_start3A_115 = arith.constant 0 : i32
      %dma_start3A_116 = arith.constant 0 : i32
      %dma_start3A_117 = tpu.memref_slice %arg2[%dma_start3A_115, %dma_start3A_116] : memref<10240x128xf32, #tpu.memory_space<hbm>> -> memref<10240x128xf32, #tpu.memory_space<hbm>>
      tpu.enqueue_indirect_dma source(%dma_start3A_117 : memref<10240x128xf32, #tpu.memory_space<hbm>>) target(%arg9 : memref<128x128xf32, #tpu.memory_space<vmem>>) offsets(%dma_start3A_114 : memref<128xi32, #tpu.memory_space<vmem>>) semaphore(%arg12 : memref<!tpu.dma_semaphore, #tpu.memory_space<semaphore_mem>>)
      %dma_wait3A = arith.constant 0 : i32
      %dma_wait3A_118 = tpu.memref_slice %arg6[%mul3A_105, %dma_wait3A] : memref<40x128xi32, #tpu.memory_space<vmem>> -> memref<1x128xi32, #tpu.memory_space<vmem>>
      %dma_wait3A_119 = tpu.memref_squeeze %dma_wait3A_118 : memref<1x128xi32, #tpu.memory_space<vmem>> -> memref<128xi32, #tpu.memory_space<vmem>>
      %dma_wait3A_120 = arith.constant 0 : i32
      %dma_wait3A_121 = arith.constant 0 : i32
      %dma_wait3A_122 = tpu.memref_slice %arg2[%dma_wait3A_120, %dma_wait3A_121] : memref<10240x128xf32, #tpu.memory_space<hbm>> -> memref<10240x128xf32, #tpu.memory_space<hbm>>
      tpu.wait_indirect_dma semaphore(%arg11 : memref<!tpu.dma_semaphore, #tpu.memory_space<semaphore_mem>>) src(%dma_wait3A_122 : memref<10240x128xf32, #tpu.memory_space<hbm>>) dst(%arg8 : memref<128x128xf32, #tpu.memory_space<vmem>>)
      %dma_start3A_123 = arith.constant 0 : i32
      %dma_start3A_124 = tpu.memref_slice %arg7[%mul3A_105, %dma_start3A_123] : memref<40x128xi32, #tpu.memory_space<vmem>> -> memref<1x128xi32, #tpu.memory_space<vmem>>
      %dma_start3A_125 = tpu.memref_squeeze %dma_start3A_124 : memref<1x128xi32, #tpu.memory_space<vmem>> -> memref<128xi32, #tpu.memory_space<vmem>>
      %dma_start3A_126 = arith.constant 0 : i32
      %dma_start3A_127 = arith.constant 0 : i32
      %dma_start3A_128 = tpu.memref_slice %arg10[%dma_start3A_126, %dma_start3A_127] : memref<10240x128xf32, #tpu.memory_space<vmem_shared>> -> memref<10240x128xf32, #tpu.memory_space<vmem_shared>>
      tpu.enqueue_indirect_dma source(%arg8 : memref<128x128xf32, #tpu.memory_space<vmem>>) target(%dma_start3A_128 : memref<10240x128xf32, #tpu.memory_space<vmem_shared>>) offsets(%dma_start3A_125 : memref<128xi32, #tpu.memory_space<vmem>>) semaphore(%arg13 : memref<!tpu.dma_semaphore, #tpu.memory_space<semaphore_mem>>) {add = true}
      %dma_wait3A_129 = arith.constant 0 : i32
      %dma_wait3A_130 = tpu.memref_slice %arg7[%mul3A_105, %dma_wait3A_129] : memref<40x128xi32, #tpu.memory_space<vmem>> -> memref<1x128xi32, #tpu.memory_space<vmem>>
      %dma_wait3A_131 = tpu.memref_squeeze %dma_wait3A_130 : memref<1x128xi32, #tpu.memory_space<vmem>> -> memref<128xi32, #tpu.memory_space<vmem>>
      %dma_wait3A_132 = arith.constant 0 : i32
      %dma_wait3A_133 = arith.constant 0 : i32
      %dma_wait3A_134 = tpu.memref_slice %arg10[%dma_wait3A_132, %dma_wait3A_133] : memref<10240x128xf32, #tpu.memory_space<vmem_shared>> -> memref<10240x128xf32, #tpu.memory_space<vmem_shared>>
      tpu.wait_indirect_dma semaphore(%arg13 : memref<!tpu.dma_semaphore, #tpu.memory_space<semaphore_mem>>) src(%arg8 : memref<128x128xf32, #tpu.memory_space<vmem>>) dst(%dma_wait3A_134 : memref<10240x128xf32, #tpu.memory_space<vmem_shared>>)
      %sub3A_135 = arith.constant 1 : i32
      %sub3A_136 = arith.subi %select_n3A_81, %sub3A_135 : i32
      %lt3A_137 = arith.cmpi slt, %while3A_103, %sub3A_136 : i32
      %convert_element_type3A_138 = arith.extui %lt3A_137 : i1 to i32
      %cond3A_139 = arith.constant 0 : i32
      %cond3A_140 = arith.cmpi ne, %convert_element_type3A_138, %cond3A_139 : i32
      scf.if %cond3A_140 {
        %add3A_153 = arith.constant 2 : i32
        %add3A_154 = arith.addi %mul3A_105, %add3A_153 : i32
        %dma_start3A_155 = arith.constant 0 : i32
        %dma_start3A_156 = tpu.memref_slice %arg6[%add3A_154, %dma_start3A_155] : memref<40x128xi32, #tpu.memory_space<vmem>> -> memref<1x128xi32, #tpu.memory_space<vmem>>
        %dma_start3A_157 = tpu.memref_squeeze %dma_start3A_156 : memref<1x128xi32, #tpu.memory_space<vmem>> -> memref<128xi32, #tpu.memory_space<vmem>>
        %dma_start3A_158 = arith.constant 0 : i32
        %dma_start3A_159 = arith.constant 0 : i32
        %dma_start3A_160 = tpu.memref_slice %arg2[%dma_start3A_158, %dma_start3A_159] : memref<10240x128xf32, #tpu.memory_space<hbm>> -> memref<10240x128xf32, #tpu.memory_space<hbm>>
        tpu.enqueue_indirect_dma source(%dma_start3A_160 : memref<10240x128xf32, #tpu.memory_space<hbm>>) target(%arg8 : memref<128x128xf32, #tpu.memory_space<vmem>>) offsets(%dma_start3A_157 : memref<128xi32, #tpu.memory_space<vmem>>) semaphore(%arg11 : memref<!tpu.dma_semaphore, #tpu.memory_space<semaphore_mem>>)
      } else {
      }
      %dma_wait3A_141 = arith.constant 0 : i32
      %dma_wait3A_142 = tpu.memref_slice %arg6[%add3A_107, %dma_wait3A_141] : memref<40x128xi32, #tpu.memory_space<vmem>> -> memref<1x128xi32, #tpu.memory_space<vmem>>
      %dma_wait3A_143 = tpu.memref_squeeze %dma_wait3A_142 : memref<1x128xi32, #tpu.memory_space<vmem>> -> memref<128xi32, #tpu.memory_space<vmem>>
      %dma_wait3A_144 = arith.constant 0 : i32
      %dma_wait3A_145 = arith.constant 0 : i32
      %dma_wait3A_146 = tpu.memref_slice %arg2[%dma_wait3A_144, %dma_wait3A_145] : memref<10240x128xf32, #tpu.memory_space<hbm>> -> memref<10240x128xf32, #tpu.memory_space<hbm>>
      tpu.wait_indirect_dma semaphore(%arg12 : memref<!tpu.dma_semaphore, #tpu.memory_space<semaphore_mem>>) src(%dma_wait3A_146 : memref<10240x128xf32, #tpu.memory_space<hbm>>) dst(%arg9 : memref<128x128xf32, #tpu.memory_space<vmem>>)
      %dma_start3A_147 = arith.constant 0 : i32
      %dma_start3A_148 = tpu.memref_slice %arg7[%add3A_107, %dma_start3A_147] : memref<40x128xi32, #tpu.memory_space<vmem>> -> memref<1x128xi32, #tpu.memory_space<vmem>>
      %dma_start3A_149 = tpu.memref_squeeze %dma_start3A_148 : memref<1x128xi32, #tpu.memory_space<vmem>> -> memref<128xi32, #tpu.memory_space<vmem>>
      %dma_start3A_150 = arith.constant 0 : i32
      %dma_start3A_151 = arith.constant 0 : i32
      %dma_start3A_152 = tpu.memref_slice %arg10[%dma_start3A_150, %dma_start3A_151] : memref<10240x128xf32, #tpu.memory_space<vmem_shared>> -> memref<10240x128xf32, #tpu.memory_space<vmem_shared>>
      tpu.enqueue_indirect_dma source(%arg9 : memref<128x128xf32, #tpu.memory_space<vmem>>) target(%dma_start3A_152 : memref<10240x128xf32, #tpu.memory_space<vmem_shared>>) offsets(%dma_start3A_149 : memref<128xi32, #tpu.memory_space<vmem>>) semaphore(%arg14 : memref<!tpu.dma_semaphore, #tpu.memory_space<semaphore_mem>>) {add = true}
    }
    %gt3A_97 = arith.constant 0 : i32
    %gt3A_98 = arith.cmpi sgt, %select_n3A_81, %gt3A_97 : i32
    %convert_element_type3A_99 = arith.extui %gt3A_98 : i1 to i32
    %cond3A_100 = arith.constant 0 : i32
    %cond3A_101 = arith.cmpi ne, %convert_element_type3A_99, %cond3A_100 : i32
    scf.if %cond3A_101 {
      %mul3A_103 = arith.constant 2 : i32
      %mul3A_104 = arith.muli %select_n3A_81, %mul3A_103 : i32
      %sub3A_105 = arith.constant 1 : i32
      %sub3A_106 = arith.subi %mul3A_104, %sub3A_105 : i32
      %dma_wait3A = arith.constant 0 : i32
      %dma_wait3A_107 = tpu.memref_slice %arg7[%sub3A_106, %dma_wait3A] : memref<40x128xi32, #tpu.memory_space<vmem>> -> memref<1x128xi32, #tpu.memory_space<vmem>>
      %dma_wait3A_108 = tpu.memref_squeeze %dma_wait3A_107 : memref<1x128xi32, #tpu.memory_space<vmem>> -> memref<128xi32, #tpu.memory_space<vmem>>
      %dma_wait3A_109 = arith.constant 0 : i32
      %dma_wait3A_110 = arith.constant 0 : i32
      %dma_wait3A_111 = tpu.memref_slice %arg10[%dma_wait3A_109, %dma_wait3A_110] : memref<10240x128xf32, #tpu.memory_space<vmem_shared>> -> memref<10240x128xf32, #tpu.memory_space<vmem_shared>>
      tpu.wait_indirect_dma semaphore(%arg14 : memref<!tpu.dma_semaphore, #tpu.memory_space<semaphore_mem>>) src(%arg9 : memref<128x128xf32, #tpu.memory_space<vmem>>) dst(%dma_wait3A_111 : memref<10240x128xf32, #tpu.memory_space<vmem_shared>>)
    } else {
    }
    %barrier3A_102 = arith.constant 0 : index
    tpu.barrier barrier_id(%barrier3A_102)
    "tpu.region"() ({
      %run_scoped3A = tpu.sem_alloc : memref<!tpu.dma_semaphore, #tpu.memory_space<semaphore_mem>>
      %dma_start3A = arith.constant 0 : i32
      %dma_start3A_103 = tpu.memref_slice %arg5[%arg0, %mul3A_2, %dma_start3A] : memref<2x10240x128xf32, #tpu.memory_space<hbm>> -> memref<1x640x128xf32, #tpu.memory_space<hbm>>
      %dma_start3A_104 = tpu.memref_squeeze %dma_start3A_103 : memref<1x640x128xf32, #tpu.memory_space<hbm>> -> memref<640x128xf32, #tpu.memory_space<hbm>>
      %dma_start3A_105 = arith.constant 0 : i32
      %dma_start3A_106 = tpu.memref_slice %arg10[%mul3A_2, %dma_start3A_105] : memref<10240x128xf32, #tpu.memory_space<vmem_shared>> -> memref<640x128xf32, #tpu.memory_space<vmem_shared>>
      tpu.enqueue_dma source(%dma_start3A_106 : memref<640x128xf32, #tpu.memory_space<vmem_shared>>) target(%dma_start3A_104 : memref<640x128xf32, #tpu.memory_space<hbm>>) target_semaphore(%run_scoped3A : memref<!tpu.dma_semaphore, #tpu.memory_space<semaphore_mem>>)
      %dma_wait3A = arith.constant 0 : i32
      %dma_wait3A_107 = tpu.memref_slice %arg5[%arg0, %mul3A_2, %dma_wait3A] : memref<2x10240x128xf32, #tpu.memory_space<hbm>> -> memref<1x640x128xf32, #tpu.memory_space<hbm>>
      %dma_wait3A_108 = tpu.memref_squeeze %dma_wait3A_107 : memref<1x640x128xf32, #tpu.memory_space<hbm>> -> memref<640x128xf32, #tpu.memory_space<hbm>>
      %dma_wait3A_109 = arith.constant 0 : i32
      %dma_wait3A_110 = tpu.memref_slice %arg10[%mul3A_2, %dma_wait3A_109] : memref<10240x128xf32, #tpu.memory_space<vmem_shared>> -> memref<640x128xf32, #tpu.memory_space<vmem_shared>>
      tpu.wait_dma2 semaphore(%run_scoped3A : memref<!tpu.dma_semaphore, #tpu.memory_space<semaphore_mem>>) src(%dma_wait3A_110 : memref<640x128xf32, #tpu.memory_space<vmem_shared>>) dst(%dma_wait3A_108 : memref<640x128xf32, #tpu.memory_space<hbm>>)
      tpu.yield
    }) : () -> ()
    return
  }
}

#map = affine_map<(d0, d1) -> (0, 0, 0)>
#map1 = affine_map<(d0, d1) -> (0, 0)>
module attributes {stable_mosaic.version = 14 : i64} {
  func.func @_hist_body(%arg0: i32, %arg1: i32, %arg2: memref<2x2500x128xi32, #tpu.memory_space<hbm>>, %arg3: memref<10240x128xf32, #tpu.memory_space<hbm>>, %arg4: memref<2x10240x8xf32, #tpu.memory_space<hbm>>, %arg5: memref<80x128xi32, #tpu.memory_space<vmem>>, %arg6: memref<80x128xf32, #tpu.memory_space<vmem>>, %arg7: memref<128x8xf32, #tpu.memory_space<vmem>>, %arg8: memref<80xi32, #tpu.memory_space<vmem>>, %arg9: memref<80x128xf32, #tpu.memory_space<vmem_shared>>, %arg10: memref<!tpu.dma_semaphore, #tpu.memory_space<semaphore_mem>>) attributes {dimension_semantics = [#tpu.dimension_semantics<core_parallel>, #tpu.dimension_semantics<subcore_parallel>], iteration_bounds = array<i64: 2, 16>, scalar_prefetch = 0 : i64, scratch_operands = 6 : i64, tpu.core_type = #tpu.core_type<sc_vector_subcore>, window_params = [{transform_indices = #map}, {transform_indices = #map1}, {transform_indices = #map}]} {
    %mul3A = arith.constant 16 : i32
    %mul3A_0 = arith.muli %arg0, %mul3A : i32
    %add3A = arith.addi %mul3A_0, %arg1 : i32
    "tpu.region"() ({
      %run_scoped3A = tpu.sem_alloc : memref<!tpu.dma_semaphore, #tpu.memory_space<semaphore_mem>>
      %dma_start3A = arith.constant 0 : i32
      %dma_start3A_55 = arith.constant 0 : i32
      %dma_start3A_56 = tpu.memref_slice %arg3[%dma_start3A, %dma_start3A_55] : memref<10240x128xf32, #tpu.memory_space<hbm>> -> memref<80x128xf32, #tpu.memory_space<hbm>>
      %dma_start3A_57 = arith.constant 0 : i32
      %dma_start3A_58 = arith.constant 0 : i32
      %dma_start3A_59 = tpu.memref_slice %arg3[%dma_start3A_57, %dma_start3A_58] : memref<10240x128xf32, #tpu.memory_space<hbm>> -> memref<80x128xf32, #tpu.memory_space<hbm>>
      tpu.enqueue_dma source(%dma_start3A_59 : memref<80x128xf32, #tpu.memory_space<hbm>>) target(%arg6 : memref<80x128xf32, #tpu.memory_space<vmem>>) target_semaphore(%run_scoped3A : memref<!tpu.dma_semaphore, #tpu.memory_space<semaphore_mem>>)
      %dma_wait3A = arith.constant 0 : i32
      %dma_wait3A_60 = arith.constant 0 : i32
      %dma_wait3A_61 = tpu.memref_slice %arg3[%dma_wait3A, %dma_wait3A_60] : memref<10240x128xf32, #tpu.memory_space<hbm>> -> memref<80x128xf32, #tpu.memory_space<hbm>>
      %dma_wait3A_62 = arith.constant 0 : i32
      %dma_wait3A_63 = arith.constant 0 : i32
      %dma_wait3A_64 = tpu.memref_slice %arg3[%dma_wait3A_62, %dma_wait3A_63] : memref<10240x128xf32, #tpu.memory_space<hbm>> -> memref<80x128xf32, #tpu.memory_space<hbm>>
      tpu.wait_dma2 semaphore(%run_scoped3A : memref<!tpu.dma_semaphore, #tpu.memory_space<semaphore_mem>>) src(%dma_wait3A_64 : memref<80x128xf32, #tpu.memory_space<hbm>>) dst(%arg6 : memref<80x128xf32, #tpu.memory_space<vmem>>)
      tpu.yield
    }) : () -> ()
    %eq3A = arith.constant 0 : i32
    %eq3A_1 = arith.cmpi eq, %arg1, %eq3A : i32
    %convert_element_type3A = arith.extui %eq3A_1 : i1 to i32
    %cond3A = arith.constant 0 : i32
    %cond3A_2 = arith.cmpi ne, %convert_element_type3A, %cond3A : i32
    scf.if %cond3A_2 {
      "tpu.region"() ({
        %run_scoped3A = tpu.sem_alloc : memref<!tpu.dma_semaphore, #tpu.memory_space<semaphore_mem>>
        %dma_start3A = arith.constant 0 : i32
        %dma_start3A_55 = arith.constant 0 : i32
        %dma_start3A_56 = tpu.memref_slice %arg3[%dma_start3A, %dma_start3A_55] : memref<10240x128xf32, #tpu.memory_space<hbm>> -> memref<80x128xf32, #tpu.memory_space<hbm>>
        tpu.enqueue_dma source(%dma_start3A_56 : memref<80x128xf32, #tpu.memory_space<hbm>>) target(%arg9 : memref<80x128xf32, #tpu.memory_space<vmem_shared>>) target_semaphore(%run_scoped3A : memref<!tpu.dma_semaphore, #tpu.memory_space<semaphore_mem>>)
        %dma_wait3A = arith.constant 0 : i32
        %dma_wait3A_57 = arith.constant 0 : i32
        %dma_wait3A_58 = tpu.memref_slice %arg3[%dma_wait3A, %dma_wait3A_57] : memref<10240x128xf32, #tpu.memory_space<hbm>> -> memref<80x128xf32, #tpu.memory_space<hbm>>
        tpu.wait_dma2 semaphore(%run_scoped3A : memref<!tpu.dma_semaphore, #tpu.memory_space<semaphore_mem>>) src(%dma_wait3A_58 : memref<80x128xf32, #tpu.memory_space<hbm>>) dst(%arg9 : memref<80x128xf32, #tpu.memory_space<vmem_shared>>)
        tpu.yield
      }) : () -> ()
    } else {
    }
    %lt3A = arith.constant 31 : i32
    %lt3A_3 = arith.cmpi slt, %add3A, %lt3A : i32
    %convert_element_type3A_4 = arith.extui %lt3A_3 : i1 to i32
    %cond3A_5 = arith.constant 0 : i32
    %cond3A_6 = arith.cmpi ne, %convert_element_type3A_4, %cond3A_5 : i32
    scf.if %cond3A_6 {
      %mul3A_55 = arith.constant 80 : i32
      %mul3A_56 = arith.muli %add3A, %mul3A_55 : i32
      %run_scoped3A = arith.constant 1 : i32
      "tpu.region"() ({
        %run_scoped3A_57 = tpu.sem_alloc : memref<!tpu.dma_semaphore, #tpu.memory_space<semaphore_mem>>
        %dma_start3A = arith.constant 0 : i32
        %dma_start3A_58 = tpu.memref_slice %arg2[%run_scoped3A, %mul3A_56, %dma_start3A] : memref<2x2500x128xi32, #tpu.memory_space<hbm>> -> memref<1x80x128xi32, #tpu.memory_space<hbm>>
        %dma_start3A_59 = tpu.memref_squeeze %dma_start3A_58 : memref<1x80x128xi32, #tpu.memory_space<hbm>> -> memref<80x128xi32, #tpu.memory_space<hbm>>
        %dma_start3A_60 = arith.constant 0 : i32
        %dma_start3A_61 = tpu.memref_slice %arg2[%run_scoped3A, %mul3A_56, %dma_start3A_60] : memref<2x2500x128xi32, #tpu.memory_space<hbm>> -> memref<1x80x128xi32, #tpu.memory_space<hbm>>
        %dma_start3A_62 = tpu.memref_squeeze %dma_start3A_61 : memref<1x80x128xi32, #tpu.memory_space<hbm>> -> memref<80x128xi32, #tpu.memory_space<hbm>>
        tpu.enqueue_dma source(%dma_start3A_62 : memref<80x128xi32, #tpu.memory_space<hbm>>) target(%arg5 : memref<80x128xi32, #tpu.memory_space<vmem>>) target_semaphore(%run_scoped3A_57 : memref<!tpu.dma_semaphore, #tpu.memory_space<semaphore_mem>>)
        %dma_wait3A = arith.constant 0 : i32
        %dma_wait3A_63 = tpu.memref_slice %arg2[%run_scoped3A, %mul3A_56, %dma_wait3A] : memref<2x2500x128xi32, #tpu.memory_space<hbm>> -> memref<1x80x128xi32, #tpu.memory_space<hbm>>
        %dma_wait3A_64 = tpu.memref_squeeze %dma_wait3A_63 : memref<1x80x128xi32, #tpu.memory_space<hbm>> -> memref<80x128xi32, #tpu.memory_space<hbm>>
        %dma_wait3A_65 = arith.constant 0 : i32
        %dma_wait3A_66 = tpu.memref_slice %arg2[%run_scoped3A, %mul3A_56, %dma_wait3A_65] : memref<2x2500x128xi32, #tpu.memory_space<hbm>> -> memref<1x80x128xi32, #tpu.memory_space<hbm>>
        %dma_wait3A_67 = tpu.memref_squeeze %dma_wait3A_66 : memref<1x80x128xi32, #tpu.memory_space<hbm>> -> memref<80x128xi32, #tpu.memory_space<hbm>>
        tpu.wait_dma2 semaphore(%run_scoped3A_57 : memref<!tpu.dma_semaphore, #tpu.memory_space<semaphore_mem>>) src(%dma_wait3A_67 : memref<80x128xi32, #tpu.memory_space<hbm>>) dst(%arg5 : memref<80x128xi32, #tpu.memory_space<vmem>>)
        tpu.yield
      }) : () -> ()
    } else {
    }
    %eq3A_7 = arith.constant 31 : i32
    %eq3A_8 = arith.cmpi eq, %add3A, %eq3A_7 : i32
    %convert_element_type3A_9 = arith.extui %eq3A_8 : i1 to i32
    %cond3A_10 = arith.constant 0 : i32
    %cond3A_11 = arith.cmpi ne, %convert_element_type3A_9, %cond3A_10 : i32
    scf.if %cond3A_11 {
      %run_scoped3A = arith.constant 1 : i32
      "tpu.region"() ({
        %run_scoped3A_55 = tpu.sem_alloc : memref<!tpu.dma_semaphore, #tpu.memory_space<semaphore_mem>>
        %dma_start3A = arith.constant 0 : i32
        %dma_start3A_56 = arith.constant 0 : i32
        %dma_start3A_57 = tpu.memref_slice %arg5[%dma_start3A, %dma_start3A_56] : memref<80x128xi32, #tpu.memory_space<vmem>> -> memref<20x128xi32, #tpu.memory_space<vmem>>
        %dma_start3A_58 = arith.constant 2480 : i32
        %dma_start3A_59 = arith.constant 0 : i32
        %dma_start3A_60 = tpu.memref_slice %arg2[%run_scoped3A, %dma_start3A_58, %dma_start3A_59] : memref<2x2500x128xi32, #tpu.memory_space<hbm>> -> memref<1x20x128xi32, #tpu.memory_space<hbm>>
        %dma_start3A_61 = tpu.memref_squeeze %dma_start3A_60 : memref<1x20x128xi32, #tpu.memory_space<hbm>> -> memref<20x128xi32, #tpu.memory_space<hbm>>
        %dma_start3A_62 = arith.constant 0 : i32
        %dma_start3A_63 = arith.constant 0 : i32
        %dma_start3A_64 = tpu.memref_slice %arg5[%dma_start3A_62, %dma_start3A_63] : memref<80x128xi32, #tpu.memory_space<vmem>> -> memref<20x128xi32, #tpu.memory_space<vmem>>
        %dma_start3A_65 = arith.constant 2480 : i32
        %dma_start3A_66 = arith.constant 0 : i32
        %dma_start3A_67 = tpu.memref_slice %arg2[%run_scoped3A, %dma_start3A_65, %dma_start3A_66] : memref<2x2500x128xi32, #tpu.memory_space<hbm>> -> memref<1x20x128xi32, #tpu.memory_space<hbm>>
        %dma_start3A_68 = tpu.memref_squeeze %dma_start3A_67 : memref<1x20x128xi32, #tpu.memory_space<hbm>> -> memref<20x128xi32, #tpu.memory_space<hbm>>
        tpu.enqueue_dma source(%dma_start3A_68 : memref<20x128xi32, #tpu.memory_space<hbm>>) target(%dma_start3A_64 : memref<20x128xi32, #tpu.memory_space<vmem>>) target_semaphore(%run_scoped3A_55 : memref<!tpu.dma_semaphore, #tpu.memory_space<semaphore_mem>>)
        %dma_wait3A = arith.constant 0 : i32
        %dma_wait3A_69 = arith.constant 0 : i32
        %dma_wait3A_70 = tpu.memref_slice %arg5[%dma_wait3A, %dma_wait3A_69] : memref<80x128xi32, #tpu.memory_space<vmem>> -> memref<20x128xi32, #tpu.memory_space<vmem>>
        %dma_wait3A_71 = arith.constant 2480 : i32
        %dma_wait3A_72 = arith.constant 0 : i32
        %dma_wait3A_73 = tpu.memref_slice %arg2[%run_scoped3A, %dma_wait3A_71, %dma_wait3A_72] : memref<2x2500x128xi32, #tpu.memory_space<hbm>> -> memref<1x20x128xi32, #tpu.memory_space<hbm>>
        %dma_wait3A_74 = tpu.memref_squeeze %dma_wait3A_73 : memref<1x20x128xi32, #tpu.memory_space<hbm>> -> memref<20x128xi32, #tpu.memory_space<hbm>>
        %dma_wait3A_75 = arith.constant 0 : i32
        %dma_wait3A_76 = arith.constant 0 : i32
        %dma_wait3A_77 = tpu.memref_slice %arg5[%dma_wait3A_75, %dma_wait3A_76] : memref<80x128xi32, #tpu.memory_space<vmem>> -> memref<20x128xi32, #tpu.memory_space<vmem>>
        %dma_wait3A_78 = arith.constant 2480 : i32
        %dma_wait3A_79 = arith.constant 0 : i32
        %dma_wait3A_80 = tpu.memref_slice %arg2[%run_scoped3A, %dma_wait3A_78, %dma_wait3A_79] : memref<2x2500x128xi32, #tpu.memory_space<hbm>> -> memref<1x20x128xi32, #tpu.memory_space<hbm>>
        %dma_wait3A_81 = tpu.memref_squeeze %dma_wait3A_80 : memref<1x20x128xi32, #tpu.memory_space<hbm>> -> memref<20x128xi32, #tpu.memory_space<hbm>>
        tpu.wait_dma2 semaphore(%run_scoped3A_55 : memref<!tpu.dma_semaphore, #tpu.memory_space<semaphore_mem>>) src(%dma_wait3A_81 : memref<20x128xi32, #tpu.memory_space<hbm>>) dst(%dma_wait3A_77 : memref<20x128xi32, #tpu.memory_space<vmem>>)
        tpu.yield
      }) : () -> ()
    } else {
    }
    %lt3A_12 = arith.constant 31 : i32
    %lt3A_13 = arith.cmpi slt, %add3A, %lt3A_12 : i32
    %jit3A = arith.constant 80 : i32
    %jit3A_14 = arith.constant 20 : i32
    %select_n3A = arith.select %lt3A_13, %jit3A, %jit3A_14 : i32
    %iota3A = tpu.iota {dimensions = array<i32: 0>} : vector<16xi32>
    %add3A_15 = arith.constant 0 : i32
    %add3A_16 = vector.broadcast %add3A_15 : i32 to vector<16xi32>
    %add3A_17 = arith.addi %iota3A, %add3A_16 : vector<16xi32>
    %swap3A = arith.constant 0 : index
    %swap3A_18 = tpu.vector_load %arg8[%swap3A] {strides = array<i32>} : memref<80xi32, #tpu.memory_space<vmem>>, vector<16xi32>,
    tpu.vector_store %arg8[%swap3A], %add3A_17 {strides = array<i32>} : memref<80xi32, #tpu.memory_space<vmem>>, vector<16xi32>,
    %add3A_19 = arith.constant 16 : i32
    %add3A_20 = vector.broadcast %add3A_19 : i32 to vector<16xi32>
    %add3A_21 = arith.addi %iota3A, %add3A_20 : vector<16xi32>
    %swap3A_22 = arith.constant 16 : index
    %swap3A_23 = tpu.vector_load %arg8[%swap3A_22] {strides = array<i32>} : memref<80xi32, #tpu.memory_space<vmem>>, vector<16xi32>,
    tpu.vector_store %arg8[%swap3A_22], %add3A_21 {strides = array<i32>} : memref<80xi32, #tpu.memory_space<vmem>>, vector<16xi32>,
    %add3A_24 = arith.constant 32 : i32
    %add3A_25 = vector.broadcast %add3A_24 : i32 to vector<16xi32>
    %add3A_26 = arith.addi %iota3A, %add3A_25 : vector<16xi32>
    %swap3A_27 = arith.constant 32 : index
    %swap3A_28 = tpu.vector_load %arg8[%swap3A_27] {strides = array<i32>} : memref<80xi32, #tpu.memory_space<vmem>>, vector<16xi32>,
    tpu.vector_store %arg8[%swap3A_27], %add3A_26 {strides = array<i32>} : memref<80xi32, #tpu.memory_space<vmem>>, vector<16xi32>,
    %add3A_29 = arith.constant 48 : i32
    %add3A_30 = vector.broadcast %add3A_29 : i32 to vector<16xi32>
    %add3A_31 = arith.addi %iota3A, %add3A_30 : vector<16xi32>
    %swap3A_32 = arith.constant 48 : index
    %swap3A_33 = tpu.vector_load %arg8[%swap3A_32] {strides = array<i32>} : memref<80xi32, #tpu.memory_space<vmem>>, vector<16xi32>,
    tpu.vector_store %arg8[%swap3A_32], %add3A_31 {strides = array<i32>} : memref<80xi32, #tpu.memory_space<vmem>>, vector<16xi32>,
    %add3A_34 = arith.constant 64 : i32
    %add3A_35 = vector.broadcast %add3A_34 : i32 to vector<16xi32>
    %add3A_36 = arith.addi %iota3A, %add3A_35 : vector<16xi32>
    %swap3A_37 = arith.constant 64 : index
    %swap3A_38 = tpu.vector_load %arg8[%swap3A_37] {strides = array<i32>} : memref<80xi32, #tpu.memory_space<vmem>>, vector<16xi32>,
    tpu.vector_store %arg8[%swap3A_37], %add3A_36 {strides = array<i32>} : memref<80xi32, #tpu.memory_space<vmem>>, vector<16xi32>,
    %broadcast_in_dim3A = arith.constant 1.000000e+00 : f32
    %broadcast_in_dim3A_39 = vector.broadcast %broadcast_in_dim3A : f32 to vector<16xf32>
    %while3A = arith.constant 0 : i32
    %while3A_40 = arith.constant 0 : i32
    %while3A_41 = arith.subi %select_n3A, %while3A_40 : i32
    %while3A_42 = arith.addi %while3A_40, %while3A_41 : i32
    %while3A_43 = arith.constant 1 : i32
    %while3A_44 = arith.divsi %while3A_41, %while3A_43 : i32
    %while3A_45 = arith.muli %while3A_44, %while3A_43 : i32
    %while3A_46 = arith.addi %while3A_40, %while3A_45 : i32
    %while3A_47 = arith.constant 1 : i32
    scf.for %while3A_55 = %while3A_40 to %while3A_46 step %while3A_47  : i32 {
      %get3A = arith.index_cast %while3A_55 : i32 to index
      %get3A_56 = arith.constant 0 : index
      %get3A_57 = tpu.vector_load %arg5[%get3A, %get3A_56] {strides = array<i32>} : memref<80x128xi32, #tpu.memory_space<vmem>>, vector<16xi32>,
      %shift_right_arithmetic3A = arith.constant 7 : i32
      %shift_right_arithmetic3A_58 = vector.broadcast %shift_right_arithmetic3A : i32 to vector<16xi32>
      %shift_right_arithmetic3A_59 = arith.shrsi %get3A_57, %shift_right_arithmetic3A_58 : vector<16xi32>
      %and3A = arith.constant 127 : i32
      %and3A_60 = vector.broadcast %and3A : i32 to vector<16xi32>
      %and3A_61 = arith.andi %get3A_57, %and3A_60 : vector<16xi32>
      tpu.vector_store_idx %arg6[%shift_right_arithmetic3A_59, %and3A_61], %broadcast_in_dim3A_39 {add = true} : memref<80x128xf32, #tpu.memory_space<vmem>>[vector<16xi32>, vector<16xi32>], vector<16xf32>,
      %get3A_62 = arith.index_cast %while3A_55 : i32 to index
      %get3A_63 = arith.constant 16 : index
      %get3A_64 = tpu.vector_load %arg5[%get3A_62, %get3A_63] {strides = array<i32>} : memref<80x128xi32, #tpu.memory_space<vmem>>, vector<16xi32>,
      %shift_right_arithmetic3A_65 = arith.constant 7 : i32
      %shift_right_arithmetic3A_66 = vector.broadcast %shift_right_arithmetic3A_65 : i32 to vector<16xi32>
      %shift_right_arithmetic3A_67 = arith.shrsi %get3A_64, %shift_right_arithmetic3A_66 : vector<16xi32>
      %and3A_68 = arith.constant 127 : i32
      %and3A_69 = vector.broadcast %and3A_68 : i32 to vector<16xi32>
      %and3A_70 = arith.andi %get3A_64, %and3A_69 : vector<16xi32>
      tpu.vector_store_idx %arg6[%shift_right_arithmetic3A_67, %and3A_70], %broadcast_in_dim3A_39 {add = true} : memref<80x128xf32, #tpu.memory_space<vmem>>[vector<16xi32>, vector<16xi32>], vector<16xf32>,
      %get3A_71 = arith.index_cast %while3A_55 : i32 to index
      %get3A_72 = arith.constant 32 : index
      %get3A_73 = tpu.vector_load %arg5[%get3A_71, %get3A_72] {strides = array<i32>} : memref<80x128xi32, #tpu.memory_space<vmem>>, vector<16xi32>,
      %shift_right_arithmetic3A_74 = arith.constant 7 : i32
      %shift_right_arithmetic3A_75 = vector.broadcast %shift_right_arithmetic3A_74 : i32 to vector<16xi32>
      %shift_right_arithmetic3A_76 = arith.shrsi %get3A_73, %shift_right_arithmetic3A_75 : vector<16xi32>
      %and3A_77 = arith.constant 127 : i32
      %and3A_78 = vector.broadcast %and3A_77 : i32 to vector<16xi32>
      %and3A_79 = arith.andi %get3A_73, %and3A_78 : vector<16xi32>
      tpu.vector_store_idx %arg6[%shift_right_arithmetic3A_76, %and3A_79], %broadcast_in_dim3A_39 {add = true} : memref<80x128xf32, #tpu.memory_space<vmem>>[vector<16xi32>, vector<16xi32>], vector<16xf32>,
      %get3A_80 = arith.index_cast %while3A_55 : i32 to index
      %get3A_81 = arith.constant 48 : index
      %get3A_82 = tpu.vector_load %arg5[%get3A_80, %get3A_81] {strides = array<i32>} : memref<80x128xi32, #tpu.memory_space<vmem>>, vector<16xi32>,
      %shift_right_arithmetic3A_83 = arith.constant 7 : i32
      %shift_right_arithmetic3A_84 = vector.broadcast %shift_right_arithmetic3A_83 : i32 to vector<16xi32>
      %shift_right_arithmetic3A_85 = arith.shrsi %get3A_82, %shift_right_arithmetic3A_84 : vector<16xi32>
      %and3A_86 = arith.constant 127 : i32
      %and3A_87 = vector.broadcast %and3A_86 : i32 to vector<16xi32>
      %and3A_88 = arith.andi %get3A_82, %and3A_87 : vector<16xi32>
      tpu.vector_store_idx %arg6[%shift_right_arithmetic3A_85, %and3A_88], %broadcast_in_dim3A_39 {add = true} : memref<80x128xf32, #tpu.memory_space<vmem>>[vector<16xi32>, vector<16xi32>], vector<16xf32>,
      %get3A_89 = arith.index_cast %while3A_55 : i32 to index
      %get3A_90 = arith.constant 64 : index
      %get3A_91 = tpu.vector_load %arg5[%get3A_89, %get3A_90] {strides = array<i32>} : memref<80x128xi32, #tpu.memory_space<vmem>>, vector<16xi32>,
      %shift_right_arithmetic3A_92 = arith.constant 7 : i32
      %shift_right_arithmetic3A_93 = vector.broadcast %shift_right_arithmetic3A_92 : i32 to vector<16xi32>
      %shift_right_arithmetic3A_94 = arith.shrsi %get3A_91, %shift_right_arithmetic3A_93 : vector<16xi32>
      %and3A_95 = arith.constant 127 : i32
      %and3A_96 = vector.broadcast %and3A_95 : i32 to vector<16xi32>
      %and3A_97 = arith.andi %get3A_91, %and3A_96 : vector<16xi32>
      tpu.vector_store_idx %arg6[%shift_right_arithmetic3A_94, %and3A_97], %broadcast_in_dim3A_39 {add = true} : memref<80x128xf32, #tpu.memory_space<vmem>>[vector<16xi32>, vector<16xi32>], vector<16xf32>,
      %get3A_98 = arith.index_cast %while3A_55 : i32 to index
      %get3A_99 = arith.constant 80 : index
      %get3A_100 = tpu.vector_load %arg5[%get3A_98, %get3A_99] {strides = array<i32>} : memref<80x128xi32, #tpu.memory_space<vmem>>, vector<16xi32>,
      %shift_right_arithmetic3A_101 = arith.constant 7 : i32
      %shift_right_arithmetic3A_102 = vector.broadcast %shift_right_arithmetic3A_101 : i32 to vector<16xi32>
      %shift_right_arithmetic3A_103 = arith.shrsi %get3A_100, %shift_right_arithmetic3A_102 : vector<16xi32>
      %and3A_104 = arith.constant 127 : i32
      %and3A_105 = vector.broadcast %and3A_104 : i32 to vector<16xi32>
      %and3A_106 = arith.andi %get3A_100, %and3A_105 : vector<16xi32>
      tpu.vector_store_idx %arg6[%shift_right_arithmetic3A_103, %and3A_106], %broadcast_in_dim3A_39 {add = true} : memref<80x128xf32, #tpu.memory_space<vmem>>[vector<16xi32>, vector<16xi32>], vector<16xf32>,
      %get3A_107 = arith.index_cast %while3A_55 : i32 to index
      %get3A_108 = arith.constant 96 : index
      %get3A_109 = tpu.vector_load %arg5[%get3A_107, %get3A_108] {strides = array<i32>} : memref<80x128xi32, #tpu.memory_space<vmem>>, vector<16xi32>,
      %shift_right_arithmetic3A_110 = arith.constant 7 : i32
      %shift_right_arithmetic3A_111 = vector.broadcast %shift_right_arithmetic3A_110 : i32 to vector<16xi32>
      %shift_right_arithmetic3A_112 = arith.shrsi %get3A_109, %shift_right_arithmetic3A_111 : vector<16xi32>
      %and3A_113 = arith.constant 127 : i32
      %and3A_114 = vector.broadcast %and3A_113 : i32 to vector<16xi32>
      %and3A_115 = arith.andi %get3A_109, %and3A_114 : vector<16xi32>
      tpu.vector_store_idx %arg6[%shift_right_arithmetic3A_112, %and3A_115], %broadcast_in_dim3A_39 {add = true} : memref<80x128xf32, #tpu.memory_space<vmem>>[vector<16xi32>, vector<16xi32>], vector<16xf32>,
      %get3A_116 = arith.index_cast %while3A_55 : i32 to index
      %get3A_117 = arith.constant 112 : index
      %get3A_118 = tpu.vector_load %arg5[%get3A_116, %get3A_117] {strides = array<i32>} : memref<80x128xi32, #tpu.memory_space<vmem>>, vector<16xi32>,
      %shift_right_arithmetic3A_119 = arith.constant 7 : i32
      %shift_right_arithmetic3A_120 = vector.broadcast %shift_right_arithmetic3A_119 : i32 to vector<16xi32>
      %shift_right_arithmetic3A_121 = arith.shrsi %get3A_118, %shift_right_arithmetic3A_120 : vector<16xi32>
      %and3A_122 = arith.constant 127 : i32
      %and3A_123 = vector.broadcast %and3A_122 : i32 to vector<16xi32>
      %and3A_124 = arith.andi %get3A_118, %and3A_123 : vector<16xi32>
      tpu.vector_store_idx %arg6[%shift_right_arithmetic3A_121, %and3A_124], %broadcast_in_dim3A_39 {add = true} : memref<80x128xf32, #tpu.memory_space<vmem>>[vector<16xi32>, vector<16xi32>], vector<16xf32>,
    }
    %while3A_48 = arith.constant 1 : i32
    scf.for %while3A_55 = %while3A_46 to %while3A_42 step %while3A_48  : i32 {
      %get3A = arith.index_cast %while3A_55 : i32 to index
      %get3A_56 = arith.constant 0 : index
      %get3A_57 = tpu.vector_load %arg5[%get3A, %get3A_56] {strides = array<i32>} : memref<80x128xi32, #tpu.memory_space<vmem>>, vector<16xi32>,
      %shift_right_arithmetic3A = arith.constant 7 : i32
      %shift_right_arithmetic3A_58 = vector.broadcast %shift_right_arithmetic3A : i32 to vector<16xi32>
      %shift_right_arithmetic3A_59 = arith.shrsi %get3A_57, %shift_right_arithmetic3A_58 : vector<16xi32>
      %and3A = arith.constant 127 : i32
      %and3A_60 = vector.broadcast %and3A : i32 to vector<16xi32>
      %and3A_61 = arith.andi %get3A_57, %and3A_60 : vector<16xi32>
      tpu.vector_store_idx %arg6[%shift_right_arithmetic3A_59, %and3A_61], %broadcast_in_dim3A_39 {add = true} : memref<80x128xf32, #tpu.memory_space<vmem>>[vector<16xi32>, vector<16xi32>], vector<16xf32>,
      %get3A_62 = arith.index_cast %while3A_55 : i32 to index
      %get3A_63 = arith.constant 16 : index
      %get3A_64 = tpu.vector_load %arg5[%get3A_62, %get3A_63] {strides = array<i32>} : memref<80x128xi32, #tpu.memory_space<vmem>>, vector<16xi32>,
      %shift_right_arithmetic3A_65 = arith.constant 7 : i32
      %shift_right_arithmetic3A_66 = vector.broadcast %shift_right_arithmetic3A_65 : i32 to vector<16xi32>
      %shift_right_arithmetic3A_67 = arith.shrsi %get3A_64, %shift_right_arithmetic3A_66 : vector<16xi32>
      %and3A_68 = arith.constant 127 : i32
      %and3A_69 = vector.broadcast %and3A_68 : i32 to vector<16xi32>
      %and3A_70 = arith.andi %get3A_64, %and3A_69 : vector<16xi32>
      tpu.vector_store_idx %arg6[%shift_right_arithmetic3A_67, %and3A_70], %broadcast_in_dim3A_39 {add = true} : memref<80x128xf32, #tpu.memory_space<vmem>>[vector<16xi32>, vector<16xi32>], vector<16xf32>,
      %get3A_71 = arith.index_cast %while3A_55 : i32 to index
      %get3A_72 = arith.constant 32 : index
      %get3A_73 = tpu.vector_load %arg5[%get3A_71, %get3A_72] {strides = array<i32>} : memref<80x128xi32, #tpu.memory_space<vmem>>, vector<16xi32>,
      %shift_right_arithmetic3A_74 = arith.constant 7 : i32
      %shift_right_arithmetic3A_75 = vector.broadcast %shift_right_arithmetic3A_74 : i32 to vector<16xi32>
      %shift_right_arithmetic3A_76 = arith.shrsi %get3A_73, %shift_right_arithmetic3A_75 : vector<16xi32>
      %and3A_77 = arith.constant 127 : i32
      %and3A_78 = vector.broadcast %and3A_77 : i32 to vector<16xi32>
      %and3A_79 = arith.andi %get3A_73, %and3A_78 : vector<16xi32>
      tpu.vector_store_idx %arg6[%shift_right_arithmetic3A_76, %and3A_79], %broadcast_in_dim3A_39 {add = true} : memref<80x128xf32, #tpu.memory_space<vmem>>[vector<16xi32>, vector<16xi32>], vector<16xf32>,
      %get3A_80 = arith.index_cast %while3A_55 : i32 to index
      %get3A_81 = arith.constant 48 : index
      %get3A_82 = tpu.vector_load %arg5[%get3A_80, %get3A_81] {strides = array<i32>} : memref<80x128xi32, #tpu.memory_space<vmem>>, vector<16xi32>,
      %shift_right_arithmetic3A_83 = arith.constant 7 : i32
      %shift_right_arithmetic3A_84 = vector.broadcast %shift_right_arithmetic3A_83 : i32 to vector<16xi32>
      %shift_right_arithmetic3A_85 = arith.shrsi %get3A_82, %shift_right_arithmetic3A_84 : vector<16xi32>
      %and3A_86 = arith.constant 127 : i32
      %and3A_87 = vector.broadcast %and3A_86 : i32 to vector<16xi32>
      %and3A_88 = arith.andi %get3A_82, %and3A_87 : vector<16xi32>
      tpu.vector_store_idx %arg6[%shift_right_arithmetic3A_85, %and3A_88], %broadcast_in_dim3A_39 {add = true} : memref<80x128xf32, #tpu.memory_space<vmem>>[vector<16xi32>, vector<16xi32>], vector<16xf32>,
      %get3A_89 = arith.index_cast %while3A_55 : i32 to index
      %get3A_90 = arith.constant 64 : index
      %get3A_91 = tpu.vector_load %arg5[%get3A_89, %get3A_90] {strides = array<i32>} : memref<80x128xi32, #tpu.memory_space<vmem>>, vector<16xi32>,
      %shift_right_arithmetic3A_92 = arith.constant 7 : i32
      %shift_right_arithmetic3A_93 = vector.broadcast %shift_right_arithmetic3A_92 : i32 to vector<16xi32>
      %shift_right_arithmetic3A_94 = arith.shrsi %get3A_91, %shift_right_arithmetic3A_93 : vector<16xi32>
      %and3A_95 = arith.constant 127 : i32
      %and3A_96 = vector.broadcast %and3A_95 : i32 to vector<16xi32>
      %and3A_97 = arith.andi %get3A_91, %and3A_96 : vector<16xi32>
      tpu.vector_store_idx %arg6[%shift_right_arithmetic3A_94, %and3A_97], %broadcast_in_dim3A_39 {add = true} : memref<80x128xf32, #tpu.memory_space<vmem>>[vector<16xi32>, vector<16xi32>], vector<16xf32>,
      %get3A_98 = arith.index_cast %while3A_55 : i32 to index
      %get3A_99 = arith.constant 80 : index
      %get3A_100 = tpu.vector_load %arg5[%get3A_98, %get3A_99] {strides = array<i32>} : memref<80x128xi32, #tpu.memory_space<vmem>>, vector<16xi32>,
      %shift_right_arithmetic3A_101 = arith.constant 7 : i32
      %shift_right_arithmetic3A_102 = vector.broadcast %shift_right_arithmetic3A_101 : i32 to vector<16xi32>
      %shift_right_arithmetic3A_103 = arith.shrsi %get3A_100, %shift_right_arithmetic3A_102 : vector<16xi32>
      %and3A_104 = arith.constant 127 : i32
      %and3A_105 = vector.broadcast %and3A_104 : i32 to vector<16xi32>
      %and3A_106 = arith.andi %get3A_100, %and3A_105 : vector<16xi32>
      tpu.vector_store_idx %arg6[%shift_right_arithmetic3A_103, %and3A_106], %broadcast_in_dim3A_39 {add = true} : memref<80x128xf32, #tpu.memory_space<vmem>>[vector<16xi32>, vector<16xi32>], vector<16xf32>,
      %get3A_107 = arith.index_cast %while3A_55 : i32 to index
      %get3A_108 = arith.constant 96 : index
      %get3A_109 = tpu.vector_load %arg5[%get3A_107, %get3A_108] {strides = array<i32>} : memref<80x128xi32, #tpu.memory_space<vmem>>, vector<16xi32>,
      %shift_right_arithmetic3A_110 = arith.constant 7 : i32
      %shift_right_arithmetic3A_111 = vector.broadcast %shift_right_arithmetic3A_110 : i32 to vector<16xi32>
      %shift_right_arithmetic3A_112 = arith.shrsi %get3A_109, %shift_right_arithmetic3A_111 : vector<16xi32>
      %and3A_113 = arith.constant 127 : i32
      %and3A_114 = vector.broadcast %and3A_113 : i32 to vector<16xi32>
      %and3A_115 = arith.andi %get3A_109, %and3A_114 : vector<16xi32>
      tpu.vector_store_idx %arg6[%shift_right_arithmetic3A_112, %and3A_115], %broadcast_in_dim3A_39 {add = true} : memref<80x128xf32, #tpu.memory_space<vmem>>[vector<16xi32>, vector<16xi32>], vector<16xf32>,
      %get3A_116 = arith.index_cast %while3A_55 : i32 to index
      %get3A_117 = arith.constant 112 : index
      %get3A_118 = tpu.vector_load %arg5[%get3A_116, %get3A_117] {strides = array<i32>} : memref<80x128xi32, #tpu.memory_space<vmem>>, vector<16xi32>,
      %shift_right_arithmetic3A_119 = arith.constant 7 : i32
      %shift_right_arithmetic3A_120 = vector.broadcast %shift_right_arithmetic3A_119 : i32 to vector<16xi32>
      %shift_right_arithmetic3A_121 = arith.shrsi %get3A_118, %shift_right_arithmetic3A_120 : vector<16xi32>
      %and3A_122 = arith.constant 127 : i32
      %and3A_123 = vector.broadcast %and3A_122 : i32 to vector<16xi32>
      %and3A_124 = arith.andi %get3A_118, %and3A_123 : vector<16xi32>
      tpu.vector_store_idx %arg6[%shift_right_arithmetic3A_121, %and3A_124], %broadcast_in_dim3A_39 {add = true} : memref<80x128xf32, #tpu.memory_space<vmem>>[vector<16xi32>, vector<16xi32>], vector<16xf32>,
    }
    %barrier3A = arith.constant 0 : index
    tpu.barrier barrier_id(%barrier3A)
    "tpu.region"() ({
      %run_scoped3A = tpu.sem_alloc : memref<!tpu.dma_semaphore, #tpu.memory_space<semaphore_mem>>
      %dma_start3A = arith.constant 0 : i32
      %dma_start3A_55 = arith.constant 0 : i32
      %dma_start3A_56 = tpu.memref_slice %arg9[%dma_start3A, %dma_start3A_55] : memref<80x128xf32, #tpu.memory_space<vmem_shared>> -> memref<80x128xf32, #tpu.memory_space<vmem_shared>>
      tpu.enqueue_indirect_dma source(%arg6 : memref<80x128xf32, #tpu.memory_space<vmem>>) target(%dma_start3A_56 : memref<80x128xf32, #tpu.memory_space<vmem_shared>>) offsets(%arg8 : memref<80xi32, #tpu.memory_space<vmem>>) semaphore(%run_scoped3A : memref<!tpu.dma_semaphore, #tpu.memory_space<semaphore_mem>>) {add = true}
      %dma_wait3A = arith.constant 0 : i32
      %dma_wait3A_57 = arith.constant 0 : i32
      %dma_wait3A_58 = tpu.memref_slice %arg9[%dma_wait3A, %dma_wait3A_57] : memref<80x128xf32, #tpu.memory_space<vmem_shared>> -> memref<80x128xf32, #tpu.memory_space<vmem_shared>>
      tpu.wait_indirect_dma semaphore(%run_scoped3A : memref<!tpu.dma_semaphore, #tpu.memory_space<semaphore_mem>>) src(%arg6 : memref<80x128xf32, #tpu.memory_space<vmem>>) dst(%dma_wait3A_58 : memref<80x128xf32, #tpu.memory_space<vmem_shared>>)
      tpu.yield
    }) : () -> ()
    %barrier3A_49 = arith.constant 0 : index
    tpu.barrier barrier_id(%barrier3A_49)
    %lt3A_50 = arith.constant 10 : i32
    %lt3A_51 = arith.cmpi slt, %arg1, %lt3A_50 : i32
    %convert_element_type3A_52 = arith.extui %lt3A_51 : i1 to i32
    %cond3A_53 = arith.constant 0 : i32
    %cond3A_54 = arith.cmpi ne, %convert_element_type3A_52, %cond3A_53 : i32
    scf.if %cond3A_54 {
      %mul3A_55 = arith.constant 8 : i32
      %mul3A_56 = arith.muli %arg1, %mul3A_55 : i32
      "tpu.region"() ({
        %run_scoped3A = tpu.sem_alloc : memref<!tpu.dma_semaphore, #tpu.memory_space<semaphore_mem>>
        %dma_start3A = arith.constant 0 : i32
        %dma_start3A_538 = arith.constant 0 : i32
        %dma_start3A_539 = tpu.memref_slice %arg6[%dma_start3A, %dma_start3A_538] : memref<80x128xf32, #tpu.memory_space<vmem>> -> memref<8x128xf32, #tpu.memory_space<vmem>>
        %dma_start3A_540 = arith.constant 0 : i32
        %dma_start3A_541 = tpu.memref_slice %arg9[%mul3A_56, %dma_start3A_540] : memref<80x128xf32, #tpu.memory_space<vmem_shared>> -> memref<8x128xf32, #tpu.memory_space<vmem_shared>>
        %dma_start3A_542 = arith.constant 0 : i32
        %dma_start3A_543 = arith.constant 0 : i32
        %dma_start3A_544 = tpu.memref_slice %arg6[%dma_start3A_542, %dma_start3A_543] : memref<80x128xf32, #tpu.memory_space<vmem>> -> memref<8x128xf32, #tpu.memory_space<vmem>>
        %dma_start3A_545 = arith.constant 0 : i32
        %dma_start3A_546 = tpu.memref_slice %arg9[%mul3A_56, %dma_start3A_545] : memref<80x128xf32, #tpu.memory_space<vmem_shared>> -> memref<8x128xf32, #tpu.memory_space<vmem_shared>>
        tpu.enqueue_dma source(%dma_start3A_546 : memref<8x128xf32, #tpu.memory_space<vmem_shared>>) target(%dma_start3A_544 : memref<8x128xf32, #tpu.memory_space<vmem>>) target_semaphore(%run_scoped3A : memref<!tpu.dma_semaphore, #tpu.memory_space<semaphore_mem>>)
        %dma_wait3A = arith.constant 0 : i32
        %dma_wait3A_547 = arith.constant 0 : i32
        %dma_wait3A_548 = tpu.memref_slice %arg6[%dma_wait3A, %dma_wait3A_547] : memref<80x128xf32, #tpu.memory_space<vmem>> -> memref<8x128xf32, #tpu.memory_space<vmem>>
        %dma_wait3A_549 = arith.constant 0 : i32
        %dma_wait3A_550 = tpu.memref_slice %arg9[%mul3A_56, %dma_wait3A_549] : memref<80x128xf32, #tpu.memory_space<vmem_shared>> -> memref<8x128xf32, #tpu.memory_space<vmem_shared>>
        %dma_wait3A_551 = arith.constant 0 : i32
        %dma_wait3A_552 = arith.constant 0 : i32
        %dma_wait3A_553 = tpu.memref_slice %arg6[%dma_wait3A_551, %dma_wait3A_552] : memref<80x128xf32, #tpu.memory_space<vmem>> -> memref<8x128xf32, #tpu.memory_space<vmem>>
        %dma_wait3A_554 = arith.constant 0 : i32
        %dma_wait3A_555 = tpu.memref_slice %arg9[%mul3A_56, %dma_wait3A_554] : memref<80x128xf32, #tpu.memory_space<vmem_shared>> -> memref<8x128xf32, #tpu.memory_space<vmem_shared>>
        tpu.wait_dma2 semaphore(%run_scoped3A : memref<!tpu.dma_semaphore, #tpu.memory_space<semaphore_mem>>) src(%dma_wait3A_555 : memref<8x128xf32, #tpu.memory_space<vmem_shared>>) dst(%dma_wait3A_553 : memref<8x128xf32, #tpu.memory_space<vmem>>)
        tpu.yield
      }) : () -> ()
      %broadcast_in_dim3A_57 = arith.constant 0 : i32
      %broadcast_in_dim3A_58 = vector.broadcast %broadcast_in_dim3A_57 : i32 to vector<16xi32>
      %get3A = arith.constant 0 : i32
      %get3A_59 = arith.index_cast %get3A : i32 to index
      %get3A_60 = arith.constant 0 : index
      %get3A_61 = tpu.vector_load %arg6[%get3A_59, %get3A_60] {strides = array<i32>} : memref<80x128xf32, #tpu.memory_space<vmem>>, vector<16xf32>,
      %add3A_62 = arith.constant 0 : i32
      %add3A_63 = vector.broadcast %add3A_62 : i32 to vector<16xi32>
      %add3A_64 = arith.addi %iota3A, %add3A_63 : vector<16xi32>
      tpu.vector_store_idx %arg7[%add3A_64, %broadcast_in_dim3A_58], %get3A_61 : memref<128x8xf32, #tpu.memory_space<vmem>>[vector<16xi32>, vector<16xi32>], vector<16xf32>,
      %get3A_65 = arith.constant 0 : i32
      %get3A_66 = arith.index_cast %get3A_65 : i32 to index
      %get3A_67 = arith.constant 16 : index
      %get3A_68 = tpu.vector_load %arg6[%get3A_66, %get3A_67] {strides = array<i32>} : memref<80x128xf32, #tpu.memory_space<vmem>>, vector<16xf32>,
      %add3A_69 = arith.constant 16 : i32
      %add3A_70 = vector.broadcast %add3A_69 : i32 to vector<16xi32>
      %add3A_71 = arith.addi %iota3A, %add3A_70 : vector<16xi32>
      tpu.vector_store_idx %arg7[%add3A_71, %broadcast_in_dim3A_58], %get3A_68 : memref<128x8xf32, #tpu.memory_space<vmem>>[vector<16xi32>, vector<16xi32>], vector<16xf32>,
      %get3A_72 = arith.constant 0 : i32
      %get3A_73 = arith.index_cast %get3A_72 : i32 to index
      %get3A_74 = arith.constant 32 : index
      %get3A_75 = tpu.vector_load %arg6[%get3A_73, %get3A_74] {strides = array<i32>} : memref<80x128xf32, #tpu.memory_space<vmem>>, vector<16xf32>,
      %add3A_76 = arith.constant 32 : i32
      %add3A_77 = vector.broadcast %add3A_76 : i32 to vector<16xi32>
      %add3A_78 = arith.addi %iota3A, %add3A_77 : vector<16xi32>
      tpu.vector_store_idx %arg7[%add3A_78, %broadcast_in_dim3A_58], %get3A_75 : memref<128x8xf32, #tpu.memory_space<vmem>>[vector<16xi32>, vector<16xi32>], vector<16xf32>,
      %get3A_79 = arith.constant 0 : i32
      %get3A_80 = arith.index_cast %get3A_79 : i32 to index
      %get3A_81 = arith.constant 48 : index
      %get3A_82 = tpu.vector_load %arg6[%get3A_80, %get3A_81] {strides = array<i32>} : memref<80x128xf32, #tpu.memory_space<vmem>>, vector<16xf32>,
      %add3A_83 = arith.constant 48 : i32
      %add3A_84 = vector.broadcast %add3A_83 : i32 to vector<16xi32>
      %add3A_85 = arith.addi %iota3A, %add3A_84 : vector<16xi32>
      tpu.vector_store_idx %arg7[%add3A_85, %broadcast_in_dim3A_58], %get3A_82 : memref<128x8xf32, #tpu.memory_space<vmem>>[vector<16xi32>, vector<16xi32>], vector<16xf32>,
      %get3A_86 = arith.constant 0 : i32
      %get3A_87 = arith.index_cast %get3A_86 : i32 to index
      %get3A_88 = arith.constant 64 : index
      %get3A_89 = tpu.vector_load %arg6[%get3A_87, %get3A_88] {strides = array<i32>} : memref<80x128xf32, #tpu.memory_space<vmem>>, vector<16xf32>,
      %add3A_90 = arith.constant 64 : i32
      %add3A_91 = vector.broadcast %add3A_90 : i32 to vector<16xi32>
      %add3A_92 = arith.addi %iota3A, %add3A_91 : vector<16xi32>
      tpu.vector_store_idx %arg7[%add3A_92, %broadcast_in_dim3A_58], %get3A_89 : memref<128x8xf32, #tpu.memory_space<vmem>>[vector<16xi32>, vector<16xi32>], vector<16xf32>,
      %get3A_93 = arith.constant 0 : i32
      %get3A_94 = arith.index_cast %get3A_93 : i32 to index
      %get3A_95 = arith.constant 80 : index
      %get3A_96 = tpu.vector_load %arg6[%get3A_94, %get3A_95] {strides = array<i32>} : memref<80x128xf32, #tpu.memory_space<vmem>>, vector<16xf32>,
      %add3A_97 = arith.constant 80 : i32
      %add3A_98 = vector.broadcast %add3A_97 : i32 to vector<16xi32>
      %add3A_99 = arith.addi %iota3A, %add3A_98 : vector<16xi32>
      tpu.vector_store_idx %arg7[%add3A_99, %broadcast_in_dim3A_58], %get3A_96 : memref<128x8xf32, #tpu.memory_space<vmem>>[vector<16xi32>, vector<16xi32>], vector<16xf32>,
      %get3A_100 = arith.constant 0 : i32
      %get3A_101 = arith.index_cast %get3A_100 : i32 to index
      %get3A_102 = arith.constant 96 : index
      %get3A_103 = tpu.vector_load %arg6[%get3A_101, %get3A_102] {strides = array<i32>} : memref<80x128xf32, #tpu.memory_space<vmem>>, vector<16xf32>,
      %add3A_104 = arith.constant 96 : i32
      %add3A_105 = vector.broadcast %add3A_104 : i32 to vector<16xi32>
      %add3A_106 = arith.addi %iota3A, %add3A_105 : vector<16xi32>
      tpu.vector_store_idx %arg7[%add3A_106, %broadcast_in_dim3A_58], %get3A_103 : memref<128x8xf32, #tpu.memory_space<vmem>>[vector<16xi32>, vector<16xi32>], vector<16xf32>,
      %get3A_107 = arith.constant 0 : i32
      %get3A_108 = arith.index_cast %get3A_107 : i32 to index
      %get3A_109 = arith.constant 112 : index
      %get3A_110 = tpu.vector_load %arg6[%get3A_108, %get3A_109] {strides = array<i32>} : memref<80x128xf32, #tpu.memory_space<vmem>>, vector<16xf32>,
      %add3A_111 = arith.constant 112 : i32
      %add3A_112 = vector.broadcast %add3A_111 : i32 to vector<16xi32>
      %add3A_113 = arith.addi %iota3A, %add3A_112 : vector<16xi32>
      tpu.vector_store_idx %arg7[%add3A_113, %broadcast_in_dim3A_58], %get3A_110 : memref<128x8xf32, #tpu.memory_space<vmem>>[vector<16xi32>, vector<16xi32>], vector<16xf32>,
      %mul3A_114 = arith.constant 1024 : i32
      %mul3A_115 = arith.muli %arg1, %mul3A_114 : i32
      %add3A_116 = arith.constant 0 : i32
      %add3A_117 = arith.addi %mul3A_115, %add3A_116 : i32
      "tpu.region"() ({
        %run_scoped3A = tpu.sem_alloc : memref<!tpu.dma_semaphore, #tpu.memory_space<semaphore_mem>>
        %dma_start3A = arith.constant 0 : i32
        %dma_start3A_538 = tpu.memref_slice %arg4[%arg0, %add3A_117, %dma_start3A] : memref<2x10240x8xf32, #tpu.memory_space<hbm>> -> memref<1x128x8xf32, #tpu.memory_space<hbm>>
        %dma_start3A_539 = tpu.memref_squeeze %dma_start3A_538 : memref<1x128x8xf32, #tpu.memory_space<hbm>> -> memref<128x8xf32, #tpu.memory_space<hbm>>
        %dma_start3A_540 = arith.constant 0 : i32
        %dma_start3A_541 = tpu.memref_slice %arg4[%arg0, %add3A_117, %dma_start3A_540] : memref<2x10240x8xf32, #tpu.memory_space<hbm>> -> memref<1x128x8xf32, #tpu.memory_space<hbm>>
        %dma_start3A_542 = tpu.memref_squeeze %dma_start3A_541 : memref<1x128x8xf32, #tpu.memory_space<hbm>> -> memref<128x8xf32, #tpu.memory_space<hbm>>
        tpu.enqueue_dma source(%arg7 : memref<128x8xf32, #tpu.memory_space<vmem>>) target(%dma_start3A_542 : memref<128x8xf32, #tpu.memory_space<hbm>>) target_semaphore(%run_scoped3A : memref<!tpu.dma_semaphore, #tpu.memory_space<semaphore_mem>>)
        %dma_wait3A = arith.constant 0 : i32
        %dma_wait3A_543 = tpu.memref_slice %arg4[%arg0, %add3A_117, %dma_wait3A] : memref<2x10240x8xf32, #tpu.memory_space<hbm>> -> memref<1x128x8xf32, #tpu.memory_space<hbm>>
        %dma_wait3A_544 = tpu.memref_squeeze %dma_wait3A_543 : memref<1x128x8xf32, #tpu.memory_space<hbm>> -> memref<128x8xf32, #tpu.memory_space<hbm>>
        %dma_wait3A_545 = arith.constant 0 : i32
        %dma_wait3A_546 = tpu.memref_slice %arg4[%arg0, %add3A_117, %dma_wait3A_545] : memref<2x10240x8xf32, #tpu.memory_space<hbm>> -> memref<1x128x8xf32, #tpu.memory_space<hbm>>
        %dma_wait3A_547 = tpu.memref_squeeze %dma_wait3A_546 : memref<1x128x8xf32, #tpu.memory_space<hbm>> -> memref<128x8xf32, #tpu.memory_space<hbm>>
        tpu.wait_dma2 semaphore(%run_scoped3A : memref<!tpu.dma_semaphore, #tpu.memory_space<semaphore_mem>>) src(%arg7 : memref<128x8xf32, #tpu.memory_space<vmem>>) dst(%dma_wait3A_547 : memref<128x8xf32, #tpu.memory_space<hbm>>)
        tpu.yield
      }) : () -> ()
      %get3A_118 = arith.constant 1 : i32
      %get3A_119 = arith.index_cast %get3A_118 : i32 to index
      %get3A_120 = arith.constant 0 : index
      %get3A_121 = tpu.vector_load %arg6[%get3A_119, %get3A_120] {strides = array<i32>} : memref<80x128xf32, #tpu.memory_space<vmem>>, vector<16xf32>,
      %add3A_122 = arith.constant 0 : i32
      %add3A_123 = vector.broadcast %add3A_122 : i32 to vector<16xi32>
      %add3A_124 = arith.addi %iota3A, %add3A_123 : vector<16xi32>
      tpu.vector_store_idx %arg7[%add3A_124, %broadcast_in_dim3A_58], %get3A_121 : memref<128x8xf32, #tpu.memory_space<vmem>>[vector<16xi32>, vector<16xi32>], vector<16xf32>,
      %get3A_125 = arith.constant 1 : i32
      %get3A_126 = arith.index_cast %get3A_125 : i32 to index
      %get3A_127 = arith.constant 16 : index
      %get3A_128 = tpu.vector_load %arg6[%get3A_126, %get3A_127] {strides = array<i32>} : memref<80x128xf32, #tpu.memory_space<vmem>>, vector<16xf32>,
      %add3A_129 = arith.constant 16 : i32
      %add3A_130 = vector.broadcast %add3A_129 : i32 to vector<16xi32>
      %add3A_131 = arith.addi %iota3A, %add3A_130 : vector<16xi32>
      tpu.vector_store_idx %arg7[%add3A_131, %broadcast_in_dim3A_58], %get3A_128 : memref<128x8xf32, #tpu.memory_space<vmem>>[vector<16xi32>, vector<16xi32>], vector<16xf32>,
      %get3A_132 = arith.constant 1 : i32
      %get3A_133 = arith.index_cast %get3A_132 : i32 to index
      %get3A_134 = arith.constant 32 : index
      %get3A_135 = tpu.vector_load %arg6[%get3A_133, %get3A_134] {strides = array<i32>} : memref<80x128xf32, #tpu.memory_space<vmem>>, vector<16xf32>,
      %add3A_136 = arith.constant 32 : i32
      %add3A_137 = vector.broadcast %add3A_136 : i32 to vector<16xi32>
      %add3A_138 = arith.addi %iota3A, %add3A_137 : vector<16xi32>
      tpu.vector_store_idx %arg7[%add3A_138, %broadcast_in_dim3A_58], %get3A_135 : memref<128x8xf32, #tpu.memory_space<vmem>>[vector<16xi32>, vector<16xi32>], vector<16xf32>,
      %get3A_139 = arith.constant 1 : i32
      %get3A_140 = arith.index_cast %get3A_139 : i32 to index
      %get3A_141 = arith.constant 48 : index
      %get3A_142 = tpu.vector_load %arg6[%get3A_140, %get3A_141] {strides = array<i32>} : memref<80x128xf32, #tpu.memory_space<vmem>>, vector<16xf32>,
      %add3A_143 = arith.constant 48 : i32
      %add3A_144 = vector.broadcast %add3A_143 : i32 to vector<16xi32>
      %add3A_145 = arith.addi %iota3A, %add3A_144 : vector<16xi32>
      tpu.vector_store_idx %arg7[%add3A_145, %broadcast_in_dim3A_58], %get3A_142 : memref<128x8xf32, #tpu.memory_space<vmem>>[vector<16xi32>, vector<16xi32>], vector<16xf32>,
      %get3A_146 = arith.constant 1 : i32
      %get3A_147 = arith.index_cast %get3A_146 : i32 to index
      %get3A_148 = arith.constant 64 : index
      %get3A_149 = tpu.vector_load %arg6[%get3A_147, %get3A_148] {strides = array<i32>} : memref<80x128xf32, #tpu.memory_space<vmem>>, vector<16xf32>,
      %add3A_150 = arith.constant 64 : i32
      %add3A_151 = vector.broadcast %add3A_150 : i32 to vector<16xi32>
      %add3A_152 = arith.addi %iota3A, %add3A_151 : vector<16xi32>
      tpu.vector_store_idx %arg7[%add3A_152, %broadcast_in_dim3A_58], %get3A_149 : memref<128x8xf32, #tpu.memory_space<vmem>>[vector<16xi32>, vector<16xi32>], vector<16xf32>,
      %get3A_153 = arith.constant 1 : i32
      %get3A_154 = arith.index_cast %get3A_153 : i32 to index
      %get3A_155 = arith.constant 80 : index
      %get3A_156 = tpu.vector_load %arg6[%get3A_154, %get3A_155] {strides = array<i32>} : memref<80x128xf32, #tpu.memory_space<vmem>>, vector<16xf32>,
      %add3A_157 = arith.constant 80 : i32
      %add3A_158 = vector.broadcast %add3A_157 : i32 to vector<16xi32>
      %add3A_159 = arith.addi %iota3A, %add3A_158 : vector<16xi32>
      tpu.vector_store_idx %arg7[%add3A_159, %broadcast_in_dim3A_58], %get3A_156 : memref<128x8xf32, #tpu.memory_space<vmem>>[vector<16xi32>, vector<16xi32>], vector<16xf32>,
      %get3A_160 = arith.constant 1 : i32
      %get3A_161 = arith.index_cast %get3A_160 : i32 to index
      %get3A_162 = arith.constant 96 : index
      %get3A_163 = tpu.vector_load %arg6[%get3A_161, %get3A_162] {strides = array<i32>} : memref<80x128xf32, #tpu.memory_space<vmem>>, vector<16xf32>,
      %add3A_164 = arith.constant 96 : i32
      %add3A_165 = vector.broadcast %add3A_164 : i32 to vector<16xi32>
      %add3A_166 = arith.addi %iota3A, %add3A_165 : vector<16xi32>
      tpu.vector_store_idx %arg7[%add3A_166, %broadcast_in_dim3A_58], %get3A_163 : memref<128x8xf32, #tpu.memory_space<vmem>>[vector<16xi32>, vector<16xi32>], vector<16xf32>,
      %get3A_167 = arith.constant 1 : i32
      %get3A_168 = arith.index_cast %get3A_167 : i32 to index
      %get3A_169 = arith.constant 112 : index
      %get3A_170 = tpu.vector_load %arg6[%get3A_168, %get3A_169] {strides = array<i32>} : memref<80x128xf32, #tpu.memory_space<vmem>>, vector<16xf32>,
      %add3A_171 = arith.constant 112 : i32
      %add3A_172 = vector.broadcast %add3A_171 : i32 to vector<16xi32>
      %add3A_173 = arith.addi %iota3A, %add3A_172 : vector<16xi32>
      tpu.vector_store_idx %arg7[%add3A_173, %broadcast_in_dim3A_58], %get3A_170 : memref<128x8xf32, #tpu.memory_space<vmem>>[vector<16xi32>, vector<16xi32>], vector<16xf32>,
      %mul3A_174 = arith.constant 1024 : i32
      %mul3A_175 = arith.muli %arg1, %mul3A_174 : i32
      %add3A_176 = arith.constant 128 : i32
      %add3A_177 = arith.addi %mul3A_175, %add3A_176 : i32
      "tpu.region"() ({
        %run_scoped3A = tpu.sem_alloc : memref<!tpu.dma_semaphore, #tpu.memory_space<semaphore_mem>>
        %dma_start3A = arith.constant 0 : i32
        %dma_start3A_538 = tpu.memref_slice %arg4[%arg0, %add3A_177, %dma_start3A] : memref<2x10240x8xf32, #tpu.memory_space<hbm>> -> memref<1x128x8xf32, #tpu.memory_space<hbm>>
        %dma_start3A_539 = tpu.memref_squeeze %dma_start3A_538 : memref<1x128x8xf32, #tpu.memory_space<hbm>> -> memref<128x8xf32, #tpu.memory_space<hbm>>
        %dma_start3A_540 = arith.constant 0 : i32
        %dma_start3A_541 = tpu.memref_slice %arg4[%arg0, %add3A_177, %dma_start3A_540] : memref<2x10240x8xf32, #tpu.memory_space<hbm>> -> memref<1x128x8xf32, #tpu.memory_space<hbm>>
        %dma_start3A_542 = tpu.memref_squeeze %dma_start3A_541 : memref<1x128x8xf32, #tpu.memory_space<hbm>> -> memref<128x8xf32, #tpu.memory_space<hbm>>
        tpu.enqueue_dma source(%arg7 : memref<128x8xf32, #tpu.memory_space<vmem>>) target(%dma_start3A_542 : memref<128x8xf32, #tpu.memory_space<hbm>>) target_semaphore(%run_scoped3A : memref<!tpu.dma_semaphore, #tpu.memory_space<semaphore_mem>>)
        %dma_wait3A = arith.constant 0 : i32
        %dma_wait3A_543 = tpu.memref_slice %arg4[%arg0, %add3A_177, %dma_wait3A] : memref<2x10240x8xf32, #tpu.memory_space<hbm>> -> memref<1x128x8xf32, #tpu.memory_space<hbm>>
        %dma_wait3A_544 = tpu.memref_squeeze %dma_wait3A_543 : memref<1x128x8xf32, #tpu.memory_space<hbm>> -> memref<128x8xf32, #tpu.memory_space<hbm>>
        %dma_wait3A_545 = arith.constant 0 : i32
        %dma_wait3A_546 = tpu.memref_slice %arg4[%arg0, %add3A_177, %dma_wait3A_545] : memref<2x10240x8xf32, #tpu.memory_space<hbm>> -> memref<1x128x8xf32, #tpu.memory_space<hbm>>
        %dma_wait3A_547 = tpu.memref_squeeze %dma_wait3A_546 : memref<1x128x8xf32, #tpu.memory_space<hbm>> -> memref<128x8xf32, #tpu.memory_space<hbm>>
        tpu.wait_dma2 semaphore(%run_scoped3A : memref<!tpu.dma_semaphore, #tpu.memory_space<semaphore_mem>>) src(%arg7 : memref<128x8xf32, #tpu.memory_space<vmem>>) dst(%dma_wait3A_547 : memref<128x8xf32, #tpu.memory_space<hbm>>)
        tpu.yield
      }) : () -> ()
      %get3A_178 = arith.constant 2 : i32
      %get3A_179 = arith.index_cast %get3A_178 : i32 to index
      %get3A_180 = arith.constant 0 : index
      %get3A_181 = tpu.vector_load %arg6[%get3A_179, %get3A_180] {strides = array<i32>} : memref<80x128xf32, #tpu.memory_space<vmem>>, vector<16xf32>,
      %add3A_182 = arith.constant 0 : i32
      %add3A_183 = vector.broadcast %add3A_182 : i32 to vector<16xi32>
      %add3A_184 = arith.addi %iota3A, %add3A_183 : vector<16xi32>
      tpu.vector_store_idx %arg7[%add3A_184, %broadcast_in_dim3A_58], %get3A_181 : memref<128x8xf32, #tpu.memory_space<vmem>>[vector<16xi32>, vector<16xi32>], vector<16xf32>,
      %get3A_185 = arith.constant 2 : i32
      %get3A_186 = arith.index_cast %get3A_185 : i32 to index
      %get3A_187 = arith.constant 16 : index
      %get3A_188 = tpu.vector_load %arg6[%get3A_186, %get3A_187] {strides = array<i32>} : memref<80x128xf32, #tpu.memory_space<vmem>>, vector<16xf32>,
      %add3A_189 = arith.constant 16 : i32
      %add3A_190 = vector.broadcast %add3A_189 : i32 to vector<16xi32>
      %add3A_191 = arith.addi %iota3A, %add3A_190 : vector<16xi32>
      tpu.vector_store_idx %arg7[%add3A_191, %broadcast_in_dim3A_58], %get3A_188 : memref<128x8xf32, #tpu.memory_space<vmem>>[vector<16xi32>, vector<16xi32>], vector<16xf32>,
      %get3A_192 = arith.constant 2 : i32
      %get3A_193 = arith.index_cast %get3A_192 : i32 to index
      %get3A_194 = arith.constant 32 : index
      %get3A_195 = tpu.vector_load %arg6[%get3A_193, %get3A_194] {strides = array<i32>} : memref<80x128xf32, #tpu.memory_space<vmem>>, vector<16xf32>,
      %add3A_196 = arith.constant 32 : i32
      %add3A_197 = vector.broadcast %add3A_196 : i32 to vector<16xi32>
      %add3A_198 = arith.addi %iota3A, %add3A_197 : vector<16xi32>
      tpu.vector_store_idx %arg7[%add3A_198, %broadcast_in_dim3A_58], %get3A_195 : memref<128x8xf32, #tpu.memory_space<vmem>>[vector<16xi32>, vector<16xi32>], vector<16xf32>,
      %get3A_199 = arith.constant 2 : i32
      %get3A_200 = arith.index_cast %get3A_199 : i32 to index
      %get3A_201 = arith.constant 48 : index
      %get3A_202 = tpu.vector_load %arg6[%get3A_200, %get3A_201] {strides = array<i32>} : memref<80x128xf32, #tpu.memory_space<vmem>>, vector<16xf32>,
      %add3A_203 = arith.constant 48 : i32
      %add3A_204 = vector.broadcast %add3A_203 : i32 to vector<16xi32>
      %add3A_205 = arith.addi %iota3A, %add3A_204 : vector<16xi32>
      tpu.vector_store_idx %arg7[%add3A_205, %broadcast_in_dim3A_58], %get3A_202 : memref<128x8xf32, #tpu.memory_space<vmem>>[vector<16xi32>, vector<16xi32>], vector<16xf32>,
      %get3A_206 = arith.constant 2 : i32
      %get3A_207 = arith.index_cast %get3A_206 : i32 to index
      %get3A_208 = arith.constant 64 : index
      %get3A_209 = tpu.vector_load %arg6[%get3A_207, %get3A_208] {strides = array<i32>} : memref<80x128xf32, #tpu.memory_space<vmem>>, vector<16xf32>,
      %add3A_210 = arith.constant 64 : i32
      %add3A_211 = vector.broadcast %add3A_210 : i32 to vector<16xi32>
      %add3A_212 = arith.addi %iota3A, %add3A_211 : vector<16xi32>
      tpu.vector_store_idx %arg7[%add3A_212, %broadcast_in_dim3A_58], %get3A_209 : memref<128x8xf32, #tpu.memory_space<vmem>>[vector<16xi32>, vector<16xi32>], vector<16xf32>,
      %get3A_213 = arith.constant 2 : i32
      %get3A_214 = arith.index_cast %get3A_213 : i32 to index
      %get3A_215 = arith.constant 80 : index
      %get3A_216 = tpu.vector_load %arg6[%get3A_214, %get3A_215] {strides = array<i32>} : memref<80x128xf32, #tpu.memory_space<vmem>>, vector<16xf32>,
      %add3A_217 = arith.constant 80 : i32
      %add3A_218 = vector.broadcast %add3A_217 : i32 to vector<16xi32>
      %add3A_219 = arith.addi %iota3A, %add3A_218 : vector<16xi32>
      tpu.vector_store_idx %arg7[%add3A_219, %broadcast_in_dim3A_58], %get3A_216 : memref<128x8xf32, #tpu.memory_space<vmem>>[vector<16xi32>, vector<16xi32>], vector<16xf32>,
      %get3A_220 = arith.constant 2 : i32
      %get3A_221 = arith.index_cast %get3A_220 : i32 to index
      %get3A_222 = arith.constant 96 : index
      %get3A_223 = tpu.vector_load %arg6[%get3A_221, %get3A_222] {strides = array<i32>} : memref<80x128xf32, #tpu.memory_space<vmem>>, vector<16xf32>,
      %add3A_224 = arith.constant 96 : i32
      %add3A_225 = vector.broadcast %add3A_224 : i32 to vector<16xi32>
      %add3A_226 = arith.addi %iota3A, %add3A_225 : vector<16xi32>
      tpu.vector_store_idx %arg7[%add3A_226, %broadcast_in_dim3A_58], %get3A_223 : memref<128x8xf32, #tpu.memory_space<vmem>>[vector<16xi32>, vector<16xi32>], vector<16xf32>,
      %get3A_227 = arith.constant 2 : i32
      %get3A_228 = arith.index_cast %get3A_227 : i32 to index
      %get3A_229 = arith.constant 112 : index
      %get3A_230 = tpu.vector_load %arg6[%get3A_228, %get3A_229] {strides = array<i32>} : memref<80x128xf32, #tpu.memory_space<vmem>>, vector<16xf32>,
      %add3A_231 = arith.constant 112 : i32
      %add3A_232 = vector.broadcast %add3A_231 : i32 to vector<16xi32>
      %add3A_233 = arith.addi %iota3A, %add3A_232 : vector<16xi32>
      tpu.vector_store_idx %arg7[%add3A_233, %broadcast_in_dim3A_58], %get3A_230 : memref<128x8xf32, #tpu.memory_space<vmem>>[vector<16xi32>, vector<16xi32>], vector<16xf32>,
      %mul3A_234 = arith.constant 1024 : i32
      %mul3A_235 = arith.muli %arg1, %mul3A_234 : i32
      %add3A_236 = arith.constant 256 : i32
      %add3A_237 = arith.addi %mul3A_235, %add3A_236 : i32
      "tpu.region"() ({
        %run_scoped3A = tpu.sem_alloc : memref<!tpu.dma_semaphore, #tpu.memory_space<semaphore_mem>>
        %dma_start3A = arith.constant 0 : i32
        %dma_start3A_538 = tpu.memref_slice %arg4[%arg0, %add3A_237, %dma_start3A] : memref<2x10240x8xf32, #tpu.memory_space<hbm>> -> memref<1x128x8xf32, #tpu.memory_space<hbm>>
        %dma_start3A_539 = tpu.memref_squeeze %dma_start3A_538 : memref<1x128x8xf32, #tpu.memory_space<hbm>> -> memref<128x8xf32, #tpu.memory_space<hbm>>
        %dma_start3A_540 = arith.constant 0 : i32
        %dma_start3A_541 = tpu.memref_slice %arg4[%arg0, %add3A_237, %dma_start3A_540] : memref<2x10240x8xf32, #tpu.memory_space<hbm>> -> memref<1x128x8xf32, #tpu.memory_space<hbm>>
        %dma_start3A_542 = tpu.memref_squeeze %dma_start3A_541 : memref<1x128x8xf32, #tpu.memory_space<hbm>> -> memref<128x8xf32, #tpu.memory_space<hbm>>
        tpu.enqueue_dma source(%arg7 : memref<128x8xf32, #tpu.memory_space<vmem>>) target(%dma_start3A_542 : memref<128x8xf32, #tpu.memory_space<hbm>>) target_semaphore(%run_scoped3A : memref<!tpu.dma_semaphore, #tpu.memory_space<semaphore_mem>>)
        %dma_wait3A = arith.constant 0 : i32
        %dma_wait3A_543 = tpu.memref_slice %arg4[%arg0, %add3A_237, %dma_wait3A] : memref<2x10240x8xf32, #tpu.memory_space<hbm>> -> memref<1x128x8xf32, #tpu.memory_space<hbm>>
        %dma_wait3A_544 = tpu.memref_squeeze %dma_wait3A_543 : memref<1x128x8xf32, #tpu.memory_space<hbm>> -> memref<128x8xf32, #tpu.memory_space<hbm>>
        %dma_wait3A_545 = arith.constant 0 : i32
        %dma_wait3A_546 = tpu.memref_slice %arg4[%arg0, %add3A_237, %dma_wait3A_545] : memref<2x10240x8xf32, #tpu.memory_space<hbm>> -> memref<1x128x8xf32, #tpu.memory_space<hbm>>
        %dma_wait3A_547 = tpu.memref_squeeze %dma_wait3A_546 : memref<1x128x8xf32, #tpu.memory_space<hbm>> -> memref<128x8xf32, #tpu.memory_space<hbm>>
        tpu.wait_dma2 semaphore(%run_scoped3A : memref<!tpu.dma_semaphore, #tpu.memory_space<semaphore_mem>>) src(%arg7 : memref<128x8xf32, #tpu.memory_space<vmem>>) dst(%dma_wait3A_547 : memref<128x8xf32, #tpu.memory_space<hbm>>)
        tpu.yield
      }) : () -> ()
      %get3A_238 = arith.constant 3 : i32
      %get3A_239 = arith.index_cast %get3A_238 : i32 to index
      %get3A_240 = arith.constant 0 : index
      %get3A_241 = tpu.vector_load %arg6[%get3A_239, %get3A_240] {strides = array<i32>} : memref<80x128xf32, #tpu.memory_space<vmem>>, vector<16xf32>,
      %add3A_242 = arith.constant 0 : i32
      %add3A_243 = vector.broadcast %add3A_242 : i32 to vector<16xi32>
      %add3A_244 = arith.addi %iota3A, %add3A_243 : vector<16xi32>
      tpu.vector_store_idx %arg7[%add3A_244, %broadcast_in_dim3A_58], %get3A_241 : memref<128x8xf32, #tpu.memory_space<vmem>>[vector<16xi32>, vector<16xi32>], vector<16xf32>,
      %get3A_245 = arith.constant 3 : i32
      %get3A_246 = arith.index_cast %get3A_245 : i32 to index
      %get3A_247 = arith.constant 16 : index
      %get3A_248 = tpu.vector_load %arg6[%get3A_246, %get3A_247] {strides = array<i32>} : memref<80x128xf32, #tpu.memory_space<vmem>>, vector<16xf32>,
      %add3A_249 = arith.constant 16 : i32
      %add3A_250 = vector.broadcast %add3A_249 : i32 to vector<16xi32>
      %add3A_251 = arith.addi %iota3A, %add3A_250 : vector<16xi32>
      tpu.vector_store_idx %arg7[%add3A_251, %broadcast_in_dim3A_58], %get3A_248 : memref<128x8xf32, #tpu.memory_space<vmem>>[vector<16xi32>, vector<16xi32>], vector<16xf32>,
      %get3A_252 = arith.constant 3 : i32
      %get3A_253 = arith.index_cast %get3A_252 : i32 to index
      %get3A_254 = arith.constant 32 : index
      %get3A_255 = tpu.vector_load %arg6[%get3A_253, %get3A_254] {strides = array<i32>} : memref<80x128xf32, #tpu.memory_space<vmem>>, vector<16xf32>,
      %add3A_256 = arith.constant 32 : i32
      %add3A_257 = vector.broadcast %add3A_256 : i32 to vector<16xi32>
      %add3A_258 = arith.addi %iota3A, %add3A_257 : vector<16xi32>
      tpu.vector_store_idx %arg7[%add3A_258, %broadcast_in_dim3A_58], %get3A_255 : memref<128x8xf32, #tpu.memory_space<vmem>>[vector<16xi32>, vector<16xi32>], vector<16xf32>,
      %get3A_259 = arith.constant 3 : i32
      %get3A_260 = arith.index_cast %get3A_259 : i32 to index
      %get3A_261 = arith.constant 48 : index
      %get3A_262 = tpu.vector_load %arg6[%get3A_260, %get3A_261] {strides = array<i32>} : memref<80x128xf32, #tpu.memory_space<vmem>>, vector<16xf32>,
      %add3A_263 = arith.constant 48 : i32
      %add3A_264 = vector.broadcast %add3A_263 : i32 to vector<16xi32>
      %add3A_265 = arith.addi %iota3A, %add3A_264 : vector<16xi32>
      tpu.vector_store_idx %arg7[%add3A_265, %broadcast_in_dim3A_58], %get3A_262 : memref<128x8xf32, #tpu.memory_space<vmem>>[vector<16xi32>, vector<16xi32>], vector<16xf32>,
      %get3A_266 = arith.constant 3 : i32
      %get3A_267 = arith.index_cast %get3A_266 : i32 to index
      %get3A_268 = arith.constant 64 : index
      %get3A_269 = tpu.vector_load %arg6[%get3A_267, %get3A_268] {strides = array<i32>} : memref<80x128xf32, #tpu.memory_space<vmem>>, vector<16xf32>,
      %add3A_270 = arith.constant 64 : i32
      %add3A_271 = vector.broadcast %add3A_270 : i32 to vector<16xi32>
      %add3A_272 = arith.addi %iota3A, %add3A_271 : vector<16xi32>
      tpu.vector_store_idx %arg7[%add3A_272, %broadcast_in_dim3A_58], %get3A_269 : memref<128x8xf32, #tpu.memory_space<vmem>>[vector<16xi32>, vector<16xi32>], vector<16xf32>,
      %get3A_273 = arith.constant 3 : i32
      %get3A_274 = arith.index_cast %get3A_273 : i32 to index
      %get3A_275 = arith.constant 80 : index
      %get3A_276 = tpu.vector_load %arg6[%get3A_274, %get3A_275] {strides = array<i32>} : memref<80x128xf32, #tpu.memory_space<vmem>>, vector<16xf32>,
      %add3A_277 = arith.constant 80 : i32
      %add3A_278 = vector.broadcast %add3A_277 : i32 to vector<16xi32>
      %add3A_279 = arith.addi %iota3A, %add3A_278 : vector<16xi32>
      tpu.vector_store_idx %arg7[%add3A_279, %broadcast_in_dim3A_58], %get3A_276 : memref<128x8xf32, #tpu.memory_space<vmem>>[vector<16xi32>, vector<16xi32>], vector<16xf32>,
      %get3A_280 = arith.constant 3 : i32
      %get3A_281 = arith.index_cast %get3A_280 : i32 to index
      %get3A_282 = arith.constant 96 : index
      %get3A_283 = tpu.vector_load %arg6[%get3A_281, %get3A_282] {strides = array<i32>} : memref<80x128xf32, #tpu.memory_space<vmem>>, vector<16xf32>,
      %add3A_284 = arith.constant 96 : i32
      %add3A_285 = vector.broadcast %add3A_284 : i32 to vector<16xi32>
      %add3A_286 = arith.addi %iota3A, %add3A_285 : vector<16xi32>
      tpu.vector_store_idx %arg7[%add3A_286, %broadcast_in_dim3A_58], %get3A_283 : memref<128x8xf32, #tpu.memory_space<vmem>>[vector<16xi32>, vector<16xi32>], vector<16xf32>,
      %get3A_287 = arith.constant 3 : i32
      %get3A_288 = arith.index_cast %get3A_287 : i32 to index
      %get3A_289 = arith.constant 112 : index
      %get3A_290 = tpu.vector_load %arg6[%get3A_288, %get3A_289] {strides = array<i32>} : memref<80x128xf32, #tpu.memory_space<vmem>>, vector<16xf32>,
      %add3A_291 = arith.constant 112 : i32
      %add3A_292 = vector.broadcast %add3A_291 : i32 to vector<16xi32>
      %add3A_293 = arith.addi %iota3A, %add3A_292 : vector<16xi32>
      tpu.vector_store_idx %arg7[%add3A_293, %broadcast_in_dim3A_58], %get3A_290 : memref<128x8xf32, #tpu.memory_space<vmem>>[vector<16xi32>, vector<16xi32>], vector<16xf32>,
      %mul3A_294 = arith.constant 1024 : i32
      %mul3A_295 = arith.muli %arg1, %mul3A_294 : i32
      %add3A_296 = arith.constant 384 : i32
      %add3A_297 = arith.addi %mul3A_295, %add3A_296 : i32
      "tpu.region"() ({
        %run_scoped3A = tpu.sem_alloc : memref<!tpu.dma_semaphore, #tpu.memory_space<semaphore_mem>>
        %dma_start3A = arith.constant 0 : i32
        %dma_start3A_538 = tpu.memref_slice %arg4[%arg0, %add3A_297, %dma_start3A] : memref<2x10240x8xf32, #tpu.memory_space<hbm>> -> memref<1x128x8xf32, #tpu.memory_space<hbm>>
        %dma_start3A_539 = tpu.memref_squeeze %dma_start3A_538 : memref<1x128x8xf32, #tpu.memory_space<hbm>> -> memref<128x8xf32, #tpu.memory_space<hbm>>
        %dma_start3A_540 = arith.constant 0 : i32
        %dma_start3A_541 = tpu.memref_slice %arg4[%arg0, %add3A_297, %dma_start3A_540] : memref<2x10240x8xf32, #tpu.memory_space<hbm>> -> memref<1x128x8xf32, #tpu.memory_space<hbm>>
        %dma_start3A_542 = tpu.memref_squeeze %dma_start3A_541 : memref<1x128x8xf32, #tpu.memory_space<hbm>> -> memref<128x8xf32, #tpu.memory_space<hbm>>
        tpu.enqueue_dma source(%arg7 : memref<128x8xf32, #tpu.memory_space<vmem>>) target(%dma_start3A_542 : memref<128x8xf32, #tpu.memory_space<hbm>>) target_semaphore(%run_scoped3A : memref<!tpu.dma_semaphore, #tpu.memory_space<semaphore_mem>>)
        %dma_wait3A = arith.constant 0 : i32
        %dma_wait3A_543 = tpu.memref_slice %arg4[%arg0, %add3A_297, %dma_wait3A] : memref<2x10240x8xf32, #tpu.memory_space<hbm>> -> memref<1x128x8xf32, #tpu.memory_space<hbm>>
        %dma_wait3A_544 = tpu.memref_squeeze %dma_wait3A_543 : memref<1x128x8xf32, #tpu.memory_space<hbm>> -> memref<128x8xf32, #tpu.memory_space<hbm>>
        %dma_wait3A_545 = arith.constant 0 : i32
        %dma_wait3A_546 = tpu.memref_slice %arg4[%arg0, %add3A_297, %dma_wait3A_545] : memref<2x10240x8xf32, #tpu.memory_space<hbm>> -> memref<1x128x8xf32, #tpu.memory_space<hbm>>
        %dma_wait3A_547 = tpu.memref_squeeze %dma_wait3A_546 : memref<1x128x8xf32, #tpu.memory_space<hbm>> -> memref<128x8xf32, #tpu.memory_space<hbm>>
        tpu.wait_dma2 semaphore(%run_scoped3A : memref<!tpu.dma_semaphore, #tpu.memory_space<semaphore_mem>>) src(%arg7 : memref<128x8xf32, #tpu.memory_space<vmem>>) dst(%dma_wait3A_547 : memref<128x8xf32, #tpu.memory_space<hbm>>)
        tpu.yield
      }) : () -> ()
      %get3A_298 = arith.constant 4 : i32
      %get3A_299 = arith.index_cast %get3A_298 : i32 to index
      %get3A_300 = arith.constant 0 : index
      %get3A_301 = tpu.vector_load %arg6[%get3A_299, %get3A_300] {strides = array<i32>} : memref<80x128xf32, #tpu.memory_space<vmem>>, vector<16xf32>,
      %add3A_302 = arith.constant 0 : i32
      %add3A_303 = vector.broadcast %add3A_302 : i32 to vector<16xi32>
      %add3A_304 = arith.addi %iota3A, %add3A_303 : vector<16xi32>
      tpu.vector_store_idx %arg7[%add3A_304, %broadcast_in_dim3A_58], %get3A_301 : memref<128x8xf32, #tpu.memory_space<vmem>>[vector<16xi32>, vector<16xi32>], vector<16xf32>,
      %get3A_305 = arith.constant 4 : i32
      %get3A_306 = arith.index_cast %get3A_305 : i32 to index
      %get3A_307 = arith.constant 16 : index
      %get3A_308 = tpu.vector_load %arg6[%get3A_306, %get3A_307] {strides = array<i32>} : memref<80x128xf32, #tpu.memory_space<vmem>>, vector<16xf32>,
      %add3A_309 = arith.constant 16 : i32
      %add3A_310 = vector.broadcast %add3A_309 : i32 to vector<16xi32>
      %add3A_311 = arith.addi %iota3A, %add3A_310 : vector<16xi32>
      tpu.vector_store_idx %arg7[%add3A_311, %broadcast_in_dim3A_58], %get3A_308 : memref<128x8xf32, #tpu.memory_space<vmem>>[vector<16xi32>, vector<16xi32>], vector<16xf32>,
      %get3A_312 = arith.constant 4 : i32
      %get3A_313 = arith.index_cast %get3A_312 : i32 to index
      %get3A_314 = arith.constant 32 : index
      %get3A_315 = tpu.vector_load %arg6[%get3A_313, %get3A_314] {strides = array<i32>} : memref<80x128xf32, #tpu.memory_space<vmem>>, vector<16xf32>,
      %add3A_316 = arith.constant 32 : i32
      %add3A_317 = vector.broadcast %add3A_316 : i32 to vector<16xi32>
      %add3A_318 = arith.addi %iota3A, %add3A_317 : vector<16xi32>
      tpu.vector_store_idx %arg7[%add3A_318, %broadcast_in_dim3A_58], %get3A_315 : memref<128x8xf32, #tpu.memory_space<vmem>>[vector<16xi32>, vector<16xi32>], vector<16xf32>,
      %get3A_319 = arith.constant 4 : i32
      %get3A_320 = arith.index_cast %get3A_319 : i32 to index
      %get3A_321 = arith.constant 48 : index
      %get3A_322 = tpu.vector_load %arg6[%get3A_320, %get3A_321] {strides = array<i32>} : memref<80x128xf32, #tpu.memory_space<vmem>>, vector<16xf32>,
      %add3A_323 = arith.constant 48 : i32
      %add3A_324 = vector.broadcast %add3A_323 : i32 to vector<16xi32>
      %add3A_325 = arith.addi %iota3A, %add3A_324 : vector<16xi32>
      tpu.vector_store_idx %arg7[%add3A_325, %broadcast_in_dim3A_58], %get3A_322 : memref<128x8xf32, #tpu.memory_space<vmem>>[vector<16xi32>, vector<16xi32>], vector<16xf32>,
      %get3A_326 = arith.constant 4 : i32
      %get3A_327 = arith.index_cast %get3A_326 : i32 to index
      %get3A_328 = arith.constant 64 : index
      %get3A_329 = tpu.vector_load %arg6[%get3A_327, %get3A_328] {strides = array<i32>} : memref<80x128xf32, #tpu.memory_space<vmem>>, vector<16xf32>,
      %add3A_330 = arith.constant 64 : i32
      %add3A_331 = vector.broadcast %add3A_330 : i32 to vector<16xi32>
      %add3A_332 = arith.addi %iota3A, %add3A_331 : vector<16xi32>
      tpu.vector_store_idx %arg7[%add3A_332, %broadcast_in_dim3A_58], %get3A_329 : memref<128x8xf32, #tpu.memory_space<vmem>>[vector<16xi32>, vector<16xi32>], vector<16xf32>,
      %get3A_333 = arith.constant 4 : i32
      %get3A_334 = arith.index_cast %get3A_333 : i32 to index
      %get3A_335 = arith.constant 80 : index
      %get3A_336 = tpu.vector_load %arg6[%get3A_334, %get3A_335] {strides = array<i32>} : memref<80x128xf32, #tpu.memory_space<vmem>>, vector<16xf32>,
      %add3A_337 = arith.constant 80 : i32
      %add3A_338 = vector.broadcast %add3A_337 : i32 to vector<16xi32>
      %add3A_339 = arith.addi %iota3A, %add3A_338 : vector<16xi32>
      tpu.vector_store_idx %arg7[%add3A_339, %broadcast_in_dim3A_58], %get3A_336 : memref<128x8xf32, #tpu.memory_space<vmem>>[vector<16xi32>, vector<16xi32>], vector<16xf32>,
      %get3A_340 = arith.constant 4 : i32
      %get3A_341 = arith.index_cast %get3A_340 : i32 to index
      %get3A_342 = arith.constant 96 : index
      %get3A_343 = tpu.vector_load %arg6[%get3A_341, %get3A_342] {strides = array<i32>} : memref<80x128xf32, #tpu.memory_space<vmem>>, vector<16xf32>,
      %add3A_344 = arith.constant 96 : i32
      %add3A_345 = vector.broadcast %add3A_344 : i32 to vector<16xi32>
      %add3A_346 = arith.addi %iota3A, %add3A_345 : vector<16xi32>
      tpu.vector_store_idx %arg7[%add3A_346, %broadcast_in_dim3A_58], %get3A_343 : memref<128x8xf32, #tpu.memory_space<vmem>>[vector<16xi32>, vector<16xi32>], vector<16xf32>,
      %get3A_347 = arith.constant 4 : i32
      %get3A_348 = arith.index_cast %get3A_347 : i32 to index
      %get3A_349 = arith.constant 112 : index
      %get3A_350 = tpu.vector_load %arg6[%get3A_348, %get3A_349] {strides = array<i32>} : memref<80x128xf32, #tpu.memory_space<vmem>>, vector<16xf32>,
      %add3A_351 = arith.constant 112 : i32
      %add3A_352 = vector.broadcast %add3A_351 : i32 to vector<16xi32>
      %add3A_353 = arith.addi %iota3A, %add3A_352 : vector<16xi32>
      tpu.vector_store_idx %arg7[%add3A_353, %broadcast_in_dim3A_58], %get3A_350 : memref<128x8xf32, #tpu.memory_space<vmem>>[vector<16xi32>, vector<16xi32>], vector<16xf32>,
      %mul3A_354 = arith.constant 1024 : i32
      %mul3A_355 = arith.muli %arg1, %mul3A_354 : i32
      %add3A_356 = arith.constant 512 : i32
      %add3A_357 = arith.addi %mul3A_355, %add3A_356 : i32
      "tpu.region"() ({
        %run_scoped3A = tpu.sem_alloc : memref<!tpu.dma_semaphore, #tpu.memory_space<semaphore_mem>>
        %dma_start3A = arith.constant 0 : i32
        %dma_start3A_538 = tpu.memref_slice %arg4[%arg0, %add3A_357, %dma_start3A] : memref<2x10240x8xf32, #tpu.memory_space<hbm>> -> memref<1x128x8xf32, #tpu.memory_space<hbm>>
        %dma_start3A_539 = tpu.memref_squeeze %dma_start3A_538 : memref<1x128x8xf32, #tpu.memory_space<hbm>> -> memref<128x8xf32, #tpu.memory_space<hbm>>
        %dma_start3A_540 = arith.constant 0 : i32
        %dma_start3A_541 = tpu.memref_slice %arg4[%arg0, %add3A_357, %dma_start3A_540] : memref<2x10240x8xf32, #tpu.memory_space<hbm>> -> memref<1x128x8xf32, #tpu.memory_space<hbm>>
        %dma_start3A_542 = tpu.memref_squeeze %dma_start3A_541 : memref<1x128x8xf32, #tpu.memory_space<hbm>> -> memref<128x8xf32, #tpu.memory_space<hbm>>
        tpu.enqueue_dma source(%arg7 : memref<128x8xf32, #tpu.memory_space<vmem>>) target(%dma_start3A_542 : memref<128x8xf32, #tpu.memory_space<hbm>>) target_semaphore(%run_scoped3A : memref<!tpu.dma_semaphore, #tpu.memory_space<semaphore_mem>>)
        %dma_wait3A = arith.constant 0 : i32
        %dma_wait3A_543 = tpu.memref_slice %arg4[%arg0, %add3A_357, %dma_wait3A] : memref<2x10240x8xf32, #tpu.memory_space<hbm>> -> memref<1x128x8xf32, #tpu.memory_space<hbm>>
        %dma_wait3A_544 = tpu.memref_squeeze %dma_wait3A_543 : memref<1x128x8xf32, #tpu.memory_space<hbm>> -> memref<128x8xf32, #tpu.memory_space<hbm>>
        %dma_wait3A_545 = arith.constant 0 : i32
        %dma_wait3A_546 = tpu.memref_slice %arg4[%arg0, %add3A_357, %dma_wait3A_545] : memref<2x10240x8xf32, #tpu.memory_space<hbm>> -> memref<1x128x8xf32, #tpu.memory_space<hbm>>
        %dma_wait3A_547 = tpu.memref_squeeze %dma_wait3A_546 : memref<1x128x8xf32, #tpu.memory_space<hbm>> -> memref<128x8xf32, #tpu.memory_space<hbm>>
        tpu.wait_dma2 semaphore(%run_scoped3A : memref<!tpu.dma_semaphore, #tpu.memory_space<semaphore_mem>>) src(%arg7 : memref<128x8xf32, #tpu.memory_space<vmem>>) dst(%dma_wait3A_547 : memref<128x8xf32, #tpu.memory_space<hbm>>)
        tpu.yield
      }) : () -> ()
      %get3A_358 = arith.constant 5 : i32
      %get3A_359 = arith.index_cast %get3A_358 : i32 to index
      %get3A_360 = arith.constant 0 : index
      %get3A_361 = tpu.vector_load %arg6[%get3A_359, %get3A_360] {strides = array<i32>} : memref<80x128xf32, #tpu.memory_space<vmem>>, vector<16xf32>,
      %add3A_362 = arith.constant 0 : i32
      %add3A_363 = vector.broadcast %add3A_362 : i32 to vector<16xi32>
      %add3A_364 = arith.addi %iota3A, %add3A_363 : vector<16xi32>
      tpu.vector_store_idx %arg7[%add3A_364, %broadcast_in_dim3A_58], %get3A_361 : memref<128x8xf32, #tpu.memory_space<vmem>>[vector<16xi32>, vector<16xi32>], vector<16xf32>,
      %get3A_365 = arith.constant 5 : i32
      %get3A_366 = arith.index_cast %get3A_365 : i32 to index
      %get3A_367 = arith.constant 16 : index
      %get3A_368 = tpu.vector_load %arg6[%get3A_366, %get3A_367] {strides = array<i32>} : memref<80x128xf32, #tpu.memory_space<vmem>>, vector<16xf32>,
      %add3A_369 = arith.constant 16 : i32
      %add3A_370 = vector.broadcast %add3A_369 : i32 to vector<16xi32>
      %add3A_371 = arith.addi %iota3A, %add3A_370 : vector<16xi32>
      tpu.vector_store_idx %arg7[%add3A_371, %broadcast_in_dim3A_58], %get3A_368 : memref<128x8xf32, #tpu.memory_space<vmem>>[vector<16xi32>, vector<16xi32>], vector<16xf32>,
      %get3A_372 = arith.constant 5 : i32
      %get3A_373 = arith.index_cast %get3A_372 : i32 to index
      %get3A_374 = arith.constant 32 : index
      %get3A_375 = tpu.vector_load %arg6[%get3A_373, %get3A_374] {strides = array<i32>} : memref<80x128xf32, #tpu.memory_space<vmem>>, vector<16xf32>,
      %add3A_376 = arith.constant 32 : i32
      %add3A_377 = vector.broadcast %add3A_376 : i32 to vector<16xi32>
      %add3A_378 = arith.addi %iota3A, %add3A_377 : vector<16xi32>
      tpu.vector_store_idx %arg7[%add3A_378, %broadcast_in_dim3A_58], %get3A_375 : memref<128x8xf32, #tpu.memory_space<vmem>>[vector<16xi32>, vector<16xi32>], vector<16xf32>,
      %get3A_379 = arith.constant 5 : i32
      %get3A_380 = arith.index_cast %get3A_379 : i32 to index
      %get3A_381 = arith.constant 48 : index
      %get3A_382 = tpu.vector_load %arg6[%get3A_380, %get3A_381] {strides = array<i32>} : memref<80x128xf32, #tpu.memory_space<vmem>>, vector<16xf32>,
      %add3A_383 = arith.constant 48 : i32
      %add3A_384 = vector.broadcast %add3A_383 : i32 to vector<16xi32>
      %add3A_385 = arith.addi %iota3A, %add3A_384 : vector<16xi32>
      tpu.vector_store_idx %arg7[%add3A_385, %broadcast_in_dim3A_58], %get3A_382 : memref<128x8xf32, #tpu.memory_space<vmem>>[vector<16xi32>, vector<16xi32>], vector<16xf32>,
      %get3A_386 = arith.constant 5 : i32
      %get3A_387 = arith.index_cast %get3A_386 : i32 to index
      %get3A_388 = arith.constant 64 : index
      %get3A_389 = tpu.vector_load %arg6[%get3A_387, %get3A_388] {strides = array<i32>} : memref<80x128xf32, #tpu.memory_space<vmem>>, vector<16xf32>,
      %add3A_390 = arith.constant 64 : i32
      %add3A_391 = vector.broadcast %add3A_390 : i32 to vector<16xi32>
      %add3A_392 = arith.addi %iota3A, %add3A_391 : vector<16xi32>
      tpu.vector_store_idx %arg7[%add3A_392, %broadcast_in_dim3A_58], %get3A_389 : memref<128x8xf32, #tpu.memory_space<vmem>>[vector<16xi32>, vector<16xi32>], vector<16xf32>,
      %get3A_393 = arith.constant 5 : i32
      %get3A_394 = arith.index_cast %get3A_393 : i32 to index
      %get3A_395 = arith.constant 80 : index
      %get3A_396 = tpu.vector_load %arg6[%get3A_394, %get3A_395] {strides = array<i32>} : memref<80x128xf32, #tpu.memory_space<vmem>>, vector<16xf32>,
      %add3A_397 = arith.constant 80 : i32
      %add3A_398 = vector.broadcast %add3A_397 : i32 to vector<16xi32>
      %add3A_399 = arith.addi %iota3A, %add3A_398 : vector<16xi32>
      tpu.vector_store_idx %arg7[%add3A_399, %broadcast_in_dim3A_58], %get3A_396 : memref<128x8xf32, #tpu.memory_space<vmem>>[vector<16xi32>, vector<16xi32>], vector<16xf32>,
      %get3A_400 = arith.constant 5 : i32
      %get3A_401 = arith.index_cast %get3A_400 : i32 to index
      %get3A_402 = arith.constant 96 : index
      %get3A_403 = tpu.vector_load %arg6[%get3A_401, %get3A_402] {strides = array<i32>} : memref<80x128xf32, #tpu.memory_space<vmem>>, vector<16xf32>,
      %add3A_404 = arith.constant 96 : i32
      %add3A_405 = vector.broadcast %add3A_404 : i32 to vector<16xi32>
      %add3A_406 = arith.addi %iota3A, %add3A_405 : vector<16xi32>
      tpu.vector_store_idx %arg7[%add3A_406, %broadcast_in_dim3A_58], %get3A_403 : memref<128x8xf32, #tpu.memory_space<vmem>>[vector<16xi32>, vector<16xi32>], vector<16xf32>,
      %get3A_407 = arith.constant 5 : i32
      %get3A_408 = arith.index_cast %get3A_407 : i32 to index
      %get3A_409 = arith.constant 112 : index
      %get3A_410 = tpu.vector_load %arg6[%get3A_408, %get3A_409] {strides = array<i32>} : memref<80x128xf32, #tpu.memory_space<vmem>>, vector<16xf32>,
      %add3A_411 = arith.constant 112 : i32
      %add3A_412 = vector.broadcast %add3A_411 : i32 to vector<16xi32>
      %add3A_413 = arith.addi %iota3A, %add3A_412 : vector<16xi32>
      tpu.vector_store_idx %arg7[%add3A_413, %broadcast_in_dim3A_58], %get3A_410 : memref<128x8xf32, #tpu.memory_space<vmem>>[vector<16xi32>, vector<16xi32>], vector<16xf32>,
      %mul3A_414 = arith.constant 1024 : i32
      %mul3A_415 = arith.muli %arg1, %mul3A_414 : i32
      %add3A_416 = arith.constant 640 : i32
      %add3A_417 = arith.addi %mul3A_415, %add3A_416 : i32
      "tpu.region"() ({
        %run_scoped3A = tpu.sem_alloc : memref<!tpu.dma_semaphore, #tpu.memory_space<semaphore_mem>>
        %dma_start3A = arith.constant 0 : i32
        %dma_start3A_538 = tpu.memref_slice %arg4[%arg0, %add3A_417, %dma_start3A] : memref<2x10240x8xf32, #tpu.memory_space<hbm>> -> memref<1x128x8xf32, #tpu.memory_space<hbm>>
        %dma_start3A_539 = tpu.memref_squeeze %dma_start3A_538 : memref<1x128x8xf32, #tpu.memory_space<hbm>> -> memref<128x8xf32, #tpu.memory_space<hbm>>
        %dma_start3A_540 = arith.constant 0 : i32
        %dma_start3A_541 = tpu.memref_slice %arg4[%arg0, %add3A_417, %dma_start3A_540] : memref<2x10240x8xf32, #tpu.memory_space<hbm>> -> memref<1x128x8xf32, #tpu.memory_space<hbm>>
        %dma_start3A_542 = tpu.memref_squeeze %dma_start3A_541 : memref<1x128x8xf32, #tpu.memory_space<hbm>> -> memref<128x8xf32, #tpu.memory_space<hbm>>
        tpu.enqueue_dma source(%arg7 : memref<128x8xf32, #tpu.memory_space<vmem>>) target(%dma_start3A_542 : memref<128x8xf32, #tpu.memory_space<hbm>>) target_semaphore(%run_scoped3A : memref<!tpu.dma_semaphore, #tpu.memory_space<semaphore_mem>>)
        %dma_wait3A = arith.constant 0 : i32
        %dma_wait3A_543 = tpu.memref_slice %arg4[%arg0, %add3A_417, %dma_wait3A] : memref<2x10240x8xf32, #tpu.memory_space<hbm>> -> memref<1x128x8xf32, #tpu.memory_space<hbm>>
        %dma_wait3A_544 = tpu.memref_squeeze %dma_wait3A_543 : memref<1x128x8xf32, #tpu.memory_space<hbm>> -> memref<128x8xf32, #tpu.memory_space<hbm>>
        %dma_wait3A_545 = arith.constant 0 : i32
        %dma_wait3A_546 = tpu.memref_slice %arg4[%arg0, %add3A_417, %dma_wait3A_545] : memref<2x10240x8xf32, #tpu.memory_space<hbm>> -> memref<1x128x8xf32, #tpu.memory_space<hbm>>
        %dma_wait3A_547 = tpu.memref_squeeze %dma_wait3A_546 : memref<1x128x8xf32, #tpu.memory_space<hbm>> -> memref<128x8xf32, #tpu.memory_space<hbm>>
        tpu.wait_dma2 semaphore(%run_scoped3A : memref<!tpu.dma_semaphore, #tpu.memory_space<semaphore_mem>>) src(%arg7 : memref<128x8xf32, #tpu.memory_space<vmem>>) dst(%dma_wait3A_547 : memref<128x8xf32, #tpu.memory_space<hbm>>)
        tpu.yield
      }) : () -> ()
      %get3A_418 = arith.constant 6 : i32
      %get3A_419 = arith.index_cast %get3A_418 : i32 to index
      %get3A_420 = arith.constant 0 : index
      %get3A_421 = tpu.vector_load %arg6[%get3A_419, %get3A_420] {strides = array<i32>} : memref<80x128xf32, #tpu.memory_space<vmem>>, vector<16xf32>,
      %add3A_422 = arith.constant 0 : i32
      %add3A_423 = vector.broadcast %add3A_422 : i32 to vector<16xi32>
      %add3A_424 = arith.addi %iota3A, %add3A_423 : vector<16xi32>
      tpu.vector_store_idx %arg7[%add3A_424, %broadcast_in_dim3A_58], %get3A_421 : memref<128x8xf32, #tpu.memory_space<vmem>>[vector<16xi32>, vector<16xi32>], vector<16xf32>,
      %get3A_425 = arith.constant 6 : i32
      %get3A_426 = arith.index_cast %get3A_425 : i32 to index
      %get3A_427 = arith.constant 16 : index
      %get3A_428 = tpu.vector_load %arg6[%get3A_426, %get3A_427] {strides = array<i32>} : memref<80x128xf32, #tpu.memory_space<vmem>>, vector<16xf32>,
      %add3A_429 = arith.constant 16 : i32
      %add3A_430 = vector.broadcast %add3A_429 : i32 to vector<16xi32>
      %add3A_431 = arith.addi %iota3A, %add3A_430 : vector<16xi32>
      tpu.vector_store_idx %arg7[%add3A_431, %broadcast_in_dim3A_58], %get3A_428 : memref<128x8xf32, #tpu.memory_space<vmem>>[vector<16xi32>, vector<16xi32>], vector<16xf32>,
      %get3A_432 = arith.constant 6 : i32
      %get3A_433 = arith.index_cast %get3A_432 : i32 to index
      %get3A_434 = arith.constant 32 : index
      %get3A_435 = tpu.vector_load %arg6[%get3A_433, %get3A_434] {strides = array<i32>} : memref<80x128xf32, #tpu.memory_space<vmem>>, vector<16xf32>,
      %add3A_436 = arith.constant 32 : i32
      %add3A_437 = vector.broadcast %add3A_436 : i32 to vector<16xi32>
      %add3A_438 = arith.addi %iota3A, %add3A_437 : vector<16xi32>
      tpu.vector_store_idx %arg7[%add3A_438, %broadcast_in_dim3A_58], %get3A_435 : memref<128x8xf32, #tpu.memory_space<vmem>>[vector<16xi32>, vector<16xi32>], vector<16xf32>,
      %get3A_439 = arith.constant 6 : i32
      %get3A_440 = arith.index_cast %get3A_439 : i32 to index
      %get3A_441 = arith.constant 48 : index
      %get3A_442 = tpu.vector_load %arg6[%get3A_440, %get3A_441] {strides = array<i32>} : memref<80x128xf32, #tpu.memory_space<vmem>>, vector<16xf32>,
      %add3A_443 = arith.constant 48 : i32
      %add3A_444 = vector.broadcast %add3A_443 : i32 to vector<16xi32>
      %add3A_445 = arith.addi %iota3A, %add3A_444 : vector<16xi32>
      tpu.vector_store_idx %arg7[%add3A_445, %broadcast_in_dim3A_58], %get3A_442 : memref<128x8xf32, #tpu.memory_space<vmem>>[vector<16xi32>, vector<16xi32>], vector<16xf32>,
      %get3A_446 = arith.constant 6 : i32
      %get3A_447 = arith.index_cast %get3A_446 : i32 to index
      %get3A_448 = arith.constant 64 : index
      %get3A_449 = tpu.vector_load %arg6[%get3A_447, %get3A_448] {strides = array<i32>} : memref<80x128xf32, #tpu.memory_space<vmem>>, vector<16xf32>,
      %add3A_450 = arith.constant 64 : i32
      %add3A_451 = vector.broadcast %add3A_450 : i32 to vector<16xi32>
      %add3A_452 = arith.addi %iota3A, %add3A_451 : vector<16xi32>
      tpu.vector_store_idx %arg7[%add3A_452, %broadcast_in_dim3A_58], %get3A_449 : memref<128x8xf32, #tpu.memory_space<vmem>>[vector<16xi32>, vector<16xi32>], vector<16xf32>,
      %get3A_453 = arith.constant 6 : i32
      %get3A_454 = arith.index_cast %get3A_453 : i32 to index
      %get3A_455 = arith.constant 80 : index
      %get3A_456 = tpu.vector_load %arg6[%get3A_454, %get3A_455] {strides = array<i32>} : memref<80x128xf32, #tpu.memory_space<vmem>>, vector<16xf32>,
      %add3A_457 = arith.constant 80 : i32
      %add3A_458 = vector.broadcast %add3A_457 : i32 to vector<16xi32>
      %add3A_459 = arith.addi %iota3A, %add3A_458 : vector<16xi32>
      tpu.vector_store_idx %arg7[%add3A_459, %broadcast_in_dim3A_58], %get3A_456 : memref<128x8xf32, #tpu.memory_space<vmem>>[vector<16xi32>, vector<16xi32>], vector<16xf32>,
      %get3A_460 = arith.constant 6 : i32
      %get3A_461 = arith.index_cast %get3A_460 : i32 to index
      %get3A_462 = arith.constant 96 : index
      %get3A_463 = tpu.vector_load %arg6[%get3A_461, %get3A_462] {strides = array<i32>} : memref<80x128xf32, #tpu.memory_space<vmem>>, vector<16xf32>,
      %add3A_464 = arith.constant 96 : i32
      %add3A_465 = vector.broadcast %add3A_464 : i32 to vector<16xi32>
      %add3A_466 = arith.addi %iota3A, %add3A_465 : vector<16xi32>
      tpu.vector_store_idx %arg7[%add3A_466, %broadcast_in_dim3A_58], %get3A_463 : memref<128x8xf32, #tpu.memory_space<vmem>>[vector<16xi32>, vector<16xi32>], vector<16xf32>,
      %get3A_467 = arith.constant 6 : i32
      %get3A_468 = arith.index_cast %get3A_467 : i32 to index
      %get3A_469 = arith.constant 112 : index
      %get3A_470 = tpu.vector_load %arg6[%get3A_468, %get3A_469] {strides = array<i32>} : memref<80x128xf32, #tpu.memory_space<vmem>>, vector<16xf32>,
      %add3A_471 = arith.constant 112 : i32
      %add3A_472 = vector.broadcast %add3A_471 : i32 to vector<16xi32>
      %add3A_473 = arith.addi %iota3A, %add3A_472 : vector<16xi32>
      tpu.vector_store_idx %arg7[%add3A_473, %broadcast_in_dim3A_58], %get3A_470 : memref<128x8xf32, #tpu.memory_space<vmem>>[vector<16xi32>, vector<16xi32>], vector<16xf32>,
      %mul3A_474 = arith.constant 1024 : i32
      %mul3A_475 = arith.muli %arg1, %mul3A_474 : i32
      %add3A_476 = arith.constant 768 : i32
      %add3A_477 = arith.addi %mul3A_475, %add3A_476 : i32
      "tpu.region"() ({
        %run_scoped3A = tpu.sem_alloc : memref<!tpu.dma_semaphore, #tpu.memory_space<semaphore_mem>>
        %dma_start3A = arith.constant 0 : i32
        %dma_start3A_538 = tpu.memref_slice %arg4[%arg0, %add3A_477, %dma_start3A] : memref<2x10240x8xf32, #tpu.memory_space<hbm>> -> memref<1x128x8xf32, #tpu.memory_space<hbm>>
        %dma_start3A_539 = tpu.memref_squeeze %dma_start3A_538 : memref<1x128x8xf32, #tpu.memory_space<hbm>> -> memref<128x8xf32, #tpu.memory_space<hbm>>
        %dma_start3A_540 = arith.constant 0 : i32
        %dma_start3A_541 = tpu.memref_slice %arg4[%arg0, %add3A_477, %dma_start3A_540] : memref<2x10240x8xf32, #tpu.memory_space<hbm>> -> memref<1x128x8xf32, #tpu.memory_space<hbm>>
        %dma_start3A_542 = tpu.memref_squeeze %dma_start3A_541 : memref<1x128x8xf32, #tpu.memory_space<hbm>> -> memref<128x8xf32, #tpu.memory_space<hbm>>
        tpu.enqueue_dma source(%arg7 : memref<128x8xf32, #tpu.memory_space<vmem>>) target(%dma_start3A_542 : memref<128x8xf32, #tpu.memory_space<hbm>>) target_semaphore(%run_scoped3A : memref<!tpu.dma_semaphore, #tpu.memory_space<semaphore_mem>>)
        %dma_wait3A = arith.constant 0 : i32
        %dma_wait3A_543 = tpu.memref_slice %arg4[%arg0, %add3A_477, %dma_wait3A] : memref<2x10240x8xf32, #tpu.memory_space<hbm>> -> memref<1x128x8xf32, #tpu.memory_space<hbm>>
        %dma_wait3A_544 = tpu.memref_squeeze %dma_wait3A_543 : memref<1x128x8xf32, #tpu.memory_space<hbm>> -> memref<128x8xf32, #tpu.memory_space<hbm>>
        %dma_wait3A_545 = arith.constant 0 : i32
        %dma_wait3A_546 = tpu.memref_slice %arg4[%arg0, %add3A_477, %dma_wait3A_545] : memref<2x10240x8xf32, #tpu.memory_space<hbm>> -> memref<1x128x8xf32, #tpu.memory_space<hbm>>
        %dma_wait3A_547 = tpu.memref_squeeze %dma_wait3A_546 : memref<1x128x8xf32, #tpu.memory_space<hbm>> -> memref<128x8xf32, #tpu.memory_space<hbm>>
        tpu.wait_dma2 semaphore(%run_scoped3A : memref<!tpu.dma_semaphore, #tpu.memory_space<semaphore_mem>>) src(%arg7 : memref<128x8xf32, #tpu.memory_space<vmem>>) dst(%dma_wait3A_547 : memref<128x8xf32, #tpu.memory_space<hbm>>)
        tpu.yield
      }) : () -> ()
      %get3A_478 = arith.constant 7 : i32
      %get3A_479 = arith.index_cast %get3A_478 : i32 to index
      %get3A_480 = arith.constant 0 : index
      %get3A_481 = tpu.vector_load %arg6[%get3A_479, %get3A_480] {strides = array<i32>} : memref<80x128xf32, #tpu.memory_space<vmem>>, vector<16xf32>,
      %add3A_482 = arith.constant 0 : i32
      %add3A_483 = vector.broadcast %add3A_482 : i32 to vector<16xi32>
      %add3A_484 = arith.addi %iota3A, %add3A_483 : vector<16xi32>
      tpu.vector_store_idx %arg7[%add3A_484, %broadcast_in_dim3A_58], %get3A_481 : memref<128x8xf32, #tpu.memory_space<vmem>>[vector<16xi32>, vector<16xi32>], vector<16xf32>,
      %get3A_485 = arith.constant 7 : i32
      %get3A_486 = arith.index_cast %get3A_485 : i32 to index
      %get3A_487 = arith.constant 16 : index
      %get3A_488 = tpu.vector_load %arg6[%get3A_486, %get3A_487] {strides = array<i32>} : memref<80x128xf32, #tpu.memory_space<vmem>>, vector<16xf32>,
      %add3A_489 = arith.constant 16 : i32
      %add3A_490 = vector.broadcast %add3A_489 : i32 to vector<16xi32>
      %add3A_491 = arith.addi %iota3A, %add3A_490 : vector<16xi32>
      tpu.vector_store_idx %arg7[%add3A_491, %broadcast_in_dim3A_58], %get3A_488 : memref<128x8xf32, #tpu.memory_space<vmem>>[vector<16xi32>, vector<16xi32>], vector<16xf32>,
      %get3A_492 = arith.constant 7 : i32
      %get3A_493 = arith.index_cast %get3A_492 : i32 to index
      %get3A_494 = arith.constant 32 : index
      %get3A_495 = tpu.vector_load %arg6[%get3A_493, %get3A_494] {strides = array<i32>} : memref<80x128xf32, #tpu.memory_space<vmem>>, vector<16xf32>,
      %add3A_496 = arith.constant 32 : i32
      %add3A_497 = vector.broadcast %add3A_496 : i32 to vector<16xi32>
      %add3A_498 = arith.addi %iota3A, %add3A_497 : vector<16xi32>
      tpu.vector_store_idx %arg7[%add3A_498, %broadcast_in_dim3A_58], %get3A_495 : memref<128x8xf32, #tpu.memory_space<vmem>>[vector<16xi32>, vector<16xi32>], vector<16xf32>,
      %get3A_499 = arith.constant 7 : i32
      %get3A_500 = arith.index_cast %get3A_499 : i32 to index
      %get3A_501 = arith.constant 48 : index
      %get3A_502 = tpu.vector_load %arg6[%get3A_500, %get3A_501] {strides = array<i32>} : memref<80x128xf32, #tpu.memory_space<vmem>>, vector<16xf32>,
      %add3A_503 = arith.constant 48 : i32
      %add3A_504 = vector.broadcast %add3A_503 : i32 to vector<16xi32>
      %add3A_505 = arith.addi %iota3A, %add3A_504 : vector<16xi32>
      tpu.vector_store_idx %arg7[%add3A_505, %broadcast_in_dim3A_58], %get3A_502 : memref<128x8xf32, #tpu.memory_space<vmem>>[vector<16xi32>, vector<16xi32>], vector<16xf32>,
      %get3A_506 = arith.constant 7 : i32
      %get3A_507 = arith.index_cast %get3A_506 : i32 to index
      %get3A_508 = arith.constant 64 : index
      %get3A_509 = tpu.vector_load %arg6[%get3A_507, %get3A_508] {strides = array<i32>} : memref<80x128xf32, #tpu.memory_space<vmem>>, vector<16xf32>,
      %add3A_510 = arith.constant 64 : i32
      %add3A_511 = vector.broadcast %add3A_510 : i32 to vector<16xi32>
      %add3A_512 = arith.addi %iota3A, %add3A_511 : vector<16xi32>
      tpu.vector_store_idx %arg7[%add3A_512, %broadcast_in_dim3A_58], %get3A_509 : memref<128x8xf32, #tpu.memory_space<vmem>>[vector<16xi32>, vector<16xi32>], vector<16xf32>,
      %get3A_513 = arith.constant 7 : i32
      %get3A_514 = arith.index_cast %get3A_513 : i32 to index
      %get3A_515 = arith.constant 80 : index
      %get3A_516 = tpu.vector_load %arg6[%get3A_514, %get3A_515] {strides = array<i32>} : memref<80x128xf32, #tpu.memory_space<vmem>>, vector<16xf32>,
      %add3A_517 = arith.constant 80 : i32
      %add3A_518 = vector.broadcast %add3A_517 : i32 to vector<16xi32>
      %add3A_519 = arith.addi %iota3A, %add3A_518 : vector<16xi32>
      tpu.vector_store_idx %arg7[%add3A_519, %broadcast_in_dim3A_58], %get3A_516 : memref<128x8xf32, #tpu.memory_space<vmem>>[vector<16xi32>, vector<16xi32>], vector<16xf32>,
      %get3A_520 = arith.constant 7 : i32
      %get3A_521 = arith.index_cast %get3A_520 : i32 to index
      %get3A_522 = arith.constant 96 : index
      %get3A_523 = tpu.vector_load %arg6[%get3A_521, %get3A_522] {strides = array<i32>} : memref<80x128xf32, #tpu.memory_space<vmem>>, vector<16xf32>,
      %add3A_524 = arith.constant 96 : i32
      %add3A_525 = vector.broadcast %add3A_524 : i32 to vector<16xi32>
      %add3A_526 = arith.addi %iota3A, %add3A_525 : vector<16xi32>
      tpu.vector_store_idx %arg7[%add3A_526, %broadcast_in_dim3A_58], %get3A_523 : memref<128x8xf32, #tpu.memory_space<vmem>>[vector<16xi32>, vector<16xi32>], vector<16xf32>,
      %get3A_527 = arith.constant 7 : i32
      %get3A_528 = arith.index_cast %get3A_527 : i32 to index
      %get3A_529 = arith.constant 112 : index
      %get3A_530 = tpu.vector_load %arg6[%get3A_528, %get3A_529] {strides = array<i32>} : memref<80x128xf32, #tpu.memory_space<vmem>>, vector<16xf32>,
      %add3A_531 = arith.constant 112 : i32
      %add3A_532 = vector.broadcast %add3A_531 : i32 to vector<16xi32>
      %add3A_533 = arith.addi %iota3A, %add3A_532 : vector<16xi32>
      tpu.vector_store_idx %arg7[%add3A_533, %broadcast_in_dim3A_58], %get3A_530 : memref<128x8xf32, #tpu.memory_space<vmem>>[vector<16xi32>, vector<16xi32>], vector<16xf32>,
      %mul3A_534 = arith.constant 1024 : i32
      %mul3A_535 = arith.muli %arg1, %mul3A_534 : i32
      %add3A_536 = arith.constant 896 : i32
      %add3A_537 = arith.addi %mul3A_535, %add3A_536 : i32
      "tpu.region"() ({
        %run_scoped3A = tpu.sem_alloc : memref<!tpu.dma_semaphore, #tpu.memory_space<semaphore_mem>>
        %dma_start3A = arith.constant 0 : i32
        %dma_start3A_538 = tpu.memref_slice %arg4[%arg0, %add3A_537, %dma_start3A] : memref<2x10240x8xf32, #tpu.memory_space<hbm>> -> memref<1x128x8xf32, #tpu.memory_space<hbm>>
        %dma_start3A_539 = tpu.memref_squeeze %dma_start3A_538 : memref<1x128x8xf32, #tpu.memory_space<hbm>> -> memref<128x8xf32, #tpu.memory_space<hbm>>
        %dma_start3A_540 = arith.constant 0 : i32
        %dma_start3A_541 = tpu.memref_slice %arg4[%arg0, %add3A_537, %dma_start3A_540] : memref<2x10240x8xf32, #tpu.memory_space<hbm>> -> memref<1x128x8xf32, #tpu.memory_space<hbm>>
        %dma_start3A_542 = tpu.memref_squeeze %dma_start3A_541 : memref<1x128x8xf32, #tpu.memory_space<hbm>> -> memref<128x8xf32, #tpu.memory_space<hbm>>
        tpu.enqueue_dma source(%arg7 : memref<128x8xf32, #tpu.memory_space<vmem>>) target(%dma_start3A_542 : memref<128x8xf32, #tpu.memory_space<hbm>>) target_semaphore(%run_scoped3A : memref<!tpu.dma_semaphore, #tpu.memory_space<semaphore_mem>>)
        %dma_wait3A = arith.constant 0 : i32
        %dma_wait3A_543 = tpu.memref_slice %arg4[%arg0, %add3A_537, %dma_wait3A] : memref<2x10240x8xf32, #tpu.memory_space<hbm>> -> memref<1x128x8xf32, #tpu.memory_space<hbm>>
        %dma_wait3A_544 = tpu.memref_squeeze %dma_wait3A_543 : memref<1x128x8xf32, #tpu.memory_space<hbm>> -> memref<128x8xf32, #tpu.memory_space<hbm>>
        %dma_wait3A_545 = arith.constant 0 : i32
        %dma_wait3A_546 = tpu.memref_slice %arg4[%arg0, %add3A_537, %dma_wait3A_545] : memref<2x10240x8xf32, #tpu.memory_space<hbm>> -> memref<1x128x8xf32, #tpu.memory_space<hbm>>
        %dma_wait3A_547 = tpu.memref_squeeze %dma_wait3A_546 : memref<1x128x8xf32, #tpu.memory_space<hbm>> -> memref<128x8xf32, #tpu.memory_space<hbm>>
        tpu.wait_dma2 semaphore(%run_scoped3A : memref<!tpu.dma_semaphore, #tpu.memory_space<semaphore_mem>>) src(%arg7 : memref<128x8xf32, #tpu.memory_space<vmem>>) dst(%dma_wait3A_547 : memref<128x8xf32, #tpu.memory_space<hbm>>)
        tpu.yield
      }) : () -> ()
    } else {
    }
    return
  }
}

#map = affine_map<(d0, d1) -> (0, 0)>
#map1 = affine_map<(d0, d1) -> (0, 0, 0)>
module attributes {stable_mosaic.version = 14 : i64} {
  func.func @_prop_body(%arg0: i32, %arg1: i32, %arg2: memref<10240x128xf32, #tpu.memory_space<hbm>>, %arg3: memref<2x2500x128xi32, #tpu.memory_space<hbm>>, %arg4: memref<10240x128xf32, #tpu.memory_space<hbm>>, %arg5: memref<2x10240x128xf32, #tpu.memory_space<hbm>>, %arg6: memref<40x128xi32, #tpu.memory_space<vmem>>, %arg7: memref<40x128xi32, #tpu.memory_space<vmem>>, %arg8: memref<128x128xf32, #tpu.memory_space<vmem>>, %arg9: memref<128x128xf32, #tpu.memory_space<vmem>>, %arg10: memref<10240x128xf32, #tpu.memory_space<vmem_shared>>, %arg11: memref<!tpu.dma_semaphore, #tpu.memory_space<semaphore_mem>>, %arg12: memref<!tpu.dma_semaphore, #tpu.memory_space<semaphore_mem>>, %arg13: memref<!tpu.dma_semaphore, #tpu.memory_space<semaphore_mem>>, %arg14: memref<!tpu.dma_semaphore, #tpu.memory_space<semaphore_mem>>) attributes {dimension_semantics = [#tpu.dimension_semantics<core_parallel>, #tpu.dimension_semantics<subcore_parallel>], iteration_bounds = array<i64: 2, 16>, scalar_prefetch = 0 : i64, scratch_operands = 9 : i64, tpu.core_type = #tpu.core_type<sc_vector_subcore>, window_params = [{transform_indices = #map}, {transform_indices = #map1}, {transform_indices = #map}, {transform_indices = #map1}]} {
    %mul3A = arith.constant 16 : i32
    %mul3A_0 = arith.muli %arg0, %mul3A : i32
    %add3A = arith.addi %mul3A_0, %arg1 : i32
    %mul3A_1 = arith.constant 640 : i32
    %mul3A_2 = arith.muli %arg1, %mul3A_1 : i32
    "tpu.region"() ({
      %run_scoped3A = tpu.sem_alloc : memref<!tpu.dma_semaphore, #tpu.memory_space<semaphore_mem>>
      %dma_start3A = arith.constant 0 : i32
      %dma_start3A_103 = tpu.memref_slice %arg10[%mul3A_2, %dma_start3A] : memref<10240x128xf32, #tpu.memory_space<vmem_shared>> -> memref<640x128xf32, #tpu.memory_space<vmem_shared>>
      %dma_start3A_104 = arith.constant 0 : i32
      %dma_start3A_105 = tpu.memref_slice %arg4[%mul3A_2, %dma_start3A_104] : memref<10240x128xf32, #tpu.memory_space<hbm>> -> memref<640x128xf32, #tpu.memory_space<hbm>>
      tpu.enqueue_dma source(%dma_start3A_105 : memref<640x128xf32, #tpu.memory_space<hbm>>) target(%dma_start3A_103 : memref<640x128xf32, #tpu.memory_space<vmem_shared>>) target_semaphore(%run_scoped3A : memref<!tpu.dma_semaphore, #tpu.memory_space<semaphore_mem>>)
      %dma_wait3A = arith.constant 0 : i32
      %dma_wait3A_106 = tpu.memref_slice %arg10[%mul3A_2, %dma_wait3A] : memref<10240x128xf32, #tpu.memory_space<vmem_shared>> -> memref<640x128xf32, #tpu.memory_space<vmem_shared>>
      %dma_wait3A_107 = arith.constant 0 : i32
      %dma_wait3A_108 = tpu.memref_slice %arg4[%mul3A_2, %dma_wait3A_107] : memref<10240x128xf32, #tpu.memory_space<hbm>> -> memref<640x128xf32, #tpu.memory_space<hbm>>
      tpu.wait_dma2 semaphore(%run_scoped3A : memref<!tpu.dma_semaphore, #tpu.memory_space<semaphore_mem>>) src(%dma_wait3A_108 : memref<640x128xf32, #tpu.memory_space<hbm>>) dst(%dma_wait3A_106 : memref<640x128xf32, #tpu.memory_space<vmem_shared>>)
      tpu.yield
    }) : () -> ()
    %barrier3A = arith.constant 0 : index
    tpu.barrier barrier_id(%barrier3A)
    %lt3A = arith.constant 31 : i32
    %lt3A_3 = arith.cmpi slt, %add3A, %lt3A : i32
    %convert_element_type3A = arith.extui %lt3A_3 : i1 to i32
    %cond3A = arith.constant 0 : i32
    %cond3A_4 = arith.cmpi ne, %convert_element_type3A, %cond3A : i32
    scf.if %cond3A_4 {
      %mul3A_103 = arith.constant 2 : i32
      %mul3A_104 = arith.muli %add3A, %mul3A_103 : i32
      %add3A_105 = arith.constant 0 : i32
      %add3A_106 = arith.addi %mul3A_104, %add3A_105 : i32
      %mul3A_107 = arith.constant 40 : i32
      %mul3A_108 = arith.muli %add3A_106, %mul3A_107 : i32
      %run_scoped3A = arith.constant 0 : i32
      "tpu.region"() ({
        %run_scoped3A_110 = tpu.sem_alloc : memref<!tpu.dma_semaphore, #tpu.memory_space<semaphore_mem>>
        %dma_start3A = arith.constant 0 : i32
        %dma_start3A_111 = tpu.memref_slice %arg3[%run_scoped3A, %mul3A_108, %dma_start3A] : memref<2x2500x128xi32, #tpu.memory_space<hbm>> -> memref<1x40x128xi32, #tpu.memory_space<hbm>>
        %dma_start3A_112 = tpu.memref_squeeze %dma_start3A_111 : memref<1x40x128xi32, #tpu.memory_space<hbm>> -> memref<40x128xi32, #tpu.memory_space<hbm>>
        %dma_start3A_113 = arith.constant 0 : i32
        %dma_start3A_114 = tpu.memref_slice %arg3[%run_scoped3A, %mul3A_108, %dma_start3A_113] : memref<2x2500x128xi32, #tpu.memory_space<hbm>> -> memref<1x40x128xi32, #tpu.memory_space<hbm>>
        %dma_start3A_115 = tpu.memref_squeeze %dma_start3A_114 : memref<1x40x128xi32, #tpu.memory_space<hbm>> -> memref<40x128xi32, #tpu.memory_space<hbm>>
        tpu.enqueue_dma source(%dma_start3A_115 : memref<40x128xi32, #tpu.memory_space<hbm>>) target(%arg6 : memref<40x128xi32, #tpu.memory_space<vmem>>) target_semaphore(%run_scoped3A_110 : memref<!tpu.dma_semaphore, #tpu.memory_space<semaphore_mem>>)
        %dma_wait3A = arith.constant 0 : i32
        %dma_wait3A_116 = tpu.memref_slice %arg3[%run_scoped3A, %mul3A_108, %dma_wait3A] : memref<2x2500x128xi32, #tpu.memory_space<hbm>> -> memref<1x40x128xi32, #tpu.memory_space<hbm>>
        %dma_wait3A_117 = tpu.memref_squeeze %dma_wait3A_116 : memref<1x40x128xi32, #tpu.memory_space<hbm>> -> memref<40x128xi32, #tpu.memory_space<hbm>>
        %dma_wait3A_118 = arith.constant 0 : i32
        %dma_wait3A_119 = tpu.memref_slice %arg3[%run_scoped3A, %mul3A_108, %dma_wait3A_118] : memref<2x2500x128xi32, #tpu.memory_space<hbm>> -> memref<1x40x128xi32, #tpu.memory_space<hbm>>
        %dma_wait3A_120 = tpu.memref_squeeze %dma_wait3A_119 : memref<1x40x128xi32, #tpu.memory_space<hbm>> -> memref<40x128xi32, #tpu.memory_space<hbm>>
        tpu.wait_dma2 semaphore(%run_scoped3A_110 : memref<!tpu.dma_semaphore, #tpu.memory_space<semaphore_mem>>) src(%dma_wait3A_120 : memref<40x128xi32, #tpu.memory_space<hbm>>) dst(%arg6 : memref<40x128xi32, #tpu.memory_space<vmem>>)
        tpu.yield
      }) : () -> ()
      %run_scoped3A_109 = arith.constant 1 : i32
      "tpu.region"() ({
        %run_scoped3A_110 = tpu.sem_alloc : memref<!tpu.dma_semaphore, #tpu.memory_space<semaphore_mem>>
        %dma_start3A = arith.constant 0 : i32
        %dma_start3A_111 = tpu.memref_slice %arg3[%run_scoped3A_109, %mul3A_108, %dma_start3A] : memref<2x2500x128xi32, #tpu.memory_space<hbm>> -> memref<1x40x128xi32, #tpu.memory_space<hbm>>
        %dma_start3A_112 = tpu.memref_squeeze %dma_start3A_111 : memref<1x40x128xi32, #tpu.memory_space<hbm>> -> memref<40x128xi32, #tpu.memory_space<hbm>>
        %dma_start3A_113 = arith.constant 0 : i32
        %dma_start3A_114 = tpu.memref_slice %arg3[%run_scoped3A_109, %mul3A_108, %dma_start3A_113] : memref<2x2500x128xi32, #tpu.memory_space<hbm>> -> memref<1x40x128xi32, #tpu.memory_space<hbm>>
        %dma_start3A_115 = tpu.memref_squeeze %dma_start3A_114 : memref<1x40x128xi32, #tpu.memory_space<hbm>> -> memref<40x128xi32, #tpu.memory_space<hbm>>
        tpu.enqueue_dma source(%dma_start3A_115 : memref<40x128xi32, #tpu.memory_space<hbm>>) target(%arg7 : memref<40x128xi32, #tpu.memory_space<vmem>>) target_semaphore(%run_scoped3A_110 : memref<!tpu.dma_semaphore, #tpu.memory_space<semaphore_mem>>)
        %dma_wait3A = arith.constant 0 : i32
        %dma_wait3A_116 = tpu.memref_slice %arg3[%run_scoped3A_109, %mul3A_108, %dma_wait3A] : memref<2x2500x128xi32, #tpu.memory_space<hbm>> -> memref<1x40x128xi32, #tpu.memory_space<hbm>>
        %dma_wait3A_117 = tpu.memref_squeeze %dma_wait3A_116 : memref<1x40x128xi32, #tpu.memory_space<hbm>> -> memref<40x128xi32, #tpu.memory_space<hbm>>
        %dma_wait3A_118 = arith.constant 0 : i32
        %dma_wait3A_119 = tpu.memref_slice %arg3[%run_scoped3A_109, %mul3A_108, %dma_wait3A_118] : memref<2x2500x128xi32, #tpu.memory_space<hbm>> -> memref<1x40x128xi32, #tpu.memory_space<hbm>>
        %dma_wait3A_120 = tpu.memref_squeeze %dma_wait3A_119 : memref<1x40x128xi32, #tpu.memory_space<hbm>> -> memref<40x128xi32, #tpu.memory_space<hbm>>
        tpu.wait_dma2 semaphore(%run_scoped3A_110 : memref<!tpu.dma_semaphore, #tpu.memory_space<semaphore_mem>>) src(%dma_wait3A_120 : memref<40x128xi32, #tpu.memory_space<hbm>>) dst(%arg7 : memref<40x128xi32, #tpu.memory_space<vmem>>)
        tpu.yield
      }) : () -> ()
    } else {
    }
    %eq3A = arith.constant 31 : i32
    %eq3A_5 = arith.cmpi eq, %add3A, %eq3A : i32
    %convert_element_type3A_6 = arith.extui %eq3A_5 : i1 to i32
    %cond3A_7 = arith.constant 0 : i32
    %cond3A_8 = arith.cmpi ne, %convert_element_type3A_6, %cond3A_7 : i32
    scf.if %cond3A_8 {
      %run_scoped3A = arith.constant 0 : i32
      "tpu.region"() ({
        %run_scoped3A_104 = tpu.sem_alloc : memref<!tpu.dma_semaphore, #tpu.memory_space<semaphore_mem>>
        %dma_start3A = arith.constant 0 : i32
        %dma_start3A_105 = arith.constant 0 : i32
        %dma_start3A_106 = tpu.memref_slice %arg6[%dma_start3A, %dma_start3A_105] : memref<40x128xi32, #tpu.memory_space<vmem>> -> memref<20x128xi32, #tpu.memory_space<vmem>>
        %dma_start3A_107 = arith.constant 2480 : i32
        %dma_start3A_108 = arith.constant 0 : i32
        %dma_start3A_109 = tpu.memref_slice %arg3[%run_scoped3A, %dma_start3A_107, %dma_start3A_108] : memref<2x2500x128xi32, #tpu.memory_space<hbm>> -> memref<1x20x128xi32, #tpu.memory_space<hbm>>
        %dma_start3A_110 = tpu.memref_squeeze %dma_start3A_109 : memref<1x20x128xi32, #tpu.memory_space<hbm>> -> memref<20x128xi32, #tpu.memory_space<hbm>>
        %dma_start3A_111 = arith.constant 0 : i32
        %dma_start3A_112 = arith.constant 0 : i32
        %dma_start3A_113 = tpu.memref_slice %arg6[%dma_start3A_111, %dma_start3A_112] : memref<40x128xi32, #tpu.memory_space<vmem>> -> memref<20x128xi32, #tpu.memory_space<vmem>>
        %dma_start3A_114 = arith.constant 2480 : i32
        %dma_start3A_115 = arith.constant 0 : i32
        %dma_start3A_116 = tpu.memref_slice %arg3[%run_scoped3A, %dma_start3A_114, %dma_start3A_115] : memref<2x2500x128xi32, #tpu.memory_space<hbm>> -> memref<1x20x128xi32, #tpu.memory_space<hbm>>
        %dma_start3A_117 = tpu.memref_squeeze %dma_start3A_116 : memref<1x20x128xi32, #tpu.memory_space<hbm>> -> memref<20x128xi32, #tpu.memory_space<hbm>>
        tpu.enqueue_dma source(%dma_start3A_117 : memref<20x128xi32, #tpu.memory_space<hbm>>) target(%dma_start3A_113 : memref<20x128xi32, #tpu.memory_space<vmem>>) target_semaphore(%run_scoped3A_104 : memref<!tpu.dma_semaphore, #tpu.memory_space<semaphore_mem>>)
        %dma_wait3A = arith.constant 0 : i32
        %dma_wait3A_118 = arith.constant 0 : i32
        %dma_wait3A_119 = tpu.memref_slice %arg6[%dma_wait3A, %dma_wait3A_118] : memref<40x128xi32, #tpu.memory_space<vmem>> -> memref<20x128xi32, #tpu.memory_space<vmem>>
        %dma_wait3A_120 = arith.constant 2480 : i32
        %dma_wait3A_121 = arith.constant 0 : i32
        %dma_wait3A_122 = tpu.memref_slice %arg3[%run_scoped3A, %dma_wait3A_120, %dma_wait3A_121] : memref<2x2500x128xi32, #tpu.memory_space<hbm>> -> memref<1x20x128xi32, #tpu.memory_space<hbm>>
        %dma_wait3A_123 = tpu.memref_squeeze %dma_wait3A_122 : memref<1x20x128xi32, #tpu.memory_space<hbm>> -> memref<20x128xi32, #tpu.memory_space<hbm>>
        %dma_wait3A_124 = arith.constant 0 : i32
        %dma_wait3A_125 = arith.constant 0 : i32
        %dma_wait3A_126 = tpu.memref_slice %arg6[%dma_wait3A_124, %dma_wait3A_125] : memref<40x128xi32, #tpu.memory_space<vmem>> -> memref<20x128xi32, #tpu.memory_space<vmem>>
        %dma_wait3A_127 = arith.constant 2480 : i32
        %dma_wait3A_128 = arith.constant 0 : i32
        %dma_wait3A_129 = tpu.memref_slice %arg3[%run_scoped3A, %dma_wait3A_127, %dma_wait3A_128] : memref<2x2500x128xi32, #tpu.memory_space<hbm>> -> memref<1x20x128xi32, #tpu.memory_space<hbm>>
        %dma_wait3A_130 = tpu.memref_squeeze %dma_wait3A_129 : memref<1x20x128xi32, #tpu.memory_space<hbm>> -> memref<20x128xi32, #tpu.memory_space<hbm>>
        tpu.wait_dma2 semaphore(%run_scoped3A_104 : memref<!tpu.dma_semaphore, #tpu.memory_space<semaphore_mem>>) src(%dma_wait3A_130 : memref<20x128xi32, #tpu.memory_space<hbm>>) dst(%dma_wait3A_126 : memref<20x128xi32, #tpu.memory_space<vmem>>)
        tpu.yield
      }) : () -> ()
      %run_scoped3A_103 = arith.constant 1 : i32
      "tpu.region"() ({
        %run_scoped3A_104 = tpu.sem_alloc : memref<!tpu.dma_semaphore, #tpu.memory_space<semaphore_mem>>
        %dma_start3A = arith.constant 0 : i32
        %dma_start3A_105 = arith.constant 0 : i32
        %dma_start3A_106 = tpu.memref_slice %arg7[%dma_start3A, %dma_start3A_105] : memref<40x128xi32, #tpu.memory_space<vmem>> -> memref<20x128xi32, #tpu.memory_space<vmem>>
        %dma_start3A_107 = arith.constant 2480 : i32
        %dma_start3A_108 = arith.constant 0 : i32
        %dma_start3A_109 = tpu.memref_slice %arg3[%run_scoped3A_103, %dma_start3A_107, %dma_start3A_108] : memref<2x2500x128xi32, #tpu.memory_space<hbm>> -> memref<1x20x128xi32, #tpu.memory_space<hbm>>
        %dma_start3A_110 = tpu.memref_squeeze %dma_start3A_109 : memref<1x20x128xi32, #tpu.memory_space<hbm>> -> memref<20x128xi32, #tpu.memory_space<hbm>>
        %dma_start3A_111 = arith.constant 0 : i32
        %dma_start3A_112 = arith.constant 0 : i32
        %dma_start3A_113 = tpu.memref_slice %arg7[%dma_start3A_111, %dma_start3A_112] : memref<40x128xi32, #tpu.memory_space<vmem>> -> memref<20x128xi32, #tpu.memory_space<vmem>>
        %dma_start3A_114 = arith.constant 2480 : i32
        %dma_start3A_115 = arith.constant 0 : i32
        %dma_start3A_116 = tpu.memref_slice %arg3[%run_scoped3A_103, %dma_start3A_114, %dma_start3A_115] : memref<2x2500x128xi32, #tpu.memory_space<hbm>> -> memref<1x20x128xi32, #tpu.memory_space<hbm>>
        %dma_start3A_117 = tpu.memref_squeeze %dma_start3A_116 : memref<1x20x128xi32, #tpu.memory_space<hbm>> -> memref<20x128xi32, #tpu.memory_space<hbm>>
        tpu.enqueue_dma source(%dma_start3A_117 : memref<20x128xi32, #tpu.memory_space<hbm>>) target(%dma_start3A_113 : memref<20x128xi32, #tpu.memory_space<vmem>>) target_semaphore(%run_scoped3A_104 : memref<!tpu.dma_semaphore, #tpu.memory_space<semaphore_mem>>)
        %dma_wait3A = arith.constant 0 : i32
        %dma_wait3A_118 = arith.constant 0 : i32
        %dma_wait3A_119 = tpu.memref_slice %arg7[%dma_wait3A, %dma_wait3A_118] : memref<40x128xi32, #tpu.memory_space<vmem>> -> memref<20x128xi32, #tpu.memory_space<vmem>>
        %dma_wait3A_120 = arith.constant 2480 : i32
        %dma_wait3A_121 = arith.constant 0 : i32
        %dma_wait3A_122 = tpu.memref_slice %arg3[%run_scoped3A_103, %dma_wait3A_120, %dma_wait3A_121] : memref<2x2500x128xi32, #tpu.memory_space<hbm>> -> memref<1x20x128xi32, #tpu.memory_space<hbm>>
        %dma_wait3A_123 = tpu.memref_squeeze %dma_wait3A_122 : memref<1x20x128xi32, #tpu.memory_space<hbm>> -> memref<20x128xi32, #tpu.memory_space<hbm>>
        %dma_wait3A_124 = arith.constant 0 : i32
        %dma_wait3A_125 = arith.constant 0 : i32
        %dma_wait3A_126 = tpu.memref_slice %arg7[%dma_wait3A_124, %dma_wait3A_125] : memref<40x128xi32, #tpu.memory_space<vmem>> -> memref<20x128xi32, #tpu.memory_space<vmem>>
        %dma_wait3A_127 = arith.constant 2480 : i32
        %dma_wait3A_128 = arith.constant 0 : i32
        %dma_wait3A_129 = tpu.memref_slice %arg3[%run_scoped3A_103, %dma_wait3A_127, %dma_wait3A_128] : memref<2x2500x128xi32, #tpu.memory_space<hbm>> -> memref<1x20x128xi32, #tpu.memory_space<hbm>>
        %dma_wait3A_130 = tpu.memref_squeeze %dma_wait3A_129 : memref<1x20x128xi32, #tpu.memory_space<hbm>> -> memref<20x128xi32, #tpu.memory_space<hbm>>
        tpu.wait_dma2 semaphore(%run_scoped3A_104 : memref<!tpu.dma_semaphore, #tpu.memory_space<semaphore_mem>>) src(%dma_wait3A_130 : memref<20x128xi32, #tpu.memory_space<hbm>>) dst(%dma_wait3A_126 : memref<20x128xi32, #tpu.memory_space<vmem>>)
        tpu.yield
      }) : () -> ()
    } else {
    }
    %lt3A_9 = arith.constant 31 : i32
    %lt3A_10 = arith.cmpi slt, %add3A, %lt3A_9 : i32
    %jit3A = arith.constant 40 : i32
    %jit3A_11 = arith.constant 20 : i32
    %select_n3A = arith.select %lt3A_10, %jit3A, %jit3A_11 : i32
    %jit3A_12 = arith.constant 2 : i32
    %div3A = arith.divsi %select_n3A, %jit3A_12 : i32
    %sign3A = arith.constant 0 : i32
    %sign3A_13 = arith.cmpi sgt, %select_n3A, %sign3A : i32
    %sign3A_14 = arith.extui %sign3A_13 : i1 to i32
    %sign3A_15 = arith.constant 0 : i32
    %sign3A_16 = arith.cmpi slt, %select_n3A, %sign3A_15 : i32
    %sign3A_17 = arith.extui %sign3A_16 : i1 to i32
    %sign3A_18 = arith.subi %sign3A_14, %sign3A_17 : i32
    %sign3A_19 = arith.constant 0 : i32
    %sign3A_20 = arith.cmpi sgt, %jit3A_12, %sign3A_19 : i32
    %sign3A_21 = arith.extui %sign3A_20 : i1 to i32
    %sign3A_22 = arith.constant 0 : i32
    %sign3A_23 = arith.cmpi slt, %jit3A_12, %sign3A_22 : i32
    %sign3A_24 = arith.extui %sign3A_23 : i1 to i32
    %sign3A_25 = arith.subi %sign3A_21, %sign3A_24 : i32
    %ne3A = arith.cmpi ne, %sign3A_18, %sign3A_25 : i32
    %rem3A = arith.remsi %select_n3A, %jit3A_12 : i32
    %ne3A_26 = arith.constant 0 : i32
    %ne3A_27 = arith.cmpi ne, %rem3A, %ne3A_26 : i32
    %and3A = arith.andi %ne3A, %ne3A_27 : i1
    %sub3A = arith.constant 1 : i32
    %sub3A_28 = arith.subi %div3A, %sub3A : i32
    %select_n3A_29 = arith.select %and3A, %sub3A_28, %div3A : i32
    %gt3A = arith.constant 0 : i32
    %gt3A_30 = arith.cmpi sgt, %select_n3A_29, %gt3A : i32
    %convert_element_type3A_31 = arith.extui %gt3A_30 : i1 to i32
    %cond3A_32 = arith.constant 0 : i32
    %cond3A_33 = arith.cmpi ne, %convert_element_type3A_31, %cond3A_32 : i32
    scf.if %cond3A_33 {
      %dma_start3A = arith.constant 0 : i32
      %dma_start3A_103 = arith.constant 0 : i32
      %dma_start3A_104 = tpu.memref_slice %arg6[%dma_start3A, %dma_start3A_103] : memref<40x128xi32, #tpu.memory_space<vmem>> -> memref<1x128xi32, #tpu.memory_space<vmem>>
      %dma_start3A_105 = tpu.memref_squeeze %dma_start3A_104 : memref<1x128xi32, #tpu.memory_space<vmem>> -> memref<128xi32, #tpu.memory_space<vmem>>
      %dma_start3A_106 = arith.constant 0 : i32
      %dma_start3A_107 = arith.constant 0 : i32
      %dma_start3A_108 = tpu.memref_slice %arg2[%dma_start3A_106, %dma_start3A_107] : memref<10240x128xf32, #tpu.memory_space<hbm>> -> memref<10240x128xf32, #tpu.memory_space<hbm>>
      tpu.enqueue_indirect_dma source(%dma_start3A_108 : memref<10240x128xf32, #tpu.memory_space<hbm>>) target(%arg8 : memref<128x128xf32, #tpu.memory_space<vmem>>) offsets(%dma_start3A_105 : memref<128xi32, #tpu.memory_space<vmem>>) semaphore(%arg11 : memref<!tpu.dma_semaphore, #tpu.memory_space<semaphore_mem>>)
    } else {
    }
    %while3A = arith.constant 0 : i32
    %while3A_34 = arith.constant 0 : i32
    %while3A_35 = arith.subi %select_n3A_29, %while3A_34 : i32
    %while3A_36 = arith.addi %while3A_34, %while3A_35 : i32
    %while3A_37 = arith.constant 1 : i32
    %while3A_38 = arith.divsi %while3A_35, %while3A_37 : i32
    %while3A_39 = arith.muli %while3A_38, %while3A_37 : i32
    %while3A_40 = arith.addi %while3A_34, %while3A_39 : i32
    %while3A_41 = arith.constant 1 : i32
    scf.for %while3A_103 = %while3A_34 to %while3A_40 step %while3A_41  : i32 {
      %mul3A_104 = arith.constant 2 : i32
      %mul3A_105 = arith.muli %while3A_103, %mul3A_104 : i32
      %add3A_106 = arith.constant 1 : i32
      %add3A_107 = arith.addi %mul3A_105, %add3A_106 : i32
      %gt3A_108 = arith.constant 0 : i32
      %gt3A_109 = arith.cmpi sgt, %while3A_103, %gt3A_108 : i32
      %convert_element_type3A_110 = arith.extui %gt3A_109 : i1 to i32
      %cond3A_111 = arith.constant 0 : i32
      %cond3A_112 = arith.cmpi ne, %convert_element_type3A_110, %cond3A_111 : i32
      scf.if %cond3A_112 {
        %sub3A_153 = arith.constant 1 : i32
        %sub3A_154 = arith.subi %mul3A_105, %sub3A_153 : i32
        %dma_wait3A_155 = arith.constant 0 : i32
        %dma_wait3A_156 = tpu.memref_slice %arg7[%sub3A_154, %dma_wait3A_155] : memref<40x128xi32, #tpu.memory_space<vmem>> -> memref<1x128xi32, #tpu.memory_space<vmem>>
        %dma_wait3A_157 = tpu.memref_squeeze %dma_wait3A_156 : memref<1x128xi32, #tpu.memory_space<vmem>> -> memref<128xi32, #tpu.memory_space<vmem>>
        %dma_wait3A_158 = arith.constant 0 : i32
        %dma_wait3A_159 = arith.constant 0 : i32
        %dma_wait3A_160 = tpu.memref_slice %arg10[%dma_wait3A_158, %dma_wait3A_159] : memref<10240x128xf32, #tpu.memory_space<vmem_shared>> -> memref<10240x128xf32, #tpu.memory_space<vmem_shared>>
        tpu.wait_indirect_dma semaphore(%arg14 : memref<!tpu.dma_semaphore, #tpu.memory_space<semaphore_mem>>) src(%arg9 : memref<128x128xf32, #tpu.memory_space<vmem>>) dst(%dma_wait3A_160 : memref<10240x128xf32, #tpu.memory_space<vmem_shared>>)
      } else {
      }
      %dma_start3A = arith.constant 0 : i32
      %dma_start3A_113 = tpu.memref_slice %arg6[%add3A_107, %dma_start3A] : memref<40x128xi32, #tpu.memory_space<vmem>> -> memref<1x128xi32, #tpu.memory_space<vmem>>
      %dma_start3A_114 = tpu.memref_squeeze %dma_start3A_113 : memref<1x128xi32, #tpu.memory_space<vmem>> -> memref<128xi32, #tpu.memory_space<vmem>>
      %dma_start3A_115 = arith.constant 0 : i32
      %dma_start3A_116 = arith.constant 0 : i32
      %dma_start3A_117 = tpu.memref_slice %arg2[%dma_start3A_115, %dma_start3A_116] : memref<10240x128xf32, #tpu.memory_space<hbm>> -> memref<10240x128xf32, #tpu.memory_space<hbm>>
      tpu.enqueue_indirect_dma source(%dma_start3A_117 : memref<10240x128xf32, #tpu.memory_space<hbm>>) target(%arg9 : memref<128x128xf32, #tpu.memory_space<vmem>>) offsets(%dma_start3A_114 : memref<128xi32, #tpu.memory_space<vmem>>) semaphore(%arg12 : memref<!tpu.dma_semaphore, #tpu.memory_space<semaphore_mem>>)
      %dma_wait3A = arith.constant 0 : i32
      %dma_wait3A_118 = tpu.memref_slice %arg6[%mul3A_105, %dma_wait3A] : memref<40x128xi32, #tpu.memory_space<vmem>> -> memref<1x128xi32, #tpu.memory_space<vmem>>
      %dma_wait3A_119 = tpu.memref_squeeze %dma_wait3A_118 : memref<1x128xi32, #tpu.memory_space<vmem>> -> memref<128xi32, #tpu.memory_space<vmem>>
      %dma_wait3A_120 = arith.constant 0 : i32
      %dma_wait3A_121 = arith.constant 0 : i32
      %dma_wait3A_122 = tpu.memref_slice %arg2[%dma_wait3A_120, %dma_wait3A_121] : memref<10240x128xf32, #tpu.memory_space<hbm>> -> memref<10240x128xf32, #tpu.memory_space<hbm>>
      tpu.wait_indirect_dma semaphore(%arg11 : memref<!tpu.dma_semaphore, #tpu.memory_space<semaphore_mem>>) src(%dma_wait3A_122 : memref<10240x128xf32, #tpu.memory_space<hbm>>) dst(%arg8 : memref<128x128xf32, #tpu.memory_space<vmem>>)
      %dma_start3A_123 = arith.constant 0 : i32
      %dma_start3A_124 = tpu.memref_slice %arg7[%mul3A_105, %dma_start3A_123] : memref<40x128xi32, #tpu.memory_space<vmem>> -> memref<1x128xi32, #tpu.memory_space<vmem>>
      %dma_start3A_125 = tpu.memref_squeeze %dma_start3A_124 : memref<1x128xi32, #tpu.memory_space<vmem>> -> memref<128xi32, #tpu.memory_space<vmem>>
      %dma_start3A_126 = arith.constant 0 : i32
      %dma_start3A_127 = arith.constant 0 : i32
      %dma_start3A_128 = tpu.memref_slice %arg10[%dma_start3A_126, %dma_start3A_127] : memref<10240x128xf32, #tpu.memory_space<vmem_shared>> -> memref<10240x128xf32, #tpu.memory_space<vmem_shared>>
      tpu.enqueue_indirect_dma source(%arg8 : memref<128x128xf32, #tpu.memory_space<vmem>>) target(%dma_start3A_128 : memref<10240x128xf32, #tpu.memory_space<vmem_shared>>) offsets(%dma_start3A_125 : memref<128xi32, #tpu.memory_space<vmem>>) semaphore(%arg13 : memref<!tpu.dma_semaphore, #tpu.memory_space<semaphore_mem>>) {add = true}
      %dma_wait3A_129 = arith.constant 0 : i32
      %dma_wait3A_130 = tpu.memref_slice %arg7[%mul3A_105, %dma_wait3A_129] : memref<40x128xi32, #tpu.memory_space<vmem>> -> memref<1x128xi32, #tpu.memory_space<vmem>>
      %dma_wait3A_131 = tpu.memref_squeeze %dma_wait3A_130 : memref<1x128xi32, #tpu.memory_space<vmem>> -> memref<128xi32, #tpu.memory_space<vmem>>
      %dma_wait3A_132 = arith.constant 0 : i32
      %dma_wait3A_133 = arith.constant 0 : i32
      %dma_wait3A_134 = tpu.memref_slice %arg10[%dma_wait3A_132, %dma_wait3A_133] : memref<10240x128xf32, #tpu.memory_space<vmem_shared>> -> memref<10240x128xf32, #tpu.memory_space<vmem_shared>>
      tpu.wait_indirect_dma semaphore(%arg13 : memref<!tpu.dma_semaphore, #tpu.memory_space<semaphore_mem>>) src(%arg8 : memref<128x128xf32, #tpu.memory_space<vmem>>) dst(%dma_wait3A_134 : memref<10240x128xf32, #tpu.memory_space<vmem_shared>>)
      %sub3A_135 = arith.constant 1 : i32
      %sub3A_136 = arith.subi %select_n3A_29, %sub3A_135 : i32
      %lt3A_137 = arith.cmpi slt, %while3A_103, %sub3A_136 : i32
      %convert_element_type3A_138 = arith.extui %lt3A_137 : i1 to i32
      %cond3A_139 = arith.constant 0 : i32
      %cond3A_140 = arith.cmpi ne, %convert_element_type3A_138, %cond3A_139 : i32
      scf.if %cond3A_140 {
        %add3A_153 = arith.constant 2 : i32
        %add3A_154 = arith.addi %mul3A_105, %add3A_153 : i32
        %dma_start3A_155 = arith.constant 0 : i32
        %dma_start3A_156 = tpu.memref_slice %arg6[%add3A_154, %dma_start3A_155] : memref<40x128xi32, #tpu.memory_space<vmem>> -> memref<1x128xi32, #tpu.memory_space<vmem>>
        %dma_start3A_157 = tpu.memref_squeeze %dma_start3A_156 : memref<1x128xi32, #tpu.memory_space<vmem>> -> memref<128xi32, #tpu.memory_space<vmem>>
        %dma_start3A_158 = arith.constant 0 : i32
        %dma_start3A_159 = arith.constant 0 : i32
        %dma_start3A_160 = tpu.memref_slice %arg2[%dma_start3A_158, %dma_start3A_159] : memref<10240x128xf32, #tpu.memory_space<hbm>> -> memref<10240x128xf32, #tpu.memory_space<hbm>>
        tpu.enqueue_indirect_dma source(%dma_start3A_160 : memref<10240x128xf32, #tpu.memory_space<hbm>>) target(%arg8 : memref<128x128xf32, #tpu.memory_space<vmem>>) offsets(%dma_start3A_157 : memref<128xi32, #tpu.memory_space<vmem>>) semaphore(%arg11 : memref<!tpu.dma_semaphore, #tpu.memory_space<semaphore_mem>>)
      } else {
      }
      %dma_wait3A_141 = arith.constant 0 : i32
      %dma_wait3A_142 = tpu.memref_slice %arg6[%add3A_107, %dma_wait3A_141] : memref<40x128xi32, #tpu.memory_space<vmem>> -> memref<1x128xi32, #tpu.memory_space<vmem>>
      %dma_wait3A_143 = tpu.memref_squeeze %dma_wait3A_142 : memref<1x128xi32, #tpu.memory_space<vmem>> -> memref<128xi32, #tpu.memory_space<vmem>>
      %dma_wait3A_144 = arith.constant 0 : i32
      %dma_wait3A_145 = arith.constant 0 : i32
      %dma_wait3A_146 = tpu.memref_slice %arg2[%dma_wait3A_144, %dma_wait3A_145] : memref<10240x128xf32, #tpu.memory_space<hbm>> -> memref<10240x128xf32, #tpu.memory_space<hbm>>
      tpu.wait_indirect_dma semaphore(%arg12 : memref<!tpu.dma_semaphore, #tpu.memory_space<semaphore_mem>>) src(%dma_wait3A_146 : memref<10240x128xf32, #tpu.memory_space<hbm>>) dst(%arg9 : memref<128x128xf32, #tpu.memory_space<vmem>>)
      %dma_start3A_147 = arith.constant 0 : i32
      %dma_start3A_148 = tpu.memref_slice %arg7[%add3A_107, %dma_start3A_147] : memref<40x128xi32, #tpu.memory_space<vmem>> -> memref<1x128xi32, #tpu.memory_space<vmem>>
      %dma_start3A_149 = tpu.memref_squeeze %dma_start3A_148 : memref<1x128xi32, #tpu.memory_space<vmem>> -> memref<128xi32, #tpu.memory_space<vmem>>
      %dma_start3A_150 = arith.constant 0 : i32
      %dma_start3A_151 = arith.constant 0 : i32
      %dma_start3A_152 = tpu.memref_slice %arg10[%dma_start3A_150, %dma_start3A_151] : memref<10240x128xf32, #tpu.memory_space<vmem_shared>> -> memref<10240x128xf32, #tpu.memory_space<vmem_shared>>
      tpu.enqueue_indirect_dma source(%arg9 : memref<128x128xf32, #tpu.memory_space<vmem>>) target(%dma_start3A_152 : memref<10240x128xf32, #tpu.memory_space<vmem_shared>>) offsets(%dma_start3A_149 : memref<128xi32, #tpu.memory_space<vmem>>) semaphore(%arg14 : memref<!tpu.dma_semaphore, #tpu.memory_space<semaphore_mem>>) {add = true}
    }
    %while3A_42 = arith.constant 1 : i32
    scf.for %while3A_103 = %while3A_40 to %while3A_36 step %while3A_42  : i32 {
      %mul3A_104 = arith.constant 2 : i32
      %mul3A_105 = arith.muli %while3A_103, %mul3A_104 : i32
      %add3A_106 = arith.constant 1 : i32
      %add3A_107 = arith.addi %mul3A_105, %add3A_106 : i32
      %gt3A_108 = arith.constant 0 : i32
      %gt3A_109 = arith.cmpi sgt, %while3A_103, %gt3A_108 : i32
      %convert_element_type3A_110 = arith.extui %gt3A_109 : i1 to i32
      %cond3A_111 = arith.constant 0 : i32
      %cond3A_112 = arith.cmpi ne, %convert_element_type3A_110, %cond3A_111 : i32
      scf.if %cond3A_112 {
        %sub3A_153 = arith.constant 1 : i32
        %sub3A_154 = arith.subi %mul3A_105, %sub3A_153 : i32
        %dma_wait3A_155 = arith.constant 0 : i32
        %dma_wait3A_156 = tpu.memref_slice %arg7[%sub3A_154, %dma_wait3A_155] : memref<40x128xi32, #tpu.memory_space<vmem>> -> memref<1x128xi32, #tpu.memory_space<vmem>>
        %dma_wait3A_157 = tpu.memref_squeeze %dma_wait3A_156 : memref<1x128xi32, #tpu.memory_space<vmem>> -> memref<128xi32, #tpu.memory_space<vmem>>
        %dma_wait3A_158 = arith.constant 0 : i32
        %dma_wait3A_159 = arith.constant 0 : i32
        %dma_wait3A_160 = tpu.memref_slice %arg10[%dma_wait3A_158, %dma_wait3A_159] : memref<10240x128xf32, #tpu.memory_space<vmem_shared>> -> memref<10240x128xf32, #tpu.memory_space<vmem_shared>>
        tpu.wait_indirect_dma semaphore(%arg14 : memref<!tpu.dma_semaphore, #tpu.memory_space<semaphore_mem>>) src(%arg9 : memref<128x128xf32, #tpu.memory_space<vmem>>) dst(%dma_wait3A_160 : memref<10240x128xf32, #tpu.memory_space<vmem_shared>>)
      } else {
      }
      %dma_start3A = arith.constant 0 : i32
      %dma_start3A_113 = tpu.memref_slice %arg6[%add3A_107, %dma_start3A] : memref<40x128xi32, #tpu.memory_space<vmem>> -> memref<1x128xi32, #tpu.memory_space<vmem>>
      %dma_start3A_114 = tpu.memref_squeeze %dma_start3A_113 : memref<1x128xi32, #tpu.memory_space<vmem>> -> memref<128xi32, #tpu.memory_space<vmem>>
      %dma_start3A_115 = arith.constant 0 : i32
      %dma_start3A_116 = arith.constant 0 : i32
      %dma_start3A_117 = tpu.memref_slice %arg2[%dma_start3A_115, %dma_start3A_116] : memref<10240x128xf32, #tpu.memory_space<hbm>> -> memref<10240x128xf32, #tpu.memory_space<hbm>>
      tpu.enqueue_indirect_dma source(%dma_start3A_117 : memref<10240x128xf32, #tpu.memory_space<hbm>>) target(%arg9 : memref<128x128xf32, #tpu.memory_space<vmem>>) offsets(%dma_start3A_114 : memref<128xi32, #tpu.memory_space<vmem>>) semaphore(%arg12 : memref<!tpu.dma_semaphore, #tpu.memory_space<semaphore_mem>>)
      %dma_wait3A = arith.constant 0 : i32
      %dma_wait3A_118 = tpu.memref_slice %arg6[%mul3A_105, %dma_wait3A] : memref<40x128xi32, #tpu.memory_space<vmem>> -> memref<1x128xi32, #tpu.memory_space<vmem>>
      %dma_wait3A_119 = tpu.memref_squeeze %dma_wait3A_118 : memref<1x128xi32, #tpu.memory_space<vmem>> -> memref<128xi32, #tpu.memory_space<vmem>>
      %dma_wait3A_120 = arith.constant 0 : i32
      %dma_wait3A_121 = arith.constant 0 : i32
      %dma_wait3A_122 = tpu.memref_slice %arg2[%dma_wait3A_120, %dma_wait3A_121] : memref<10240x128xf32, #tpu.memory_space<hbm>> -> memref<10240x128xf32, #tpu.memory_space<hbm>>
      tpu.wait_indirect_dma semaphore(%arg11 : memref<!tpu.dma_semaphore, #tpu.memory_space<semaphore_mem>>) src(%dma_wait3A_122 : memref<10240x128xf32, #tpu.memory_space<hbm>>) dst(%arg8 : memref<128x128xf32, #tpu.memory_space<vmem>>)
      %dma_start3A_123 = arith.constant 0 : i32
      %dma_start3A_124 = tpu.memref_slice %arg7[%mul3A_105, %dma_start3A_123] : memref<40x128xi32, #tpu.memory_space<vmem>> -> memref<1x128xi32, #tpu.memory_space<vmem>>
      %dma_start3A_125 = tpu.memref_squeeze %dma_start3A_124 : memref<1x128xi32, #tpu.memory_space<vmem>> -> memref<128xi32, #tpu.memory_space<vmem>>
      %dma_start3A_126 = arith.constant 0 : i32
      %dma_start3A_127 = arith.constant 0 : i32
      %dma_start3A_128 = tpu.memref_slice %arg10[%dma_start3A_126, %dma_start3A_127] : memref<10240x128xf32, #tpu.memory_space<vmem_shared>> -> memref<10240x128xf32, #tpu.memory_space<vmem_shared>>
      tpu.enqueue_indirect_dma source(%arg8 : memref<128x128xf32, #tpu.memory_space<vmem>>) target(%dma_start3A_128 : memref<10240x128xf32, #tpu.memory_space<vmem_shared>>) offsets(%dma_start3A_125 : memref<128xi32, #tpu.memory_space<vmem>>) semaphore(%arg13 : memref<!tpu.dma_semaphore, #tpu.memory_space<semaphore_mem>>) {add = true}
      %dma_wait3A_129 = arith.constant 0 : i32
      %dma_wait3A_130 = tpu.memref_slice %arg7[%mul3A_105, %dma_wait3A_129] : memref<40x128xi32, #tpu.memory_space<vmem>> -> memref<1x128xi32, #tpu.memory_space<vmem>>
      %dma_wait3A_131 = tpu.memref_squeeze %dma_wait3A_130 : memref<1x128xi32, #tpu.memory_space<vmem>> -> memref<128xi32, #tpu.memory_space<vmem>>
      %dma_wait3A_132 = arith.constant 0 : i32
      %dma_wait3A_133 = arith.constant 0 : i32
      %dma_wait3A_134 = tpu.memref_slice %arg10[%dma_wait3A_132, %dma_wait3A_133] : memref<10240x128xf32, #tpu.memory_space<vmem_shared>> -> memref<10240x128xf32, #tpu.memory_space<vmem_shared>>
      tpu.wait_indirect_dma semaphore(%arg13 : memref<!tpu.dma_semaphore, #tpu.memory_space<semaphore_mem>>) src(%arg8 : memref<128x128xf32, #tpu.memory_space<vmem>>) dst(%dma_wait3A_134 : memref<10240x128xf32, #tpu.memory_space<vmem_shared>>)
      %sub3A_135 = arith.constant 1 : i32
      %sub3A_136 = arith.subi %select_n3A_29, %sub3A_135 : i32
      %lt3A_137 = arith.cmpi slt, %while3A_103, %sub3A_136 : i32
      %convert_element_type3A_138 = arith.extui %lt3A_137 : i1 to i32
      %cond3A_139 = arith.constant 0 : i32
      %cond3A_140 = arith.cmpi ne, %convert_element_type3A_138, %cond3A_139 : i32
      scf.if %cond3A_140 {
        %add3A_153 = arith.constant 2 : i32
        %add3A_154 = arith.addi %mul3A_105, %add3A_153 : i32
        %dma_start3A_155 = arith.constant 0 : i32
        %dma_start3A_156 = tpu.memref_slice %arg6[%add3A_154, %dma_start3A_155] : memref<40x128xi32, #tpu.memory_space<vmem>> -> memref<1x128xi32, #tpu.memory_space<vmem>>
        %dma_start3A_157 = tpu.memref_squeeze %dma_start3A_156 : memref<1x128xi32, #tpu.memory_space<vmem>> -> memref<128xi32, #tpu.memory_space<vmem>>
        %dma_start3A_158 = arith.constant 0 : i32
        %dma_start3A_159 = arith.constant 0 : i32
        %dma_start3A_160 = tpu.memref_slice %arg2[%dma_start3A_158, %dma_start3A_159] : memref<10240x128xf32, #tpu.memory_space<hbm>> -> memref<10240x128xf32, #tpu.memory_space<hbm>>
        tpu.enqueue_indirect_dma source(%dma_start3A_160 : memref<10240x128xf32, #tpu.memory_space<hbm>>) target(%arg8 : memref<128x128xf32, #tpu.memory_space<vmem>>) offsets(%dma_start3A_157 : memref<128xi32, #tpu.memory_space<vmem>>) semaphore(%arg11 : memref<!tpu.dma_semaphore, #tpu.memory_space<semaphore_mem>>)
      } else {
      }
      %dma_wait3A_141 = arith.constant 0 : i32
      %dma_wait3A_142 = tpu.memref_slice %arg6[%add3A_107, %dma_wait3A_141] : memref<40x128xi32, #tpu.memory_space<vmem>> -> memref<1x128xi32, #tpu.memory_space<vmem>>
      %dma_wait3A_143 = tpu.memref_squeeze %dma_wait3A_142 : memref<1x128xi32, #tpu.memory_space<vmem>> -> memref<128xi32, #tpu.memory_space<vmem>>
      %dma_wait3A_144 = arith.constant 0 : i32
      %dma_wait3A_145 = arith.constant 0 : i32
      %dma_wait3A_146 = tpu.memref_slice %arg2[%dma_wait3A_144, %dma_wait3A_145] : memref<10240x128xf32, #tpu.memory_space<hbm>> -> memref<10240x128xf32, #tpu.memory_space<hbm>>
      tpu.wait_indirect_dma semaphore(%arg12 : memref<!tpu.dma_semaphore, #tpu.memory_space<semaphore_mem>>) src(%dma_wait3A_146 : memref<10240x128xf32, #tpu.memory_space<hbm>>) dst(%arg9 : memref<128x128xf32, #tpu.memory_space<vmem>>)
      %dma_start3A_147 = arith.constant 0 : i32
      %dma_start3A_148 = tpu.memref_slice %arg7[%add3A_107, %dma_start3A_147] : memref<40x128xi32, #tpu.memory_space<vmem>> -> memref<1x128xi32, #tpu.memory_space<vmem>>
      %dma_start3A_149 = tpu.memref_squeeze %dma_start3A_148 : memref<1x128xi32, #tpu.memory_space<vmem>> -> memref<128xi32, #tpu.memory_space<vmem>>
      %dma_start3A_150 = arith.constant 0 : i32
      %dma_start3A_151 = arith.constant 0 : i32
      %dma_start3A_152 = tpu.memref_slice %arg10[%dma_start3A_150, %dma_start3A_151] : memref<10240x128xf32, #tpu.memory_space<vmem_shared>> -> memref<10240x128xf32, #tpu.memory_space<vmem_shared>>
      tpu.enqueue_indirect_dma source(%arg9 : memref<128x128xf32, #tpu.memory_space<vmem>>) target(%dma_start3A_152 : memref<10240x128xf32, #tpu.memory_space<vmem_shared>>) offsets(%dma_start3A_149 : memref<128xi32, #tpu.memory_space<vmem>>) semaphore(%arg14 : memref<!tpu.dma_semaphore, #tpu.memory_space<semaphore_mem>>) {add = true}
    }
    %gt3A_43 = arith.constant 0 : i32
    %gt3A_44 = arith.cmpi sgt, %select_n3A_29, %gt3A_43 : i32
    %convert_element_type3A_45 = arith.extui %gt3A_44 : i1 to i32
    %cond3A_46 = arith.constant 0 : i32
    %cond3A_47 = arith.cmpi ne, %convert_element_type3A_45, %cond3A_46 : i32
    scf.if %cond3A_47 {
      %mul3A_103 = arith.constant 2 : i32
      %mul3A_104 = arith.muli %select_n3A_29, %mul3A_103 : i32
      %sub3A_105 = arith.constant 1 : i32
      %sub3A_106 = arith.subi %mul3A_104, %sub3A_105 : i32
      %dma_wait3A = arith.constant 0 : i32
      %dma_wait3A_107 = tpu.memref_slice %arg7[%sub3A_106, %dma_wait3A] : memref<40x128xi32, #tpu.memory_space<vmem>> -> memref<1x128xi32, #tpu.memory_space<vmem>>
      %dma_wait3A_108 = tpu.memref_squeeze %dma_wait3A_107 : memref<1x128xi32, #tpu.memory_space<vmem>> -> memref<128xi32, #tpu.memory_space<vmem>>
      %dma_wait3A_109 = arith.constant 0 : i32
      %dma_wait3A_110 = arith.constant 0 : i32
      %dma_wait3A_111 = tpu.memref_slice %arg10[%dma_wait3A_109, %dma_wait3A_110] : memref<10240x128xf32, #tpu.memory_space<vmem_shared>> -> memref<10240x128xf32, #tpu.memory_space<vmem_shared>>
      tpu.wait_indirect_dma semaphore(%arg14 : memref<!tpu.dma_semaphore, #tpu.memory_space<semaphore_mem>>) src(%arg9 : memref<128x128xf32, #tpu.memory_space<vmem>>) dst(%dma_wait3A_111 : memref<10240x128xf32, #tpu.memory_space<vmem_shared>>)
    } else {
    }
    %lt3A_48 = arith.constant 31 : i32
    %lt3A_49 = arith.cmpi slt, %add3A, %lt3A_48 : i32
    %convert_element_type3A_50 = arith.extui %lt3A_49 : i1 to i32
    %cond3A_51 = arith.constant 0 : i32
    %cond3A_52 = arith.cmpi ne, %convert_element_type3A_50, %cond3A_51 : i32
    scf.if %cond3A_52 {
      %mul3A_103 = arith.constant 2 : i32
      %mul3A_104 = arith.muli %add3A, %mul3A_103 : i32
      %add3A_105 = arith.constant 1 : i32
      %add3A_106 = arith.addi %mul3A_104, %add3A_105 : i32
      %mul3A_107 = arith.constant 40 : i32
      %mul3A_108 = arith.muli %add3A_106, %mul3A_107 : i32
      %run_scoped3A = arith.constant 0 : i32
      "tpu.region"() ({
        %run_scoped3A_110 = tpu.sem_alloc : memref<!tpu.dma_semaphore, #tpu.memory_space<semaphore_mem>>
        %dma_start3A = arith.constant 0 : i32
        %dma_start3A_111 = tpu.memref_slice %arg3[%run_scoped3A, %mul3A_108, %dma_start3A] : memref<2x2500x128xi32, #tpu.memory_space<hbm>> -> memref<1x40x128xi32, #tpu.memory_space<hbm>>
        %dma_start3A_112 = tpu.memref_squeeze %dma_start3A_111 : memref<1x40x128xi32, #tpu.memory_space<hbm>> -> memref<40x128xi32, #tpu.memory_space<hbm>>
        %dma_start3A_113 = arith.constant 0 : i32
        %dma_start3A_114 = tpu.memref_slice %arg3[%run_scoped3A, %mul3A_108, %dma_start3A_113] : memref<2x2500x128xi32, #tpu.memory_space<hbm>> -> memref<1x40x128xi32, #tpu.memory_space<hbm>>
        %dma_start3A_115 = tpu.memref_squeeze %dma_start3A_114 : memref<1x40x128xi32, #tpu.memory_space<hbm>> -> memref<40x128xi32, #tpu.memory_space<hbm>>
        tpu.enqueue_dma source(%dma_start3A_115 : memref<40x128xi32, #tpu.memory_space<hbm>>) target(%arg6 : memref<40x128xi32, #tpu.memory_space<vmem>>) target_semaphore(%run_scoped3A_110 : memref<!tpu.dma_semaphore, #tpu.memory_space<semaphore_mem>>)
        %dma_wait3A = arith.constant 0 : i32
        %dma_wait3A_116 = tpu.memref_slice %arg3[%run_scoped3A, %mul3A_108, %dma_wait3A] : memref<2x2500x128xi32, #tpu.memory_space<hbm>> -> memref<1x40x128xi32, #tpu.memory_space<hbm>>
        %dma_wait3A_117 = tpu.memref_squeeze %dma_wait3A_116 : memref<1x40x128xi32, #tpu.memory_space<hbm>> -> memref<40x128xi32, #tpu.memory_space<hbm>>
        %dma_wait3A_118 = arith.constant 0 : i32
        %dma_wait3A_119 = tpu.memref_slice %arg3[%run_scoped3A, %mul3A_108, %dma_wait3A_118] : memref<2x2500x128xi32, #tpu.memory_space<hbm>> -> memref<1x40x128xi32, #tpu.memory_space<hbm>>
        %dma_wait3A_120 = tpu.memref_squeeze %dma_wait3A_119 : memref<1x40x128xi32, #tpu.memory_space<hbm>> -> memref<40x128xi32, #tpu.memory_space<hbm>>
        tpu.wait_dma2 semaphore(%run_scoped3A_110 : memref<!tpu.dma_semaphore, #tpu.memory_space<semaphore_mem>>) src(%dma_wait3A_120 : memref<40x128xi32, #tpu.memory_space<hbm>>) dst(%arg6 : memref<40x128xi32, #tpu.memory_space<vmem>>)
        tpu.yield
      }) : () -> ()
      %run_scoped3A_109 = arith.constant 1 : i32
      "tpu.region"() ({
        %run_scoped3A_110 = tpu.sem_alloc : memref<!tpu.dma_semaphore, #tpu.memory_space<semaphore_mem>>
        %dma_start3A = arith.constant 0 : i32
        %dma_start3A_111 = tpu.memref_slice %arg3[%run_scoped3A_109, %mul3A_108, %dma_start3A] : memref<2x2500x128xi32, #tpu.memory_space<hbm>> -> memref<1x40x128xi32, #tpu.memory_space<hbm>>
        %dma_start3A_112 = tpu.memref_squeeze %dma_start3A_111 : memref<1x40x128xi32, #tpu.memory_space<hbm>> -> memref<40x128xi32, #tpu.memory_space<hbm>>
        %dma_start3A_113 = arith.constant 0 : i32
        %dma_start3A_114 = tpu.memref_slice %arg3[%run_scoped3A_109, %mul3A_108, %dma_start3A_113] : memref<2x2500x128xi32, #tpu.memory_space<hbm>> -> memref<1x40x128xi32, #tpu.memory_space<hbm>>
        %dma_start3A_115 = tpu.memref_squeeze %dma_start3A_114 : memref<1x40x128xi32, #tpu.memory_space<hbm>> -> memref<40x128xi32, #tpu.memory_space<hbm>>
        tpu.enqueue_dma source(%dma_start3A_115 : memref<40x128xi32, #tpu.memory_space<hbm>>) target(%arg7 : memref<40x128xi32, #tpu.memory_space<vmem>>) target_semaphore(%run_scoped3A_110 : memref<!tpu.dma_semaphore, #tpu.memory_space<semaphore_mem>>)
        %dma_wait3A = arith.constant 0 : i32
        %dma_wait3A_116 = tpu.memref_slice %arg3[%run_scoped3A_109, %mul3A_108, %dma_wait3A] : memref<2x2500x128xi32, #tpu.memory_space<hbm>> -> memref<1x40x128xi32, #tpu.memory_space<hbm>>
        %dma_wait3A_117 = tpu.memref_squeeze %dma_wait3A_116 : memref<1x40x128xi32, #tpu.memory_space<hbm>> -> memref<40x128xi32, #tpu.memory_space<hbm>>
        %dma_wait3A_118 = arith.constant 0 : i32
        %dma_wait3A_119 = tpu.memref_slice %arg3[%run_scoped3A_109, %mul3A_108, %dma_wait3A_118] : memref<2x2500x128xi32, #tpu.memory_space<hbm>> -> memref<1x40x128xi32, #tpu.memory_space<hbm>>
        %dma_wait3A_120 = tpu.memref_squeeze %dma_wait3A_119 : memref<1x40x128xi32, #tpu.memory_space<hbm>> -> memref<40x128xi32, #tpu.memory_space<hbm>>
        tpu.wait_dma2 semaphore(%run_scoped3A_110 : memref<!tpu.dma_semaphore, #tpu.memory_space<semaphore_mem>>) src(%dma_wait3A_120 : memref<40x128xi32, #tpu.memory_space<hbm>>) dst(%arg7 : memref<40x128xi32, #tpu.memory_space<vmem>>)
        tpu.yield
      }) : () -> ()
    } else {
    }
    %lt3A_53 = arith.constant 31 : i32
    %lt3A_54 = arith.cmpi slt, %add3A, %lt3A_53 : i32
    %jit3A_55 = arith.constant 40 : i32
    %jit3A_56 = arith.constant 0 : i32
    %select_n3A_57 = arith.select %lt3A_54, %jit3A_55, %jit3A_56 : i32
    %jit3A_58 = arith.constant 2 : i32
    %div3A_59 = arith.divsi %select_n3A_57, %jit3A_58 : i32
    %sign3A_60 = arith.constant 0 : i32
    %sign3A_61 = arith.cmpi sgt, %select_n3A_57, %sign3A_60 : i32
    %sign3A_62 = arith.extui %sign3A_61 : i1 to i32
    %sign3A_63 = arith.constant 0 : i32
    %sign3A_64 = arith.cmpi slt, %select_n3A_57, %sign3A_63 : i32
    %sign3A_65 = arith.extui %sign3A_64 : i1 to i32
    %sign3A_66 = arith.subi %sign3A_62, %sign3A_65 : i32
    %sign3A_67 = arith.constant 0 : i32
    %sign3A_68 = arith.cmpi sgt, %jit3A_58, %sign3A_67 : i32
    %sign3A_69 = arith.extui %sign3A_68 : i1 to i32
    %sign3A_70 = arith.constant 0 : i32
    %sign3A_71 = arith.cmpi slt, %jit3A_58, %sign3A_70 : i32
    %sign3A_72 = arith.extui %sign3A_71 : i1 to i32
    %sign3A_73 = arith.subi %sign3A_69, %sign3A_72 : i32
    %ne3A_74 = arith.cmpi ne, %sign3A_66, %sign3A_73 : i32
    %rem3A_75 = arith.remsi %select_n3A_57, %jit3A_58 : i32
    %ne3A_76 = arith.constant 0 : i32
    %ne3A_77 = arith.cmpi ne, %rem3A_75, %ne3A_76 : i32
    %and3A_78 = arith.andi %ne3A_74, %ne3A_77 : i1
    %sub3A_79 = arith.constant 1 : i32
    %sub3A_80 = arith.subi %div3A_59, %sub3A_79 : i32
    %select_n3A_81 = arith.select %and3A_78, %sub3A_80, %div3A_59 : i32
    %gt3A_82 = arith.constant 0 : i32
    %gt3A_83 = arith.cmpi sgt, %select_n3A_81, %gt3A_82 : i32
    %convert_element_type3A_84 = arith.extui %gt3A_83 : i1 to i32
    %cond3A_85 = arith.constant 0 : i32
    %cond3A_86 = arith.cmpi ne, %convert_element_type3A_84, %cond3A_85 : i32
    scf.if %cond3A_86 {
      %dma_start3A = arith.constant 0 : i32
      %dma_start3A_103 = arith.constant 0 : i32
      %dma_start3A_104 = tpu.memref_slice %arg6[%dma_start3A, %dma_start3A_103] : memref<40x128xi32, #tpu.memory_space<vmem>> -> memref<1x128xi32, #tpu.memory_space<vmem>>
      %dma_start3A_105 = tpu.memref_squeeze %dma_start3A_104 : memref<1x128xi32, #tpu.memory_space<vmem>> -> memref<128xi32, #tpu.memory_space<vmem>>
      %dma_start3A_106 = arith.constant 0 : i32
      %dma_start3A_107 = arith.constant 0 : i32
      %dma_start3A_108 = tpu.memref_slice %arg2[%dma_start3A_106, %dma_start3A_107] : memref<10240x128xf32, #tpu.memory_space<hbm>> -> memref<10240x128xf32, #tpu.memory_space<hbm>>
      tpu.enqueue_indirect_dma source(%dma_start3A_108 : memref<10240x128xf32, #tpu.memory_space<hbm>>) target(%arg8 : memref<128x128xf32, #tpu.memory_space<vmem>>) offsets(%dma_start3A_105 : memref<128xi32, #tpu.memory_space<vmem>>) semaphore(%arg11 : memref<!tpu.dma_semaphore, #tpu.memory_space<semaphore_mem>>)
    } else {
    }
    %while3A_87 = arith.constant 0 : i32
    %while3A_88 = arith.constant 0 : i32
    %while3A_89 = arith.subi %select_n3A_81, %while3A_88 : i32
    %while3A_90 = arith.addi %while3A_88, %while3A_89 : i32
    %while3A_91 = arith.constant 1 : i32
    %while3A_92 = arith.divsi %while3A_89, %while3A_91 : i32
    %while3A_93 = arith.muli %while3A_92, %while3A_91 : i32
    %while3A_94 = arith.addi %while3A_88, %while3A_93 : i32
    %while3A_95 = arith.constant 1 : i32
    scf.for %while3A_103 = %while3A_88 to %while3A_94 step %while3A_95  : i32 {
      %mul3A_104 = arith.constant 2 : i32
      %mul3A_105 = arith.muli %while3A_103, %mul3A_104 : i32
      %add3A_106 = arith.constant 1 : i32
      %add3A_107 = arith.addi %mul3A_105, %add3A_106 : i32
      %gt3A_108 = arith.constant 0 : i32
      %gt3A_109 = arith.cmpi sgt, %while3A_103, %gt3A_108 : i32
      %convert_element_type3A_110 = arith.extui %gt3A_109 : i1 to i32
      %cond3A_111 = arith.constant 0 : i32
      %cond3A_112 = arith.cmpi ne, %convert_element_type3A_110, %cond3A_111 : i32
      scf.if %cond3A_112 {
        %sub3A_153 = arith.constant 1 : i32
        %sub3A_154 = arith.subi %mul3A_105, %sub3A_153 : i32
        %dma_wait3A_155 = arith.constant 0 : i32
        %dma_wait3A_156 = tpu.memref_slice %arg7[%sub3A_154, %dma_wait3A_155] : memref<40x128xi32, #tpu.memory_space<vmem>> -> memref<1x128xi32, #tpu.memory_space<vmem>>
        %dma_wait3A_157 = tpu.memref_squeeze %dma_wait3A_156 : memref<1x128xi32, #tpu.memory_space<vmem>> -> memref<128xi32, #tpu.memory_space<vmem>>
        %dma_wait3A_158 = arith.constant 0 : i32
        %dma_wait3A_159 = arith.constant 0 : i32
        %dma_wait3A_160 = tpu.memref_slice %arg10[%dma_wait3A_158, %dma_wait3A_159] : memref<10240x128xf32, #tpu.memory_space<vmem_shared>> -> memref<10240x128xf32, #tpu.memory_space<vmem_shared>>
        tpu.wait_indirect_dma semaphore(%arg14 : memref<!tpu.dma_semaphore, #tpu.memory_space<semaphore_mem>>) src(%arg9 : memref<128x128xf32, #tpu.memory_space<vmem>>) dst(%dma_wait3A_160 : memref<10240x128xf32, #tpu.memory_space<vmem_shared>>)
      } else {
      }
      %dma_start3A = arith.constant 0 : i32
      %dma_start3A_113 = tpu.memref_slice %arg6[%add3A_107, %dma_start3A] : memref<40x128xi32, #tpu.memory_space<vmem>> -> memref<1x128xi32, #tpu.memory_space<vmem>>
      %dma_start3A_114 = tpu.memref_squeeze %dma_start3A_113 : memref<1x128xi32, #tpu.memory_space<vmem>> -> memref<128xi32, #tpu.memory_space<vmem>>
      %dma_start3A_115 = arith.constant 0 : i32
      %dma_start3A_116 = arith.constant 0 : i32
      %dma_start3A_117 = tpu.memref_slice %arg2[%dma_start3A_115, %dma_start3A_116] : memref<10240x128xf32, #tpu.memory_space<hbm>> -> memref<10240x128xf32, #tpu.memory_space<hbm>>
      tpu.enqueue_indirect_dma source(%dma_start3A_117 : memref<10240x128xf32, #tpu.memory_space<hbm>>) target(%arg9 : memref<128x128xf32, #tpu.memory_space<vmem>>) offsets(%dma_start3A_114 : memref<128xi32, #tpu.memory_space<vmem>>) semaphore(%arg12 : memref<!tpu.dma_semaphore, #tpu.memory_space<semaphore_mem>>)
      %dma_wait3A = arith.constant 0 : i32
      %dma_wait3A_118 = tpu.memref_slice %arg6[%mul3A_105, %dma_wait3A] : memref<40x128xi32, #tpu.memory_space<vmem>> -> memref<1x128xi32, #tpu.memory_space<vmem>>
      %dma_wait3A_119 = tpu.memref_squeeze %dma_wait3A_118 : memref<1x128xi32, #tpu.memory_space<vmem>> -> memref<128xi32, #tpu.memory_space<vmem>>
      %dma_wait3A_120 = arith.constant 0 : i32
      %dma_wait3A_121 = arith.constant 0 : i32
      %dma_wait3A_122 = tpu.memref_slice %arg2[%dma_wait3A_120, %dma_wait3A_121] : memref<10240x128xf32, #tpu.memory_space<hbm>> -> memref<10240x128xf32, #tpu.memory_space<hbm>>
      tpu.wait_indirect_dma semaphore(%arg11 : memref<!tpu.dma_semaphore, #tpu.memory_space<semaphore_mem>>) src(%dma_wait3A_122 : memref<10240x128xf32, #tpu.memory_space<hbm>>) dst(%arg8 : memref<128x128xf32, #tpu.memory_space<vmem>>)
      %dma_start3A_123 = arith.constant 0 : i32
      %dma_start3A_124 = tpu.memref_slice %arg7[%mul3A_105, %dma_start3A_123] : memref<40x128xi32, #tpu.memory_space<vmem>> -> memref<1x128xi32, #tpu.memory_space<vmem>>
      %dma_start3A_125 = tpu.memref_squeeze %dma_start3A_124 : memref<1x128xi32, #tpu.memory_space<vmem>> -> memref<128xi32, #tpu.memory_space<vmem>>
      %dma_start3A_126 = arith.constant 0 : i32
      %dma_start3A_127 = arith.constant 0 : i32
      %dma_start3A_128 = tpu.memref_slice %arg10[%dma_start3A_126, %dma_start3A_127] : memref<10240x128xf32, #tpu.memory_space<vmem_shared>> -> memref<10240x128xf32, #tpu.memory_space<vmem_shared>>
      tpu.enqueue_indirect_dma source(%arg8 : memref<128x128xf32, #tpu.memory_space<vmem>>) target(%dma_start3A_128 : memref<10240x128xf32, #tpu.memory_space<vmem_shared>>) offsets(%dma_start3A_125 : memref<128xi32, #tpu.memory_space<vmem>>) semaphore(%arg13 : memref<!tpu.dma_semaphore, #tpu.memory_space<semaphore_mem>>) {add = true}
      %dma_wait3A_129 = arith.constant 0 : i32
      %dma_wait3A_130 = tpu.memref_slice %arg7[%mul3A_105, %dma_wait3A_129] : memref<40x128xi32, #tpu.memory_space<vmem>> -> memref<1x128xi32, #tpu.memory_space<vmem>>
      %dma_wait3A_131 = tpu.memref_squeeze %dma_wait3A_130 : memref<1x128xi32, #tpu.memory_space<vmem>> -> memref<128xi32, #tpu.memory_space<vmem>>
      %dma_wait3A_132 = arith.constant 0 : i32
      %dma_wait3A_133 = arith.constant 0 : i32
      %dma_wait3A_134 = tpu.memref_slice %arg10[%dma_wait3A_132, %dma_wait3A_133] : memref<10240x128xf32, #tpu.memory_space<vmem_shared>> -> memref<10240x128xf32, #tpu.memory_space<vmem_shared>>
      tpu.wait_indirect_dma semaphore(%arg13 : memref<!tpu.dma_semaphore, #tpu.memory_space<semaphore_mem>>) src(%arg8 : memref<128x128xf32, #tpu.memory_space<vmem>>) dst(%dma_wait3A_134 : memref<10240x128xf32, #tpu.memory_space<vmem_shared>>)
      %sub3A_135 = arith.constant 1 : i32
      %sub3A_136 = arith.subi %select_n3A_81, %sub3A_135 : i32
      %lt3A_137 = arith.cmpi slt, %while3A_103, %sub3A_136 : i32
      %convert_element_type3A_138 = arith.extui %lt3A_137 : i1 to i32
      %cond3A_139 = arith.constant 0 : i32
      %cond3A_140 = arith.cmpi ne, %convert_element_type3A_138, %cond3A_139 : i32
      scf.if %cond3A_140 {
        %add3A_153 = arith.constant 2 : i32
        %add3A_154 = arith.addi %mul3A_105, %add3A_153 : i32
        %dma_start3A_155 = arith.constant 0 : i32
        %dma_start3A_156 = tpu.memref_slice %arg6[%add3A_154, %dma_start3A_155] : memref<40x128xi32, #tpu.memory_space<vmem>> -> memref<1x128xi32, #tpu.memory_space<vmem>>
        %dma_start3A_157 = tpu.memref_squeeze %dma_start3A_156 : memref<1x128xi32, #tpu.memory_space<vmem>> -> memref<128xi32, #tpu.memory_space<vmem>>
        %dma_start3A_158 = arith.constant 0 : i32
        %dma_start3A_159 = arith.constant 0 : i32
        %dma_start3A_160 = tpu.memref_slice %arg2[%dma_start3A_158, %dma_start3A_159] : memref<10240x128xf32, #tpu.memory_space<hbm>> -> memref<10240x128xf32, #tpu.memory_space<hbm>>
        tpu.enqueue_indirect_dma source(%dma_start3A_160 : memref<10240x128xf32, #tpu.memory_space<hbm>>) target(%arg8 : memref<128x128xf32, #tpu.memory_space<vmem>>) offsets(%dma_start3A_157 : memref<128xi32, #tpu.memory_space<vmem>>) semaphore(%arg11 : memref<!tpu.dma_semaphore, #tpu.memory_space<semaphore_mem>>)
      } else {
      }
      %dma_wait3A_141 = arith.constant 0 : i32
      %dma_wait3A_142 = tpu.memref_slice %arg6[%add3A_107, %dma_wait3A_141] : memref<40x128xi32, #tpu.memory_space<vmem>> -> memref<1x128xi32, #tpu.memory_space<vmem>>
      %dma_wait3A_143 = tpu.memref_squeeze %dma_wait3A_142 : memref<1x128xi32, #tpu.memory_space<vmem>> -> memref<128xi32, #tpu.memory_space<vmem>>
      %dma_wait3A_144 = arith.constant 0 : i32
      %dma_wait3A_145 = arith.constant 0 : i32
      %dma_wait3A_146 = tpu.memref_slice %arg2[%dma_wait3A_144, %dma_wait3A_145] : memref<10240x128xf32, #tpu.memory_space<hbm>> -> memref<10240x128xf32, #tpu.memory_space<hbm>>
      tpu.wait_indirect_dma semaphore(%arg12 : memref<!tpu.dma_semaphore, #tpu.memory_space<semaphore_mem>>) src(%dma_wait3A_146 : memref<10240x128xf32, #tpu.memory_space<hbm>>) dst(%arg9 : memref<128x128xf32, #tpu.memory_space<vmem>>)
      %dma_start3A_147 = arith.constant 0 : i32
      %dma_start3A_148 = tpu.memref_slice %arg7[%add3A_107, %dma_start3A_147] : memref<40x128xi32, #tpu.memory_space<vmem>> -> memref<1x128xi32, #tpu.memory_space<vmem>>
      %dma_start3A_149 = tpu.memref_squeeze %dma_start3A_148 : memref<1x128xi32, #tpu.memory_space<vmem>> -> memref<128xi32, #tpu.memory_space<vmem>>
      %dma_start3A_150 = arith.constant 0 : i32
      %dma_start3A_151 = arith.constant 0 : i32
      %dma_start3A_152 = tpu.memref_slice %arg10[%dma_start3A_150, %dma_start3A_151] : memref<10240x128xf32, #tpu.memory_space<vmem_shared>> -> memref<10240x128xf32, #tpu.memory_space<vmem_shared>>
      tpu.enqueue_indirect_dma source(%arg9 : memref<128x128xf32, #tpu.memory_space<vmem>>) target(%dma_start3A_152 : memref<10240x128xf32, #tpu.memory_space<vmem_shared>>) offsets(%dma_start3A_149 : memref<128xi32, #tpu.memory_space<vmem>>) semaphore(%arg14 : memref<!tpu.dma_semaphore, #tpu.memory_space<semaphore_mem>>) {add = true}
    }
    %while3A_96 = arith.constant 1 : i32
    scf.for %while3A_103 = %while3A_94 to %while3A_90 step %while3A_96  : i32 {
      %mul3A_104 = arith.constant 2 : i32
      %mul3A_105 = arith.muli %while3A_103, %mul3A_104 : i32
      %add3A_106 = arith.constant 1 : i32
      %add3A_107 = arith.addi %mul3A_105, %add3A_106 : i32
      %gt3A_108 = arith.constant 0 : i32
      %gt3A_109 = arith.cmpi sgt, %while3A_103, %gt3A_108 : i32
      %convert_element_type3A_110 = arith.extui %gt3A_109 : i1 to i32
      %cond3A_111 = arith.constant 0 : i32
      %cond3A_112 = arith.cmpi ne, %convert_element_type3A_110, %cond3A_111 : i32
      scf.if %cond3A_112 {
        %sub3A_153 = arith.constant 1 : i32
        %sub3A_154 = arith.subi %mul3A_105, %sub3A_153 : i32
        %dma_wait3A_155 = arith.constant 0 : i32
        %dma_wait3A_156 = tpu.memref_slice %arg7[%sub3A_154, %dma_wait3A_155] : memref<40x128xi32, #tpu.memory_space<vmem>> -> memref<1x128xi32, #tpu.memory_space<vmem>>
        %dma_wait3A_157 = tpu.memref_squeeze %dma_wait3A_156 : memref<1x128xi32, #tpu.memory_space<vmem>> -> memref<128xi32, #tpu.memory_space<vmem>>
        %dma_wait3A_158 = arith.constant 0 : i32
        %dma_wait3A_159 = arith.constant 0 : i32
        %dma_wait3A_160 = tpu.memref_slice %arg10[%dma_wait3A_158, %dma_wait3A_159] : memref<10240x128xf32, #tpu.memory_space<vmem_shared>> -> memref<10240x128xf32, #tpu.memory_space<vmem_shared>>
        tpu.wait_indirect_dma semaphore(%arg14 : memref<!tpu.dma_semaphore, #tpu.memory_space<semaphore_mem>>) src(%arg9 : memref<128x128xf32, #tpu.memory_space<vmem>>) dst(%dma_wait3A_160 : memref<10240x128xf32, #tpu.memory_space<vmem_shared>>)
      } else {
      }
      %dma_start3A = arith.constant 0 : i32
      %dma_start3A_113 = tpu.memref_slice %arg6[%add3A_107, %dma_start3A] : memref<40x128xi32, #tpu.memory_space<vmem>> -> memref<1x128xi32, #tpu.memory_space<vmem>>
      %dma_start3A_114 = tpu.memref_squeeze %dma_start3A_113 : memref<1x128xi32, #tpu.memory_space<vmem>> -> memref<128xi32, #tpu.memory_space<vmem>>
      %dma_start3A_115 = arith.constant 0 : i32
      %dma_start3A_116 = arith.constant 0 : i32
      %dma_start3A_117 = tpu.memref_slice %arg2[%dma_start3A_115, %dma_start3A_116] : memref<10240x128xf32, #tpu.memory_space<hbm>> -> memref<10240x128xf32, #tpu.memory_space<hbm>>
      tpu.enqueue_indirect_dma source(%dma_start3A_117 : memref<10240x128xf32, #tpu.memory_space<hbm>>) target(%arg9 : memref<128x128xf32, #tpu.memory_space<vmem>>) offsets(%dma_start3A_114 : memref<128xi32, #tpu.memory_space<vmem>>) semaphore(%arg12 : memref<!tpu.dma_semaphore, #tpu.memory_space<semaphore_mem>>)
      %dma_wait3A = arith.constant 0 : i32
      %dma_wait3A_118 = tpu.memref_slice %arg6[%mul3A_105, %dma_wait3A] : memref<40x128xi32, #tpu.memory_space<vmem>> -> memref<1x128xi32, #tpu.memory_space<vmem>>
      %dma_wait3A_119 = tpu.memref_squeeze %dma_wait3A_118 : memref<1x128xi32, #tpu.memory_space<vmem>> -> memref<128xi32, #tpu.memory_space<vmem>>
      %dma_wait3A_120 = arith.constant 0 : i32
      %dma_wait3A_121 = arith.constant 0 : i32
      %dma_wait3A_122 = tpu.memref_slice %arg2[%dma_wait3A_120, %dma_wait3A_121] : memref<10240x128xf32, #tpu.memory_space<hbm>> -> memref<10240x128xf32, #tpu.memory_space<hbm>>
      tpu.wait_indirect_dma semaphore(%arg11 : memref<!tpu.dma_semaphore, #tpu.memory_space<semaphore_mem>>) src(%dma_wait3A_122 : memref<10240x128xf32, #tpu.memory_space<hbm>>) dst(%arg8 : memref<128x128xf32, #tpu.memory_space<vmem>>)
      %dma_start3A_123 = arith.constant 0 : i32
      %dma_start3A_124 = tpu.memref_slice %arg7[%mul3A_105, %dma_start3A_123] : memref<40x128xi32, #tpu.memory_space<vmem>> -> memref<1x128xi32, #tpu.memory_space<vmem>>
      %dma_start3A_125 = tpu.memref_squeeze %dma_start3A_124 : memref<1x128xi32, #tpu.memory_space<vmem>> -> memref<128xi32, #tpu.memory_space<vmem>>
      %dma_start3A_126 = arith.constant 0 : i32
      %dma_start3A_127 = arith.constant 0 : i32
      %dma_start3A_128 = tpu.memref_slice %arg10[%dma_start3A_126, %dma_start3A_127] : memref<10240x128xf32, #tpu.memory_space<vmem_shared>> -> memref<10240x128xf32, #tpu.memory_space<vmem_shared>>
      tpu.enqueue_indirect_dma source(%arg8 : memref<128x128xf32, #tpu.memory_space<vmem>>) target(%dma_start3A_128 : memref<10240x128xf32, #tpu.memory_space<vmem_shared>>) offsets(%dma_start3A_125 : memref<128xi32, #tpu.memory_space<vmem>>) semaphore(%arg13 : memref<!tpu.dma_semaphore, #tpu.memory_space<semaphore_mem>>) {add = true}
      %dma_wait3A_129 = arith.constant 0 : i32
      %dma_wait3A_130 = tpu.memref_slice %arg7[%mul3A_105, %dma_wait3A_129] : memref<40x128xi32, #tpu.memory_space<vmem>> -> memref<1x128xi32, #tpu.memory_space<vmem>>
      %dma_wait3A_131 = tpu.memref_squeeze %dma_wait3A_130 : memref<1x128xi32, #tpu.memory_space<vmem>> -> memref<128xi32, #tpu.memory_space<vmem>>
      %dma_wait3A_132 = arith.constant 0 : i32
      %dma_wait3A_133 = arith.constant 0 : i32
      %dma_wait3A_134 = tpu.memref_slice %arg10[%dma_wait3A_132, %dma_wait3A_133] : memref<10240x128xf32, #tpu.memory_space<vmem_shared>> -> memref<10240x128xf32, #tpu.memory_space<vmem_shared>>
      tpu.wait_indirect_dma semaphore(%arg13 : memref<!tpu.dma_semaphore, #tpu.memory_space<semaphore_mem>>) src(%arg8 : memref<128x128xf32, #tpu.memory_space<vmem>>) dst(%dma_wait3A_134 : memref<10240x128xf32, #tpu.memory_space<vmem_shared>>)
      %sub3A_135 = arith.constant 1 : i32
      %sub3A_136 = arith.subi %select_n3A_81, %sub3A_135 : i32
      %lt3A_137 = arith.cmpi slt, %while3A_103, %sub3A_136 : i32
      %convert_element_type3A_138 = arith.extui %lt3A_137 : i1 to i32
      %cond3A_139 = arith.constant 0 : i32
      %cond3A_140 = arith.cmpi ne, %convert_element_type3A_138, %cond3A_139 : i32
      scf.if %cond3A_140 {
        %add3A_153 = arith.constant 2 : i32
        %add3A_154 = arith.addi %mul3A_105, %add3A_153 : i32
        %dma_start3A_155 = arith.constant 0 : i32
        %dma_start3A_156 = tpu.memref_slice %arg6[%add3A_154, %dma_start3A_155] : memref<40x128xi32, #tpu.memory_space<vmem>> -> memref<1x128xi32, #tpu.memory_space<vmem>>
        %dma_start3A_157 = tpu.memref_squeeze %dma_start3A_156 : memref<1x128xi32, #tpu.memory_space<vmem>> -> memref<128xi32, #tpu.memory_space<vmem>>
        %dma_start3A_158 = arith.constant 0 : i32
        %dma_start3A_159 = arith.constant 0 : i32
        %dma_start3A_160 = tpu.memref_slice %arg2[%dma_start3A_158, %dma_start3A_159] : memref<10240x128xf32, #tpu.memory_space<hbm>> -> memref<10240x128xf32, #tpu.memory_space<hbm>>
        tpu.enqueue_indirect_dma source(%dma_start3A_160 : memref<10240x128xf32, #tpu.memory_space<hbm>>) target(%arg8 : memref<128x128xf32, #tpu.memory_space<vmem>>) offsets(%dma_start3A_157 : memref<128xi32, #tpu.memory_space<vmem>>) semaphore(%arg11 : memref<!tpu.dma_semaphore, #tpu.memory_space<semaphore_mem>>)
      } else {
      }
      %dma_wait3A_141 = arith.constant 0 : i32
      %dma_wait3A_142 = tpu.memref_slice %arg6[%add3A_107, %dma_wait3A_141] : memref<40x128xi32, #tpu.memory_space<vmem>> -> memref<1x128xi32, #tpu.memory_space<vmem>>
      %dma_wait3A_143 = tpu.memref_squeeze %dma_wait3A_142 : memref<1x128xi32, #tpu.memory_space<vmem>> -> memref<128xi32, #tpu.memory_space<vmem>>
      %dma_wait3A_144 = arith.constant 0 : i32
      %dma_wait3A_145 = arith.constant 0 : i32
      %dma_wait3A_146 = tpu.memref_slice %arg2[%dma_wait3A_144, %dma_wait3A_145] : memref<10240x128xf32, #tpu.memory_space<hbm>> -> memref<10240x128xf32, #tpu.memory_space<hbm>>
      tpu.wait_indirect_dma semaphore(%arg12 : memref<!tpu.dma_semaphore, #tpu.memory_space<semaphore_mem>>) src(%dma_wait3A_146 : memref<10240x128xf32, #tpu.memory_space<hbm>>) dst(%arg9 : memref<128x128xf32, #tpu.memory_space<vmem>>)
      %dma_start3A_147 = arith.constant 0 : i32
      %dma_start3A_148 = tpu.memref_slice %arg7[%add3A_107, %dma_start3A_147] : memref<40x128xi32, #tpu.memory_space<vmem>> -> memref<1x128xi32, #tpu.memory_space<vmem>>
      %dma_start3A_149 = tpu.memref_squeeze %dma_start3A_148 : memref<1x128xi32, #tpu.memory_space<vmem>> -> memref<128xi32, #tpu.memory_space<vmem>>
      %dma_start3A_150 = arith.constant 0 : i32
      %dma_start3A_151 = arith.constant 0 : i32
      %dma_start3A_152 = tpu.memref_slice %arg10[%dma_start3A_150, %dma_start3A_151] : memref<10240x128xf32, #tpu.memory_space<vmem_shared>> -> memref<10240x128xf32, #tpu.memory_space<vmem_shared>>
      tpu.enqueue_indirect_dma source(%arg9 : memref<128x128xf32, #tpu.memory_space<vmem>>) target(%dma_start3A_152 : memref<10240x128xf32, #tpu.memory_space<vmem_shared>>) offsets(%dma_start3A_149 : memref<128xi32, #tpu.memory_space<vmem>>) semaphore(%arg14 : memref<!tpu.dma_semaphore, #tpu.memory_space<semaphore_mem>>) {add = true}
    }
    %gt3A_97 = arith.constant 0 : i32
    %gt3A_98 = arith.cmpi sgt, %select_n3A_81, %gt3A_97 : i32
    %convert_element_type3A_99 = arith.extui %gt3A_98 : i1 to i32
    %cond3A_100 = arith.constant 0 : i32
    %cond3A_101 = arith.cmpi ne, %convert_element_type3A_99, %cond3A_100 : i32
    scf.if %cond3A_101 {
      %mul3A_103 = arith.constant 2 : i32
      %mul3A_104 = arith.muli %select_n3A_81, %mul3A_103 : i32
      %sub3A_105 = arith.constant 1 : i32
      %sub3A_106 = arith.subi %mul3A_104, %sub3A_105 : i32
      %dma_wait3A = arith.constant 0 : i32
      %dma_wait3A_107 = tpu.memref_slice %arg7[%sub3A_106, %dma_wait3A] : memref<40x128xi32, #tpu.memory_space<vmem>> -> memref<1x128xi32, #tpu.memory_space<vmem>>
      %dma_wait3A_108 = tpu.memref_squeeze %dma_wait3A_107 : memref<1x128xi32, #tpu.memory_space<vmem>> -> memref<128xi32, #tpu.memory_space<vmem>>
      %dma_wait3A_109 = arith.constant 0 : i32
      %dma_wait3A_110 = arith.constant 0 : i32
      %dma_wait3A_111 = tpu.memref_slice %arg10[%dma_wait3A_109, %dma_wait3A_110] : memref<10240x128xf32, #tpu.memory_space<vmem_shared>> -> memref<10240x128xf32, #tpu.memory_space<vmem_shared>>
      tpu.wait_indirect_dma semaphore(%arg14 : memref<!tpu.dma_semaphore, #tpu.memory_space<semaphore_mem>>) src(%arg9 : memref<128x128xf32, #tpu.memory_space<vmem>>) dst(%dma_wait3A_111 : memref<10240x128xf32, #tpu.memory_space<vmem_shared>>)
    } else {
    }
    %barrier3A_102 = arith.constant 0 : index
    tpu.barrier barrier_id(%barrier3A_102)
    "tpu.region"() ({
      %run_scoped3A = tpu.sem_alloc : memref<!tpu.dma_semaphore, #tpu.memory_space<semaphore_mem>>
      %dma_start3A = arith.constant 0 : i32
      %dma_start3A_103 = tpu.memref_slice %arg5[%arg0, %mul3A_2, %dma_start3A] : memref<2x10240x128xf32, #tpu.memory_space<hbm>> -> memref<1x640x128xf32, #tpu.memory_space<hbm>>
      %dma_start3A_104 = tpu.memref_squeeze %dma_start3A_103 : memref<1x640x128xf32, #tpu.memory_space<hbm>> -> memref<640x128xf32, #tpu.memory_space<hbm>>
      %dma_start3A_105 = arith.constant 0 : i32
      %dma_start3A_106 = tpu.memref_slice %arg10[%mul3A_2, %dma_start3A_105] : memref<10240x128xf32, #tpu.memory_space<vmem_shared>> -> memref<640x128xf32, #tpu.memory_space<vmem_shared>>
      tpu.enqueue_dma source(%dma_start3A_106 : memref<640x128xf32, #tpu.memory_space<vmem_shared>>) target(%dma_start3A_104 : memref<640x128xf32, #tpu.memory_space<hbm>>) target_semaphore(%run_scoped3A : memref<!tpu.dma_semaphore, #tpu.memory_space<semaphore_mem>>)
      %dma_wait3A = arith.constant 0 : i32
      %dma_wait3A_107 = tpu.memref_slice %arg5[%arg0, %mul3A_2, %dma_wait3A] : memref<2x10240x128xf32, #tpu.memory_space<hbm>> -> memref<1x640x128xf32, #tpu.memory_space<hbm>>
      %dma_wait3A_108 = tpu.memref_squeeze %dma_wait3A_107 : memref<1x640x128xf32, #tpu.memory_space<hbm>> -> memref<640x128xf32, #tpu.memory_space<hbm>>
      %dma_wait3A_109 = arith.constant 0 : i32
      %dma_wait3A_110 = tpu.memref_slice %arg10[%mul3A_2, %dma_wait3A_109] : memref<10240x128xf32, #tpu.memory_space<vmem_shared>> -> memref<640x128xf32, #tpu.memory_space<vmem_shared>>
      tpu.wait_dma2 semaphore(%run_scoped3A : memref<!tpu.dma_semaphore, #tpu.memory_space<semaphore_mem>>) src(%dma_wait3A_110 : memref<640x128xf32, #tpu.memory_space<vmem_shared>>) dst(%dma_wait3A_108 : memref<640x128xf32, #tpu.memory_space<hbm>>)
      tpu.yield
    }) : () -> ()
    return
  }
}

module attributes {stable_mosaic.version = 14 : i64} {
  func.func @_prep_body(%arg0: i32, %arg1: memref<2x2000x8xf32, #tpu.memory_space<vmem>>, %arg2: memref<2000x128xf32, #tpu.memory_space<vmem>>, %arg3: memref<2000x128xf32, #tpu.memory_space<vmem>>, %arg4: memref<2000x8xf32, #tpu.memory_space<vmem>>) attributes {dimension_semantics = [#tpu.dimension_semantics<arbitrary>], iteration_bounds = array<i64: 5>, scalar_prefetch = 0 : i64, scratch_operands = 0 : i64, tpu.core_type = #tpu.core_type<tc>, window_params = [{transform_indices = @transform_0, window_bounds = array<i64: 2, 2000, 8>}, {transform_indices = @transform_1, window_bounds = array<i64: 2000, 128>}, {transform_indices = @transform_2, window_bounds = array<i64: 2000, 128>}, {transform_indices = @transform_3, window_bounds = array<i64: 2000, 8>}]} {
    %get3A = arith.constant 0 : index
    %get3A_0 = arith.constant 0 : index
    %get3A_1 = arith.constant 0 : index
    %get3A_2 = vector.load %arg1[%get3A, %get3A_0, %get3A_1] : memref<2x2000x8xf32, #tpu.memory_space<vmem>>, vector<1x2000x1xf32>
    %get3A_3 = vector.shape_cast %get3A_2 : vector<1x2000x1xf32> to vector<2000x1xf32>
    %get3A_4 = arith.constant 1 : index
    %get3A_5 = arith.constant 0 : index
    %get3A_6 = arith.constant 0 : index
    %get3A_7 = vector.load %arg1[%get3A_4, %get3A_5, %get3A_6] : memref<2x2000x8xf32, #tpu.memory_space<vmem>>, vector<1x2000x1xf32>
    %get3A_8 = vector.shape_cast %get3A_7 : vector<1x2000x1xf32> to vector<2000x1xf32>
    %add3A = arith.addf %get3A_3, %get3A_8 : vector<2000x1xf32>
    %add3A_9 = arith.constant 1.000000e+00 : f32
    %add3A_10 = vector.broadcast %add3A_9 : f32 to vector<2000x1xf32>
    %add3A_11 = arith.addf %add3A, %add3A_10 : vector<2000x1xf32>
    %rsqrt3A = math.rsqrt %add3A_11 : vector<2000x1xf32>
    %broadcast_in_dim3A = vector.shape_cast %rsqrt3A : vector<2000x1xf32> to vector<2000x1xf32>
    %broadcast_in_dim3A_12 = vector.broadcast %broadcast_in_dim3A : vector<2000x1xf32> to vector<2000x8xf32>
    %swap3A = arith.constant 0 : index
    %swap3A_13 = arith.constant 0 : index
    %swap3A_14 = vector.load %arg4[%swap3A, %swap3A_13] : memref<2000x8xf32, #tpu.memory_space<vmem>>, vector<2000x8xf32>
    tpu.vector_store %arg4[%swap3A, %swap3A_13], %broadcast_in_dim3A_12 {strides = array<i32>} : memref<2000x8xf32, #tpu.memory_space<vmem>>, vector<2000x8xf32>,
    %get3A_15 = arith.constant 0 : index
    %get3A_16 = arith.constant 0 : index
    %get3A_17 = vector.load %arg2[%get3A_15, %get3A_16] : memref<2000x128xf32, #tpu.memory_space<vmem>>, vector<2000x128xf32>
    %mul3A = vector.broadcast %rsqrt3A : vector<2000x1xf32> to vector<2000x128xf32>
    %mul3A_18 = arith.mulf %get3A_17, %mul3A : vector<2000x128xf32>
    %swap3A_19 = arith.constant 0 : index
    %swap3A_20 = arith.constant 0 : index
    %swap3A_21 = vector.load %arg3[%swap3A_19, %swap3A_20] : memref<2000x128xf32, #tpu.memory_space<vmem>>, vector<2000x128xf32>
    tpu.vector_store %arg3[%swap3A_19, %swap3A_20], %mul3A_18 {strides = array<i32>} : memref<2000x128xf32, #tpu.memory_space<vmem>>, vector<2000x128xf32>,
    return
  }
  func.func @transform_0(%arg0: i32) -> (i32, i32, i32) {
    %c0_i32 = arith.constant 0 : i32
    %c0_i32_0 = arith.constant 0 : i32
    %c0_i32_1 = arith.constant 0 : i32
    return %c0_i32, %arg0, %c0_i32_0 : i32, i32, i32
  }
  func.func @transform_1(%arg0: i32) -> (i32, i32) {
    %c0_i32 = arith.constant 0 : i32
    %c0_i32_0 = arith.constant 0 : i32
    return %arg0, %c0_i32 : i32, i32
  }
  func.func @transform_2(%arg0: i32) -> (i32, i32) {
    %c0_i32 = arith.constant 0 : i32
    %c0_i32_0 = arith.constant 0 : i32
    return %arg0, %c0_i32 : i32, i32
  }
  func.func @transform_3(%arg0: i32) -> (i32, i32) {
    %c0_i32 = arith.constant 0 : i32
    %c0_i32_0 = arith.constant 0 : i32
    return %arg0, %c0_i32 : i32, i32
  }
}

module attributes {stable_mosaic.version = 14 : i64} {
  func.func @_mid_body(%arg0: i32, %arg1: memref<2x2000x128xf32, #tpu.memory_space<vmem>>, %arg2: memref<2000x128xf32, #tpu.memory_space<vmem>>, %arg3: memref<2000x8xf32, #tpu.memory_space<vmem>>, %arg4: memref<128x256xf32, #tpu.memory_space<vmem>>, %arg5: memref<1x256xf32, #tpu.memory_space<vmem>>, %arg6: memref<256x128xf32, #tpu.memory_space<vmem>>, %arg7: memref<2000x128xf32, #tpu.memory_space<vmem>>) attributes {dimension_semantics = [#tpu.dimension_semantics<arbitrary>], iteration_bounds = array<i64: 5>, scalar_prefetch = 0 : i64, scratch_operands = 0 : i64, tpu.core_type = #tpu.core_type<tc>, window_params = [{transform_indices = @transform_0, window_bounds = array<i64: 2, 2000, 128>}, {transform_indices = @transform_1, window_bounds = array<i64: 2000, 128>}, {transform_indices = @transform_2, window_bounds = array<i64: 2000, 8>}, {pipeline_mode = #tpu.pipeline_mode<synchronous>, transform_indices = @transform_3, window_bounds = array<i64: 128, 256>}, {pipeline_mode = #tpu.pipeline_mode<synchronous>, transform_indices = @transform_4, window_bounds = array<i64: 1, 256>}, {pipeline_mode = #tpu.pipeline_mode<synchronous>, transform_indices = @transform_5, window_bounds = array<i64: 256, 128>}, {transform_indices = @transform_6, window_bounds = array<i64: 2000, 128>}]} {
    %get3A = arith.constant 0 : index
    %get3A_0 = arith.constant 0 : index
    %get3A_1 = vector.load %arg3[%get3A, %get3A_0] : memref<2000x8xf32, #tpu.memory_space<vmem>>, vector<2000x1xf32>
    %get3A_2 = arith.constant 0 : index
    %get3A_3 = arith.constant 0 : index
    %get3A_4 = arith.constant 0 : index
    %get3A_5 = vector.load %arg1[%get3A_2, %get3A_3, %get3A_4] : memref<2x2000x128xf32, #tpu.memory_space<vmem>>, vector<1x2000x128xf32>
    %get3A_6 = vector.shape_cast %get3A_5 : vector<1x2000x128xf32> to vector<2000x128xf32>
    %get3A_7 = arith.constant 1 : index
    %get3A_8 = arith.constant 0 : index
    %get3A_9 = arith.constant 0 : index
    %get3A_10 = vector.load %arg1[%get3A_7, %get3A_8, %get3A_9] : memref<2x2000x128xf32, #tpu.memory_space<vmem>>, vector<1x2000x128xf32>
    %get3A_11 = vector.shape_cast %get3A_10 : vector<1x2000x128xf32> to vector<2000x128xf32>
    %add3A = arith.addf %get3A_6, %get3A_11 : vector<2000x128xf32>
    %get3A_12 = arith.constant 0 : index
    %get3A_13 = arith.constant 0 : index
    %get3A_14 = vector.load %arg2[%get3A_12, %get3A_13] : memref<2000x128xf32, #tpu.memory_space<vmem>>, vector<2000x128xf32>
    %add3A_15 = arith.addf %add3A, %get3A_14 : vector<2000x128xf32>
    %mul3A = vector.broadcast %get3A_1 : vector<2000x1xf32> to vector<2000x128xf32>
    %mul3A_16 = arith.mulf %add3A_15, %mul3A : vector<2000x128xf32>
    %get3A_17 = arith.constant 0 : index
    %get3A_18 = arith.constant 0 : index
    %get3A_19 = vector.load %arg4[%get3A_17, %get3A_18] : memref<128x256xf32, #tpu.memory_space<vmem>>, vector<128x256xf32>
    %dot_general3A = arith.constant dense<0.000000e+00> : vector<2000x256xf32>
    %dot_general3A_20 = tpu.matmul %mul3A_16, %get3A_19, %dot_general3A {dimension_numbers = #tpu.dot_dimension_numbers<[1], [0], [0], [1], [0, 0, 1, 1], [], []>, transpose_lhs_hint = false} : vector<2000x128xf32>, vector<128x256xf32>, vector<2000x256xf32> -> vector<2000x256xf32>
    %get3A_21 = arith.constant 0 : index
    %get3A_22 = arith.constant 0 : index
    %get3A_23 = vector.load %arg5[%get3A_21, %get3A_22] : memref<1x256xf32, #tpu.memory_space<vmem>>, vector<1x256xf32>
    %add3A_24 = vector.broadcast %get3A_23 : vector<1x256xf32> to vector<2000x256xf32>
    %add3A_25 = arith.addf %dot_general3A_20, %add3A_24 : vector<2000x256xf32>
    %max3A = arith.constant 0.000000e+00 : f32
    %max3A_26 = vector.broadcast %max3A : f32 to vector<2000x256xf32>
    %max3A_27 = arith.maximumf %add3A_25, %max3A_26 : vector<2000x256xf32>
    %get3A_28 = arith.constant 0 : index
    %get3A_29 = arith.constant 0 : index
    %get3A_30 = vector.load %arg6[%get3A_28, %get3A_29] : memref<256x128xf32, #tpu.memory_space<vmem>>, vector<256x128xf32>
    %dot_general3A_31 = arith.constant dense<0.000000e+00> : vector<2000x128xf32>
    %dot_general3A_32 = tpu.matmul %max3A_27, %get3A_30, %dot_general3A_31 {dimension_numbers = #tpu.dot_dimension_numbers<[1], [0], [0], [1], [0, 0, 1, 1], [], []>, transpose_lhs_hint = false} : vector<2000x256xf32>, vector<256x128xf32>, vector<2000x128xf32> -> vector<2000x128xf32>
    %mul3A_33 = vector.broadcast %get3A_1 : vector<2000x1xf32> to vector<2000x128xf32>
    %mul3A_34 = arith.mulf %dot_general3A_32, %mul3A_33 : vector<2000x128xf32>
    %swap3A = arith.constant 0 : index
    %swap3A_35 = arith.constant 0 : index
    %swap3A_36 = vector.load %arg7[%swap3A, %swap3A_35] : memref<2000x128xf32, #tpu.memory_space<vmem>>, vector<2000x128xf32>
    tpu.vector_store %arg7[%swap3A, %swap3A_35], %mul3A_34 {strides = array<i32>} : memref<2000x128xf32, #tpu.memory_space<vmem>>, vector<2000x128xf32>,
    return
  }
  func.func @transform_0(%arg0: i32) -> (i32, i32, i32) {
    %c0_i32 = arith.constant 0 : i32
    %c0_i32_0 = arith.constant 0 : i32
    %c0_i32_1 = arith.constant 0 : i32
    return %c0_i32, %arg0, %c0_i32_0 : i32, i32, i32
  }
  func.func @transform_1(%arg0: i32) -> (i32, i32) {
    %c0_i32 = arith.constant 0 : i32
    %c0_i32_0 = arith.constant 0 : i32
    return %arg0, %c0_i32 : i32, i32
  }
  func.func @transform_2(%arg0: i32) -> (i32, i32) {
    %c0_i32 = arith.constant 0 : i32
    %c0_i32_0 = arith.constant 0 : i32
    return %arg0, %c0_i32 : i32, i32
  }
  func.func @transform_3(%arg0: i32) -> (i32, i32) {
    %c0_i32 = arith.constant 0 : i32
    %c0_i32_0 = arith.constant 0 : i32
    %c0_i32_1 = arith.constant 0 : i32
    return %c0_i32, %c0_i32_0 : i32, i32
  }
  func.func @transform_4(%arg0: i32) -> (i32, i32) {
    %c0_i32 = arith.constant 0 : i32
    %c0_i32_0 = arith.constant 0 : i32
    %c0_i32_1 = arith.constant 0 : i32
    return %c0_i32, %c0_i32_0 : i32, i32
  }
  func.func @transform_5(%arg0: i32) -> (i32, i32) {
    %c0_i32 = arith.constant 0 : i32
    %c0_i32_0 = arith.constant 0 : i32
    %c0_i32_1 = arith.constant 0 : i32
    return %c0_i32, %c0_i32_0 : i32, i32
  }
  func.func @transform_6(%arg0: i32) -> (i32, i32) {
    %c0_i32 = arith.constant 0 : i32
    %c0_i32_0 = arith.constant 0 : i32
    return %arg0, %c0_i32 : i32, i32
  }
}

module attributes {stable_mosaic.version = 14 : i64} {
  func.func @_fin_body(%arg0: i32, %arg1: memref<2x2000x128xf32, #tpu.memory_space<vmem>>, %arg2: memref<2000x128xf32, #tpu.memory_space<vmem>>, %arg3: memref<2000x8xf32, #tpu.memory_space<vmem>>, %arg4: memref<2000x128xf32, #tpu.memory_space<vmem>>, %arg5: memref<1x128xf32, #tpu.memory_space<vmem>>, %arg6: memref<128x512xf32, #tpu.memory_space<vmem>>, %arg7: memref<128x512xf32, #tpu.memory_space<vmem>>, %arg8: memref<1x512xf32, #tpu.memory_space<vmem>>, %arg9: memref<128x1xf32, #tpu.memory_space<vmem>>, %arg10: memref<1x1xf32, #tpu.memory_space<vmem>>, %arg11: memref<2000x256xf32, #tpu.memory_space<vmem>>, %arg12: memref<1x1xf32, #tpu.memory_space<vmem>>, %arg13: memref<1x128xf32, #tpu.memory_space<vmem>>) attributes {dimension_semantics = [#tpu.dimension_semantics<arbitrary>], iteration_bounds = array<i64: 5>, scalar_prefetch = 0 : i64, scratch_operands = 0 : i64, tpu.core_type = #tpu.core_type<tc>, window_params = [{transform_indices = @transform_0, window_bounds = array<i64: 2, 2000, 128>}, {transform_indices = @transform_1, window_bounds = array<i64: 2000, 128>}, {transform_indices = @transform_2, window_bounds = array<i64: 2000, 8>}, {transform_indices = @transform_3, window_bounds = array<i64: 2000, 128>}, {pipeline_mode = #tpu.pipeline_mode<synchronous>, transform_indices = @transform_4, window_bounds = array<i64: 1, 128>}, {pipeline_mode = #tpu.pipeline_mode<synchronous>, transform_indices = @transform_5, window_bounds = array<i64: 128, 512>}, {pipeline_mode = #tpu.pipeline_mode<synchronous>, transform_indices = @transform_6, window_bounds = array<i64: 128, 512>}, {pipeline_mode = #tpu.pipeline_mode<synchronous>, transform_indices = @transform_7, window_bounds = array<i64: 1, 512>}, {pipeline_mode = #tpu.pipeline_mode<synchronous>, transform_indices = @transform_8, window_bounds = array<i64: 128, 1>}, {pipeline_mode = #tpu.pipeline_mode<synchronous>, transform_indices = @transform_9, window_bounds = array<i64: 1, 1>}, {transform_indices = @transform_10, window_bounds = array<i64: 2000, 256>}, {pipeline_mode = #tpu.pipeline_mode<synchronous>, transform_indices = @transform_11, window_bounds = array<i64: 1, 1>}, {pipeline_mode = #tpu.pipeline_mode<synchronous>, transform_indices = @transform_12, window_bounds = array<i64: 1, 128>}]} {
    %get3A = arith.constant 0 : index
    %get3A_0 = arith.constant 0 : index
    %get3A_1 = vector.load %arg3[%get3A, %get3A_0] : memref<2000x8xf32, #tpu.memory_space<vmem>>, vector<2000x1xf32>
    %get3A_2 = arith.constant 0 : index
    %get3A_3 = arith.constant 0 : index
    %get3A_4 = arith.constant 0 : index
    %get3A_5 = vector.load %arg1[%get3A_2, %get3A_3, %get3A_4] : memref<2x2000x128xf32, #tpu.memory_space<vmem>>, vector<1x2000x128xf32>
    %get3A_6 = vector.shape_cast %get3A_5 : vector<1x2000x128xf32> to vector<2000x128xf32>
    %get3A_7 = arith.constant 1 : index
    %get3A_8 = arith.constant 0 : index
    %get3A_9 = arith.constant 0 : index
    %get3A_10 = vector.load %arg1[%get3A_7, %get3A_8, %get3A_9] : memref<2x2000x128xf32, #tpu.memory_space<vmem>>, vector<1x2000x128xf32>
    %get3A_11 = vector.shape_cast %get3A_10 : vector<1x2000x128xf32> to vector<2000x128xf32>
    %add3A = arith.addf %get3A_6, %get3A_11 : vector<2000x128xf32>
    %get3A_12 = arith.constant 0 : index
    %get3A_13 = arith.constant 0 : index
    %get3A_14 = vector.load %arg2[%get3A_12, %get3A_13] : memref<2000x128xf32, #tpu.memory_space<vmem>>, vector<2000x128xf32>
    %add3A_15 = arith.addf %add3A, %get3A_14 : vector<2000x128xf32>
    %mul3A = vector.broadcast %get3A_1 : vector<2000x1xf32> to vector<2000x128xf32>
    %mul3A_16 = arith.mulf %add3A_15, %mul3A : vector<2000x128xf32>
    %get3A_17 = arith.constant 0 : index
    %get3A_18 = arith.constant 0 : index
    %get3A_19 = vector.load %arg5[%get3A_17, %get3A_18] : memref<1x128xf32, #tpu.memory_space<vmem>>, vector<1x128xf32>
    %add3A_20 = vector.broadcast %get3A_19 : vector<1x128xf32> to vector<2000x128xf32>
    %add3A_21 = arith.addf %mul3A_16, %add3A_20 : vector<2000x128xf32>
    %max3A = arith.constant 0.000000e+00 : f32
    %max3A_22 = vector.broadcast %max3A : f32 to vector<2000x128xf32>
    %max3A_23 = arith.maximumf %add3A_21, %max3A_22 : vector<2000x128xf32>
    %get3A_24 = arith.constant 0 : index
    %get3A_25 = arith.constant 0 : index
    %get3A_26 = vector.load %arg6[%get3A_24, %get3A_25] : memref<128x512xf32, #tpu.memory_space<vmem>>, vector<128x512xf32>
    %dot_general3A = arith.constant dense<0.000000e+00> : vector<2000x512xf32>
    %dot_general3A_27 = tpu.matmul %max3A_23, %get3A_26, %dot_general3A {dimension_numbers = #tpu.dot_dimension_numbers<[1], [0], [0], [1], [0, 0, 1, 1], [], []>, transpose_lhs_hint = false} : vector<2000x128xf32>, vector<128x512xf32>, vector<2000x512xf32> -> vector<2000x512xf32>
    %get3A_28 = arith.constant 0 : index
    %get3A_29 = arith.constant 0 : index
    %get3A_30 = vector.load %arg4[%get3A_28, %get3A_29] : memref<2000x128xf32, #tpu.memory_space<vmem>>, vector<2000x128xf32>
    %get3A_31 = arith.constant 0 : index
    %get3A_32 = arith.constant 0 : index
    %get3A_33 = vector.load %arg7[%get3A_31, %get3A_32] : memref<128x512xf32, #tpu.memory_space<vmem>>, vector<128x512xf32>
    %dot_general3A_34 = arith.constant dense<0.000000e+00> : vector<2000x512xf32>
    %dot_general3A_35 = tpu.matmul %get3A_30, %get3A_33, %dot_general3A_34 {dimension_numbers = #tpu.dot_dimension_numbers<[1], [0], [0], [1], [0, 0, 1, 1], [], []>, transpose_lhs_hint = false} : vector<2000x128xf32>, vector<128x512xf32>, vector<2000x512xf32> -> vector<2000x512xf32>
    %add3A_36 = arith.addf %dot_general3A_27, %dot_general3A_35 : vector<2000x512xf32>
    %get3A_37 = arith.constant 0 : index
    %get3A_38 = arith.constant 0 : index
    %get3A_39 = vector.load %arg8[%get3A_37, %get3A_38] : memref<1x512xf32, #tpu.memory_space<vmem>>, vector<1x512xf32>
    %add3A_40 = vector.broadcast %get3A_39 : vector<1x512xf32> to vector<2000x512xf32>
    %add3A_41 = arith.addf %add3A_36, %add3A_40 : vector<2000x512xf32>
    %slice3A = vector.extract_strided_slice %add3A_41 {offsets = [0, 0], sizes = [2000, 256], strides = [1, 1]} : vector<2000x512xf32> to vector<2000x256xf32>
    %logistic3A = arith.negf %slice3A : vector<2000x256xf32>
    %logistic3A_42 = math.exp %logistic3A : vector<2000x256xf32>
    %logistic3A_43 = arith.constant 1.000000e+00 : f32
    %logistic3A_44 = vector.broadcast %logistic3A_43 : f32 to vector<2000x256xf32>
    %logistic3A_45 = arith.addf %logistic3A_44, %logistic3A_42 : vector<2000x256xf32>
    %logistic3A_46 = arith.divf %logistic3A_44, %logistic3A_45 : vector<2000x256xf32>
    %slice3A_47 = vector.extract_strided_slice %add3A_41 {offsets = [0, 256], sizes = [2000, 256], strides = [1, 1]} : vector<2000x512xf32> to vector<2000x256xf32>
    %tanh3A = math.tanh %slice3A_47 : vector<2000x256xf32>
    %sub3A = arith.constant 1.000000e+00 : f32
    %sub3A_48 = vector.broadcast %sub3A : f32 to vector<2000x256xf32>
    %sub3A_49 = arith.subf %sub3A_48, %logistic3A_46 : vector<2000x256xf32>
    %mul3A_50 = arith.mulf %sub3A_49, %tanh3A : vector<2000x256xf32>
    %swap3A = arith.constant 0 : index
    %swap3A_51 = arith.constant 0 : index
    %swap3A_52 = vector.load %arg11[%swap3A, %swap3A_51] : memref<2000x256xf32, #tpu.memory_space<vmem>>, vector<2000x256xf32>
    tpu.vector_store %arg11[%swap3A, %swap3A_51], %mul3A_50 {strides = array<i32>} : memref<2000x256xf32, #tpu.memory_space<vmem>>, vector<2000x256xf32>,
    %eq3A = arith.constant 0 : i32
    %eq3A_53 = arith.cmpi eq, %arg0, %eq3A : i32
    %convert_element_type3A = arith.extui %eq3A_53 : i1 to i32
    %cond3A = arith.constant 0 : i32
    %cond3A_54 = arith.cmpi ne, %convert_element_type3A, %cond3A : i32
    scf.if %cond3A_54 {
      %broadcast_in_dim3A_68 = arith.constant 0.000000e+00 : f32
      %broadcast_in_dim3A_69 = vector.broadcast %broadcast_in_dim3A_68 : f32 to vector<1x128xf32>
      %swap3A_70 = arith.constant 0 : index
      %swap3A_71 = arith.constant 0 : index
      %swap3A_72 = vector.load %arg13[%swap3A_70, %swap3A_71] : memref<1x128xf32, #tpu.memory_space<vmem>>, vector<1x128xf32>
      tpu.vector_store %arg13[%swap3A_70, %swap3A_71], %broadcast_in_dim3A_69 {strides = array<i32>} : memref<1x128xf32, #tpu.memory_space<vmem>>, vector<1x128xf32>,
    } else {
    }
    %get3A_55 = arith.constant 0 : index
    %get3A_56 = arith.constant 0 : index
    %get3A_57 = vector.load %arg13[%get3A_55, %get3A_56] : memref<1x128xf32, #tpu.memory_space<vmem>>, vector<1x128xf32>
    %reduce_sum3A = arith.constant dense<0.000000e+00> : vector<128xf32>
    %reduce_sum3A_58 = vector.multi_reduction <add>, %max3A_23, %reduce_sum3A [0] : vector<2000x128xf32> to vector<128xf32>
    %broadcast_in_dim3A = vector.shape_cast %reduce_sum3A_58 : vector<128xf32> to vector<1x128xf32>
    %add3A_59 = arith.addf %get3A_57, %broadcast_in_dim3A : vector<1x128xf32>
    %swap3A_60 = arith.constant 0 : index
    %swap3A_61 = arith.constant 0 : index
    %swap3A_62 = vector.load %arg13[%swap3A_60, %swap3A_61] : memref<1x128xf32, #tpu.memory_space<vmem>>, vector<1x128xf32>
    tpu.vector_store %arg13[%swap3A_60, %swap3A_61], %add3A_59 {strides = array<i32>} : memref<1x128xf32, #tpu.memory_space<vmem>>, vector<1x128xf32>,
    %eq3A_63 = arith.constant 4 : i32
    %eq3A_64 = arith.cmpi eq, %arg0, %eq3A_63 : i32
    %convert_element_type3A_65 = arith.extui %eq3A_64 : i1 to i32
    %cond3A_66 = arith.constant 0 : i32
    %cond3A_67 = arith.cmpi ne, %convert_element_type3A_65, %cond3A_66 : i32
    scf.if %cond3A_67 {
      %get3A_68 = arith.constant 0 : index
      %get3A_69 = arith.constant 0 : index
      %get3A_70 = vector.load %arg13[%get3A_68, %get3A_69] : memref<1x128xf32, #tpu.memory_space<vmem>>, vector<1x128xf32>
      %mul3A_71 = arith.constant 9.99999974E-5 : f32
      %mul3A_72 = vector.broadcast %mul3A_71 : f32 to vector<1x128xf32>
      %mul3A_73 = arith.mulf %get3A_70, %mul3A_72 : vector<1x128xf32>
      %get3A_74 = arith.constant 0 : index
      %get3A_75 = arith.constant 0 : index
      %get3A_76 = vector.load %arg9[%get3A_74, %get3A_75] : memref<128x1xf32, #tpu.memory_space<vmem>>, vector<128x1xf32>
      %dot_general3A_77 = arith.constant dense<0.000000e+00> : vector<1x1xf32>
      %dot_general3A_78 = tpu.matmul %mul3A_73, %get3A_76, %dot_general3A_77 {dimension_numbers = #tpu.dot_dimension_numbers<[1], [0], [0], [1], [0, 0, 1, 1], [], []>, transpose_lhs_hint = false} : vector<1x128xf32>, vector<128x1xf32>, vector<1x1xf32> -> vector<1x1xf32>
      %get3A_79 = arith.constant 0 : index
      %get3A_80 = arith.constant 0 : index
      %get3A_81 = vector.load %arg10[%get3A_79, %get3A_80] : memref<1x1xf32, #tpu.memory_space<vmem>>, vector<1x1xf32>
      %add3A_82 = arith.addf %dot_general3A_78, %get3A_81 : vector<1x1xf32>
      %swap3A_83 = arith.constant 0 : index
      %swap3A_84 = arith.constant 0 : index
      %swap3A_85 = vector.load %arg12[%swap3A_83, %swap3A_84] : memref<1x1xf32, #tpu.memory_space<vmem>>, vector<1x1xf32>
      tpu.vector_store %arg12[%swap3A_83, %swap3A_84], %add3A_82 {strides = array<i32>} : memref<1x1xf32, #tpu.memory_space<vmem>>, vector<1x1xf32>,
    } else {
    }
    return
  }
  func.func @transform_0(%arg0: i32) -> (i32, i32, i32) {
    %c0_i32 = arith.constant 0 : i32
    %c0_i32_0 = arith.constant 0 : i32
    %c0_i32_1 = arith.constant 0 : i32
    return %c0_i32, %arg0, %c0_i32_0 : i32, i32, i32
  }
  func.func @transform_1(%arg0: i32) -> (i32, i32) {
    %c0_i32 = arith.constant 0 : i32
    %c0_i32_0 = arith.constant 0 : i32
    return %arg0, %c0_i32 : i32, i32
  }
  func.func @transform_2(%arg0: i32) -> (i32, i32) {
    %c0_i32 = arith.constant 0 : i32
    %c0_i32_0 = arith.constant 0 : i32
    return %arg0, %c0_i32 : i32, i32
  }
  func.func @transform_3(%arg0: i32) -> (i32, i32) {
    %c0_i32 = arith.constant 0 : i32
    %c0_i32_0 = arith.constant 0 : i32
    return %arg0, %c0_i32 : i32, i32
  }
  func.func @transform_4(%arg0: i32) -> (i32, i32) {
    %c0_i32 = arith.constant 0 : i32
    %c0_i32_0 = arith.constant 0 : i32
    %c0_i32_1 = arith.constant 0 : i32
    return %c0_i32, %c0_i32_0 : i32, i32
  }
  func.func @transform_5(%arg0: i32) -> (i32, i32) {
    %c0_i32 = arith.constant 0 : i32
    %c0_i32_0 = arith.constant 0 : i32
    %c0_i32_1 = arith.constant 0 : i32
    return %c0_i32, %c0_i32_0 : i32, i32
  }
  func.func @transform_6(%arg0: i32) -> (i32, i32) {
    %c0_i32 = arith.constant 0 : i32
    %c0_i32_0 = arith.constant 0 : i32
    %c0_i32_1 = arith.constant 0 : i32
    return %c0_i32, %c0_i32_0 : i32, i32
  }
  func.func @transform_7(%arg0: i32) -> (i32, i32) {
    %c0_i32 = arith.constant 0 : i32
    %c0_i32_0 = arith.constant 0 : i32
    %c0_i32_1 = arith.constant 0 : i32
    return %c0_i32, %c0_i32_0 : i32, i32
  }
  func.func @transform_8(%arg0: i32) -> (i32, i32) {
    %c0_i32 = arith.constant 0 : i32
    %c0_i32_0 = arith.constant 0 : i32
    %c0_i32_1 = arith.constant 0 : i32
    return %c0_i32, %c0_i32_0 : i32, i32
  }
  func.func @transform_9(%arg0: i32) -> (i32, i32) {
    %c0_i32 = arith.constant 0 : i32
    %c0_i32_0 = arith.constant 0 : i32
    %c0_i32_1 = arith.constant 0 : i32
    return %c0_i32, %c0_i32_0 : i32, i32
  }
  func.func @transform_10(%arg0: i32) -> (i32, i32) {
    %c0_i32 = arith.constant 0 : i32
    %c0_i32_0 = arith.constant 0 : i32
    return %arg0, %c0_i32 : i32, i32
  }
  func.func @transform_11(%arg0: i32) -> (i32, i32) {
    %c0_i32 = arith.constant 0 : i32
    %c0_i32_0 = arith.constant 0 : i32
    %c0_i32_1 = arith.constant 0 : i32
    return %c0_i32, %c0_i32_0 : i32, i32
  }
  func.func @transform_12(%arg0: i32) -> (i32, i32) {
    %c0_i32 = arith.constant 0 : i32
    %c0_i32_0 = arith.constant 0 : i32
    %c0_i32_1 = arith.constant 0 : i32
    return %c0_i32, %c0_i32_0 : i32, i32
  }
}

</mosaic_0001>

<sc_bundles>
// kernel: kernel.11.cloned.1.call-start
scs
__scs_entry_jumppad:
0x0: {  	(pc) =	sbr.rel $0x88, $3  }
0x1: {  	(tag) =	ssettag $0x0;
	lr =	simm.s32 $0x1  }
0x2: {  	[smem:$0x3F93] =	sst lr;
	_ =	strace $0xD0000000  }
0x3: {  	_ = 	snop  }
0x4: {  	_ = 	snop  }
0x5: {  	_ = 	snop  }
0x6: {  	_ = 	snop  }
0x7: {  	_ = 	snop  }
__scs_overlays_trampoline_lowered:
0x8: {  	[smem:$0x3FA2] =	sst s0  }
0x9: {  	[smem:$0x3FA3] =	sst s1  }
0xa: {  	[smem:$0x3FA4] =	sst s2  }
0xb: {  	[smem:$0x3FA5] =	sst s3  }
0xc: {  	[smem:$0x3FA6] =	sst s4  }
0xd: {  	[smem:$0x3FA7] =	sst s5  }
0xe: {  	[smem:$0x3FA8] =	sst s6  }
0xf: {  	[smem:$0x3FA9] =	sst s7  }
0x10: {  	[smem:$0x3FAA] =	sst s8  }
0x11: {  	[smem:$0x3FAB] =	sst s9;
	s0 =	simm.s32 @!p0 $0x0  }
0x12: {  	s1 =	sld [smem:$0x3F91];
	s0 =	simm.s32 @p0 $0x1  }
0x13: {  	[smem:$0x3FAC] =	sst s0;
	s0 =	simm.s32 @!p1 $0x0  }
0x14: {  	s2 =	sld [smem:$0x3F90];
	s0 =	simm.s32 @p1 $0x1  }
0x15: {  	[smem:$0x3FAD] =	sst s0;
	s0 =	simm.s32 @!p2 $0x0  }
0x16: {  	s3 =	sld [smem:$0x3FDB];
	s0 =	simm.s32 @p2 $0x1  }
0x17: {  	s4 =	simm.s32 $0x1BF5;
	[smem:$0x3FAF] =	sst s0  }
0x18: {  	s0 =	sld [smem:$0x3F92];
	_ =	swait.ge [sflag:s4], $0x0  }
0x19: {  	s7 =	sld [smem:$0x3F93]  }
0x1a: {  	s8 =	sadd.s32 $0xFFFFE003, lr  }
0x1b: {  	s9 =	sadd.s32 $0xFFFFFEF7, lr;
	s5 =	simm.s32 $0xFFFFFFFF;
	p2 =	slt.u32 s8, $0xFFFFF086  }
0x1c: {  	p1 =	slt.u32 s9, $0xF7A;
	s5 =	simm.s32 @!p2 $0x0  }
0x1d: {  	s5 =	simm.s32 @p1 $0x1;
	p0 =	seq.s32 s7, s2  }
0x1e: {  	s7 =	smul.u32 @!p0 $0xF7A, s2;
	p2 =	seq.s32 @!p0 s5, $0x0  }
0x1f: {  	s9 =	smul.u32 $0xF7A, s1;
	s8 =	simm.s32 @!p0 $0x1BF5;
	p2 =	por !p2, p0  }
0x20: {  	[sflag:s8] =	ssyncset.s32 @!p0 $0xFFFFF086;
	s6 =	sadd.s32 @!p0 s3, s7;
	s7 =	simm.s32 @!p0 $0x108  }
0x21: {  	s3 =	sadd.s32 s3, s9;
	s6 =	sadd.s32 @!p0 $0x88, s6;
	s7 =	simm.s32 @p2 $0x1082  }
0x22: {  	[simem:s7], [sflag:s8] =	dma.local @!p0 [hbm:s6], $0xF7A  }
0x23: {  	s9 =	sor.u32 $0xD0000000, s2;
	s6 =	simm.s32 $0x108;
	_ =	swait.ge @!p0 [sflag:s8], $0x0  }
0x24: {  	s3 =	sadd.s32 $0x88, s3;
	s6 =	simm.s32 @!p1 $0x1082;
	[sflag:s4] =	ssyncset.s32 $0xFFFFF086  }
0x25: {  	[simem:s6], [sflag:s4] =	dma.local [hbm:s3], $0xF7A  }
0x26: {  	[smem:$0x3F93] =	sst s1;
	(tag) =	ssettag s2;
	_ =	strace s9  }
0x27: {  	s1 =	sld [smem:$0x3FA3]  }
0x28: {  	s2 =	sld [smem:$0x3FA4]  }
0x29: {  	s4 =	sld [smem:$0x3FA6]  }
0x2a: {  	p0 =	seq.s32 s5, $0x0;
	s5 =	sld [smem:$0x3FA7]  }
0x2b: {  	s6 =	sld [smem:$0x3FA8]  }
0x2c: {  	s7 =	sld [smem:$0x3FA9]  }
0x2d: {  	s3 =	simm.s32 $0x108;
	s8 =	sld [smem:$0x3FAA]  }
0x2e: {  	s3 =	simm.s32 @!p0 $0x1082;
	s9 =	sld [smem:$0x3FAB]  }
0x2f: {  	lr =	sadd.s32 s0, s3;
	s0 =	sld [smem:$0x3FA2]  }
0x30: {  	s3 =	sld [smem:$0x3FA5]  }
0x31: {  	[smem:$0x3FAE] =	sst s10  }
0x32: {  	s10 =	sld [smem:$0x3FAC];
	_ =	sdelay $0x3  }
0x33: {  	p0 =	seq.s32 s10, $0x1;
	s10 =	sld [smem:$0x3FAE];
	_ =	sdelay $0x3  }
0x34: {  	[smem:$0x3FAE] =	sst s10  }
0x35: {  	s10 =	sld [smem:$0x3FAD];
	_ =	sdelay $0x3  }
0x36: {  	p1 =	seq.s32 s10, $0x1;
	s10 =	sld [smem:$0x3FAE];
	_ =	sdelay $0x3  }
0x37: {  	[smem:$0x3FAE] =	sst s10  }
0x38: {  	s10 =	sld [smem:$0x3FAF]  }
0x39: {  	_ = 	snop;
	(pc) =	sbr.ind lr, $3  }
0x3a: {  	_ = 	snop  }
0x3b: {  	_ = 	snop  }
0x3c: {  	p2 =	seq.s32 s10, $0x1;
	s10 =	sld [smem:$0x3FAE]  }
0x3d: {  	_ =	shalt  }
0x3e: {  	_ =	shalt  }
0x3f: {  	_ =	shalt  }
0x40: {  	_ =	shalt  }
0x41: {  	_ =	shalt  }
0x42: {  	_ =	shalt  }
0x43: {  	_ =	shalt  }
0x44: {  	_ =	shalt  }
0x45: {  	_ =	shalt  }
0x46: {  	_ =	shalt  }
0x47: {  	_ =	shalt  }
0x48: {  	_ =	shalt  }
0x49: {  	_ =	shalt  }
0x4a: {  	_ =	shalt  }
0x4b: {  	_ =	shalt  }
0x4c: {  	_ =	shalt  }
0x4d: {  	_ =	shalt  }
0x4e: {  	_ =	shalt  }
0x4f: {  	_ =	shalt  }
0x50: {  	_ =	shalt  }
0x51: {  	_ =	shalt  }
0x52: {  	_ =	shalt  }
0x53: {  	_ =	shalt  }
0x54: {  	_ =	shalt  }
0x55: {  	_ =	shalt  }
0x56: {  	_ =	shalt  }
0x57: {  	_ =	shalt  }
0x58: {  	_ =	shalt  }
0x59: {  	_ =	shalt  }
0x5a: {  	_ =	shalt  }
0x5b: {  	_ =	shalt  }
0x5c: {  	_ =	shalt  }
0x5d: {  	_ =	shalt  }
0x5e: {  	_ =	shalt  }
0x5f: {  	_ =	shalt  }
0x60: {  	_ =	shalt  }
0x61: {  	_ =	shalt  }
0x62: {  	_ =	shalt  }
0x63: {  	_ =	shalt  }
0x64: {  	_ =	shalt  }
0x65: {  	_ =	shalt  }
0x66: {  	_ =	shalt  }
0x67: {  	_ =	shalt  }
0x68: {  	_ =	shalt  }
0x69: {  	_ =	shalt  }
0x6a: {  	_ =	shalt  }
0x6b: {  	_ =	shalt  }
0x6c: {  	_ =	shalt  }
0x6d: {  	_ =	shalt  }
0x6e: {  	_ =	shalt  }
0x6f: {  	_ =	shalt  }
0x70: {  	_ =	shalt  }
0x71: {  	_ =	shalt  }
0x72: {  	_ =	shalt  }
0x73: {  	_ =	shalt  }
0x74: {  	_ =	shalt  }
0x75: {  	_ =	shalt  }
0x76: {  	_ =	shalt  }
0x77: {  	_ =	shalt  }
0x78: {  	_ =	shalt  }
0x79: {  	_ =	shalt  }
0x7a: {  	_ =	shalt  }
0x7b: {  	_ =	shalt  }
0x7c: {  	_ =	shalt  }
0x7d: {  	_ =	shalt  }
0x7e: {  	_ =	shalt  }
0x7f: {  	_ =	shalt  }
0x80: {  	_ =	shalt  }
0x81: {  	_ =	shalt  }
0x82: {  	_ =	shalt  }
0x83: {  	_ =	shalt  }
0x84: {  	_ =	shalt  }
0x85: {  	_ =	shalt  }
0x86: {  	_ =	shalt  }
0x87: {  	_ =	shalt  }
.Lfunc_end0:
.L_simem_size_0:
called_computation.1_lowered:
.L_overlay_start_0:
0x88: {  	s2 =	sld [smem:$0x3FD9]  }
0x89: {  	s3 =	sld [smem:$0x3FFE];
	_ =	sdelay $0x1  }
0x8a: {  	s1 =	srdreg.scid  }
0x8b: {  	s0 =	sand.u32 $0x1, s1  }
0x8c: {  	s14 =	sshll.u32 s0, $0xA;
	s2 =	sadd.s32 s3, s2  }
0x8d: {  	s2 =	sadd.s32 s2, s14  }
0x8e: {  	[smem:$0x3FBA] =	sst s2  }
0x8f: {  	_ = 	snop  }
0x90: {  	s2 =	sld [smem:$0x3FD0];
	_ =	sdelay $0x2  }
0x91: {  	s15 =	simm.s32 $0xA;
	s4 =	simm.s32 $0x10  }
0x92: {  	[smem:s4], [sflag:s15] =	dma.local [hbm:s2], $0x1  }
0x93: {  	_ =	swait.eq [sflag:s15], $0x1  }
0x94: {  	[sflag:s15] =	ssyncset.done $0x0  }
0x95: {  	[sflag:s15] =	ssyncadd.s32 $0xFFFFFFFF  }
0x96: {  	s16 =	sld [smem:$0x11];
	(tm) =	ssettm $0x1  }
0x97: {  	s17 =	sld [smem:$0x3FFB];
	_ =	sdelay $0x3  }
0x98: {  	_ =	strace s17  }
0x99: {  	s3 =	sld [smem:$0x3FFC];
	_ =	sdelay $0x3  }
0x9a: {  	_ =	strace s3  }
0x9b: {  	s3 =	sld [smem:$0x3FFD];
	_ =	sdelay $0x3  }
0x9c: {  	_ =	strace s3  }
0x9d: {  	_ =	strace $0x8FFFFFFF  }
0x9e: {  	s18 =	sld [smem:$0x3FDB];
	_ =	sdelay $0x1  }
0x9f: {  	s19 =	simm.s32 $_scs_section_size  }
0xa0: {  	s5 =	simm.s32 $_size__tile_overlayer_lowered;
	s6 =	simm.s32 $_tile_overlayer_lowered  }
0xa1: {  	s22 =	simm.s32 $0x1BFF;
	s21 =	sshll.u32 s6, $0x1;
	s3 =	sadd.s32 s19, s18  }
0xa2: {  	s7 =	simm.s32 $0x0;
	s20 =	sshll.u32 s5, $0x1;
	s5 =	sadd.s32 s21, s3  }
0xa3: {  	[timem:s7], [sflag:s22] =	dma.local [hbm:s5], s20  }
0xa4: {  	_ =	swait.ge [sflag:s22], s20  }
0xa5: {  	s4 =	ssub.s32 $0x0, s20;
	[sflag:s22] =	ssyncset.done $0x0  }
0xa6: {  	[sflag:s22] =	ssyncadd.s32 s4;
	_ =	sdelay $0x1  }
0xa7: {  	s23 =	simm.s32 $0x1B8B  }
0xa8: {  	_ =	swait.ge [sflag:s23], $0x1  }
0xa9: {  	[sflag:s23] =	ssyncset.done $0x0  }
0xaa: {  	s25 =	simm.s32 $0x1B8E;
	s24 =	sld [smem:$0x3FFE];
	[sflag:s23] =	ssyncadd.s32 $0xFFFFFFFF  }
0xab: {  	s26 =	simm.s32 $execute0_lowered;
	[smem:$0x3FD2] =	sst s25  }
0xac: {  	s5 =	sshll.u32 s26, $0x1;
	_ =	strace $0x80000049;
	[dreg:$0x1] =	wrdreg $0xFFFFFFFF  }
0xad: {  	s28 =	simm.s32 $_size_execute0_lowered;
	s3 =	sadd.s32 s3, s5;
	[dreg:$0x0] =	wrdreg $0x0  }
0xae: {  	s5 =	sshll.u32 s28, $0x1;
	[dreg:$0x2] =	wrdreg s3  }
0xaf: {  	[dreg:$0x3] =	wrdreg s5  }
0xb0: {  	[dreg:$0x4] =	wrdreg $0xC0  }
0xb1: {  	_ =	task [dreg:s7], $0x5FFFF  }
0xb2: {  	[dreg:$0x1] =	wrdreg $0xFFFFFFFF  }
0xb3: {  	[dreg:$0x0] =	wrdreg $0x60  }
0xb4: {  	[dreg:$0x2] =	wrdreg s24  }
0xb5: {  	[dreg:$0x3] =	wrdreg s16  }
0xb6: {  	[dreg:$0x4] =	wrdreg $0xA8000  }
0xb7: {  	[dreg:$0x5] =	wrdreg $0x9  }
0xb8: {  	_ =	task.clear_ibuf [dreg:s7], $0x6FFFF;
	_ =	strace $0x90000049  }
0xb9: {  	s29 =	simm.s32 $0x9;
	_ =	strace $0x8000004B  }
0xba: {  	_ =	swait.ge [sflag:s29], $0x1  }
0xbb: {  	[sflag:s29] =	ssyncadd.s32 $0xFFFFFFFF  }
0xbc: {  	_ =	strace $0x9000004B  }
0xbd: {  	_ =	sfence  }
0xbe: {  	s30 =	sld [smem:$0x0];
	_ =	sdelay $0x2  }
0xbf: {  	s31 =	sshll.u32 s1, $0xD;
	s1 =	sshrl.u32 s1, $0x2  }
0xc0: {  	s3 =	sand.u32 $0x4000, s31;
	s1 =	sadd.s32 s1, s30  }
0xc1: {  	s0 =	sor.u32 s3, s0;
	s1 =	sshll.u32 s1, $0x11  }
0xc2: {  	s0 =	sor.u32 s1, s0  }
0xc3: {  	s0 =	sadd.s32 $0x8F2B, s0  }
0xc4: {  	[sflag:s0] =	ssyncadd.remote.s32 $0x1  }
0xc5: {  	_ =	sfence.sel $0xFFFF  }
0xc6: {  	[dreg:$0x0] =	wrdreg $0xFFFFFFFF;
	(pc) =	sbr.abs _section_cstart, $3  }
0xc7: {  	[dreg:$0x1] =	wrdreg $0xFFFFFFFF  }
0xc8: {  	_ =	task.clear_ibuf [dreg:s7], $0x2FFFF;
	_ =	strace $0x9FFFFFFF  }
0xc9: {  	(tm) =	ssettm $0x7FFFFFFF  }
tec
execute0_lowered:
.L_overlay_start_1:
0x0: {  	(tag) =	ssettag $0x1  }
0x1: {  	s0 =	srdreg.scid;
	s1 =	rddreg [dreg:$0x0]  }
0x2: {  	s10 =	stileid.u32;
	s5 =	rddreg [dreg:$0x1];
	s3 =	simm.s32 $0x0  }
0x3: {  	s16 =	simm.s32 $0x5;
	s17 =	simm.s32 $0x80;
	s18 =	simm.s32 $0x2800  }
0x4: {  	s19 =	simm.s32 $0x6800;
	s20 =	simm.s32 $0x1;
	s21 =	simm.s32 $0x1400  }
0x5: {  	s22 =	simm.s32 $0x3;
	s31 =	simm.s32 $0x0;
	s0 =	sand.u32 $0x1, s0  }
0x6: {  	s7 =	smul.u32 $0x14000, s10;
	[smem:$0x7FF] =	sst s3;
	s4 =	sadd.s32 $0x17600, s1  }
0x7: {  	s9 =	smul.u32 $0x50000, s10;
	s28 =	sshll.u32 s10, $0x6;
	s2 =	sshll.u32 s0, $0x4  }
0x8: {  	s8 =	smul.u32 $0x140000, s0;
	s0 =	ssub.s32 $0x2, s0;
	s11 =	sor.u32 s10, s2  }
0x9: {  	s2 =	rddreg [dreg:$0x2];
	_ =	strace $0x8000004A;
	s24 =	sshrl.u32 s0, $0x1  }
0xa: {  	s25 =	sshrl.u32 s9, $0x2;
	s26 =	sshrl.u32 s7, $0x3;
	s9 =	sadd.s32 $0xD700, s1  }
0xb: {  	s10 =	sadd.s32 $0x17380, s1;
	s6 =	smul.u32 $0x2800, s11;
	s8 =	sadd.s32 s7, s8  }
0xc: {  	s0 =	ssub.s32 s0, s24;
	s15 =	sadd.s32 s25, s2;
	s5 =	sadd.s32 s5, s26  }
0xd: {  	p0 =	seq.s32 s11, $0x1F;
	s24 =	simm.s32 $0x2;
	s26 =	simm.s32 $0x4  }
.Ltmp0:
0xe: {  	s23 =	sshrl.u32 s8, $0x3;
	s6 =	sshrl.u32 s6, $0x3;
	(pc) =	sbr.rel .LBB2_1-.Ltmp0, $4  }
0xf: {  	s14 =	smax.u32 s0, $0x1;
	s15 =	sshrl.u32 s15, $0x3;
	s12 =	sadd.s32 s6, s1  }
0x10: {  	s13 =	sadd.s32 s23, s1;
	s6 =	sor.u32 $0x1C05, s28;
	s29 =	sadd.s32 $0x3E80, s12  }
0x11: {  	s13 =	sadd.s32 $0x3F600, s13;
	s30 =	sadd.s32 $0xDB00, s12;
	[dreg:$0x4] =	wrdreg s29  }
0x12: {  	s7 =	sadd.s32 $0x3C00, s12;
	s8 =	sadd.s32 $0xD880, s12;
	[dreg:$0x5] =	wrdreg s30  }
.LBB2_7:
0x13: {  	s31 =	sadd.s32 $0x1, s31  }
0x14: {  	p1 =	sne.s32 s31, s14  }
.Ltmp1:
0x15: {  	[bflag:$0x0] =	sbarrier.arrive $0xFFFF;
	(pc) =	sbr.rel @!p1 .LBB2_8-.Ltmp1, $4  }
0x16: {  	[hbm:s13], [sflag:s6] =	dma.local [spmem:s15], $0x2800  }
0x17: {  	_ =	swait.ge [sflag:s16], $0x2800  }
0x18: {  	[sflag:s16] =	ssyncset.done $0x0  }
0x19: {  	[sflag:s16] =	ssyncadd.s32 $0xFFFFD800  }
.LBB2_1:
0x1a: {  	[spmem:s15], [sflag:s6] =	dma.local [hbm:s5], $0x2800  }
0x1b: {  	_ =	swait.ge [sflag:s16], $0x2800  }
0x1c: {  	[sflag:s16] =	ssyncset.done $0x0  }
0x1d: {  	[sflag:s16] =	ssyncadd.s32 $0xFFFFD800  }
0x1e: {  	s0 =	simm.s32 @p0 $0x0;
	s1 =	simm.s32 @p0 $0x5;
	[bflag:$0x0] =	sbarrier.arrive $0xFFFF  }
0x1f: {  	[tilespmem:s0], [sflag:$0x5] =	stream.linear.gather @p0 [hbm4b:s9+s0], $0xA00, $0x38;
	[tilespmem:$0x1E800] =	vst v63  }
0x20: {  	_ =	swait.ge @p0 [sflag:s1], $0xA00  }
0x21: {  	[sflag:s1] =	ssyncset.done @p0 $0x0  }
0x22: {  	s11 =	simm.s32 @p0 $0x1400;
	[sflag:s1] =	ssyncadd.s32 @p0 $0xFFFFF600  }
0x23: {  	[tilespmem:s11], [sflag:$0x5] =	stream.linear.gather @p0 [hbm4b:s10+s0], $0xA00, $0x38;
	[tilespmem:$0x1E800] =	vst v63  }
0x24: {  	_ =	swait.ge @p0 [sflag:s1], $0xA00  }
0x25: {  	[sflag:s1] =	ssyncset.done @p0 $0x0  }
0x26: {  	s0 =	simm.s32 @!p0 $0x0;
	[sflag:s1] =	ssyncadd.s32 @p0 $0xFFFFF600;
	s1 =	simm.s32 @!p0 $0x5  }
0x27: {  	[tilespmem:s0], [sflag:$0x5] =	stream.linear.gather @!p0 [hbm4b:s7+s0], $0x1400, $0x38;
	[tilespmem:$0x1E800] =	vst v63  }
0x28: {  	_ =	swait.ge @!p0 [sflag:s1], $0x1400  }
0x29: {  	[sflag:s1] =	ssyncset.done @!p0 $0x0  }
0x2a: {  	s11 =	simm.s32 @!p0 $0x1400;
	[sflag:s1] =	ssyncadd.s32 @!p0 $0xFFFFEC00  }
0x2b: {  	[tilespmem:s11], [sflag:$0x5] =	stream.linear.gather @!p0 [hbm4b:s8+s0], $0x1400, $0x38;
	[tilespmem:$0x1E800] =	vst v63  }
0x2c: {  	_ =	swait.ge @!p0 [sflag:s1], $0x1400  }
0x2d: {  	[sflag:s1] =	ssyncset.done @!p0 $0x0  }
0x2e: {  	[sflag:s1] =	ssyncadd.s32 @!p0 $0xFFFFEC00  }
0x2f: {  	[tilespmem:s18], [sflag:$0x1] =	stream.indirect.gather [hbm4b:s4+s17], $0x80, s3, s17, $0xb8;
	[tilespmem:$0x1E800] =	vst v63  }
0x30: {  	_ = 	snop  }
0x31: {  	[tilespmem:s19], [sflag:$0x2] =	stream.indirect.gather [hbm4b:s4+s17], $0x80, s17, s17, $0xb8;
	[tilespmem:$0x1E800] =	vst v63  }
0x32: {  	_ =	swait.ge [sflag:s20], $0x4000  }
0x33: {  	[sflag:s20] =	ssyncset.done $0x0  }
0x34: {  	[sflag:s20] =	ssyncadd.s32 $0xFFFFC000  }
0x35: {  	[spmem:s2] =	stream.indirect.scatter.add.f32 [tilespmem:s18], [sflag:$0x3], $0x80, s21, s17, $0xb8;
	[tilespmem:$0x1E800] =	vst v63  }
0x36: {  	_ =	swait.ge [sflag:s22], $0x4000  }
0x37: {  	[sflag:s22] =	ssyncset.done $0x0  }
0x38: {  	s11 =	simm.s32 $0x100;
	[sflag:s22] =	ssyncadd.s32 $0xFFFFC000  }
0x39: {  	[tilespmem:s18], [sflag:$0x1] =	stream.indirect.gather [hbm4b:s4+s17], $0x80, s11, s17, $0xb8;
	[tilespmem:$0x1E800] =	vst v63  }
0x3a: {  	_ =	swait.ge [sflag:s24], $0x4000  }
0x3b: {  	[sflag:s24] =	ssyncset.done $0x0  }
0x3c: {  	s12 =	simm.s32 $0x1480;
	[sflag:s24] =	ssyncadd.s32 $0xFFFFC000  }
0x3d: {  	[spmem:s2] =	stream.indirect.scatter.add.f32 [tilespmem:s19], [sflag:$0x4], $0x80, s12, s17, $0xb8;
	[tilespmem:$0x1E800] =	vst v63  }
0x3e: {  	_ =	swait.ge [sflag:s26], $0x4000  }
0x3f: {  	[sflag:s26] =	ssyncset.done $0x0  }
0x40: {  	s12 =	simm.s32 $0x180;
	[sflag:s26] =	ssyncadd.s32 $0xFFFFC000  }
0x41: {  	[tilespmem:s19], [sflag:$0x2] =	stream.indirect.gather [hbm4b:s4+s17], $0x80, s12, s17, $0xb8;
	[tilespmem:$0x1E800] =	vst v63  }
0x42: {  	_ =	swait.ge [sflag:s20], $0x4000  }
0x43: {  	s1 =	simm.s32 @!p0 $0x14;
	[sflag:s20] =	ssyncset.done $0x0  }
0x44: {  	s23 =	simm.s32 $0x1500;
	s1 =	simm.s32 @p0 $0xA;
	[sflag:s20] =	ssyncadd.s32 $0xFFFFC000  }
0x45: {  	[spmem:s2] =	stream.indirect.scatter.add.f32 [tilespmem:s18], [sflag:$0x3], $0x80, s23, s17, $0xb8;
	[tilespmem:$0x1E800] =	vst v63  }
0x46: {  	s30 =	ssub.s32 $0x2, s1;
	_ =	swait.ge [sflag:s22], $0x4000  }
0x47: {  	p1 =	sne.s32 s30, $0xFFFFFFFF;
	[sflag:s22] =	ssyncset.done $0x0  }
.Ltmp2:
0x48: {  	s25 =	simm.s32 $0x200;
	[sflag:s22] =	ssyncadd.s32 $0xFFFFC000;
	(pc) =	sbr.rel @!p1 .LBB2_3-.Ltmp2, $4  }
0x49: {  	[tilespmem:s18], [sflag:$0x1] =	stream.indirect.gather [hbm4b:s4+s17], $0x80, s25, s17, $0xb8;
	[tilespmem:$0x1E800] =	vst v63  }
0x4a: {  	s29 =	simm.s32 $0xFFFFFFFF;
	s28 =	simm.s32 $0x1680;
	_ =	swait.ge [sflag:s24], $0x4000  }
0x4b: {  	s0 =	sadd.s32 $0xFFFFFFFF, s1;
	s1 =	simm.s32 $0x280;
	[sflag:s24] =	ssyncset.done $0x0  }
0x4c: {  	s11 =	simm.s32 $0x1580;
	s23 =	simm.s32 $0x1580;
	[sflag:s24] =	ssyncadd.s32 $0xFFFFC000  }
.LBB2_2:
0x4d: {  	s11 =	smov.u32 s28;
	s12 =	smov.u32 s1  }
0x4e: {  	[spmem:s2] =	stream.indirect.scatter.add.f32 [tilespmem:s19], [sflag:$0x4], $0x80, s23, s17, $0xb8;
	[tilespmem:$0x1E800] =	vst v63  }
0x4f: {  	s29 =	sadd.s32 $0xFFFFFFFF, s29;
	s23 =	smov.u32 s28;
	_ =	swait.ge [sflag:s26], $0x4000  }
0x50: {  	p1 =	sne.s32 s30, s29;
	[sflag:s26] =	ssyncset.done $0x0  }
0x51: {  	[sflag:s26] =	ssyncadd.s32 $0xFFFFC000  }
0x52: {  	[tilespmem:s19], [sflag:$0x2] =	stream.indirect.gather [hbm4b:s4+s17], $0x80, s1, s17, $0xb8;
	[tilespmem:$0x1E800] =	vst v63  }
0x53: {  	_ =	swait.ge [sflag:s20], $0x4000  }
0x54: {  	[sflag:s20] =	ssyncset.done $0x0  }
0x55: {  	s25 =	sadd.s32 $0xFFFFFF80, s28;
	[sflag:s20] =	ssyncadd.s32 $0xFFFFC000  }
0x56: {  	[spmem:s2] =	stream.indirect.scatter.add.f32 [tilespmem:s18], [sflag:$0x3], $0x80, s25, s17, $0xb8;
	[tilespmem:$0x1E800] =	vst v63  }
0x57: {  	_ =	swait.ge [sflag:s22], $0x4000  }
0x58: {  	[sflag:s22] =	ssyncset.done $0x0  }
.Ltmp3:
0x59: {  	s25 =	sadd.s32 $0x80, s1;
	[sflag:s22] =	ssyncadd.s32 $0xFFFFC000;
	(pc) =	sbr.rel @p1 .LBB2_2-.Ltmp3, $4  }
0x5a: {  	[tilespmem:s18], [sflag:$0x1] =	stream.indirect.gather [hbm4b:s4+s17], $0x80, s25, s17, $0xb8;
	[tilespmem:$0x1E800] =	vst v63  }
0x5b: {  	_ =	swait.ge [sflag:s24], $0x4000  }
0x5c: {  	[sflag:s24] =	ssyncset.done $0x0  }
0x5d: {  	s28 =	sadd.s32 $0x100, s28;
	s1 =	sadd.s32 $0x100, s1;
	[sflag:s24] =	ssyncadd.s32 $0xFFFFC000  }
.LBB2_3:
0x5e: {  	[spmem:s2] =	stream.indirect.scatter.add.f32 [tilespmem:s19], [sflag:$0x4], $0x80, s23, s17, $0xb8;
	[tilespmem:$0x1E800] =	vst v63  }
0x5f: {  	_ =	swait.ge [sflag:s26], $0x4000  }
0x60: {  	[sflag:s26] =	ssyncset.done $0x0  }
0x61: {  	[sflag:s26] =	ssyncadd.s32 $0xFFFFC000  }
0x62: {  	[tilespmem:s19], [sflag:$0x2] =	stream.indirect.gather [hbm4b:s4+s17], $0x80, s1, s17, $0xb8;
	[tilespmem:$0x1E800] =	vst v63  }
0x63: {  	_ =	swait.ge [sflag:s20], $0x4000  }
0x64: {  	[sflag:s20] =	ssyncset.done $0x0  }
0x65: {  	s25 =	sadd.s32 $0x80, s11;
	s30 =	ssub.s32 $0x1, s29;
	[sflag:s20] =	ssyncadd.s32 $0xFFFFC000  }
0x66: {  	[spmem:s2] =	stream.indirect.scatter.add.f32 [tilespmem:s18], [sflag:$0x3], $0x80, s25, s17, $0xb8;
	[tilespmem:$0x1E800] =	vst v63  }
0x67: {  	p1 =	sge.u32 s30, s0;
	_ =	swait.ge [sflag:s22], $0x4000  }
0x68: {  	s0 =	sadd.s32 @!p1 $0x180, s12;
	[sflag:s22] =	ssyncset.done $0x0  }
0x69: {  	s11 =	simm.s32 @!p1 $0x2800;
	s1 =	simm.s32 @!p1 $0x80;
	[sflag:s22] =	ssyncadd.s32 $0xFFFFC000  }
0x6a: {  	[tilespmem:s11], [sflag:$0x1] =	stream.indirect.gather @!p1 [hbm4b:s4+s1], $0x80, s0, s1, $0xb8;
	[tilespmem:$0x1E800] =	vst v63  }
0x6b: {  	_ =	swait.ge [sflag:s24], $0x4000  }
0x6c: {  	[sflag:s24] =	ssyncset.done $0x0  }
.Ltmp4:
0x6d: {  	[sflag:s24] =	ssyncadd.s32 $0xFFFFC000;
	(pc) =	sbr.rel @p0 .LBB2_7-.Ltmp4, $4  }
0x6e: {  	[spmem:s2] =	stream.indirect.scatter.add.f32 [tilespmem:s19], [sflag:$0x4], $0x80, s28, s17, $0xb8;
	[tilespmem:$0x1E800] =	vst v63  }
0x6f: {  	_ =	swait.ge [sflag:s26], $0x4000  }
0x70: {  	[sflag:s26] =	ssyncset.done $0x0  }
0x71: {  	[sflag:s26] =	ssyncadd.s32 $0xFFFFC000  }
0x72: {  	s0 =	rddreg [dreg:$0x4]  }
0x73: {  	[tilespmem:s3], [sflag:$0x5] =	stream.linear.gather [hbm4b:s0+s3], $0x1400, $0x38;
	[tilespmem:$0x1E800] =	vst v63  }
0x74: {  	_ =	swait.ge [sflag:s16], $0x1400  }
0x75: {  	[sflag:s16] =	ssyncset.done $0x0  }
0x76: {  	s12 =	rddreg [dreg:$0x5];
	[sflag:s16] =	ssyncadd.s32 $0xFFFFEC00  }
0x77: {  	[tilespmem:s21], [sflag:$0x5] =	stream.linear.gather [hbm4b:s12+s3], $0x1400, $0x38;
	[tilespmem:$0x1E800] =	vst v63  }
0x78: {  	_ =	swait.ge [sflag:s16], $0x1400  }
0x79: {  	[sflag:s16] =	ssyncset.done $0x0  }
0x7a: {  	[sflag:s16] =	ssyncadd.s32 $0xFFFFEC00  }
0x7b: {  	[tilespmem:s18], [sflag:$0x1] =	stream.indirect.gather [hbm4b:s4+s17], $0x80, s3, s17, $0xb8;
	[tilespmem:$0x1E800] =	vst v63  }
0x7c: {  	_ = 	snop  }
0x7d: {  	[tilespmem:s19], [sflag:$0x2] =	stream.indirect.gather [hbm4b:s4+s17], $0x80, s17, s17, $0xb8;
	[tilespmem:$0x1E800] =	vst v63  }
0x7e: {  	_ =	swait.ge [sflag:s20], $0x4000  }
0x7f: {  	[sflag:s20] =	ssyncset.done $0x0  }
0x80: {  	[sflag:s20] =	ssyncadd.s32 $0xFFFFC000  }
0x81: {  	[spmem:s2] =	stream.indirect.scatter.add.f32 [tilespmem:s18], [sflag:$0x3], $0x80, s21, s17, $0xb8;
	[tilespmem:$0x1E800] =	vst v63  }
0x82: {  	_ =	swait.ge [sflag:s22], $0x4000  }
0x83: {  	[sflag:s22] =	ssyncset.done $0x0  }
0x84: {  	s23 =	simm.s32 $0x100;
	[sflag:s22] =	ssyncadd.s32 $0xFFFFC000  }
0x85: {  	[tilespmem:s18], [sflag:$0x1] =	stream.indirect.gather [hbm4b:s4+s17], $0x80, s23, s17, $0xb8;
	[tilespmem:$0x1E800] =	vst v63  }
0x86: {  	_ =	swait.ge [sflag:s24], $0x4000  }
0x87: {  	[sflag:s24] =	ssyncset.done $0x0  }
0x88: {  	s25 =	simm.s32 $0x1480;
	[sflag:s24] =	ssyncadd.s32 $0xFFFFC000  }
0x89: {  	[spmem:s2] =	stream.indirect.scatter.add.f32 [tilespmem:s19], [sflag:$0x4], $0x80, s25, s17, $0xb8;
	[tilespmem:$0x1E800] =	vst v63  }
0x8a: {  	_ =	swait.ge [sflag:s26], $0x4000  }
0x8b: {  	[sflag:s26] =	ssyncset.done $0x0  }
0x8c: {  	s28 =	simm.s32 $0x180;
	[sflag:s26] =	ssyncadd.s32 $0xFFFFC000  }
0x8d: {  	[tilespmem:s19], [sflag:$0x2] =	stream.indirect.gather [hbm4b:s4+s17], $0x80, s28, s17, $0xb8;
	[tilespmem:$0x1E800] =	vst v63  }
0x8e: {  	_ =	swait.ge [sflag:s20], $0x4000  }
0x8f: {  	[sflag:s20] =	ssyncset.done $0x0  }
0x90: {  	s29 =	simm.s32 $0x1500;
	[sflag:s20] =	ssyncadd.s32 $0xFFFFC000  }
0x91: {  	[spmem:s2] =	stream.indirect.scatter.add.f32 [tilespmem:s18], [sflag:$0x3], $0x80, s29, s17, $0xb8;
	[tilespmem:$0x1E800] =	vst v63  }
0x92: {  	_ =	swait.ge [sflag:s22], $0x4000  }
0x93: {  	[sflag:s22] =	ssyncset.done $0x0  }
0x94: {  	s30 =	simm.s32 $0x200;
	[sflag:s22] =	ssyncadd.s32 $0xFFFFC000  }
0x95: {  	[tilespmem:s18], [sflag:$0x1] =	stream.indirect.gather [hbm4b:s4+s17], $0x80, s30, s17, $0xb8;
	[tilespmem:$0x1E800] =	vst v63  }
0x96: {  	_ =	swait.ge [sflag:s24], $0x4000  }
0x97: {  	[sflag:s24] =	ssyncset.done $0x0  }
0x98: {  	s1 =	simm.s32 $0x1580;
	s0 =	simm.s32 $0xFFFFBC00;
	[sflag:s24] =	ssyncadd.s32 $0xFFFFC000  }
.LBB2_5:
0x99: {  	[spmem:s2] =	stream.indirect.scatter.add.f32 [tilespmem:s19], [sflag:$0x4], $0x80, s1, s17, $0xb8;
	[tilespmem:$0x1E800] =	vst v63  }
0x9a: {  	s1 =	smov.u32 s0  }
0x9b: {  	p1 =	sne.s32 s0, $0xFFFFFC00;
	s0 =	sadd.s32 $0x400, s0;
	_ =	swait.ge [sflag:s26], $0x4000  }
0x9c: {  	s1 =	sshra.s32 s1, $0x2;
	[sflag:s26] =	ssyncset.done $0x0  }
0x9d: {  	s11 =	sadd.s32 $0x1380, s1;
	[sflag:s26] =	ssyncadd.s32 $0xFFFFC000  }
0x9e: {  	[tilespmem:s19], [sflag:$0x2] =	stream.indirect.gather [hbm4b:s4+s17], $0x80, s11, s17, $0xb8;
	[tilespmem:$0x1E800] =	vst v63  }
0x9f: {  	_ =	swait.ge [sflag:s20], $0x4000  }
0xa0: {  	[sflag:s20] =	ssyncset.done $0x0  }
0xa1: {  	s11 =	sadd.s32 $0x2700, s1;
	[sflag:s20] =	ssyncadd.s32 $0xFFFFC000  }
0xa2: {  	[spmem:s2] =	stream.indirect.scatter.add.f32 [tilespmem:s18], [sflag:$0x3], $0x80, s11, s17, $0xb8;
	[tilespmem:$0x1E800] =	vst v63  }
0xa3: {  	_ =	swait.ge [sflag:s22], $0x4000  }
0xa4: {  	[sflag:s22] =	ssyncset.done $0x0  }
.Ltmp5:
0xa5: {  	s11 =	sadd.s32 $0x1400, s1;
	[sflag:s22] =	ssyncadd.s32 $0xFFFFC000;
	(pc) =	sbr.rel @p1 .LBB2_5-.Ltmp5, $4  }
0xa6: {  	[tilespmem:s18], [sflag:$0x1] =	stream.indirect.gather [hbm4b:s4+s17], $0x80, s11, s17, $0xb8;
	[tilespmem:$0x1E800] =	vst v63  }
0xa7: {  	_ =	swait.ge [sflag:s24], $0x4000  }
0xa8: {  	[sflag:s24] =	ssyncset.done $0x0  }
0xa9: {  	s1 =	sadd.s32 $0x2780, s1;
	[sflag:s24] =	ssyncadd.s32 $0xFFFFC000  }
0xaa: {  	[spmem:s2] =	stream.indirect.scatter.add.f32 [tilespmem:s19], [sflag:$0x4], $0x80, s1, s17, $0xb8;
	[tilespmem:$0x1E800] =	vst v63  }
0xab: {  	_ =	swait.ge [sflag:s26], $0x4000  }
0xac: {  	[sflag:s26] =	ssyncset.done $0x0  }
0xad: {  	s0 =	simm.s32 $0x1380;
	[sflag:s26] =	ssyncadd.s32 $0xFFFFC000  }
0xae: {  	[tilespmem:s19], [sflag:$0x2] =	stream.indirect.gather [hbm4b:s4+s17], $0x80, s0, s17, $0xb8;
	[tilespmem:$0x1E800] =	vst v63  }
0xaf: {  	_ =	swait.ge [sflag:s20], $0x4000  }
0xb0: {  	[sflag:s20] =	ssyncset.done $0x0  }
0xb1: {  	s29 =	simm.s32 $0x2700;
	[sflag:s20] =	ssyncadd.s32 $0xFFFFC000  }
0xb2: {  	[spmem:s2] =	stream.indirect.scatter.add.f32 [tilespmem:s18], [sflag:$0x3], $0x80, s29, s17, $0xb8;
	[tilespmem:$0x1E800] =	vst v63  }
0xb3: {  	_ =	swait.ge [sflag:s22], $0x4000  }
0xb4: {  	[sflag:s22] =	ssyncset.done $0x0  }
0xb5: {  	[sflag:s22] =	ssyncadd.s32 $0xFFFFC000  }
0xb6: {  	_ =	swait.ge [sflag:s24], $0x4000  }
0xb7: {  	[sflag:s24] =	ssyncset.done $0x0  }
.Ltmp6:
0xb8: {  	s30 =	simm.s32 $0x2780;
	[sflag:s24] =	ssyncadd.s32 $0xFFFFC000;
	(pc) =	sbr.rel .LBB2_7-.Ltmp6, $4  }
0xb9: {  	[spmem:s2] =	stream.indirect.scatter.add.f32 [tilespmem:s19], [sflag:$0x4], $0x80, s30, s17, $0xb8;
	[tilespmem:$0x1E800] =	vst v63  }
0xba: {  	_ =	swait.ge [sflag:s26], $0x4000  }
0xbb: {  	[sflag:s26] =	ssyncset.done $0x0  }
0xbc: {  	[sflag:s26] =	ssyncadd.s32 $0xFFFFC000  }
.LBB2_8:
0xbd: {  	_ =	sfence.sel $0x180000  }
0xbe: {  	[bflag:$0x0] =	sbarrier.arrive $0xFFFF  }
0xbf: {  	_ =	strace $0x9000004A  }
0xc0: {  	s0 =	stileid.u32;
	[bflag:$0x2] =	sbarrier.arrive $0xFFFF  }
0xc1: {  	p0 =	sne.s32 s0, $0x0;
	s0 =	rddreg [dreg:$0x3]  }
0xc2: {  	s0 =	sadd.s32 @!p0 $0x100000, s0  }
0xc3: {  	[sflag:s0] =	ssyncadd.tile.s32 @!p0 $0x1;
	_ =	shalt  }
.Lfunc_end2:
_tile_overlayer_lowered:
.L_overlay_start_2:
0xc4: {  	(tag) =	ssettag $0x2  }
0xc5: {  	s0 =	rddreg [dreg:$0x0];
	s2 =	stileid.u32  }
0xc6: {  	s1 =	rddreg [dreg:$0x1];
	p0 =	sne.s32 s2, $0x0  }
0xc7: {  	s3 =	rddreg [dreg:$0x2];
	[bflag:$0x3] =	sbarrier.arrive $0xFFFF;
	s2 =	simm.s32 @!p0 $0x1C05  }
0xc8: {  	[timem:s3], [sflag:s2] =	dma.local @!p0 [hbm:s0], s1  }
0xc9: {  	s0 =	simm.s32 @!p0 $0x5  }
0xca: {  	_ =	swait.ge @!p0 [sflag:s0], s1  }
0xcb: {  	s1 =	ssub.s32 @!p0 $0x0, s1;
	[sflag:s0] =	ssyncset.done @!p0 $0x0  }
0xcc: {  	[sflag:s0] =	ssyncadd.s32 @!p0 s1  }
0xcd: {  	[bflag:$0x3] =	sbarrier.arrive $0xFFFF  }
0xce: {  	_ =	shalt  }

// kernel: kernel.14.cloned.1.call-start
scs
__scs_entry_jumppad:
0x0: {  	(pc) =	sbr.rel $0x88, $3  }
0x1: {  	(tag) =	ssettag $0x0;
	lr =	simm.s32 $0x1  }
0x2: {  	[smem:$0x3F93] =	sst lr;
	_ =	strace $0xD0000000  }
0x3: {  	_ = 	snop  }
0x4: {  	_ = 	snop  }
0x5: {  	_ = 	snop  }
0x6: {  	_ = 	snop  }
0x7: {  	_ = 	snop  }
__scs_overlays_trampoline_lowered:
0x8: {  	[smem:$0x3FA2] =	sst s0  }
0x9: {  	[smem:$0x3FA3] =	sst s1  }
0xa: {  	[smem:$0x3FA4] =	sst s2  }
0xb: {  	[smem:$0x3FA5] =	sst s3  }
0xc: {  	[smem:$0x3FA6] =	sst s4  }
0xd: {  	[smem:$0x3FA7] =	sst s5  }
0xe: {  	[smem:$0x3FA8] =	sst s6  }
0xf: {  	[smem:$0x3FA9] =	sst s7  }
0x10: {  	[smem:$0x3FAA] =	sst s8  }
0x11: {  	[smem:$0x3FAB] =	sst s9;
	s0 =	simm.s32 @!p0 $0x0  }
0x12: {  	s1 =	sld [smem:$0x3F91];
	s0 =	simm.s32 @p0 $0x1  }
0x13: {  	[smem:$0x3FAC] =	sst s0;
	s0 =	simm.s32 @!p1 $0x0  }
0x14: {  	s2 =	sld [smem:$0x3F90];
	s0 =	simm.s32 @p1 $0x1  }
0x15: {  	[smem:$0x3FAD] =	sst s0;
	s0 =	simm.s32 @!p2 $0x0  }
0x16: {  	s3 =	sld [smem:$0x3FDB];
	s0 =	simm.s32 @p2 $0x1  }
0x17: {  	s4 =	simm.s32 $0x1BF5;
	[smem:$0x3FAF] =	sst s0  }
0x18: {  	s0 =	sld [smem:$0x3F92];
	_ =	swait.ge [sflag:s4], $0x0  }
0x19: {  	s7 =	sld [smem:$0x3F93]  }
0x1a: {  	s8 =	sadd.s32 $0xFFFFE003, lr  }
0x1b: {  	s9 =	sadd.s32 $0xFFFFFEF7, lr;
	s5 =	simm.s32 $0xFFFFFFFF;
	p2 =	slt.u32 s8, $0xFFFFF086  }
0x1c: {  	p1 =	slt.u32 s9, $0xF7A;
	s5 =	simm.s32 @!p2 $0x0  }
0x1d: {  	s5 =	simm.s32 @p1 $0x1;
	p0 =	seq.s32 s7, s2  }
0x1e: {  	s7 =	smul.u32 @!p0 $0xF7A, s2;
	p2 =	seq.s32 @!p0 s5, $0x0  }
0x1f: {  	s9 =	smul.u32 $0xF7A, s1;
	s8 =	simm.s32 @!p0 $0x1BF5;
	p2 =	por !p2, p0  }
0x20: {  	[sflag:s8] =	ssyncset.s32 @!p0 $0xFFFFF086;
	s6 =	sadd.s32 @!p0 s3, s7;
	s7 =	simm.s32 @!p0 $0x108  }
0x21: {  	s3 =	sadd.s32 s3, s9;
	s6 =	sadd.s32 @!p0 $0x88, s6;
	s7 =	simm.s32 @p2 $0x1082  }
0x22: {  	[simem:s7], [sflag:s8] =	dma.local @!p0 [hbm:s6], $0xF7A  }
0x23: {  	s9 =	sor.u32 $0xD0000000, s2;
	s6 =	simm.s32 $0x108;
	_ =	swait.ge @!p0 [sflag:s8], $0x0  }
0x24: {  	s3 =	sadd.s32 $0x88, s3;
	s6 =	simm.s32 @!p1 $0x1082;
	[sflag:s4] =	ssyncset.s32 $0xFFFFF086  }
0x25: {  	[simem:s6], [sflag:s4] =	dma.local [hbm:s3], $0xF7A  }
0x26: {  	[smem:$0x3F93] =	sst s1;
	(tag) =	ssettag s2;
	_ =	strace s9  }
0x27: {  	s1 =	sld [smem:$0x3FA3]  }
0x28: {  	s2 =	sld [smem:$0x3FA4]  }
0x29: {  	s4 =	sld [smem:$0x3FA6]  }
0x2a: {  	p0 =	seq.s32 s5, $0x0;
	s5 =	sld [smem:$0x3FA7]  }
0x2b: {  	s6 =	sld [smem:$0x3FA8]  }
0x2c: {  	s7 =	sld [smem:$0x3FA9]  }
0x2d: {  	s3 =	simm.s32 $0x108;
	s8 =	sld [smem:$0x3FAA]  }
0x2e: {  	s3 =	simm.s32 @!p0 $0x1082;
	s9 =	sld [smem:$0x3FAB]  }
0x2f: {  	lr =	sadd.s32 s0, s3;
	s0 =	sld [smem:$0x3FA2]  }
0x30: {  	s3 =	sld [smem:$0x3FA5]  }
0x31: {  	[smem:$0x3FAE] =	sst s10  }
0x32: {  	s10 =	sld [smem:$0x3FAC];
	_ =	sdelay $0x3  }
0x33: {  	p0 =	seq.s32 s10, $0x1;
	s10 =	sld [smem:$0x3FAE];
	_ =	sdelay $0x3  }
0x34: {  	[smem:$0x3FAE] =	sst s10  }
0x35: {  	s10 =	sld [smem:$0x3FAD];
	_ =	sdelay $0x3  }
0x36: {  	p1 =	seq.s32 s10, $0x1;
	s10 =	sld [smem:$0x3FAE];
	_ =	sdelay $0x3  }
0x37: {  	[smem:$0x3FAE] =	sst s10  }
0x38: {  	s10 =	sld [smem:$0x3FAF]  }
0x39: {  	_ = 	snop;
	(pc) =	sbr.ind lr, $3  }
0x3a: {  	_ = 	snop  }
0x3b: {  	_ = 	snop  }
0x3c: {  	p2 =	seq.s32 s10, $0x1;
	s10 =	sld [smem:$0x3FAE]  }
0x3d: {  	_ =	shalt  }
0x3e: {  	_ =	shalt  }
0x3f: {  	_ =	shalt  }
0x40: {  	_ =	shalt  }
0x41: {  	_ =	shalt  }
0x42: {  	_ =	shalt  }
0x43: {  	_ =	shalt  }
0x44: {  	_ =	shalt  }
0x45: {  	_ =	shalt  }
0x46: {  	_ =	shalt  }
0x47: {  	_ =	shalt  }
0x48: {  	_ =	shalt  }
0x49: {  	_ =	shalt  }
0x4a: {  	_ =	shalt  }
0x4b: {  	_ =	shalt  }
0x4c: {  	_ =	shalt  }
0x4d: {  	_ =	shalt  }
0x4e: {  	_ =	shalt  }
0x4f: {  	_ =	shalt  }
0x50: {  	_ =	shalt  }
0x51: {  	_ =	shalt  }
0x52: {  	_ =	shalt  }
0x53: {  	_ =	shalt  }
0x54: {  	_ =	shalt  }
0x55: {  	_ =	shalt  }
0x56: {  	_ =	shalt  }
0x57: {  	_ =	shalt  }
0x58: {  	_ =	shalt  }
0x59: {  	_ =	shalt  }
0x5a: {  	_ =	shalt  }
0x5b: {  	_ =	shalt  }
0x5c: {  	_ =	shalt  }
0x5d: {  	_ =	shalt  }
0x5e: {  	_ =	shalt  }
0x5f: {  	_ =	shalt  }
0x60: {  	_ =	shalt  }
0x61: {  	_ =	shalt  }
0x62: {  	_ =	shalt  }
0x63: {  	_ =	shalt  }
0x64: {  	_ =	shalt  }
0x65: {  	_ =	shalt  }
0x66: {  	_ =	shalt  }
0x67: {  	_ =	shalt  }
0x68: {  	_ =	shalt  }
0x69: {  	_ =	shalt  }
0x6a: {  	_ =	shalt  }
0x6b: {  	_ =	shalt  }
0x6c: {  	_ =	shalt  }
0x6d: {  	_ =	shalt  }
0x6e: {  	_ =	shalt  }
0x6f: {  	_ =	shalt  }
0x70: {  	_ =	shalt  }
0x71: {  	_ =	shalt  }
0x72: {  	_ =	shalt  }
0x73: {  	_ =	shalt  }
0x74: {  	_ =	shalt  }
0x75: {  	_ =	shalt  }
0x76: {  	_ =	shalt  }
0x77: {  	_ =	shalt  }
0x78: {  	_ =	shalt  }
0x79: {  	_ =	shalt  }
0x7a: {  	_ =	shalt  }
0x7b: {  	_ =	shalt  }
0x7c: {  	_ =	shalt  }
0x7d: {  	_ =	shalt  }
0x7e: {  	_ =	shalt  }
0x7f: {  	_ =	shalt  }
0x80: {  	_ =	shalt  }
0x81: {  	_ =	shalt  }
0x82: {  	_ =	shalt  }
0x83: {  	_ =	shalt  }
0x84: {  	_ =	shalt  }
0x85: {  	_ =	shalt  }
0x86: {  	_ =	shalt  }
0x87: {  	_ =	shalt  }
.Lfunc_end0:
.L_simem_size_0:
called_computation.2_lowered:
.L_overlay_start_0:
0x88: {  	s2 =	sld [smem:$0x3FD9]  }
0x89: {  	s3 =	sld [smem:$0x3FFE];
	_ =	sdelay $0x1  }
0x8a: {  	s1 =	srdreg.scid  }
0x8b: {  	s0 =	sand.u32 $0x1, s1  }
0x8c: {  	s14 =	sshll.u32 s0, $0xA;
	s2 =	sadd.s32 s3, s2  }
0x8d: {  	s2 =	sadd.s32 s2, s14  }
0x8e: {  	[smem:$0x3FBA] =	sst s2  }
0x8f: {  	_ = 	snop  }
0x90: {  	s2 =	sld [smem:$0x3FD0];
	_ =	sdelay $0x2  }
0x91: {  	s15 =	simm.s32 $0xA;
	s4 =	simm.s32 $0x10  }
0x92: {  	[smem:s4], [sflag:s15] =	dma.local [hbm:s2], $0x1  }
0x93: {  	_ =	swait.eq [sflag:s15], $0x1  }
0x94: {  	[sflag:s15] =	ssyncset.done $0x0  }
0x95: {  	[sflag:s15] =	ssyncadd.s32 $0xFFFFFFFF  }
0x96: {  	s16 =	sld [smem:$0x11];
	(tm) =	ssettm $0x1  }
0x97: {  	s17 =	sld [smem:$0x3FFB];
	_ =	sdelay $0x3  }
0x98: {  	_ =	strace s17  }
0x99: {  	s3 =	sld [smem:$0x3FFC];
	_ =	sdelay $0x3  }
0x9a: {  	_ =	strace s3  }
0x9b: {  	s3 =	sld [smem:$0x3FFD];
	_ =	sdelay $0x3  }
0x9c: {  	_ =	strace s3  }
0x9d: {  	_ =	strace $0x8FFFFFFF  }
0x9e: {  	s18 =	sld [smem:$0x3FDB];
	_ =	sdelay $0x1  }
0x9f: {  	s19 =	simm.s32 $_scs_section_size  }
0xa0: {  	s5 =	simm.s32 $_size__tile_overlayer_lowered;
	s6 =	simm.s32 $_tile_overlayer_lowered  }
0xa1: {  	s22 =	simm.s32 $0x1BFF;
	s21 =	sshll.u32 s6, $0x1;
	s3 =	sadd.s32 s19, s18  }
0xa2: {  	s7 =	simm.s32 $0x0;
	s20 =	sshll.u32 s5, $0x1;
	s5 =	sadd.s32 s21, s3  }
0xa3: {  	[timem:s7], [sflag:s22] =	dma.local [hbm:s5], s20  }
0xa4: {  	_ =	swait.ge [sflag:s22], s20  }
0xa5: {  	s4 =	ssub.s32 $0x0, s20;
	[sflag:s22] =	ssyncset.done $0x0  }
0xa6: {  	[sflag:s22] =	ssyncadd.s32 s4;
	_ =	sdelay $0x1  }
0xa7: {  	s23 =	simm.s32 $0x1B8B  }
0xa8: {  	_ =	swait.ge [sflag:s23], $0x1  }
0xa9: {  	[sflag:s23] =	ssyncset.done $0x0  }
0xaa: {  	s25 =	simm.s32 $0x1B8E;
	s24 =	sld [smem:$0x3FFE];
	[sflag:s23] =	ssyncadd.s32 $0xFFFFFFFF  }
0xab: {  	s26 =	simm.s32 $execute0_lowered;
	[smem:$0x3FD2] =	sst s25  }
0xac: {  	s5 =	sshll.u32 s26, $0x1;
	_ =	strace $0x8000004C;
	[dreg:$0x1] =	wrdreg $0xFFFFFFFF  }
0xad: {  	s28 =	simm.s32 $_size_execute0_lowered;
	s3 =	sadd.s32 s3, s5;
	[dreg:$0x0] =	wrdreg $0x0  }
0xae: {  	s5 =	sshll.u32 s28, $0x1;
	[dreg:$0x2] =	wrdreg s3  }
0xaf: {  	[dreg:$0x3] =	wrdreg s5  }
0xb0: {  	[dreg:$0x4] =	wrdreg $0xC0  }
0xb1: {  	_ =	task [dreg:s7], $0x5FFFF  }
0xb2: {  	[dreg:$0x1] =	wrdreg $0xFFFFFFFF  }
0xb3: {  	[dreg:$0x0] =	wrdreg $0x60  }
0xb4: {  	[dreg:$0x2] =	wrdreg s24  }
0xb5: {  	[dreg:$0x3] =	wrdreg s16  }
0xb6: {  	[dreg:$0x4] =	wrdreg $0xA8000  }
0xb7: {  	[dreg:$0x5] =	wrdreg $0x9  }
0xb8: {  	_ =	task.clear_ibuf [dreg:s7], $0x6FFFF;
	_ =	strace $0x9000004C  }
0xb9: {  	s29 =	simm.s32 $0x9;
	_ =	strace $0x8000004E  }
0xba: {  	_ =	swait.ge [sflag:s29], $0x1  }
0xbb: {  	[sflag:s29] =	ssyncadd.s32 $0xFFFFFFFF  }
0xbc: {  	_ =	strace $0x9000004E  }
0xbd: {  	_ =	sfence  }
0xbe: {  	s30 =	sld [smem:$0x0];
	_ =	sdelay $0x2  }
0xbf: {  	s31 =	sshll.u32 s1, $0xD;
	s1 =	sshrl.u32 s1, $0x2  }
0xc0: {  	s3 =	sand.u32 $0x4000, s31;
	s1 =	sadd.s32 s1, s30  }
0xc1: {  	s0 =	sor.u32 s3, s0;
	s1 =	sshll.u32 s1, $0x11  }
0xc2: {  	s0 =	sor.u32 s1, s0  }
0xc3: {  	s0 =	sadd.s32 $0x8F2B, s0  }
0xc4: {  	[sflag:s0] =	ssyncadd.remote.s32 $0x1  }
0xc5: {  	_ =	sfence.sel $0xFFFF  }
0xc6: {  	[dreg:$0x0] =	wrdreg $0xFFFFFFFF;
	(pc) =	sbr.abs _section_cstart, $3  }
0xc7: {  	[dreg:$0x1] =	wrdreg $0xFFFFFFFF  }
0xc8: {  	_ =	task.clear_ibuf [dreg:s7], $0x2FFFF;
	_ =	strace $0x9FFFFFFF  }
0xc9: {  	(tm) =	ssettm $0x7FFFFFFF  }
tec
execute0_lowered:
.L_overlay_start_1:
0x0: {  	(tag) =	ssettag $0x1  }
0x1: {  	s0 =	srdreg.scid;
	s1 =	rddreg [dreg:$0x0]  }
0x2: {  	s10 =	stileid.u32;
	s5 =	rddreg [dreg:$0x1];
	s3 =	simm.s32 $0x0  }
0x3: {  	s16 =	simm.s32 $0x5;
	s17 =	simm.s32 $0x80;
	s18 =	simm.s32 $0x2800  }
0x4: {  	s19 =	simm.s32 $0x6800;
	s20 =	simm.s32 $0x1;
	s21 =	simm.s32 $0x1400  }
0x5: {  	s22 =	simm.s32 $0x3;
	s31 =	simm.s32 $0x0;
	s0 =	sand.u32 $0x1, s0  }
0x6: {  	s7 =	smul.u32 $0x14000, s10;
	[smem:$0x7FF] =	sst s3;
	s4 =	sadd.s32 $0x17600, s1  }
0x7: {  	s9 =	smul.u32 $0x50000, s10;
	s28 =	sshll.u32 s10, $0x6;
	s2 =	sshll.u32 s0, $0x4  }
0x8: {  	s8 =	smul.u32 $0x140000, s0;
	s0 =	ssub.s32 $0x2, s0;
	s11 =	sor.u32 s10, s2  }
0x9: {  	s2 =	rddreg [dreg:$0x2];
	_ =	strace $0x8000004D;
	s24 =	sshrl.u32 s0, $0x1  }
0xa: {  	s25 =	sshrl.u32 s9, $0x2;
	s26 =	sshrl.u32 s7, $0x3;
	s9 =	sadd.s32 $0xD700, s1  }
0xb: {  	s10 =	sadd.s32 $0x17380, s1;
	s6 =	smul.u32 $0x2800, s11;
	s8 =	sadd.s32 s7, s8  }
0xc: {  	s0 =	ssub.s32 s0, s24;
	s15 =	sadd.s32 s25, s2;
	s5 =	sadd.s32 s5, s26  }
0xd: {  	p0 =	seq.s32 s11, $0x1F;
	s24 =	simm.s32 $0x2;
	s26 =	simm.s32 $0x4  }
.Ltmp0:
0xe: {  	s23 =	sshrl.u32 s8, $0x3;
	s6 =	sshrl.u32 s6, $0x3;
	(pc) =	sbr.rel .LBB2_1-.Ltmp0, $4  }
0xf: {  	s14 =	smax.u32 s0, $0x1;
	s15 =	sshrl.u32 s15, $0x3;
	s12 =	sadd.s32 s6, s1  }
0x10: {  	s13 =	sadd.s32 s23, s1;
	s6 =	sor.u32 $0x1C05, s28;
	s29 =	sadd.s32 $0x3E80, s12  }
0x11: {  	s13 =	sadd.s32 $0x3F600, s13;
	s30 =	sadd.s32 $0xDB00, s12;
	[dreg:$0x4] =	wrdreg s29  }
0x12: {  	s7 =	sadd.s32 $0x3C00, s12;
	s8 =	sadd.s32 $0xD880, s12;
	[dreg:$0x5] =	wrdreg s30  }
.LBB2_7:
0x13: {  	s31 =	sadd.s32 $0x1, s31  }
0x14: {  	p1 =	sne.s32 s31, s14  }
.Ltmp1:
0x15: {  	[bflag:$0x0] =	sbarrier.arrive $0xFFFF;
	(pc) =	sbr.rel @!p1 .LBB2_8-.Ltmp1, $4  }
0x16: {  	[hbm:s13], [sflag:s6] =	dma.local [spmem:s15], $0x2800  }
0x17: {  	_ =	swait.ge [sflag:s16], $0x2800  }
0x18: {  	[sflag:s16] =	ssyncset.done $0x0  }
0x19: {  	[sflag:s16] =	ssyncadd.s32 $0xFFFFD800  }
.LBB2_1:
0x1a: {  	[spmem:s15], [sflag:s6] =	dma.local [hbm:s5], $0x2800  }
0x1b: {  	_ =	swait.ge [sflag:s16], $0x2800  }
0x1c: {  	[sflag:s16] =	ssyncset.done $0x0  }
0x1d: {  	[sflag:s16] =	ssyncadd.s32 $0xFFFFD800  }
0x1e: {  	s0 =	simm.s32 @p0 $0x0;
	s1 =	simm.s32 @p0 $0x5;
	[bflag:$0x0] =	sbarrier.arrive $0xFFFF  }
0x1f: {  	[tilespmem:s0], [sflag:$0x5] =	stream.linear.gather @p0 [hbm4b:s9+s0], $0xA00, $0x38;
	[tilespmem:$0x1E800] =	vst v63  }
0x20: {  	_ =	swait.ge @p0 [sflag:s1], $0xA00  }
0x21: {  	[sflag:s1] =	ssyncset.done @p0 $0x0  }
0x22: {  	s11 =	simm.s32 @p0 $0x1400;
	[sflag:s1] =	ssyncadd.s32 @p0 $0xFFFFF600  }
0x23: {  	[tilespmem:s11], [sflag:$0x5] =	stream.linear.gather @p0 [hbm4b:s10+s0], $0xA00, $0x38;
	[tilespmem:$0x1E800] =	vst v63  }
0x24: {  	_ =	swait.ge @p0 [sflag:s1], $0xA00  }
0x25: {  	[sflag:s1] =	ssyncset.done @p0 $0x0  }
0x26: {  	s0 =	simm.s32 @!p0 $0x0;
	[sflag:s1] =	ssyncadd.s32 @p0 $0xFFFFF600;
	s1 =	simm.s32 @!p0 $0x5  }
0x27: {  	[tilespmem:s0], [sflag:$0x5] =	stream.linear.gather @!p0 [hbm4b:s7+s0], $0x1400, $0x38;
	[tilespmem:$0x1E800] =	vst v63  }
0x28: {  	_ =	swait.ge @!p0 [sflag:s1], $0x1400  }
0x29: {  	[sflag:s1] =	ssyncset.done @!p0 $0x0  }
0x2a: {  	s11 =	simm.s32 @!p0 $0x1400;
	[sflag:s1] =	ssyncadd.s32 @!p0 $0xFFFFEC00  }
0x2b: {  	[tilespmem:s11], [sflag:$0x5] =	stream.linear.gather @!p0 [hbm4b:s8+s0], $0x1400, $0x38;
	[tilespmem:$0x1E800] =	vst v63  }
0x2c: {  	_ =	swait.ge @!p0 [sflag:s1], $0x1400  }
0x2d: {  	[sflag:s1] =	ssyncset.done @!p0 $0x0  }
0x2e: {  	[sflag:s1] =	ssyncadd.s32 @!p0 $0xFFFFEC00  }
0x2f: {  	[tilespmem:s18], [sflag:$0x1] =	stream.indirect.gather [hbm4b:s4+s17], $0x80, s3, s17, $0xb8;
	[tilespmem:$0x1E800] =	vst v63  }
0x30: {  	_ = 	snop  }
0x31: {  	[tilespmem:s19], [sflag:$0x2] =	stream.indirect.gather [hbm4b:s4+s17], $0x80, s17, s17, $0xb8;
	[tilespmem:$0x1E800] =	vst v63  }
0x32: {  	_ =	swait.ge [sflag:s20], $0x4000  }
0x33: {  	[sflag:s20] =	ssyncset.done $0x0  }
0x34: {  	[sflag:s20] =	ssyncadd.s32 $0xFFFFC000  }
0x35: {  	[spmem:s2] =	stream.indirect.scatter.add.f32 [tilespmem:s18], [sflag:$0x3], $0x80, s21, s17, $0xb8;
	[tilespmem:$0x1E800] =	vst v63  }
0x36: {  	_ =	swait.ge [sflag:s22], $0x4000  }
0x37: {  	[sflag:s22] =	ssyncset.done $0x0  }
0x38: {  	s11 =	simm.s32 $0x100;
	[sflag:s22] =	ssyncadd.s32 $0xFFFFC000  }
0x39: {  	[tilespmem:s18], [sflag:$0x1] =	stream.indirect.gather [hbm4b:s4+s17], $0x80, s11, s17, $0xb8;
	[tilespmem:$0x1E800] =	vst v63  }
0x3a: {  	_ =	swait.ge [sflag:s24], $0x4000  }
0x3b: {  	[sflag:s24] =	ssyncset.done $0x0  }
0x3c: {  	s12 =	simm.s32 $0x1480;
	[sflag:s24] =	ssyncadd.s32 $0xFFFFC000  }
0x3d: {  	[spmem:s2] =	stream.indirect.scatter.add.f32 [tilespmem:s19], [sflag:$0x4], $0x80, s12, s17, $0xb8;
	[tilespmem:$0x1E800] =	vst v63  }
0x3e: {  	_ =	swait.ge [sflag:s26], $0x4000  }
0x3f: {  	[sflag:s26] =	ssyncset.done $0x0  }
0x40: {  	s12 =	simm.s32 $0x180;
	[sflag:s26] =	ssyncadd.s32 $0xFFFFC000  }
0x41: {  	[tilespmem:s19], [sflag:$0x2] =	stream.indirect.gather [hbm4b:s4+s17], $0x80, s12, s17, $0xb8;
	[tilespmem:$0x1E800] =	vst v63  }
0x42: {  	_ =	swait.ge [sflag:s20], $0x4000  }
0x43: {  	s1 =	simm.s32 @!p0 $0x14;
	[sflag:s20] =	ssyncset.done $0x0  }
0x44: {  	s23 =	simm.s32 $0x1500;
	s1 =	simm.s32 @p0 $0xA;
	[sflag:s20] =	ssyncadd.s32 $0xFFFFC000  }
0x45: {  	[spmem:s2] =	stream.indirect.scatter.add.f32 [tilespmem:s18], [sflag:$0x3], $0x80, s23, s17, $0xb8;
	[tilespmem:$0x1E800] =	vst v63  }
0x46: {  	s30 =	ssub.s32 $0x2, s1;
	_ =	swait.ge [sflag:s22], $0x4000  }
0x47: {  	p1 =	sne.s32 s30, $0xFFFFFFFF;
	[sflag:s22] =	ssyncset.done $0x0  }
.Ltmp2:
0x48: {  	s25 =	simm.s32 $0x200;
	[sflag:s22] =	ssyncadd.s32 $0xFFFFC000;
	(pc) =	sbr.rel @!p1 .LBB2_3-.Ltmp2, $4  }
0x49: {  	[tilespmem:s18], [sflag:$0x1] =	stream.indirect.gather [hbm4b:s4+s17], $0x80, s25, s17, $0xb8;
	[tilespmem:$0x1E800] =	vst v63  }
0x4a: {  	s29 =	simm.s32 $0xFFFFFFFF;
	s28 =	simm.s32 $0x1680;
	_ =	swait.ge [sflag:s24], $0x4000  }
0x4b: {  	s0 =	sadd.s32 $0xFFFFFFFF, s1;
	s1 =	simm.s32 $0x280;
	[sflag:s24] =	ssyncset.done $0x0  }
0x4c: {  	s11 =	simm.s32 $0x1580;
	s23 =	simm.s32 $0x1580;
	[sflag:s24] =	ssyncadd.s32 $0xFFFFC000  }
.LBB2_2:
0x4d: {  	s11 =	smov.u32 s28;
	s12 =	smov.u32 s1  }
0x4e: {  	[spmem:s2] =	stream.indirect.scatter.add.f32 [tilespmem:s19], [sflag:$0x4], $0x80, s23, s17, $0xb8;
	[tilespmem:$0x1E800] =	vst v63  }
0x4f: {  	s29 =	sadd.s32 $0xFFFFFFFF, s29;
	s23 =	smov.u32 s28;
	_ =	swait.ge [sflag:s26], $0x4000  }
0x50: {  	p1 =	sne.s32 s30, s29;
	[sflag:s26] =	ssyncset.done $0x0  }
0x51: {  	[sflag:s26] =	ssyncadd.s32 $0xFFFFC000  }
0x52: {  	[tilespmem:s19], [sflag:$0x2] =	stream.indirect.gather [hbm4b:s4+s17], $0x80, s1, s17, $0xb8;
	[tilespmem:$0x1E800] =	vst v63  }
0x53: {  	_ =	swait.ge [sflag:s20], $0x4000  }
0x54: {  	[sflag:s20] =	ssyncset.done $0x0  }
0x55: {  	s25 =	sadd.s32 $0xFFFFFF80, s28;
	[sflag:s20] =	ssyncadd.s32 $0xFFFFC000  }
0x56: {  	[spmem:s2] =	stream.indirect.scatter.add.f32 [tilespmem:s18], [sflag:$0x3], $0x80, s25, s17, $0xb8;
	[tilespmem:$0x1E800] =	vst v63  }
0x57: {  	_ =	swait.ge [sflag:s22], $0x4000  }
0x58: {  	[sflag:s22] =	ssyncset.done $0x0  }
.Ltmp3:
0x59: {  	s25 =	sadd.s32 $0x80, s1;
	[sflag:s22] =	ssyncadd.s32 $0xFFFFC000;
	(pc) =	sbr.rel @p1 .LBB2_2-.Ltmp3, $4  }
0x5a: {  	[tilespmem:s18], [sflag:$0x1] =	stream.indirect.gather [hbm4b:s4+s17], $0x80, s25, s17, $0xb8;
	[tilespmem:$0x1E800] =	vst v63  }
0x5b: {  	_ =	swait.ge [sflag:s24], $0x4000  }
0x5c: {  	[sflag:s24] =	ssyncset.done $0x0  }
0x5d: {  	s28 =	sadd.s32 $0x100, s28;
	s1 =	sadd.s32 $0x100, s1;
	[sflag:s24] =	ssyncadd.s32 $0xFFFFC000  }
.LBB2_3:
0x5e: {  	[spmem:s2] =	stream.indirect.scatter.add.f32 [tilespmem:s19], [sflag:$0x4], $0x80, s23, s17, $0xb8;
	[tilespmem:$0x1E800] =	vst v63  }
0x5f: {  	_ =	swait.ge [sflag:s26], $0x4000  }
0x60: {  	[sflag:s26] =	ssyncset.done $0x0  }
0x61: {  	[sflag:s26] =	ssyncadd.s32 $0xFFFFC000  }
0x62: {  	[tilespmem:s19], [sflag:$0x2] =	stream.indirect.gather [hbm4b:s4+s17], $0x80, s1, s17, $0xb8;
	[tilespmem:$0x1E800] =	vst v63  }
0x63: {  	_ =	swait.ge [sflag:s20], $0x4000  }
0x64: {  	[sflag:s20] =	ssyncset.done $0x0  }
0x65: {  	s25 =	sadd.s32 $0x80, s11;
	s30 =	ssub.s32 $0x1, s29;
	[sflag:s20] =	ssyncadd.s32 $0xFFFFC000  }
0x66: {  	[spmem:s2] =	stream.indirect.scatter.add.f32 [tilespmem:s18], [sflag:$0x3], $0x80, s25, s17, $0xb8;
	[tilespmem:$0x1E800] =	vst v63  }
0x67: {  	p1 =	sge.u32 s30, s0;
	_ =	swait.ge [sflag:s22], $0x4000  }
0x68: {  	s0 =	sadd.s32 @!p1 $0x180, s12;
	[sflag:s22] =	ssyncset.done $0x0  }
0x69: {  	s11 =	simm.s32 @!p1 $0x2800;
	s1 =	simm.s32 @!p1 $0x80;
	[sflag:s22] =	ssyncadd.s32 $0xFFFFC000  }
0x6a: {  	[tilespmem:s11], [sflag:$0x1] =	stream.indirect.gather @!p1 [hbm4b:s4+s1], $0x80, s0, s1, $0xb8;
	[tilespmem:$0x1E800] =	vst v63  }
0x6b: {  	_ =	swait.ge [sflag:s24], $0x4000  }
0x6c: {  	[sflag:s24] =	ssyncset.done $0x0  }
.Ltmp4:
0x6d: {  	[sflag:s24] =	ssyncadd.s32 $0xFFFFC000;
	(pc) =	sbr.rel @p0 .LBB2_7-.Ltmp4, $4  }
0x6e: {  	[spmem:s2] =	stream.indirect.scatter.add.f32 [tilespmem:s19], [sflag:$0x4], $0x80, s28, s17, $0xb8;
	[tilespmem:$0x1E800] =	vst v63  }
0x6f: {  	_ =	swait.ge [sflag:s26], $0x4000  }
0x70: {  	[sflag:s26] =	ssyncset.done $0x0  }
0x71: {  	[sflag:s26] =	ssyncadd.s32 $0xFFFFC000  }
0x72: {  	s0 =	rddreg [dreg:$0x4]  }
0x73: {  	[tilespmem:s3], [sflag:$0x5] =	stream.linear.gather [hbm4b:s0+s3], $0x1400, $0x38;
	[tilespmem:$0x1E800] =	vst v63  }
0x74: {  	_ =	swait.ge [sflag:s16], $0x1400  }
0x75: {  	[sflag:s16] =	ssyncset.done $0x0  }
0x76: {  	s12 =	rddreg [dreg:$0x5];
	[sflag:s16] =	ssyncadd.s32 $0xFFFFEC00  }
0x77: {  	[tilespmem:s21], [sflag:$0x5] =	stream.linear.gather [hbm4b:s12+s3], $0x1400, $0x38;
	[tilespmem:$0x1E800] =	vst v63  }
0x78: {  	_ =	swait.ge [sflag:s16], $0x1400  }
0x79: {  	[sflag:s16] =	ssyncset.done $0x0  }
0x7a: {  	[sflag:s16] =	ssyncadd.s32 $0xFFFFEC00  }
0x7b: {  	[tilespmem:s18], [sflag:$0x1] =	stream.indirect.gather [hbm4b:s4+s17], $0x80, s3, s17, $0xb8;
	[tilespmem:$0x1E800] =	vst v63  }
0x7c: {  	_ = 	snop  }
0x7d: {  	[tilespmem:s19], [sflag:$0x2] =	stream.indirect.gather [hbm4b:s4+s17], $0x80, s17, s17, $0xb8;
	[tilespmem:$0x1E800] =	vst v63  }
0x7e: {  	_ =	swait.ge [sflag:s20], $0x4000  }
0x7f: {  	[sflag:s20] =	ssyncset.done $0x0  }
0x80: {  	[sflag:s20] =	ssyncadd.s32 $0xFFFFC000  }
0x81: {  	[spmem:s2] =	stream.indirect.scatter.add.f32 [tilespmem:s18], [sflag:$0x3], $0x80, s21, s17, $0xb8;
	[tilespmem:$0x1E800] =	vst v63  }
0x82: {  	_ =	swait.ge [sflag:s22], $0x4000  }
0x83: {  	[sflag:s22] =	ssyncset.done $0x0  }
0x84: {  	s23 =	simm.s32 $0x100;
	[sflag:s22] =	ssyncadd.s32 $0xFFFFC000  }
0x85: {  	[tilespmem:s18], [sflag:$0x1] =	stream.indirect.gather [hbm4b:s4+s17], $0x80, s23, s17, $0xb8;
	[tilespmem:$0x1E800] =	vst v63  }
0x86: {  	_ =	swait.ge [sflag:s24], $0x4000  }
0x87: {  	[sflag:s24] =	ssyncset.done $0x0  }
0x88: {  	s25 =	simm.s32 $0x1480;
	[sflag:s24] =	ssyncadd.s32 $0xFFFFC000  }
0x89: {  	[spmem:s2] =	stream.indirect.scatter.add.f32 [tilespmem:s19], [sflag:$0x4], $0x80, s25, s17, $0xb8;
	[tilespmem:$0x1E800] =	vst v63  }
0x8a: {  	_ =	swait.ge [sflag:s26], $0x4000  }
0x8b: {  	[sflag:s26] =	ssyncset.done $0x0  }
0x8c: {  	s28 =	simm.s32 $0x180;
	[sflag:s26] =	ssyncadd.s32 $0xFFFFC000  }
0x8d: {  	[tilespmem:s19], [sflag:$0x2] =	stream.indirect.gather [hbm4b:s4+s17], $0x80, s28, s17, $0xb8;
	[tilespmem:$0x1E800] =	vst v63  }
0x8e: {  	_ =	swait.ge [sflag:s20], $0x4000  }
0x8f: {  	[sflag:s20] =	ssyncset.done $0x0  }
0x90: {  	s29 =	simm.s32 $0x1500;
	[sflag:s20] =	ssyncadd.s32 $0xFFFFC000  }
0x91: {  	[spmem:s2] =	stream.indirect.scatter.add.f32 [tilespmem:s18], [sflag:$0x3], $0x80, s29, s17, $0xb8;
	[tilespmem:$0x1E800] =	vst v63  }
0x92: {  	_ =	swait.ge [sflag:s22], $0x4000  }
0x93: {  	[sflag:s22] =	ssyncset.done $0x0  }
0x94: {  	s30 =	simm.s32 $0x200;
	[sflag:s22] =	ssyncadd.s32 $0xFFFFC000  }
0x95: {  	[tilespmem:s18], [sflag:$0x1] =	stream.indirect.gather [hbm4b:s4+s17], $0x80, s30, s17, $0xb8;
	[tilespmem:$0x1E800] =	vst v63  }
0x96: {  	_ =	swait.ge [sflag:s24], $0x4000  }
0x97: {  	[sflag:s24] =	ssyncset.done $0x0  }
0x98: {  	s1 =	simm.s32 $0x1580;
	s0 =	simm.s32 $0xFFFFBC00;
	[sflag:s24] =	ssyncadd.s32 $0xFFFFC000  }
.LBB2_5:
0x99: {  	[spmem:s2] =	stream.indirect.scatter.add.f32 [tilespmem:s19], [sflag:$0x4], $0x80, s1, s17, $0xb8;
	[tilespmem:$0x1E800] =	vst v63  }
0x9a: {  	s1 =	smov.u32 s0  }
0x9b: {  	p1 =	sne.s32 s0, $0xFFFFFC00;
	s0 =	sadd.s32 $0x400, s0;
	_ =	swait.ge [sflag:s26], $0x4000  }
0x9c: {  	s1 =	sshra.s32 s1, $0x2;
	[sflag:s26] =	ssyncset.done $0x0  }
0x9d: {  	s11 =	sadd.s32 $0x1380, s1;
	[sflag:s26] =	ssyncadd.s32 $0xFFFFC000  }
0x9e: {  	[tilespmem:s19], [sflag:$0x2] =	stream.indirect.gather [hbm4b:s4+s17], $0x80, s11, s17, $0xb8;
	[tilespmem:$0x1E800] =	vst v63  }
0x9f: {  	_ =	swait.ge [sflag:s20], $0x4000  }
0xa0: {  	[sflag:s20] =	ssyncset.done $0x0  }
0xa1: {  	s11 =	sadd.s32 $0x2700, s1;
	[sflag:s20] =	ssyncadd.s32 $0xFFFFC000  }
0xa2: {  	[spmem:s2] =	stream.indirect.scatter.add.f32 [tilespmem:s18], [sflag:$0x3], $0x80, s11, s17, $0xb8;
	[tilespmem:$0x1E800] =	vst v63  }
0xa3: {  	_ =	swait.ge [sflag:s22], $0x4000  }
0xa4: {  	[sflag:s22] =	ssyncset.done $0x0  }
.Ltmp5:
0xa5: {  	s11 =	sadd.s32 $0x1400, s1;
	[sflag:s22] =	ssyncadd.s32 $0xFFFFC000;
	(pc) =	sbr.rel @p1 .LBB2_5-.Ltmp5, $4  }
0xa6: {  	[tilespmem:s18], [sflag:$0x1] =	stream.indirect.gather [hbm4b:s4+s17], $0x80, s11, s17, $0xb8;
	[tilespmem:$0x1E800] =	vst v63  }
0xa7: {  	_ =	swait.ge [sflag:s24], $0x4000  }
0xa8: {  	[sflag:s24] =	ssyncset.done $0x0  }
0xa9: {  	s1 =	sadd.s32 $0x2780, s1;
	[sflag:s24] =	ssyncadd.s32 $0xFFFFC000  }
0xaa: {  	[spmem:s2] =	stream.indirect.scatter.add.f32 [tilespmem:s19], [sflag:$0x4], $0x80, s1, s17, $0xb8;
	[tilespmem:$0x1E800] =	vst v63  }
0xab: {  	_ =	swait.ge [sflag:s26], $0x4000  }
0xac: {  	[sflag:s26] =	ssyncset.done $0x0  }
0xad: {  	s0 =	simm.s32 $0x1380;
	[sflag:s26] =	ssyncadd.s32 $0xFFFFC000  }
0xae: {  	[tilespmem:s19], [sflag:$0x2] =	stream.indirect.gather [hbm4b:s4+s17], $0x80, s0, s17, $0xb8;
	[tilespmem:$0x1E800] =	vst v63  }
0xaf: {  	_ =	swait.ge [sflag:s20], $0x4000  }
0xb0: {  	[sflag:s20] =	ssyncset.done $0x0  }
0xb1: {  	s29 =	simm.s32 $0x2700;
	[sflag:s20] =	ssyncadd.s32 $0xFFFFC000  }
0xb2: {  	[spmem:s2] =	stream.indirect.scatter.add.f32 [tilespmem:s18], [sflag:$0x3], $0x80, s29, s17, $0xb8;
	[tilespmem:$0x1E800] =	vst v63  }
0xb3: {  	_ =	swait.ge [sflag:s22], $0x4000  }
0xb4: {  	[sflag:s22] =	ssyncset.done $0x0  }
0xb5: {  	[sflag:s22] =	ssyncadd.s32 $0xFFFFC000  }
0xb6: {  	_ =	swait.ge [sflag:s24], $0x4000  }
0xb7: {  	[sflag:s24] =	ssyncset.done $0x0  }
.Ltmp6:
0xb8: {  	s30 =	simm.s32 $0x2780;
	[sflag:s24] =	ssyncadd.s32 $0xFFFFC000;
	(pc) =	sbr.rel .LBB2_7-.Ltmp6, $4  }
0xb9: {  	[spmem:s2] =	stream.indirect.scatter.add.f32 [tilespmem:s19], [sflag:$0x4], $0x80, s30, s17, $0xb8;
	[tilespmem:$0x1E800] =	vst v63  }
0xba: {  	_ =	swait.ge [sflag:s26], $0x4000  }
0xbb: {  	[sflag:s26] =	ssyncset.done $0x0  }
0xbc: {  	[sflag:s26] =	ssyncadd.s32 $0xFFFFC000  }
.LBB2_8:
0xbd: {  	_ =	sfence.sel $0x180000  }
0xbe: {  	[bflag:$0x0] =	sbarrier.arrive $0xFFFF  }
0xbf: {  	_ =	strace $0x9000004D  }
0xc0: {  	s0 =	stileid.u32;
	[bflag:$0x2] =	sbarrier.arrive $0xFFFF  }
0xc1: {  	p0 =	sne.s32 s0, $0x0;
	s0 =	rddreg [dreg:$0x3]  }
0xc2: {  	s0 =	sadd.s32 @!p0 $0x100000, s0  }
0xc3: {  	[sflag:s0] =	ssyncadd.tile.s32 @!p0 $0x1;
	_ =	shalt  }
.Lfunc_end2:
_tile_overlayer_lowered:
.L_overlay_start_2:
0xc4: {  	(tag) =	ssettag $0x2  }
0xc5: {  	s0 =	rddreg [dreg:$0x0];
	s2 =	stileid.u32  }
0xc6: {  	s1 =	rddreg [dreg:$0x1];
	p0 =	sne.s32 s2, $0x0  }
0xc7: {  	s3 =	rddreg [dreg:$0x2];
	[bflag:$0x3] =	sbarrier.arrive $0xFFFF;
	s2 =	simm.s32 @!p0 $0x1C05  }
0xc8: {  	[timem:s3], [sflag:s2] =	dma.local @!p0 [hbm:s0], s1  }
0xc9: {  	s0 =	simm.s32 @!p0 $0x5  }
0xca: {  	_ =	swait.ge @!p0 [sflag:s0], s1  }
0xcb: {  	s1 =	ssub.s32 @!p0 $0x0, s1;
	[sflag:s0] =	ssyncset.done @!p0 $0x0  }
0xcc: {  	[sflag:s0] =	ssyncadd.s32 @!p0 s1  }
0xcd: {  	[bflag:$0x3] =	sbarrier.arrive $0xFFFF  }
0xce: {  	_ =	shalt  }

// kernel: kernel.8.cloned.1.call-start
scs
__scs_entry_jumppad:
0x0: {  	(pc) =	sbr.rel $0x88, $3  }
0x1: {  	(tag) =	ssettag $0x0;
	lr =	simm.s32 $0x1  }
0x2: {  	[smem:$0x3F93] =	sst lr;
	_ =	strace $0xD0000000  }
0x3: {  	_ = 	snop  }
0x4: {  	_ = 	snop  }
0x5: {  	_ = 	snop  }
0x6: {  	_ = 	snop  }
0x7: {  	_ = 	snop  }
__scs_overlays_trampoline_lowered:
0x8: {  	[smem:$0x3FA2] =	sst s0  }
0x9: {  	[smem:$0x3FA3] =	sst s1  }
0xa: {  	[smem:$0x3FA4] =	sst s2  }
0xb: {  	[smem:$0x3FA5] =	sst s3  }
0xc: {  	[smem:$0x3FA6] =	sst s4  }
0xd: {  	[smem:$0x3FA7] =	sst s5  }
0xe: {  	[smem:$0x3FA8] =	sst s6  }
0xf: {  	[smem:$0x3FA9] =	sst s7  }
0x10: {  	[smem:$0x3FAA] =	sst s8  }
0x11: {  	[smem:$0x3FAB] =	sst s9;
	s0 =	simm.s32 @!p0 $0x0  }
0x12: {  	s1 =	sld [smem:$0x3F91];
	s0 =	simm.s32 @p0 $0x1  }
0x13: {  	[smem:$0x3FAC] =	sst s0;
	s0 =	simm.s32 @!p1 $0x0  }
0x14: {  	s2 =	sld [smem:$0x3F90];
	s0 =	simm.s32 @p1 $0x1  }
0x15: {  	[smem:$0x3FAD] =	sst s0;
	s0 =	simm.s32 @!p2 $0x0  }
0x16: {  	s3 =	sld [smem:$0x3FDB];
	s0 =	simm.s32 @p2 $0x1  }
0x17: {  	s4 =	simm.s32 $0x1BF5;
	[smem:$0x3FAF] =	sst s0  }
0x18: {  	s0 =	sld [smem:$0x3F92];
	_ =	swait.ge [sflag:s4], $0x0  }
0x19: {  	s7 =	sld [smem:$0x3F93]  }
0x1a: {  	s8 =	sadd.s32 $0xFFFFE003, lr  }
0x1b: {  	s9 =	sadd.s32 $0xFFFFFEF7, lr;
	s5 =	simm.s32 $0xFFFFFFFF;
	p2 =	slt.u32 s8, $0xFFFFF086  }
0x1c: {  	p1 =	slt.u32 s9, $0xF7A;
	s5 =	simm.s32 @!p2 $0x0  }
0x1d: {  	s5 =	simm.s32 @p1 $0x1;
	p0 =	seq.s32 s7, s2  }
0x1e: {  	s7 =	smul.u32 @!p0 $0xF7A, s2;
	p2 =	seq.s32 @!p0 s5, $0x0  }
0x1f: {  	s9 =	smul.u32 $0xF7A, s1;
	s8 =	simm.s32 @!p0 $0x1BF5;
	p2 =	por !p2, p0  }
0x20: {  	[sflag:s8] =	ssyncset.s32 @!p0 $0xFFFFF086;
	s6 =	sadd.s32 @!p0 s3, s7;
	s7 =	simm.s32 @!p0 $0x108  }
0x21: {  	s3 =	sadd.s32 s3, s9;
	s6 =	sadd.s32 @!p0 $0x88, s6;
	s7 =	simm.s32 @p2 $0x1082  }
0x22: {  	[simem:s7], [sflag:s8] =	dma.local @!p0 [hbm:s6], $0xF7A  }
0x23: {  	s9 =	sor.u32 $0xD0000000, s2;
	s6 =	simm.s32 $0x108;
	_ =	swait.ge @!p0 [sflag:s8], $0x0  }
0x24: {  	s3 =	sadd.s32 $0x88, s3;
	s6 =	simm.s32 @!p1 $0x1082;
	[sflag:s4] =	ssyncset.s32 $0xFFFFF086  }
0x25: {  	[simem:s6], [sflag:s4] =	dma.local [hbm:s3], $0xF7A  }
0x26: {  	[smem:$0x3F93] =	sst s1;
	(tag) =	ssettag s2;
	_ =	strace s9  }
0x27: {  	s1 =	sld [smem:$0x3FA3]  }
0x28: {  	s2 =	sld [smem:$0x3FA4]  }
0x29: {  	s4 =	sld [smem:$0x3FA6]  }
0x2a: {  	p0 =	seq.s32 s5, $0x0;
	s5 =	sld [smem:$0x3FA7]  }
0x2b: {  	s6 =	sld [smem:$0x3FA8]  }
0x2c: {  	s7 =	sld [smem:$0x3FA9]  }
0x2d: {  	s3 =	simm.s32 $0x108;
	s8 =	sld [smem:$0x3FAA]  }
0x2e: {  	s3 =	simm.s32 @!p0 $0x1082;
	s9 =	sld [smem:$0x3FAB]  }
0x2f: {  	lr =	sadd.s32 s0, s3;
	s0 =	sld [smem:$0x3FA2]  }
0x30: {  	s3 =	sld [smem:$0x3FA5]  }
0x31: {  	[smem:$0x3FAE] =	sst s10  }
0x32: {  	s10 =	sld [smem:$0x3FAC];
	_ =	sdelay $0x3  }
0x33: {  	p0 =	seq.s32 s10, $0x1;
	s10 =	sld [smem:$0x3FAE];
	_ =	sdelay $0x3  }
0x34: {  	[smem:$0x3FAE] =	sst s10  }
0x35: {  	s10 =	sld [smem:$0x3FAD];
	_ =	sdelay $0x3  }
0x36: {  	p1 =	seq.s32 s10, $0x1;
	s10 =	sld [smem:$0x3FAE];
	_ =	sdelay $0x3  }
0x37: {  	[smem:$0x3FAE] =	sst s10  }
0x38: {  	s10 =	sld [smem:$0x3FAF]  }
0x39: {  	_ = 	snop;
	(pc) =	sbr.ind lr, $3  }
0x3a: {  	_ = 	snop  }
0x3b: {  	_ = 	snop  }
0x3c: {  	p2 =	seq.s32 s10, $0x1;
	s10 =	sld [smem:$0x3FAE]  }
0x3d: {  	_ =	shalt  }
0x3e: {  	_ =	shalt  }
0x3f: {  	_ =	shalt  }
0x40: {  	_ =	shalt  }
0x41: {  	_ =	shalt  }
0x42: {  	_ =	shalt  }
0x43: {  	_ =	shalt  }
0x44: {  	_ =	shalt  }
0x45: {  	_ =	shalt  }
0x46: {  	_ =	shalt  }
0x47: {  	_ =	shalt  }
0x48: {  	_ =	shalt  }
0x49: {  	_ =	shalt  }
0x4a: {  	_ =	shalt  }
0x4b: {  	_ =	shalt  }
0x4c: {  	_ =	shalt  }
0x4d: {  	_ =	shalt  }
0x4e: {  	_ =	shalt  }
0x4f: {  	_ =	shalt  }
0x50: {  	_ =	shalt  }
0x51: {  	_ =	shalt  }
0x52: {  	_ =	shalt  }
0x53: {  	_ =	shalt  }
0x54: {  	_ =	shalt  }
0x55: {  	_ =	shalt  }
0x56: {  	_ =	shalt  }
0x57: {  	_ =	shalt  }
0x58: {  	_ =	shalt  }
0x59: {  	_ =	shalt  }
0x5a: {  	_ =	shalt  }
0x5b: {  	_ =	shalt  }
0x5c: {  	_ =	shalt  }
0x5d: {  	_ =	shalt  }
0x5e: {  	_ =	shalt  }
0x5f: {  	_ =	shalt  }
0x60: {  	_ =	shalt  }
0x61: {  	_ =	shalt  }
0x62: {  	_ =	shalt  }
0x63: {  	_ =	shalt  }
0x64: {  	_ =	shalt  }
0x65: {  	_ =	shalt  }
0x66: {  	_ =	shalt  }
0x67: {  	_ =	shalt  }
0x68: {  	_ =	shalt  }
0x69: {  	_ =	shalt  }
0x6a: {  	_ =	shalt  }
0x6b: {  	_ =	shalt  }
0x6c: {  	_ =	shalt  }
0x6d: {  	_ =	shalt  }
0x6e: {  	_ =	shalt  }
0x6f: {  	_ =	shalt  }
0x70: {  	_ =	shalt  }
0x71: {  	_ =	shalt  }
0x72: {  	_ =	shalt  }
0x73: {  	_ =	shalt  }
0x74: {  	_ =	shalt  }
0x75: {  	_ =	shalt  }
0x76: {  	_ =	shalt  }
0x77: {  	_ =	shalt  }
0x78: {  	_ =	shalt  }
0x79: {  	_ =	shalt  }
0x7a: {  	_ =	shalt  }
0x7b: {  	_ =	shalt  }
0x7c: {  	_ =	shalt  }
0x7d: {  	_ =	shalt  }
0x7e: {  	_ =	shalt  }
0x7f: {  	_ =	shalt  }
0x80: {  	_ =	shalt  }
0x81: {  	_ =	shalt  }
0x82: {  	_ =	shalt  }
0x83: {  	_ =	shalt  }
0x84: {  	_ =	shalt  }
0x85: {  	_ =	shalt  }
0x86: {  	_ =	shalt  }
0x87: {  	_ =	shalt  }
.Lfunc_end0:
.L_simem_size_0:
called_computation_lowered:
.L_overlay_start_0:
0x88: {  	s2 =	sld [smem:$0x3FD9]  }
0x89: {  	s3 =	sld [smem:$0x3FFE];
	_ =	sdelay $0x1  }
0x8a: {  	s1 =	srdreg.scid  }
0x8b: {  	s0 =	sand.u32 $0x1, s1  }
0x8c: {  	s14 =	sshll.u32 s0, $0xA;
	s2 =	sadd.s32 s3, s2  }
0x8d: {  	s2 =	sadd.s32 s2, s14  }
0x8e: {  	[smem:$0x3FBA] =	sst s2  }
0x8f: {  	_ = 	snop  }
0x90: {  	s2 =	sld [smem:$0x3FD0];
	_ =	sdelay $0x2  }
0x91: {  	s15 =	simm.s32 $0xA;
	s4 =	simm.s32 $0x10  }
0x92: {  	[smem:s4], [sflag:s15] =	dma.local [hbm:s2], $0x1  }
0x93: {  	_ =	swait.eq [sflag:s15], $0x1  }
0x94: {  	[sflag:s15] =	ssyncset.done $0x0  }
0x95: {  	[sflag:s15] =	ssyncadd.s32 $0xFFFFFFFF  }
0x96: {  	s16 =	sld [smem:$0x11];
	(tm) =	ssettm $0x1  }
0x97: {  	s17 =	sld [smem:$0x3FFB];
	_ =	sdelay $0x3  }
0x98: {  	_ =	strace s17  }
0x99: {  	s3 =	sld [smem:$0x3FFC];
	_ =	sdelay $0x3  }
0x9a: {  	_ =	strace s3  }
0x9b: {  	s3 =	sld [smem:$0x3FFD];
	_ =	sdelay $0x3  }
0x9c: {  	_ =	strace s3  }
0x9d: {  	_ =	strace $0x8FFFFFFF  }
0x9e: {  	s18 =	sld [smem:$0x3FDB];
	_ =	sdelay $0x1  }
0x9f: {  	s19 =	simm.s32 $_scs_section_size  }
0xa0: {  	s5 =	simm.s32 $_size__tile_overlayer_lowered;
	s6 =	simm.s32 $_tile_overlayer_lowered  }
0xa1: {  	s22 =	simm.s32 $0x1BFF;
	s21 =	sshll.u32 s6, $0x1;
	s3 =	sadd.s32 s19, s18  }
0xa2: {  	s7 =	simm.s32 $0x0;
	s20 =	sshll.u32 s5, $0x1;
	s5 =	sadd.s32 s21, s3  }
0xa3: {  	[timem:s7], [sflag:s22] =	dma.local [hbm:s5], s20  }
0xa4: {  	_ =	swait.ge [sflag:s22], s20  }
0xa5: {  	s4 =	ssub.s32 $0x0, s20;
	[sflag:s22] =	ssyncset.done $0x0  }
0xa6: {  	[sflag:s22] =	ssyncadd.s32 s4;
	_ =	sdelay $0x1  }
0xa7: {  	s23 =	simm.s32 $0x1B8B  }
0xa8: {  	_ =	swait.ge [sflag:s23], $0x1  }
0xa9: {  	[sflag:s23] =	ssyncset.done $0x0  }
0xaa: {  	s25 =	simm.s32 $0x1B8E;
	s24 =	sld [smem:$0x3FFE];
	[sflag:s23] =	ssyncadd.s32 $0xFFFFFFFF  }
0xab: {  	s26 =	simm.s32 $execute0_lowered;
	[smem:$0x3FD2] =	sst s25  }
0xac: {  	s5 =	sshll.u32 s26, $0x1;
	_ =	strace $0x80000046;
	[dreg:$0x1] =	wrdreg $0xFFFFFFFF  }
0xad: {  	s28 =	simm.s32 $_size_execute0_lowered;
	s3 =	sadd.s32 s3, s5;
	[dreg:$0x0] =	wrdreg $0x0  }
0xae: {  	s5 =	sshll.u32 s28, $0x1;
	[dreg:$0x2] =	wrdreg s3  }
0xaf: {  	[dreg:$0x3] =	wrdreg s5  }
0xb0: {  	[dreg:$0x4] =	wrdreg $0xC0  }
0xb1: {  	_ =	task [dreg:s7], $0x5FFFF  }
0xb2: {  	[dreg:$0x1] =	wrdreg $0xFFFFFFFF  }
0xb3: {  	[dreg:$0x0] =	wrdreg $0x60  }
0xb4: {  	[dreg:$0x2] =	wrdreg s24  }
0xb5: {  	[dreg:$0x3] =	wrdreg s16  }
0xb6: {  	[dreg:$0x4] =	wrdreg $0x90800  }
0xb7: {  	[dreg:$0x5] =	wrdreg $0x9  }
0xb8: {  	_ =	task.clear_ibuf [dreg:s7], $0x6FFFF;
	_ =	strace $0x90000046  }
0xb9: {  	s29 =	simm.s32 $0x9;
	_ =	strace $0x80000048  }
0xba: {  	_ =	swait.ge [sflag:s29], $0x1  }
0xbb: {  	[sflag:s29] =	ssyncadd.s32 $0xFFFFFFFF  }
0xbc: {  	_ =	strace $0x90000048  }
0xbd: {  	_ =	sfence  }
0xbe: {  	s30 =	sld [smem:$0x0];
	_ =	sdelay $0x2  }
0xbf: {  	s31 =	sshll.u32 s1, $0xD;
	s1 =	sshrl.u32 s1, $0x2  }
0xc0: {  	s3 =	sand.u32 $0x4000, s31;
	s1 =	sadd.s32 s1, s30  }
0xc1: {  	s0 =	sor.u32 s3, s0;
	s1 =	sshll.u32 s1, $0x11  }
0xc2: {  	s0 =	sor.u32 s1, s0  }
0xc3: {  	s0 =	sadd.s32 $0x8F2B, s0  }
0xc4: {  	[sflag:s0] =	ssyncadd.remote.s32 $0x1  }
0xc5: {  	_ =	sfence.sel $0xFFFF  }
0xc6: {  	[dreg:$0x0] =	wrdreg $0xFFFFFFFF;
	(pc) =	sbr.abs _section_cstart, $3  }
0xc7: {  	[dreg:$0x1] =	wrdreg $0xFFFFFFFF  }
0xc8: {  	_ =	task.clear_ibuf [dreg:s7], $0x2FFFF;
	_ =	strace $0x9FFFFFFF  }
0xc9: {  	(tm) =	ssettm $0x7FFFFFFF  }
tec
execute0_lowered:
.L_overlay_start_1:
0x0: {  	(tag) =	ssettag $0x1  }
0x1: {  	s5 =	rddreg [dreg:$0x0]  }
0x2: {  	s1 =	rddreg [dreg:$0x1]  }
0x3: {  	s0 =	srdreg.scid;
	s2 =	rddreg [dreg:$0x2]  }
0x4: {  	s19 =	stileid.u32;
	s3 =	simm.s32 $0x0;
	s21 =	simm.s32 $0x5000  }
0x5: {  	s22 =	simm.s32 $0x0;
	s4 =	sand.u32 $0x1, s0;
	s0 =	rddreg [dreg:$0x3]  }
0x6: {  	[smem:$0x7FF] =	sst s3;
	s14 =	sadd.s32 $0x17600, s5;
	s26 =	sshll.u32 s19, $0x11  }
0x7: {  	s28 =	sshll.u32 s19, $0xA;
	p0 =	sne.s32 s19, $0x0;
	p2 =	sgt.u32 s19, $0x9  }
0x8: {  	s6 =	sshll.u32 s4, $0x4;
	_ =	strace $0x80000047;
	s7 =	ssub.s32 $0x2, s4  }
0x9: {  	s9 =	smul.u32 $0x140000, s4;
	s18 =	sshrl.u32 @!p0 s2, $0x3;
	s20 =	sor.u32 s19, s6  }
0xa: {  	s8 =	sshrl.u32 s7, $0x1;
	s19 =	simm.s32 $0x50;
	s6 =	smul.u32 $0x2800, s20  }
0xb: {  	s15 =	ssub.s32 s7, s8;
	s12 =	sadd.s32 s26, s9;
	p1 =	seq.s32 s20, $0x1F  }
0xc: {  	s20 =	simm.s32 $0x9000;
	s29 =	sshrl.u32 s12, $0x3;
	s30 =	sor.u32 $0x4000, s12  }
0xd: {  	s9 =	sor.u32 $0x8000, s12;
	s10 =	sor.u32 $0xC000, s12;
	s11 =	sor.u32 $0x10000, s12  }
0xe: {  	s13 =	sor.u32 $0x14000, s12;
	s16 =	sor.u32 $0x18000, s12;
	s17 =	sor.u32 $0x1C000, s12  }
0xf: {  	s15 =	smax.u32 s15, $0x1;
	s6 =	sshrl.u32 s6, $0x3;
	s7 =	sadd.s32 s14, s29  }
0x10: {  	s8 =	sshrl.u32 s30, $0x3;
	s9 =	sshrl.u32 s9, $0x3;
	s10 =	sshrl.u32 s10, $0x3  }
0x11: {  	v0 =	vlaneseq.u32;
	s11 =	sshrl.u32 s11, $0x3;
	s13 =	sshrl.u32 s13, $0x3;
	s16 =	sshrl.u32 s16, $0x3  }
.Ltmp0:
0x12: {  	v1 =	vmul.u32 $0x80, v0;
	s31 =	sshrl.u32 s17, $0x3;
	s17 =	simm.s32 $0x1;
	(pc) =	sbr.rel .LBB2_1-.Ltmp0, $4  }
0x13: {  	v6 =	vimm.f32 $1.000000000e+00;
	v2 =	vor.u32 $0x10, v0;
	v3 =	vor.u32 $0x20, v0;
	s25 =	sadd.s32 s5, s6;
	s5 =	sadd.s32 $0x17380, s5;
	s6 =	sadd.s32 s28, s2  }
0x14: {  	v4 =	vor.u32 $0x30, v0;
	v5 =	vor.u32 $0x40, v0;
	v7 =	vor.u32 $0x800, v1;
	s8 =	sadd.s32 s14, s8;
	s9 =	sadd.s32 s14, s9;
	s10 =	sadd.s32 s14, s10  }
0x15: {  	v8 =	vor.u32 $0x1000, v1;
	v9 =	vor.u32 $0x1800, v1;
	v10 =	vor.u32 $0x2000, v1;
	s11 =	sadd.s32 s14, s11;
	s12 =	sadd.s32 s14, s13;
	s13 =	sadd.s32 s14, s16  }
0x16: {  	v11 =	vor.u32 $0x2800, v1;
	v12 =	vor.u32 $0x3000, v1;
	v13 =	vor.u32 $0x3800, v1;
	s14 =	sadd.s32 s14, s31;
	s16 =	simm.s32 $0x2800;
	s4 =	sadd.s32 $0xD880, s25  }
.LBB2_5:
0x17: {  	s22 =	sadd.s32 $0x1, s22  }
0x18: {  	p3 =	sne.s32 s22, s15  }
.Ltmp1:
0x19: {  	_ = 	snop;
	(pc) =	sbr.rel @!p3 .LBB2_6-.Ltmp1, $1  }
0x1a: {  	_ =	sdelay $0x3  }
.LBB2_1:
0x1b: {  	[tilespmem:s16], [sflag:$0x1] =	stream.linear.gather [hbm4b:s1+s3], $0x2800, $0x38;
	[tilespmem:$0x9300] =	vst v63  }
0x1c: {  	_ =	swait.ge [sflag:s17], $0x2800  }
0x1d: {  	[sflag:s17] =	ssyncset.done $0x0  }
0x1e: {  	s23 =	simm.s32 @!p0 $0x1C01;
	[sflag:s17] =	ssyncadd.s32 $0xFFFFD800  }
0x1f: {  	[spmem:s18], [sflag:s23] =	dma.local @!p0 [hbm:s1], $0x500  }
0x20: {  	s23 =	simm.s32 @!p0 $0x1  }
0x21: {  	_ =	swait.ge @!p0 [sflag:s23], $0x500  }
0x22: {  	[sflag:s23] =	ssyncset.done @!p0 $0x0  }
0x23: {  	[sflag:s23] =	ssyncadd.s32 @!p0 $0xFFFFFB00;
	s23 =	simm.s32 @p1 $0x0  }
0x24: {  	[tilespmem:s23], [sflag:$0x1] =	stream.linear.gather @p1 [hbm4b:s5+s23], $0xA00, $0x38;
	[tilespmem:$0x9300] =	vst v63  }
0x25: {  	s23 =	simm.s32 @p1 $0x1  }
0x26: {  	_ =	swait.ge @p1 [sflag:s23], $0xA00  }
0x27: {  	[sflag:s23] =	ssyncset.done @p1 $0x0  }
0x28: {  	[sflag:s23] =	ssyncadd.s32 @p1 $0xFFFFF600;
	s23 =	simm.s32 @!p1 $0x0  }
0x29: {  	[tilespmem:s23], [sflag:$0x1] =	stream.linear.gather @!p1 [hbm4b:s4+s23], $0x2800, $0x38;
	[tilespmem:$0x9300] =	vst v63  }
0x2a: {  	s23 =	simm.s32 @!p1 $0x1  }
0x2b: {  	_ =	swait.ge @!p1 [sflag:s23], $0x2800  }
0x2c: {  	[sflag:s23] =	ssyncset.done @!p1 $0x0  }
0x2d: {  	[sflag:s23] =	ssyncadd.s32 @!p1 $0xFFFFD800  }
0x2e: {  	[tilespmem:$0x9000] =	vst v0  }
0x2f: {  	[tilespmem:$0x9010] =	vst v2  }
0x30: {  	[tilespmem:$0x9020] =	vst v3  }
0x31: {  	s23 =	simm.s32 @!p1 $0x50;
	[tilespmem:$0x9030] =	vst v4  }
0x32: {  	s24 =	simm.s32 $0x40;
	s23 =	simm.s32 @p1 $0x14;
	[tilespmem:$0x9040] =	vst v5  }
.LBB2_2:
0x33: {  	v14 =	vld [tilespmem:s24+$0xFFFFFFC0];
	_ =	sdelay $0x7  }
0x34: {  	[tilespmem:v14+s16+$0x0] =	vst.idx.add.f32.msk $0xffff, v6  }
0x35: {  	v14 =	vld [tilespmem:s24+$0xFFFFFFD0];
	_ =	sdelay $0x7  }
0x36: {  	[tilespmem:v14+s16+$0x0] =	vst.idx.add.f32.msk $0xffff, v6  }
0x37: {  	v14 =	vld [tilespmem:s24+$0xFFFFFFE0];
	_ =	sdelay $0x7  }
0x38: {  	[tilespmem:v14+s16+$0x0] =	vst.idx.add.f32.msk $0xffff, v6  }
0x39: {  	v14 =	vld [tilespmem:s24+$0xFFFFFFF0];
	_ =	sdelay $0x7  }
0x3a: {  	[tilespmem:v14+s16+$0x0] =	vst.idx.add.f32.msk $0xffff, v6  }
0x3b: {  	v14 =	vld [tilespmem:s24+$0x0];
	_ =	sdelay $0x7  }
0x3c: {  	[tilespmem:v14+s16+$0x0] =	vst.idx.add.f32.msk $0xffff, v6  }
0x3d: {  	v14 =	vld [tilespmem:s24+$0x10];
	_ =	sdelay $0x7  }
0x3e: {  	[tilespmem:v14+s16+$0x0] =	vst.idx.add.f32.msk $0xffff, v6  }
0x3f: {  	v14 =	vld [tilespmem:s24+$0x20];
	_ =	sdelay $0x7  }
0x40: {  	[tilespmem:v14+s16+$0x0] =	vst.idx.add.f32.msk $0xffff, v6  }
0x41: {  	v14 =	vld [tilespmem:s24+$0x30];
	_ =	sdelay $0x2  }
0x42: {  	p3 =	sne.s32 s23, $0x1  }
.Ltmp2:
0x43: {  	_ = 	snop;
	(pc) =	sbr.rel @p3 .LBB2_2-.Ltmp2, $2  }
0x44: {  	_ =	sdelay $0x2  }
0x45: {  	s23 =	sadd.s32 $0xFFFFFFFF, s23;
	s24 =	sadd.s32 $0x80, s24;
	[tilespmem:v14+s16+$0x0] =	vst.idx.add.f32.msk $0xffff, v6  }
0x46: {  	[bflag:$0x0] =	sbarrier.arrive $0xFFFF  }
0x47: {  	[spmem:s2] =	stream.indirect.scatter.add.f32 [tilespmem:s16], [sflag:$0x1], $0x80, s20, s19, $0xb8;
	[tilespmem:$0x9300] =	vst v63  }
.Ltmp3:
0x48: {  	_ =	swait.ge [sflag:s17], $0x2800;
	(pc) =	sbr.rel @p2 .LBB2_5-.Ltmp3, $3  }
0x49: {  	[sflag:s17] =	ssyncset.done $0x0  }
0x4a: {  	[sflag:s17] =	ssyncadd.s32 $0xFFFFD800  }
0x4b: {  	[bflag:$0x0] =	sbarrier.arrive $0xFFFF;
	_ =	sdelay $0x1  }
0x4c: {  	[tilespmem:s16], [sflag:$0x1] =	stream.linear.gather [spmem:s6], $0x400, $0x38;
	[tilespmem:$0x9300] =	vst v63  }
0x4d: {  	_ =	swait.ge [sflag:s17], $0x400  }
0x4e: {  	[sflag:s17] =	ssyncset.done $0x0  }
0x4f: {  	[sflag:s17] =	ssyncadd.s32 $0xFFFFFC00  }
0x50: {  	v14 =	vld [tilespmem:$0x2800];
	_ =	sdelay $0x4  }
0x51: {  	[tilespmem:v1+s21+$0x0] =	vst.idx.msk $0xffff, v14  }
0x52: {  	v14 =	vld [tilespmem:$0x2810];
	_ =	sdelay $0x4  }
0x53: {  	[tilespmem:v7+s21+$0x0] =	vst.idx.msk $0xffff, v14  }
0x54: {  	v14 =	vld [tilespmem:$0x2820];
	_ =	sdelay $0x4  }
0x55: {  	[tilespmem:v8+s21+$0x0] =	vst.idx.msk $0xffff, v14  }
0x56: {  	v14 =	vld [tilespmem:$0x2830];
	_ =	sdelay $0x4  }
0x57: {  	[tilespmem:v9+s21+$0x0] =	vst.idx.msk $0xffff, v14  }
0x58: {  	v14 =	vld [tilespmem:$0x2840];
	_ =	sdelay $0x4  }
0x59: {  	[tilespmem:v10+s21+$0x0] =	vst.idx.msk $0xffff, v14  }
0x5a: {  	v14 =	vld [tilespmem:$0x2850];
	_ =	sdelay $0x4  }
0x5b: {  	[tilespmem:v11+s21+$0x0] =	vst.idx.msk $0xffff, v14  }
0x5c: {  	v14 =	vld [tilespmem:$0x2860];
	_ =	sdelay $0x4  }
0x5d: {  	[tilespmem:v12+s21+$0x0] =	vst.idx.msk $0xffff, v14  }
0x5e: {  	v14 =	vld [tilespmem:$0x2870];
	_ =	sdelay $0x4  }
0x5f: {  	[tilespmem:v13+s21+$0x0] =	vst.idx.msk $0xffff, v14  }
0x60: {  	[hbm4b:s7+s3] =	stream.linear.scatter [tilespmem:s21], [sflag:$0x1], $0x4000, $0x38;
	[tilespmem:$0x9300] =	vst v63  }
0x61: {  	_ =	swait.ge [sflag:s17], $0x4000  }
0x62: {  	[sflag:s17] =	ssyncset.done $0x0  }
0x63: {  	[sflag:s17] =	ssyncadd.s32 $0xFFFFC000  }
0x64: {  	v14 =	vld [tilespmem:$0x2880];
	_ =	sdelay $0x4  }
0x65: {  	[tilespmem:v1+s21+$0x0] =	vst.idx.msk $0xffff, v14  }
0x66: {  	v14 =	vld [tilespmem:$0x2890];
	_ =	sdelay $0x4  }
0x67: {  	[tilespmem:v7+s21+$0x0] =	vst.idx.msk $0xffff, v14  }
0x68: {  	v14 =	vld [tilespmem:$0x28A0];
	_ =	sdelay $0x4  }
0x69: {  	[tilespmem:v8+s21+$0x0] =	vst.idx.msk $0xffff, v14  }
0x6a: {  	v14 =	vld [tilespmem:$0x28B0];
	_ =	sdelay $0x4  }
0x6b: {  	[tilespmem:v9+s21+$0x0] =	vst.idx.msk $0xffff, v14  }
0x6c: {  	v14 =	vld [tilespmem:$0x28C0];
	_ =	sdelay $0x4  }
0x6d: {  	[tilespmem:v10+s21+$0x0] =	vst.idx.msk $0xffff, v14  }
0x6e: {  	v14 =	vld [tilespmem:$0x28D0];
	_ =	sdelay $0x4  }
0x6f: {  	[tilespmem:v11+s21+$0x0] =	vst.idx.msk $0xffff, v14  }
0x70: {  	v14 =	vld [tilespmem:$0x28E0];
	_ =	sdelay $0x4  }
0x71: {  	[tilespmem:v12+s21+$0x0] =	vst.idx.msk $0xffff, v14  }
0x72: {  	v14 =	vld [tilespmem:$0x28F0];
	_ =	sdelay $0x4  }
0x73: {  	[tilespmem:v13+s21+$0x0] =	vst.idx.msk $0xffff, v14  }
0x74: {  	[hbm4b:s8+s3] =	stream.linear.scatter [tilespmem:s21], [sflag:$0x1], $0x4000, $0x38;
	[tilespmem:$0x9300] =	vst v63  }
0x75: {  	_ =	swait.ge [sflag:s17], $0x4000  }
0x76: {  	[sflag:s17] =	ssyncset.done $0x0  }
0x77: {  	[sflag:s17] =	ssyncadd.s32 $0xFFFFC000  }
0x78: {  	v14 =	vld [tilespmem:$0x2900];
	_ =	sdelay $0x4  }
0x79: {  	[tilespmem:v1+s21+$0x0] =	vst.idx.msk $0xffff, v14  }
0x7a: {  	v14 =	vld [tilespmem:$0x2910];
	_ =	sdelay $0x4  }
0x7b: {  	[tilespmem:v7+s21+$0x0] =	vst.idx.msk $0xffff, v14  }
0x7c: {  	v14 =	vld [tilespmem:$0x2920];
	_ =	sdelay $0x4  }
0x7d: {  	[tilespmem:v8+s21+$0x0] =	vst.idx.msk $0xffff, v14  }
0x7e: {  	v14 =	vld [tilespmem:$0x2930];
	_ =	sdelay $0x4  }
0x7f: {  	[tilespmem:v9+s21+$0x0] =	vst.idx.msk $0xffff, v14  }
0x80: {  	v14 =	vld [tilespmem:$0x2940];
	_ =	sdelay $0x4  }
0x81: {  	[tilespmem:v10+s21+$0x0] =	vst.idx.msk $0xffff, v14  }
0x82: {  	v14 =	vld [tilespmem:$0x2950];
	_ =	sdelay $0x4  }
0x83: {  	[tilespmem:v11+s21+$0x0] =	vst.idx.msk $0xffff, v14  }
0x84: {  	v14 =	vld [tilespmem:$0x2960];
	_ =	sdelay $0x4  }
0x85: {  	[tilespmem:v12+s21+$0x0] =	vst.idx.msk $0xffff, v14  }
0x86: {  	v14 =	vld [tilespmem:$0x2970];
	_ =	sdelay $0x4  }
0x87: {  	[tilespmem:v13+s21+$0x0] =	vst.idx.msk $0xffff, v14  }
0x88: {  	[hbm4b:s9+s3] =	stream.linear.scatter [tilespmem:s21], [sflag:$0x1], $0x4000, $0x38;
	[tilespmem:$0x9300] =	vst v63  }
0x89: {  	_ =	swait.ge [sflag:s17], $0x4000  }
0x8a: {  	[sflag:s17] =	ssyncset.done $0x0  }
0x8b: {  	[sflag:s17] =	ssyncadd.s32 $0xFFFFC000  }
0x8c: {  	v14 =	vld [tilespmem:$0x2980];
	_ =	sdelay $0x4  }
0x8d: {  	[tilespmem:v1+s21+$0x0] =	vst.idx.msk $0xffff, v14  }
0x8e: {  	v14 =	vld [tilespmem:$0x2990];
	_ =	sdelay $0x4  }
0x8f: {  	[tilespmem:v7+s21+$0x0] =	vst.idx.msk $0xffff, v14  }
0x90: {  	v14 =	vld [tilespmem:$0x29A0];
	_ =	sdelay $0x4  }
0x91: {  	[tilespmem:v8+s21+$0x0] =	vst.idx.msk $0xffff, v14  }
0x92: {  	v14 =	vld [tilespmem:$0x29B0];
	_ =	sdelay $0x4  }
0x93: {  	[tilespmem:v9+s21+$0x0] =	vst.idx.msk $0xffff, v14  }
0x94: {  	v14 =	vld [tilespmem:$0x29C0];
	_ =	sdelay $0x4  }
0x95: {  	[tilespmem:v10+s21+$0x0] =	vst.idx.msk $0xffff, v14  }
0x96: {  	v14 =	vld [tilespmem:$0x29D0];
	_ =	sdelay $0x4  }
0x97: {  	[tilespmem:v11+s21+$0x0] =	vst.idx.msk $0xffff, v14  }
0x98: {  	v14 =	vld [tilespmem:$0x29E0];
	_ =	sdelay $0x4  }
0x99: {  	[tilespmem:v12+s21+$0x0] =	vst.idx.msk $0xffff, v14  }
0x9a: {  	v14 =	vld [tilespmem:$0x29F0];
	_ =	sdelay $0x4  }
0x9b: {  	[tilespmem:v13+s21+$0x0] =	vst.idx.msk $0xffff, v14  }
0x9c: {  	[hbm4b:s10+s3] =	stream.linear.scatter [tilespmem:s21], [sflag:$0x1], $0x4000, $0x38;
	[tilespmem:$0x9300] =	vst v63  }
0x9d: {  	_ =	swait.ge [sflag:s17], $0x4000  }
0x9e: {  	[sflag:s17] =	ssyncset.done $0x0  }
0x9f: {  	[sflag:s17] =	ssyncadd.s32 $0xFFFFC000  }
0xa0: {  	v14 =	vld [tilespmem:$0x2A00];
	_ =	sdelay $0x4  }
0xa1: {  	[tilespmem:v1+s21+$0x0] =	vst.idx.msk $0xffff, v14  }
0xa2: {  	v14 =	vld [tilespmem:$0x2A10];
	_ =	sdelay $0x4  }
0xa3: {  	[tilespmem:v7+s21+$0x0] =	vst.idx.msk $0xffff, v14  }
0xa4: {  	v14 =	vld [tilespmem:$0x2A20];
	_ =	sdelay $0x4  }
0xa5: {  	[tilespmem:v8+s21+$0x0] =	vst.idx.msk $0xffff, v14  }
0xa6: {  	v14 =	vld [tilespmem:$0x2A30];
	_ =	sdelay $0x4  }
0xa7: {  	[tilespmem:v9+s21+$0x0] =	vst.idx.msk $0xffff, v14  }
0xa8: {  	v14 =	vld [tilespmem:$0x2A40];
	_ =	sdelay $0x4  }
0xa9: {  	[tilespmem:v10+s21+$0x0] =	vst.idx.msk $0xffff, v14  }
0xaa: {  	v14 =	vld [tilespmem:$0x2A50];
	_ =	sdelay $0x4  }
0xab: {  	[tilespmem:v11+s21+$0x0] =	vst.idx.msk $0xffff, v14  }
0xac: {  	v14 =	vld [tilespmem:$0x2A60];
	_ =	sdelay $0x4  }
0xad: {  	[tilespmem:v12+s21+$0x0] =	vst.idx.msk $0xffff, v14  }
0xae: {  	v14 =	vld [tilespmem:$0x2A70];
	_ =	sdelay $0x4  }
0xaf: {  	[tilespmem:v13+s21+$0x0] =	vst.idx.msk $0xffff, v14  }
0xb0: {  	[hbm4b:s11+s3] =	stream.linear.scatter [tilespmem:s21], [sflag:$0x1], $0x4000, $0x38;
	[tilespmem:$0x9300] =	vst v63  }
0xb1: {  	_ =	swait.ge [sflag:s17], $0x4000  }
0xb2: {  	[sflag:s17] =	ssyncset.done $0x0  }
0xb3: {  	[sflag:s17] =	ssyncadd.s32 $0xFFFFC000  }
0xb4: {  	v14 =	vld [tilespmem:$0x2A80];
	_ =	sdelay $0x4  }
0xb5: {  	[tilespmem:v1+s21+$0x0] =	vst.idx.msk $0xffff, v14  }
0xb6: {  	v14 =	vld [tilespmem:$0x2A90];
	_ =	sdelay $0x4  }
0xb7: {  	[tilespmem:v7+s21+$0x0] =	vst.idx.msk $0xffff, v14  }
0xb8: {  	v14 =	vld [tilespmem:$0x2AA0];
	_ =	sdelay $0x4  }
0xb9: {  	[tilespmem:v8+s21+$0x0] =	vst.idx.msk $0xffff, v14  }
0xba: {  	v14 =	vld [tilespmem:$0x2AB0];
	_ =	sdelay $0x4  }
0xbb: {  	[tilespmem:v9+s21+$0x0] =	vst.idx.msk $0xffff, v14  }
0xbc: {  	v14 =	vld [tilespmem:$0x2AC0];
	_ =	sdelay $0x4  }
0xbd: {  	[tilespmem:v10+s21+$0x0] =	vst.idx.msk $0xffff, v14  }
0xbe: {  	v14 =	vld [tilespmem:$0x2AD0];
	_ =	sdelay $0x4  }
0xbf: {  	[tilespmem:v11+s21+$0x0] =	vst.idx.msk $0xffff, v14  }
0xc0: {  	v14 =	vld [tilespmem:$0x2AE0];
	_ =	sdelay $0x4  }
0xc1: {  	[tilespmem:v12+s21+$0x0] =	vst.idx.msk $0xffff, v14  }
0xc2: {  	v14 =	vld [tilespmem:$0x2AF0];
	_ =	sdelay $0x4  }
0xc3: {  	[tilespmem:v13+s21+$0x0] =	vst.idx.msk $0xffff, v14  }
0xc4: {  	[hbm4b:s12+s3] =	stream.linear.scatter [tilespmem:s21], [sflag:$0x1], $0x4000, $0x38;
	[tilespmem:$0x9300] =	vst v63  }
0xc5: {  	_ =	swait.ge [sflag:s17], $0x4000  }
0xc6: {  	[sflag:s17] =	ssyncset.done $0x0  }
0xc7: {  	[sflag:s17] =	ssyncadd.s32 $0xFFFFC000  }
0xc8: {  	v14 =	vld [tilespmem:$0x2B00];
	_ =	sdelay $0x4  }
0xc9: {  	[tilespmem:v1+s21+$0x0] =	vst.idx.msk $0xffff, v14  }
0xca: {  	v14 =	vld [tilespmem:$0x2B10];
	_ =	sdelay $0x4  }
0xcb: {  	[tilespmem:v7+s21+$0x0] =	vst.idx.msk $0xffff, v14  }
0xcc: {  	v14 =	vld [tilespmem:$0x2B20];
	_ =	sdelay $0x4  }
0xcd: {  	[tilespmem:v8+s21+$0x0] =	vst.idx.msk $0xffff, v14  }
0xce: {  	v14 =	vld [tilespmem:$0x2B30];
	_ =	sdelay $0x4  }
0xcf: {  	[tilespmem:v9+s21+$0x0] =	vst.idx.msk $0xffff, v14  }
0xd0: {  	v14 =	vld [tilespmem:$0x2B40];
	_ =	sdelay $0x4  }
0xd1: {  	[tilespmem:v10+s21+$0x0] =	vst.idx.msk $0xffff, v14  }
0xd2: {  	v14 =	vld [tilespmem:$0x2B50];
	_ =	sdelay $0x4  }
0xd3: {  	[tilespmem:v11+s21+$0x0] =	vst.idx.msk $0xffff, v14  }
0xd4: {  	v14 =	vld [tilespmem:$0x2B60];
	_ =	sdelay $0x4  }
0xd5: {  	[tilespmem:v12+s21+$0x0] =	vst.idx.msk $0xffff, v14  }
0xd6: {  	v14 =	vld [tilespmem:$0x2B70];
	_ =	sdelay $0x4  }
0xd7: {  	[tilespmem:v13+s21+$0x0] =	vst.idx.msk $0xffff, v14  }
0xd8: {  	[hbm4b:s13+s3] =	stream.linear.scatter [tilespmem:s21], [sflag:$0x1], $0x4000, $0x38;
	[tilespmem:$0x9300] =	vst v63  }
0xd9: {  	_ =	swait.ge [sflag:s17], $0x4000  }
0xda: {  	[sflag:s17] =	ssyncset.done $0x0  }
0xdb: {  	[sflag:s17] =	ssyncadd.s32 $0xFFFFC000  }
0xdc: {  	v14 =	vld [tilespmem:$0x2B80];
	_ =	sdelay $0x4  }
0xdd: {  	[tilespmem:v1+s21+$0x0] =	vst.idx.msk $0xffff, v14  }
0xde: {  	v14 =	vld [tilespmem:$0x2B90];
	_ =	sdelay $0x4  }
0xdf: {  	[tilespmem:v7+s21+$0x0] =	vst.idx.msk $0xffff, v14  }
0xe0: {  	v14 =	vld [tilespmem:$0x2BA0];
	_ =	sdelay $0x4  }
0xe1: {  	[tilespmem:v8+s21+$0x0] =	vst.idx.msk $0xffff, v14  }
0xe2: {  	v14 =	vld [tilespmem:$0x2BB0];
	_ =	sdelay $0x4  }
0xe3: {  	[tilespmem:v9+s21+$0x0] =	vst.idx.msk $0xffff, v14  }
0xe4: {  	v14 =	vld [tilespmem:$0x2BC0];
	_ =	sdelay $0x4  }
0xe5: {  	[tilespmem:v10+s21+$0x0] =	vst.idx.msk $0xffff, v14  }
0xe6: {  	v14 =	vld [tilespmem:$0x2BD0];
	_ =	sdelay $0x4  }
0xe7: {  	[tilespmem:v11+s21+$0x0] =	vst.idx.msk $0xffff, v14  }
0xe8: {  	v14 =	vld [tilespmem:$0x2BE0];
	_ =	sdelay $0x4  }
0xe9: {  	[tilespmem:v12+s21+$0x0] =	vst.idx.msk $0xffff, v14  }
0xea: {  	v14 =	vld [tilespmem:$0x2BF0];
	_ =	sdelay $0x4  }
.Ltmp4:
0xeb: {  	[tilespmem:v13+s21+$0x0] =	vst.idx.msk $0xffff, v14;
	(pc) =	sbr.rel .LBB2_5-.Ltmp4, $4  }
0xec: {  	[hbm4b:s14+s3] =	stream.linear.scatter [tilespmem:s21], [sflag:$0x1], $0x4000, $0x38;
	[tilespmem:$0x9300] =	vst v63  }
0xed: {  	_ =	swait.ge [sflag:s17], $0x4000  }
0xee: {  	[sflag:s17] =	ssyncset.done $0x0  }
0xef: {  	[sflag:s17] =	ssyncadd.s32 $0xFFFFC000  }
.LBB2_6:
0xf0: {  	_ =	sfence.sel $0x180000  }
0xf1: {  	[bflag:$0x0] =	sbarrier.arrive $0xFFFF  }
0xf2: {  	_ =	strace $0x90000047  }
0xf3: {  	s0 =	sadd.s32 @!p0 $0x100000, s0;
	[bflag:$0x2] =	sbarrier.arrive $0xFFFF  }
0xf4: {  	[sflag:s0] =	ssyncadd.tile.s32 @!p0 $0x1;
	_ =	shalt  }
.Lfunc_end2:
_tile_overlayer_lowered:
.L_overlay_start_2:
0xf5: {  	(tag) =	ssettag $0x2  }
0xf6: {  	s0 =	rddreg [dreg:$0x0];
	s2 =	stileid.u32  }
0xf7: {  	s1 =	rddreg [dreg:$0x1];
	p0 =	sne.s32 s2, $0x0  }
0xf8: {  	s3 =	rddreg [dreg:$0x2];
	[bflag:$0x3] =	sbarrier.arrive $0xFFFF;
	s2 =	simm.s32 @!p0 $0x1C01  }
0xf9: {  	[timem:s3], [sflag:s2] =	dma.local @!p0 [hbm:s0], s1  }
0xfa: {  	s0 =	simm.s32 @!p0 $0x1  }
0xfb: {  	_ =	swait.ge @!p0 [sflag:s0], s1  }
0xfc: {  	s1 =	ssub.s32 @!p0 $0x0, s1;
	[sflag:s0] =	ssyncset.done @!p0 $0x0  }
0xfd: {  	[sflag:s0] =	ssyncadd.s32 @!p0 s1  }
0xfe: {  	[bflag:$0x3] =	sbarrier.arrive $0xFFFF  }
0xff: {  	_ =	shalt  }

</sc_bundles>
